<compile_context>
chip_gen: v7x
topology: tpu7x:2x2x1
jax: 0.10.2.dev20260603
libtpu: 0.0.44.dev20260713+nightly
codegen_flags: <defaults>
</compile_context>

<pallas_src>
import functools

import jax
import jax.numpy as jnp
from jax import lax
from jax.experimental import pallas as pl
from jax.experimental.pallas import tpu as pltpu
from jax.experimental.pallas import tpu_sc as plsc

CH = 128
LAT = 64
NUM_GRAPHS = 64
MAX_NODES = 64
OUT_SIZE = MAX_NODES * (MAX_NODES - 1) // 2

NC = 2
NS = 16
KE = 125
KP = 128
STRIPE = 640


def _sc_degree_kernel(E, NACC):
    nrows = E // KE
    cpt = nrows // (NC * NS)
    rows_h = NACC // 128
    rpt = rows_h // NS
    WAVE = 10
    mesh = plsc.VectorSubcoreMesh(core_axis_name="c", subcore_axis_name="s")

    @functools.partial(
        pl.kernel, mesh=mesh,
        out_type=jax.ShapeDtypeStruct((NC, rows_h, 128), jnp.float32),
        scratch_types=[
            pltpu.VMEM((cpt, KP), jnp.int32),
            pltpu.VMEM((KP,), jnp.float32),
            pltpu.VMEM((128,), jnp.float32),
            pltpu.VMEM_SHARED((NACC,), jnp.float32),
            pltpu.SemaphoreType.DMA,
        ],
    )
    def deg_kernel(dstp_hbm, out_hbm, di_v, ones_v, tmp_v, acc_sh, sem):
        c = lax.axis_index("c")
        s = lax.axis_index("s")
        w = c * NS + s
        pltpu.sync_copy(dstp_hbm.at[pl.ds(w * cpt, cpt)], di_v)
        for j in range(KP // 16):
            ones_v[pl.ds(j * 16, 16)] = jnp.full((16,), 1.0, jnp.float32)
        for j in range(8):
            tmp_v[pl.ds(j * 16, 16)] = jnp.zeros((16,), jnp.float32)
        for t in range(rpt):
            pltpu.sync_copy(tmp_v, acc_sh.at[pl.ds((s * rpt + t) * 128, 128)])
        plsc.subcore_barrier()

        def body(i, carry):
            for u in range(WAVE):
                pltpu.async_copy(ones_v, acc_sh.at[di_v.at[i * WAVE + u]],
                                 sem, add=True)
            for u in range(WAVE):
                pltpu.make_async_copy(ones_v, acc_sh.at[di_v.at[0]], sem).wait()
            return carry

        lax.fori_loop(0, cpt // WAVE, body, 0)
        plsc.subcore_barrier()
        for t in range(rpt):
            row = s * rpt + t
            pltpu.sync_copy(acc_sh.at[pl.ds(row * 128, 128)], tmp_v)
            pltpu.sync_copy(tmp_v, out_hbm.at[c, row])

    return deg_kernel


def _sc_scatter_kernel(E, N, NACC, C):
    nrows = E // KE
    cpt = nrows // (NC * NS)
    half = cpt // 2
    mesh = plsc.VectorSubcoreMesh(core_axis_name="c", subcore_axis_name="s")

    @functools.partial(
        pl.kernel, mesh=mesh,
        out_type=jax.ShapeDtypeStruct((NC, N, C), jnp.float32),
        scratch_types=[
            pltpu.VMEM((half, KP), jnp.int32),
            pltpu.VMEM((half, KP), jnp.int32),
            pltpu.VMEM((KP, CH), jnp.float32),
            pltpu.VMEM((KP, CH), jnp.float32),
            pltpu.VMEM_SHARED((NACC, CH), jnp.float32),
            pltpu.SemaphoreType.DMA,
            pltpu.SemaphoreType.DMA,
        ],
    )
    def scat_kernel(rows_hbm, srcp_hbm, dstp_hbm, out_hbm, si_v, di_v,
                    rows0, rows1, acc_sh, sem0, sem1):
        c = lax.axis_index("c")
        s = lax.axis_index("s")
        w = c * NS + s

        def zbody(i, carry):
            for j in range(C // 16):
                rows0[i, pl.ds(j * 16, 16)] = jnp.zeros((16,), jnp.float32)
            return carry

        lax.fori_loop(0, KP, zbody, 0)
        nz = STRIPE // 80
        for t in range(nz):
            start = s * STRIPE + t * 80

            @pl.when(start < NACC)
            def _():
                pltpu.sync_copy(rows0.at[pl.ds(0, 80)],
                                acc_sh.at[pl.ds(start, 80)])

        plsc.subcore_barrier()

        def gather(j, buf, sem):
            pltpu.async_copy(rows_hbm.at[si_v.at[j]], buf, sem)

        def gwait(buf, sem):
            pltpu.make_async_copy(rows_hbm.at[si_v.at[0]], buf, sem).wait()

        def scat(j, buf):
            pltpu.sync_copy(buf, acc_sh.at[pl.ds(s * STRIPE, KP)])

        for h in range(2):
            base = w * cpt + h * half
            pltpu.sync_copy(srcp_hbm.at[pl.ds(base, half)], si_v)
            pltpu.sync_copy(dstp_hbm.at[pl.ds(base, half)], di_v)
            gather(0, rows0, sem0)

            def body(i, carry):
                j = 2 * i
                gather(j + 1, rows1, sem1)
                gwait(rows0, sem0)
                scat(j, rows0)
                gather(j + 2, rows0, sem0)
                gwait(rows1, sem1)
                scat(j + 1, rows1)
                return carry

            lax.fori_loop(0, (half - 2) // 2, body, 0)
            gather(half - 1, rows1, sem1)
            gwait(rows0, sem0)
            scat(half - 2, rows0)
            gwait(rows1, sem1)
            scat(half - 1, rows1)

        plsc.subcore_barrier()
        for t in range(nz):
            start = s * STRIPE + t * 80

            @pl.when(start < N)
            def _():
                pltpu.sync_copy(acc_sh.at[pl.ds(start, 80)],
                                rows0.at[pl.ds(0, 80)])
                pltpu.sync_copy(rows0.at[pl.ds(0, 80)],
                                out_hbm.at[c, pl.ds(start, 80)])

    return scat_kernel



_R = 1000


def _tc_scale_body(x_ref, w_ref, deg_ref, hp_ref, dinv_ref):
    deg = deg_ref[0] + deg_ref[1] + 1.0
    dinv = lax.rsqrt(jnp.maximum(deg, 1.0))
    h = jnp.dot(x_ref[...], w_ref[...], preferred_element_type=jnp.float32)
    hp_ref[...] = h * dinv
    dinv_ref[...] = dinv


def _tc_scale(x, W1, degp):
    n = x.shape[0]
    grid = (n // _R,)
    return pl.pallas_call(
        _tc_scale_body,
        grid=grid,
        in_specs=[
            pl.BlockSpec((_R, CH), lambda i: (i, 0)),
            pl.BlockSpec((CH, CH), lambda i: (0, 0)),
            pl.BlockSpec((NC, _R, 1), lambda i: (0, i, 0)),
        ],
        out_specs=[
            pl.BlockSpec((_R, CH), lambda i: (i, 0)),
            pl.BlockSpec((_R, 1), lambda i: (i, 0)),
        ],
        out_shape=[
            jax.ShapeDtypeStruct((n, CH), jnp.float32),
            jax.ShapeDtypeStruct((n, 1), jnp.float32),
        ],
    )(x, W1, degp)


def _tc_mid_body(s_ref, hp_ref, dinv_ref, b_ref, w_ref, hp2_ref):
    dinv = dinv_ref[...]
    agg = s_ref[0] + s_ref[1] + hp_ref[...]
    x2 = jax.nn.relu(dinv * agg + b_ref[...])
    h2 = jnp.dot(x2, w_ref[...], preferred_element_type=jnp.float32)
    hp2_ref[...] = h2 * dinv


def _tc_mid(S1, hp1, dinv, b1, W2):
    n = hp1.shape[0]
    grid = (n // _R,)
    return pl.pallas_call(
        _tc_mid_body,
        grid=grid,
        in_specs=[
            pl.BlockSpec((NC, _R, CH), lambda i: (0, i, 0)),
            pl.BlockSpec((_R, CH), lambda i: (i, 0)),
            pl.BlockSpec((_R, 1), lambda i: (i, 0)),
            pl.BlockSpec((1, CH), lambda i: (0, 0)),
            pl.BlockSpec((CH, CH), lambda i: (0, 0)),
        ],
        out_specs=pl.BlockSpec((_R, CH), lambda i: (i, 0)),
        out_shape=jax.ShapeDtypeStruct((n, CH), jnp.float32),
    )(S1, hp1, dinv, b1, W2)


def _tc_pool_body(s_ref, hp_ref, dinv_ref, b_ref, batch_ref, hg_ref,
                  pool_ref, cnt_ref):
    i = pl.program_id(0)

    @pl.when(i == 0)
    def _():
        pool_ref[...] = jnp.zeros_like(pool_ref)
        cnt_ref[...] = jnp.zeros_like(cnt_ref)

    dinv = dinv_ref[...]
    agg = s_ref[0] + s_ref[1] + hp_ref[...]
    h = jax.nn.relu(dinv * agg + b_ref[...])
    gi = lax.broadcasted_iota(jnp.int32, (_R, NUM_GRAPHS), 1)
    ind = jnp.where(gi == batch_ref[...], 1.0, 0.0)
    dn = (((0,), (0,)), ((), ()))
    pool_ref[...] += lax.dot_general(ind, h, dn,
                                     preferred_element_type=jnp.float32)
    cnt_ref[...] += lax.dot_general(ind, jnp.ones((_R, 1), jnp.float32), dn,
                                    preferred_element_type=jnp.float32)

    @pl.when(i == pl.num_programs(0) - 1)
    def _():
        hg_ref[...] = pool_ref[...] / jnp.maximum(cnt_ref[...], 1.0)


def _tc_pool(S2, hp2, dinv, b2, batch2d):
    n = hp2.shape[0]
    grid = (n // _R,)
    return pl.pallas_call(
        _tc_pool_body,
        grid=grid,
        in_specs=[
            pl.BlockSpec((NC, _R, CH), lambda i: (0, i, 0)),
            pl.BlockSpec((_R, CH), lambda i: (i, 0)),
            pl.BlockSpec((_R, 1), lambda i: (i, 0)),
            pl.BlockSpec((1, CH), lambda i: (0, 0)),
            pl.BlockSpec((_R, 1), lambda i: (i, 0)),
        ],
        out_specs=pl.BlockSpec((NUM_GRAPHS, CH), lambda i: (0, 0)),
        out_shape=jax.ShapeDtypeStruct((NUM_GRAPHS, CH), jnp.float32),
        scratch_shapes=[
            pltpu.VMEM((NUM_GRAPHS, CH), jnp.float32),
            pltpu.VMEM((NUM_GRAPHS, 1), jnp.float32),
        ],
    )(S2, hp2, dinv, b2, batch2d)


def _tc_decoder_body(hg_ref, muW_ref, mub_ref, lvW_ref, lvb_ref, eps_ref,
                     d1w_ref, d1b_ref, d2w_ref, d2b_ref, d3w_ref, d3b_ref,
                     adj_ref, mu_ref, lv_ref):
    hg = hg_ref[...]
    mu = jnp.dot(hg, muW_ref[...], preferred_element_type=jnp.float32) + mub_ref[...]
    lv = jnp.dot(hg, lvW_ref[...], preferred_element_type=jnp.float32) + lvb_ref[...]
    mu_ref[...] = mu
    lv_ref[...] = lv
    z = mu + eps_ref[...] * jnp.exp(0.5 * lv)
    p = jax.nn.relu(jnp.dot(z, d1w_ref[...], preferred_element_type=jnp.float32) + d1b_ref[...])
    p = jax.nn.relu(jnp.dot(p, d2w_ref[...], preferred_element_type=jnp.float32) + d2b_ref[...])
    logits = jnp.dot(p, d3w_ref[...], preferred_element_type=jnp.float32) + d3b_ref[...]
    probs = jax.nn.sigmoid(logits)
    adj_ref[...] = jnp.zeros((NUM_GRAPHS, MAX_NODES, MAX_NODES), jnp.float32)
    off = 0
    for r in range(MAX_NODES - 1):
        w = MAX_NODES - 1 - r
        adj_ref[:, r, pl.ds(r + 1, w)] = probs[:, off:off + w]
        off += w
    a = adj_ref[...]
    adj_ref[...] = a + jnp.swapaxes(a, 1, 2)


def _tc_decoder(hg, mu_W, mu_b, lv_W, lv_b, eps, D1_W, D1_b, D2_W, D2_b,
                D3_W, D3_b):
    return pl.pallas_call(
        _tc_decoder_body,
        out_shape=[
            jax.ShapeDtypeStruct((NUM_GRAPHS, MAX_NODES, MAX_NODES), jnp.float32),
            jax.ShapeDtypeStruct((NUM_GRAPHS, LAT), jnp.float32),
            jax.ShapeDtypeStruct((NUM_GRAPHS, LAT), jnp.float32),
        ],
    )(hg, mu_W, mu_b.reshape(1, LAT), lv_W, lv_b.reshape(1, LAT), eps,
      D1_W, D1_b.reshape(1, CH), D2_W, D2_b.reshape(1, CH),
      D3_W, D3_b.reshape(1, OUT_SIZE))


def kernel(x, edge_index, batch, W1, b1, W2, b2, mu_W, mu_b, lv_W, lv_b,
           D1_W, D1_b, D2_W, D2_b, D3_W, D3_b):
    n, c = x.shape
    e = edge_index.shape[1]
    src = edge_index[0].astype(jnp.int32)
    dst = edge_index[1].astype(jnp.int32)
    batch2d = batch.astype(jnp.int32).reshape(n, 1)

    nrows = e // KE
    nacc = n + 80
    ndeg = -(-(nacc) // 2048) * 2048
    trash = 80
    npadw = KP - KE
    ri = jnp.arange(nrows, dtype=jnp.int32)[:, None]
    ci = jnp.arange(npadw, dtype=jnp.int32)[None, :]
    pad_dst = n + (ri * npadw + ci) % trash
    src_p = jnp.concatenate(
        [src.reshape(nrows, KE), jnp.zeros((nrows, npadw), jnp.int32)], axis=1)
    dst_p = jnp.concatenate([dst.reshape(nrows, KE), pad_dst], axis=1)

    degp = _sc_degree_kernel(e, ndeg)(dst_p)
    degp3 = degp.reshape(NC, ndeg, 1)[:, :n, :]
    hp1, dinv = _tc_scale(x, W1, degp3)
    S1 = _sc_scatter_kernel(e, n, nacc, c)(hp1, src_p, dst_p)
    hp2 = _tc_mid(S1, hp1, dinv, b1.reshape(1, CH), W2)
    S2 = _sc_scatter_kernel(e, n, nacc, c)(hp2, src_p, dst_p)
    hg = _tc_pool(S2, hp2, dinv, b2.reshape(1, CH), batch2d)
    eps = jax.random.normal(jax.random.key(42), (NUM_GRAPHS, LAT), jnp.float32)
    adj, mu, lv = _tc_decoder(hg, mu_W, mu_b, lv_W, lv_b, eps,
                              D1_W, D1_b, D2_W, D2_b, D3_W, D3_b)
    return adj, mu, lv

# --- scband reference (transcript-rebuilt; emitter-appended) ---
"""Pipeline reference for scband-graph-vae-67027259621726 (READ-ONLY COPY).

The authoritative reference and input builder live on the scoring server;
editing this copy changes nothing except your own understanding.
"""

import jax, jax.numpy as jnp
import numpy as np

N_NODES = 10000
N_EDGES = 320000
IN_CH = 128
HID = 128
LAT = 64
MAX_NODES = 64
NUM_GRAPHS = 64
OUT_SIZE = MAX_NODES * (MAX_NODES - 1) // 2


def setup_inputs(seed: int = 0) -> dict:
    key = jax.random.key(seed)
    ks = jax.random.split(key, 20)
    inp = {}
    inp['x'] = jax.random.normal(ks[0], (N_NODES, IN_CH), dtype=jnp.float32)
    inp['edge_index'] = jax.random.randint(ks[1], (2, N_EDGES), 0, N_NODES, dtype=jnp.int64)
    inp['batch'] = jnp.sort(jax.random.randint(ks[2], (N_NODES,), 0, NUM_GRAPHS, dtype=jnp.int64))
    s = 0.05
    inp['W1'] = jax.random.normal(ks[3], (IN_CH, HID), dtype=jnp.float32) * s
    inp['b1'] = jnp.zeros((HID,), dtype=jnp.float32)
    inp['W2'] = jax.random.normal(ks[4], (HID, HID), dtype=jnp.float32) * s
    inp['b2'] = jnp.zeros((HID,), dtype=jnp.float32)
    inp['mu_W'] = jax.random.normal(ks[5], (HID, LAT), dtype=jnp.float32) * s
    inp['mu_b'] = jnp.zeros((LAT,), dtype=jnp.float32)
    inp['lv_W'] = jax.random.normal(ks[6], (HID, LAT), dtype=jnp.float32) * s
    inp['lv_b'] = jnp.zeros((LAT,), dtype=jnp.float32)
    inp['D1_W'] = jax.random.normal(ks[7], (LAT, HID), dtype=jnp.float32) * s
    inp['D1_b'] = jnp.zeros((HID,), dtype=jnp.float32)
    inp['D2_W'] = jax.random.normal(ks[8], (HID, HID), dtype=jnp.float32) * s
    inp['D2_b'] = jnp.zeros((HID,), dtype=jnp.float32)
    inp['D3_W'] = jax.random.normal(ks[9], (HID, OUT_SIZE), dtype=jnp.float32) * s
    inp['D3_b'] = jnp.zeros((OUT_SIZE,), dtype=jnp.float32)
    return inp


def _gcn_conv(x, edge_index, W, b):
    n = x.shape[0]
    loop = jnp.arange(n, dtype=edge_index.dtype)
    src = jnp.concatenate([edge_index[0], loop])
    dst = jnp.concatenate([edge_index[1], loop])
    deg = jnp.zeros((n,), dtype=x.dtype).at[dst].add(1.0)
    dinv = 1.0 / jnp.sqrt(jnp.clip(deg, 1.0))
    h = x @ W
    norm = dinv[src] * dinv[dst]
    msg = h[src] * norm[:, None]
    out = jax.ops.segment_sum(msg, dst, num_segments=n)
    return out + b


def _global_mean_pool(h, batch, num_graphs):
    sums = jax.ops.segment_sum(h, batch, num_segments=num_graphs)
    cnts = jax.ops.segment_sum(jnp.ones((h.shape[0],), dtype=h.dtype), batch, num_segments=num_graphs)
    return sums / jnp.clip(cnts, 1.0)[:, None]


def reference(x, edge_index, batch, W1, b1, W2, b2, mu_W, mu_b, lv_W, lv_b, D1_W, D1_b, D2_W, D2_b, D3_W, D3_b):
    # Encoder
    h = jax.nn.relu(_gcn_conv(x, edge_index, W1, b1))
    h = jax.nn.relu(_gcn_conv(h, edge_index, W2, b2))
    hg = _global_mean_pool(h, batch, NUM_GRAPHS)
    mu = hg @ mu_W + mu_b
    logvar = hg @ lv_W + lv_b
    # Reparameterise (fixed key for determinism)
    std = jnp.exp(0.5 * logvar)
    eps = jax.random.normal(jax.random.key(42), std.shape, dtype=std.dtype)
    z = mu + eps * std
    # Decoder
    p = jax.nn.relu(z @ D1_W + D1_b)
    p = jax.nn.relu(p @ D2_W + D2_b)
    probs = jax.nn.sigmoid(p @ D3_W + D3_b)
    tri0, tri1 = jnp.triu_indices(MAX_NODES, k=1)
    B = z.shape[0]
    adj = jnp.zeros((B, MAX_NODES, MAX_NODES), dtype=probs.dtype)
    adj = adj.at[:, tri0, tri1].set(probs)
    adj = adj + jnp.transpose(adj, (0, 2, 1))
    return (adj, mu, logvar)

if __name__ == "__main__":
    import jax
    _d = setup_inputs()
    print(jax.jit(kernel)(*tuple(_d.values())))

</pallas_src>

<mosaic_0001>
#map = affine_map<(d0, d1) -> (0, 0)>
#map1 = affine_map<(d0, d1) -> (0, 0, 0)>
module attributes {stable_mosaic.version = 14 : i64} {
  func.func @deg_kernel(%arg0: i32, %arg1: i32, %arg2: memref<2560x128xi32, #tpu.memory_space<hbm>>, %arg3: memref<2x80x128xf32, #tpu.memory_space<hbm>>, %arg4: memref<80x128xi32, #tpu.memory_space<vmem>>, %arg5: memref<128xf32, #tpu.memory_space<vmem>>, %arg6: memref<128xf32, #tpu.memory_space<vmem>>, %arg7: memref<10240xf32, #tpu.memory_space<vmem_shared>>, %arg8: memref<!tpu.dma_semaphore, #tpu.memory_space<semaphore_mem>>) attributes {dimension_semantics = [#tpu.dimension_semantics<core_parallel>, #tpu.dimension_semantics<subcore_parallel>], iteration_bounds = array<i64: 2, 16>, scalar_prefetch = 0 : i64, scratch_operands = 5 : i64, tpu.core_type = #tpu.core_type<sc_vector_subcore>, window_params = [{transform_indices = #map}, {transform_indices = #map1}]} {
    %mul3A = arith.constant 16 : i32
    %mul3A_0 = arith.muli %arg0, %mul3A : i32
    %add3A = arith.addi %mul3A_0, %arg1 : i32
    %mul3A_1 = arith.constant 80 : i32
    %mul3A_2 = arith.muli %add3A, %mul3A_1 : i32
    "tpu.region"() ({
      %run_scoped3A = tpu.sem_alloc : memref<!tpu.dma_semaphore, #tpu.memory_space<semaphore_mem>>
      %dma_start3A = arith.constant 0 : i32
      %dma_start3A_163 = tpu.memref_slice %arg2[%mul3A_2, %dma_start3A] : memref<2560x128xi32, #tpu.memory_space<hbm>> -> memref<80x128xi32, #tpu.memory_space<hbm>>
      %dma_start3A_164 = arith.constant 0 : i32
      %dma_start3A_165 = tpu.memref_slice %arg2[%mul3A_2, %dma_start3A_164] : memref<2560x128xi32, #tpu.memory_space<hbm>> -> memref<80x128xi32, #tpu.memory_space<hbm>>
      tpu.enqueue_dma source(%dma_start3A_165 : memref<80x128xi32, #tpu.memory_space<hbm>>) target(%arg4 : memref<80x128xi32, #tpu.memory_space<vmem>>) target_semaphore(%run_scoped3A : memref<!tpu.dma_semaphore, #tpu.memory_space<semaphore_mem>>)
      %dma_wait3A = arith.constant 0 : i32
      %dma_wait3A_166 = tpu.memref_slice %arg2[%mul3A_2, %dma_wait3A] : memref<2560x128xi32, #tpu.memory_space<hbm>> -> memref<80x128xi32, #tpu.memory_space<hbm>>
      %dma_wait3A_167 = arith.constant 0 : i32
      %dma_wait3A_168 = tpu.memref_slice %arg2[%mul3A_2, %dma_wait3A_167] : memref<2560x128xi32, #tpu.memory_space<hbm>> -> memref<80x128xi32, #tpu.memory_space<hbm>>
      tpu.wait_dma2 semaphore(%run_scoped3A : memref<!tpu.dma_semaphore, #tpu.memory_space<semaphore_mem>>) src(%dma_wait3A_168 : memref<80x128xi32, #tpu.memory_space<hbm>>) dst(%arg4 : memref<80x128xi32, #tpu.memory_space<vmem>>)
      tpu.yield
    }) : () -> ()
    %broadcast_in_dim3A = arith.constant 1.000000e+00 : f32
    %broadcast_in_dim3A_3 = vector.broadcast %broadcast_in_dim3A : f32 to vector<16xf32>
    %swap3A = arith.constant 0 : index
    %swap3A_4 = tpu.vector_load %arg5[%swap3A] {strides = array<i32>} : memref<128xf32, #tpu.memory_space<vmem>>, vector<16xf32>,
    %swap3A_5 = vector.shape_cast %swap3A_4 : vector<16xf32> to vector<16xf32>
    %swap3A_6 = vector.shape_cast %broadcast_in_dim3A_3 : vector<16xf32> to vector<16xf32>
    tpu.vector_store %arg5[%swap3A], %swap3A_6 {strides = array<i32>} : memref<128xf32, #tpu.memory_space<vmem>>, vector<16xf32>,
    %broadcast_in_dim3A_7 = arith.constant 1.000000e+00 : f32
    %broadcast_in_dim3A_8 = vector.broadcast %broadcast_in_dim3A_7 : f32 to vector<16xf32>
    %swap3A_9 = arith.constant 16 : index
    %swap3A_10 = tpu.vector_load %arg5[%swap3A_9] {strides = array<i32>} : memref<128xf32, #tpu.memory_space<vmem>>, vector<16xf32>,
    %swap3A_11 = vector.shape_cast %swap3A_10 : vector<16xf32> to vector<16xf32>
    %swap3A_12 = vector.shape_cast %broadcast_in_dim3A_8 : vector<16xf32> to vector<16xf32>
    tpu.vector_store %arg5[%swap3A_9], %swap3A_12 {strides = array<i32>} : memref<128xf32, #tpu.memory_space<vmem>>, vector<16xf32>,
    %broadcast_in_dim3A_13 = arith.constant 1.000000e+00 : f32
    %broadcast_in_dim3A_14 = vector.broadcast %broadcast_in_dim3A_13 : f32 to vector<16xf32>
    %swap3A_15 = arith.constant 32 : index
    %swap3A_16 = tpu.vector_load %arg5[%swap3A_15] {strides = array<i32>} : memref<128xf32, #tpu.memory_space<vmem>>, vector<16xf32>,
    %swap3A_17 = vector.shape_cast %swap3A_16 : vector<16xf32> to vector<16xf32>
    %swap3A_18 = vector.shape_cast %broadcast_in_dim3A_14 : vector<16xf32> to vector<16xf32>
    tpu.vector_store %arg5[%swap3A_15], %swap3A_18 {strides = array<i32>} : memref<128xf32, #tpu.memory_space<vmem>>, vector<16xf32>,
    %broadcast_in_dim3A_19 = arith.constant 1.000000e+00 : f32
    %broadcast_in_dim3A_20 = vector.broadcast %broadcast_in_dim3A_19 : f32 to vector<16xf32>
    %swap3A_21 = arith.constant 48 : index
    %swap3A_22 = tpu.vector_load %arg5[%swap3A_21] {strides = array<i32>} : memref<128xf32, #tpu.memory_space<vmem>>, vector<16xf32>,
    %swap3A_23 = vector.shape_cast %swap3A_22 : vector<16xf32> to vector<16xf32>
    %swap3A_24 = vector.shape_cast %broadcast_in_dim3A_20 : vector<16xf32> to vector<16xf32>
    tpu.vector_store %arg5[%swap3A_21], %swap3A_24 {strides = array<i32>} : memref<128xf32, #tpu.memory_space<vmem>>, vector<16xf32>,
    %broadcast_in_dim3A_25 = arith.constant 1.000000e+00 : f32
    %broadcast_in_dim3A_26 = vector.broadcast %broadcast_in_dim3A_25 : f32 to vector<16xf32>
    %swap3A_27 = arith.constant 64 : index
    %swap3A_28 = tpu.vector_load %arg5[%swap3A_27] {strides = array<i32>} : memref<128xf32, #tpu.memory_space<vmem>>, vector<16xf32>,
    %swap3A_29 = vector.shape_cast %swap3A_28 : vector<16xf32> to vector<16xf32>
    %swap3A_30 = vector.shape_cast %broadcast_in_dim3A_26 : vector<16xf32> to vector<16xf32>
    tpu.vector_store %arg5[%swap3A_27], %swap3A_30 {strides = array<i32>} : memref<128xf32, #tpu.memory_space<vmem>>, vector<16xf32>,
    %broadcast_in_dim3A_31 = arith.constant 1.000000e+00 : f32
    %broadcast_in_dim3A_32 = vector.broadcast %broadcast_in_dim3A_31 : f32 to vector<16xf32>
    %swap3A_33 = arith.constant 80 : index
    %swap3A_34 = tpu.vector_load %arg5[%swap3A_33] {strides = array<i32>} : memref<128xf32, #tpu.memory_space<vmem>>, vector<16xf32>,
    %swap3A_35 = vector.shape_cast %swap3A_34 : vector<16xf32> to vector<16xf32>
    %swap3A_36 = vector.shape_cast %broadcast_in_dim3A_32 : vector<16xf32> to vector<16xf32>
    tpu.vector_store %arg5[%swap3A_33], %swap3A_36 {strides = array<i32>} : memref<128xf32, #tpu.memory_space<vmem>>, vector<16xf32>,
    %broadcast_in_dim3A_37 = arith.constant 1.000000e+00 : f32
    %broadcast_in_dim3A_38 = vector.broadcast %broadcast_in_dim3A_37 : f32 to vector<16xf32>
    %swap3A_39 = arith.constant 96 : index
    %swap3A_40 = tpu.vector_load %arg5[%swap3A_39] {strides = array<i32>} : memref<128xf32, #tpu.memory_space<vmem>>, vector<16xf32>,
    %swap3A_41 = vector.shape_cast %swap3A_40 : vector<16xf32> to vector<16xf32>
    %swap3A_42 = vector.shape_cast %broadcast_in_dim3A_38 : vector<16xf32> to vector<16xf32>
    tpu.vector_store %arg5[%swap3A_39], %swap3A_42 {strides = array<i32>} : memref<128xf32, #tpu.memory_space<vmem>>, vector<16xf32>,
    %broadcast_in_dim3A_43 = arith.constant 1.000000e+00 : f32
    %broadcast_in_dim3A_44 = vector.broadcast %broadcast_in_dim3A_43 : f32 to vector<16xf32>
    %swap3A_45 = arith.constant 112 : index
    %swap3A_46 = tpu.vector_load %arg5[%swap3A_45] {strides = array<i32>} : memref<128xf32, #tpu.memory_space<vmem>>, vector<16xf32>,
    %swap3A_47 = vector.shape_cast %swap3A_46 : vector<16xf32> to vector<16xf32>
    %swap3A_48 = vector.shape_cast %broadcast_in_dim3A_44 : vector<16xf32> to vector<16xf32>
    tpu.vector_store %arg5[%swap3A_45], %swap3A_48 {strides = array<i32>} : memref<128xf32, #tpu.memory_space<vmem>>, vector<16xf32>,
    %broadcast_in_dim3A_49 = arith.constant 0.000000e+00 : f32
    %broadcast_in_dim3A_50 = vector.broadcast %broadcast_in_dim3A_49 : f32 to vector<16xf32>
    %swap3A_51 = arith.constant 0 : index
    %swap3A_52 = tpu.vector_load %arg6[%swap3A_51] {strides = array<i32>} : memref<128xf32, #tpu.memory_space<vmem>>, vector<16xf32>,
    %swap3A_53 = vector.shape_cast %swap3A_52 : vector<16xf32> to vector<16xf32>
    %swap3A_54 = vector.shape_cast %broadcast_in_dim3A_50 : vector<16xf32> to vector<16xf32>
    tpu.vector_store %arg6[%swap3A_51], %swap3A_54 {strides = array<i32>} : memref<128xf32, #tpu.memory_space<vmem>>, vector<16xf32>,
    %broadcast_in_dim3A_55 = arith.constant 0.000000e+00 : f32
    %broadcast_in_dim3A_56 = vector.broadcast %broadcast_in_dim3A_55 : f32 to vector<16xf32>
    %swap3A_57 = arith.constant 16 : index
    %swap3A_58 = tpu.vector_load %arg6[%swap3A_57] {strides = array<i32>} : memref<128xf32, #tpu.memory_space<vmem>>, vector<16xf32>,
    %swap3A_59 = vector.shape_cast %swap3A_58 : vector<16xf32> to vector<16xf32>
    %swap3A_60 = vector.shape_cast %broadcast_in_dim3A_56 : vector<16xf32> to vector<16xf32>
    tpu.vector_store %arg6[%swap3A_57], %swap3A_60 {strides = array<i32>} : memref<128xf32, #tpu.memory_space<vmem>>, vector<16xf32>,
    %broadcast_in_dim3A_61 = arith.constant 0.000000e+00 : f32
    %broadcast_in_dim3A_62 = vector.broadcast %broadcast_in_dim3A_61 : f32 to vector<16xf32>
    %swap3A_63 = arith.constant 32 : index
    %swap3A_64 = tpu.vector_load %arg6[%swap3A_63] {strides = array<i32>} : memref<128xf32, #tpu.memory_space<vmem>>, vector<16xf32>,
    %swap3A_65 = vector.shape_cast %swap3A_64 : vector<16xf32> to vector<16xf32>
    %swap3A_66 = vector.shape_cast %broadcast_in_dim3A_62 : vector<16xf32> to vector<16xf32>
    tpu.vector_store %arg6[%swap3A_63], %swap3A_66 {strides = array<i32>} : memref<128xf32, #tpu.memory_space<vmem>>, vector<16xf32>,
    %broadcast_in_dim3A_67 = arith.constant 0.000000e+00 : f32
    %broadcast_in_dim3A_68 = vector.broadcast %broadcast_in_dim3A_67 : f32 to vector<16xf32>
    %swap3A_69 = arith.constant 48 : index
    %swap3A_70 = tpu.vector_load %arg6[%swap3A_69] {strides = array<i32>} : memref<128xf32, #tpu.memory_space<vmem>>, vector<16xf32>,
    %swap3A_71 = vector.shape_cast %swap3A_70 : vector<16xf32> to vector<16xf32>
    %swap3A_72 = vector.shape_cast %broadcast_in_dim3A_68 : vector<16xf32> to vector<16xf32>
    tpu.vector_store %arg6[%swap3A_69], %swap3A_72 {strides = array<i32>} : memref<128xf32, #tpu.memory_space<vmem>>, vector<16xf32>,
    %broadcast_in_dim3A_73 = arith.constant 0.000000e+00 : f32
    %broadcast_in_dim3A_74 = vector.broadcast %broadcast_in_dim3A_73 : f32 to vector<16xf32>
    %swap3A_75 = arith.constant 64 : index
    %swap3A_76 = tpu.vector_load %arg6[%swap3A_75] {strides = array<i32>} : memref<128xf32, #tpu.memory_space<vmem>>, vector<16xf32>,
    %swap3A_77 = vector.shape_cast %swap3A_76 : vector<16xf32> to vector<16xf32>
    %swap3A_78 = vector.shape_cast %broadcast_in_dim3A_74 : vector<16xf32> to vector<16xf32>
    tpu.vector_store %arg6[%swap3A_75], %swap3A_78 {strides = array<i32>} : memref<128xf32, #tpu.memory_space<vmem>>, vector<16xf32>,
    %broadcast_in_dim3A_79 = arith.constant 0.000000e+00 : f32
    %broadcast_in_dim3A_80 = vector.broadcast %broadcast_in_dim3A_79 : f32 to vector<16xf32>
    %swap3A_81 = arith.constant 80 : index
    %swap3A_82 = tpu.vector_load %arg6[%swap3A_81] {strides = array<i32>} : memref<128xf32, #tpu.memory_space<vmem>>, vector<16xf32>,
    %swap3A_83 = vector.shape_cast %swap3A_82 : vector<16xf32> to vector<16xf32>
    %swap3A_84 = vector.shape_cast %broadcast_in_dim3A_80 : vector<16xf32> to vector<16xf32>
    tpu.vector_store %arg6[%swap3A_81], %swap3A_84 {strides = array<i32>} : memref<128xf32, #tpu.memory_space<vmem>>, vector<16xf32>,
    %broadcast_in_dim3A_85 = arith.constant 0.000000e+00 : f32
    %broadcast_in_dim3A_86 = vector.broadcast %broadcast_in_dim3A_85 : f32 to vector<16xf32>
    %swap3A_87 = arith.constant 96 : index
    %swap3A_88 = tpu.vector_load %arg6[%swap3A_87] {strides = array<i32>} : memref<128xf32, #tpu.memory_space<vmem>>, vector<16xf32>,
    %swap3A_89 = vector.shape_cast %swap3A_88 : vector<16xf32> to vector<16xf32>
    %swap3A_90 = vector.shape_cast %broadcast_in_dim3A_86 : vector<16xf32> to vector<16xf32>
    tpu.vector_store %arg6[%swap3A_87], %swap3A_90 {strides = array<i32>} : memref<128xf32, #tpu.memory_space<vmem>>, vector<16xf32>,
    %broadcast_in_dim3A_91 = arith.constant 0.000000e+00 : f32
    %broadcast_in_dim3A_92 = vector.broadcast %broadcast_in_dim3A_91 : f32 to vector<16xf32>
    %swap3A_93 = arith.constant 112 : index
    %swap3A_94 = tpu.vector_load %arg6[%swap3A_93] {strides = array<i32>} : memref<128xf32, #tpu.memory_space<vmem>>, vector<16xf32>,
    %swap3A_95 = vector.shape_cast %swap3A_94 : vector<16xf32> to vector<16xf32>
    %swap3A_96 = vector.shape_cast %broadcast_in_dim3A_92 : vector<16xf32> to vector<16xf32>
    tpu.vector_store %arg6[%swap3A_93], %swap3A_96 {strides = array<i32>} : memref<128xf32, #tpu.memory_space<vmem>>, vector<16xf32>,
    %mul3A_97 = arith.constant 5 : i32
    %mul3A_98 = arith.muli %arg1, %mul3A_97 : i32
    %add3A_99 = arith.constant 0 : i32
    %add3A_100 = arith.addi %mul3A_98, %add3A_99 : i32
    %mul3A_101 = arith.constant 128 : i32
    %mul3A_102 = arith.muli %add3A_100, %mul3A_101 : i32
    "tpu.region"() ({
      %run_scoped3A = tpu.sem_alloc : memref<!tpu.dma_semaphore, #tpu.memory_space<semaphore_mem>>
      %dma_start3A = tpu.memref_slice %arg7[%mul3A_102] : memref<10240xf32, #tpu.memory_space<vmem_shared>> -> memref<128xf32, #tpu.memory_space<vmem_shared>>
      %dma_start3A_163 = tpu.memref_slice %arg7[%mul3A_102] : memref<10240xf32, #tpu.memory_space<vmem_shared>> -> memref<128xf32, #tpu.memory_space<vmem_shared>>
      tpu.enqueue_dma source(%arg6 : memref<128xf32, #tpu.memory_space<vmem>>) target(%dma_start3A_163 : memref<128xf32, #tpu.memory_space<vmem_shared>>) target_semaphore(%run_scoped3A : memref<!tpu.dma_semaphore, #tpu.memory_space<semaphore_mem>>)
      %dma_wait3A = tpu.memref_slice %arg7[%mul3A_102] : memref<10240xf32, #tpu.memory_space<vmem_shared>> -> memref<128xf32, #tpu.memory_space<vmem_shared>>
      %dma_wait3A_164 = tpu.memref_slice %arg7[%mul3A_102] : memref<10240xf32, #tpu.memory_space<vmem_shared>> -> memref<128xf32, #tpu.memory_space<vmem_shared>>
      tpu.wait_dma2 semaphore(%run_scoped3A : memref<!tpu.dma_semaphore, #tpu.memory_space<semaphore_mem>>) src(%arg6 : memref<128xf32, #tpu.memory_space<vmem>>) dst(%dma_wait3A_164 : memref<128xf32, #tpu.memory_space<vmem_shared>>)
      tpu.yield
    }) : () -> ()
    %mul3A_103 = arith.constant 5 : i32
    %mul3A_104 = arith.muli %arg1, %mul3A_103 : i32
    %add3A_105 = arith.constant 1 : i32
    %add3A_106 = arith.addi %mul3A_104, %add3A_105 : i32
    %mul3A_107 = arith.constant 128 : i32
    %mul3A_108 = arith.muli %add3A_106, %mul3A_107 : i32
    "tpu.region"() ({
      %run_scoped3A = tpu.sem_alloc : memref<!tpu.dma_semaphore, #tpu.memory_space<semaphore_mem>>
      %dma_start3A = tpu.memref_slice %arg7[%mul3A_108] : memref<10240xf32, #tpu.memory_space<vmem_shared>> -> memref<128xf32, #tpu.memory_space<vmem_shared>>
      %dma_start3A_163 = tpu.memref_slice %arg7[%mul3A_108] : memref<10240xf32, #tpu.memory_space<vmem_shared>> -> memref<128xf32, #tpu.memory_space<vmem_shared>>
      tpu.enqueue_dma source(%arg6 : memref<128xf32, #tpu.memory_space<vmem>>) target(%dma_start3A_163 : memref<128xf32, #tpu.memory_space<vmem_shared>>) target_semaphore(%run_scoped3A : memref<!tpu.dma_semaphore, #tpu.memory_space<semaphore_mem>>)
      %dma_wait3A = tpu.memref_slice %arg7[%mul3A_108] : memref<10240xf32, #tpu.memory_space<vmem_shared>> -> memref<128xf32, #tpu.memory_space<vmem_shared>>
      %dma_wait3A_164 = tpu.memref_slice %arg7[%mul3A_108] : memref<10240xf32, #tpu.memory_space<vmem_shared>> -> memref<128xf32, #tpu.memory_space<vmem_shared>>
      tpu.wait_dma2 semaphore(%run_scoped3A : memref<!tpu.dma_semaphore, #tpu.memory_space<semaphore_mem>>) src(%arg6 : memref<128xf32, #tpu.memory_space<vmem>>) dst(%dma_wait3A_164 : memref<128xf32, #tpu.memory_space<vmem_shared>>)
      tpu.yield
    }) : () -> ()
    %mul3A_109 = arith.constant 5 : i32
    %mul3A_110 = arith.muli %arg1, %mul3A_109 : i32
    %add3A_111 = arith.constant 2 : i32
    %add3A_112 = arith.addi %mul3A_110, %add3A_111 : i32
    %mul3A_113 = arith.constant 128 : i32
    %mul3A_114 = arith.muli %add3A_112, %mul3A_113 : i32
    "tpu.region"() ({
      %run_scoped3A = tpu.sem_alloc : memref<!tpu.dma_semaphore, #tpu.memory_space<semaphore_mem>>
      %dma_start3A = tpu.memref_slice %arg7[%mul3A_114] : memref<10240xf32, #tpu.memory_space<vmem_shared>> -> memref<128xf32, #tpu.memory_space<vmem_shared>>
      %dma_start3A_163 = tpu.memref_slice %arg7[%mul3A_114] : memref<10240xf32, #tpu.memory_space<vmem_shared>> -> memref<128xf32, #tpu.memory_space<vmem_shared>>
      tpu.enqueue_dma source(%arg6 : memref<128xf32, #tpu.memory_space<vmem>>) target(%dma_start3A_163 : memref<128xf32, #tpu.memory_space<vmem_shared>>) target_semaphore(%run_scoped3A : memref<!tpu.dma_semaphore, #tpu.memory_space<semaphore_mem>>)
      %dma_wait3A = tpu.memref_slice %arg7[%mul3A_114] : memref<10240xf32, #tpu.memory_space<vmem_shared>> -> memref<128xf32, #tpu.memory_space<vmem_shared>>
      %dma_wait3A_164 = tpu.memref_slice %arg7[%mul3A_114] : memref<10240xf32, #tpu.memory_space<vmem_shared>> -> memref<128xf32, #tpu.memory_space<vmem_shared>>
      tpu.wait_dma2 semaphore(%run_scoped3A : memref<!tpu.dma_semaphore, #tpu.memory_space<semaphore_mem>>) src(%arg6 : memref<128xf32, #tpu.memory_space<vmem>>) dst(%dma_wait3A_164 : memref<128xf32, #tpu.memory_space<vmem_shared>>)
      tpu.yield
    }) : () -> ()
    %mul3A_115 = arith.constant 5 : i32
    %mul3A_116 = arith.muli %arg1, %mul3A_115 : i32
    %add3A_117 = arith.constant 3 : i32
    %add3A_118 = arith.addi %mul3A_116, %add3A_117 : i32
    %mul3A_119 = arith.constant 128 : i32
    %mul3A_120 = arith.muli %add3A_118, %mul3A_119 : i32
    "tpu.region"() ({
      %run_scoped3A = tpu.sem_alloc : memref<!tpu.dma_semaphore, #tpu.memory_space<semaphore_mem>>
      %dma_start3A = tpu.memref_slice %arg7[%mul3A_120] : memref<10240xf32, #tpu.memory_space<vmem_shared>> -> memref<128xf32, #tpu.memory_space<vmem_shared>>
      %dma_start3A_163 = tpu.memref_slice %arg7[%mul3A_120] : memref<10240xf32, #tpu.memory_space<vmem_shared>> -> memref<128xf32, #tpu.memory_space<vmem_shared>>
      tpu.enqueue_dma source(%arg6 : memref<128xf32, #tpu.memory_space<vmem>>) target(%dma_start3A_163 : memref<128xf32, #tpu.memory_space<vmem_shared>>) target_semaphore(%run_scoped3A : memref<!tpu.dma_semaphore, #tpu.memory_space<semaphore_mem>>)
      %dma_wait3A = tpu.memref_slice %arg7[%mul3A_120] : memref<10240xf32, #tpu.memory_space<vmem_shared>> -> memref<128xf32, #tpu.memory_space<vmem_shared>>
      %dma_wait3A_164 = tpu.memref_slice %arg7[%mul3A_120] : memref<10240xf32, #tpu.memory_space<vmem_shared>> -> memref<128xf32, #tpu.memory_space<vmem_shared>>
      tpu.wait_dma2 semaphore(%run_scoped3A : memref<!tpu.dma_semaphore, #tpu.memory_space<semaphore_mem>>) src(%arg6 : memref<128xf32, #tpu.memory_space<vmem>>) dst(%dma_wait3A_164 : memref<128xf32, #tpu.memory_space<vmem_shared>>)
      tpu.yield
    }) : () -> ()
    %mul3A_121 = arith.constant 5 : i32
    %mul3A_122 = arith.muli %arg1, %mul3A_121 : i32
    %add3A_123 = arith.constant 4 : i32
    %add3A_124 = arith.addi %mul3A_122, %add3A_123 : i32
    %mul3A_125 = arith.constant 128 : i32
    %mul3A_126 = arith.muli %add3A_124, %mul3A_125 : i32
    "tpu.region"() ({
      %run_scoped3A = tpu.sem_alloc : memref<!tpu.dma_semaphore, #tpu.memory_space<semaphore_mem>>
      %dma_start3A = tpu.memref_slice %arg7[%mul3A_126] : memref<10240xf32, #tpu.memory_space<vmem_shared>> -> memref<128xf32, #tpu.memory_space<vmem_shared>>
      %dma_start3A_163 = tpu.memref_slice %arg7[%mul3A_126] : memref<10240xf32, #tpu.memory_space<vmem_shared>> -> memref<128xf32, #tpu.memory_space<vmem_shared>>
      tpu.enqueue_dma source(%arg6 : memref<128xf32, #tpu.memory_space<vmem>>) target(%dma_start3A_163 : memref<128xf32, #tpu.memory_space<vmem_shared>>) target_semaphore(%run_scoped3A : memref<!tpu.dma_semaphore, #tpu.memory_space<semaphore_mem>>)
      %dma_wait3A = tpu.memref_slice %arg7[%mul3A_126] : memref<10240xf32, #tpu.memory_space<vmem_shared>> -> memref<128xf32, #tpu.memory_space<vmem_shared>>
      %dma_wait3A_164 = tpu.memref_slice %arg7[%mul3A_126] : memref<10240xf32, #tpu.memory_space<vmem_shared>> -> memref<128xf32, #tpu.memory_space<vmem_shared>>
      tpu.wait_dma2 semaphore(%run_scoped3A : memref<!tpu.dma_semaphore, #tpu.memory_space<semaphore_mem>>) src(%arg6 : memref<128xf32, #tpu.memory_space<vmem>>) dst(%dma_wait3A_164 : memref<128xf32, #tpu.memory_space<vmem_shared>>)
      tpu.yield
    }) : () -> ()
    %barrier3A = arith.constant 0 : index
    tpu.barrier barrier_id(%barrier3A)
    %scan3A = arith.constant 0 : i32
    %scan3A_127 = arith.constant 0 : i32
    %scan3A_128 = arith.constant 8 : i32
    %scan3A_129 = arith.addi %scan3A_127, %scan3A_128 : i32
    %scan3A_130 = arith.constant 1 : i32
    scf.for %scan3A_163 = %scan3A_127 to %scan3A_129 step %scan3A_130  : i32 {
      %mul3A_164 = arith.constant 10 : i32
      %mul3A_165 = arith.muli %scan3A_163, %mul3A_164 : i32
      %add3A_166 = arith.constant 0 : i32
      %add3A_167 = arith.addi %mul3A_165, %add3A_166 : i32
      %dma_start3A = arith.constant 0 : i32
      %dma_start3A_168 = tpu.memref_slice %arg4[%add3A_167, %dma_start3A] : memref<80x128xi32, #tpu.memory_space<vmem>> -> memref<1x128xi32, #tpu.memory_space<vmem>>
      %dma_start3A_169 = tpu.memref_squeeze %dma_start3A_168 : memref<1x128xi32, #tpu.memory_space<vmem>> -> memref<128xi32, #tpu.memory_space<vmem>>
      %dma_start3A_170 = arith.constant 0 : i32
      %dma_start3A_171 = tpu.memref_slice %arg7[%dma_start3A_170] : memref<10240xf32, #tpu.memory_space<vmem_shared>> -> memref<10240xf32, #tpu.memory_space<vmem_shared>>
      tpu.enqueue_indirect_dma source(%arg5 : memref<128xf32, #tpu.memory_space<vmem>>) target(%dma_start3A_171 : memref<10240xf32, #tpu.memory_space<vmem_shared>>) offsets(%dma_start3A_169 : memref<128xi32, #tpu.memory_space<vmem>>) semaphore(%arg8 : memref<!tpu.dma_semaphore, #tpu.memory_space<semaphore_mem>>) {add = true}
      %mul3A_172 = arith.constant 10 : i32
      %mul3A_173 = arith.muli %scan3A_163, %mul3A_172 : i32
      %add3A_174 = arith.constant 1 : i32
      %add3A_175 = arith.addi %mul3A_173, %add3A_174 : i32
      %dma_start3A_176 = arith.constant 0 : i32
      %dma_start3A_177 = tpu.memref_slice %arg4[%add3A_175, %dma_start3A_176] : memref<80x128xi32, #tpu.memory_space<vmem>> -> memref<1x128xi32, #tpu.memory_space<vmem>>
      %dma_start3A_178 = tpu.memref_squeeze %dma_start3A_177 : memref<1x128xi32, #tpu.memory_space<vmem>> -> memref<128xi32, #tpu.memory_space<vmem>>
      %dma_start3A_179 = arith.constant 0 : i32
      %dma_start3A_180 = tpu.memref_slice %arg7[%dma_start3A_179] : memref<10240xf32, #tpu.memory_space<vmem_shared>> -> memref<10240xf32, #tpu.memory_space<vmem_shared>>
      tpu.enqueue_indirect_dma source(%arg5 : memref<128xf32, #tpu.memory_space<vmem>>) target(%dma_start3A_180 : memref<10240xf32, #tpu.memory_space<vmem_shared>>) offsets(%dma_start3A_178 : memref<128xi32, #tpu.memory_space<vmem>>) semaphore(%arg8 : memref<!tpu.dma_semaphore, #tpu.memory_space<semaphore_mem>>) {add = true}
      %mul3A_181 = arith.constant 10 : i32
      %mul3A_182 = arith.muli %scan3A_163, %mul3A_181 : i32
      %add3A_183 = arith.constant 2 : i32
      %add3A_184 = arith.addi %mul3A_182, %add3A_183 : i32
      %dma_start3A_185 = arith.constant 0 : i32
      %dma_start3A_186 = tpu.memref_slice %arg4[%add3A_184, %dma_start3A_185] : memref<80x128xi32, #tpu.memory_space<vmem>> -> memref<1x128xi32, #tpu.memory_space<vmem>>
      %dma_start3A_187 = tpu.memref_squeeze %dma_start3A_186 : memref<1x128xi32, #tpu.memory_space<vmem>> -> memref<128xi32, #tpu.memory_space<vmem>>
      %dma_start3A_188 = arith.constant 0 : i32
      %dma_start3A_189 = tpu.memref_slice %arg7[%dma_start3A_188] : memref<10240xf32, #tpu.memory_space<vmem_shared>> -> memref<10240xf32, #tpu.memory_space<vmem_shared>>
      tpu.enqueue_indirect_dma source(%arg5 : memref<128xf32, #tpu.memory_space<vmem>>) target(%dma_start3A_189 : memref<10240xf32, #tpu.memory_space<vmem_shared>>) offsets(%dma_start3A_187 : memref<128xi32, #tpu.memory_space<vmem>>) semaphore(%arg8 : memref<!tpu.dma_semaphore, #tpu.memory_space<semaphore_mem>>) {add = true}
      %mul3A_190 = arith.constant 10 : i32
      %mul3A_191 = arith.muli %scan3A_163, %mul3A_190 : i32
      %add3A_192 = arith.constant 3 : i32
      %add3A_193 = arith.addi %mul3A_191, %add3A_192 : i32
      %dma_start3A_194 = arith.constant 0 : i32
      %dma_start3A_195 = tpu.memref_slice %arg4[%add3A_193, %dma_start3A_194] : memref<80x128xi32, #tpu.memory_space<vmem>> -> memref<1x128xi32, #tpu.memory_space<vmem>>
      %dma_start3A_196 = tpu.memref_squeeze %dma_start3A_195 : memref<1x128xi32, #tpu.memory_space<vmem>> -> memref<128xi32, #tpu.memory_space<vmem>>
      %dma_start3A_197 = arith.constant 0 : i32
      %dma_start3A_198 = tpu.memref_slice %arg7[%dma_start3A_197] : memref<10240xf32, #tpu.memory_space<vmem_shared>> -> memref<10240xf32, #tpu.memory_space<vmem_shared>>
      tpu.enqueue_indirect_dma source(%arg5 : memref<128xf32, #tpu.memory_space<vmem>>) target(%dma_start3A_198 : memref<10240xf32, #tpu.memory_space<vmem_shared>>) offsets(%dma_start3A_196 : memref<128xi32, #tpu.memory_space<vmem>>) semaphore(%arg8 : memref<!tpu.dma_semaphore, #tpu.memory_space<semaphore_mem>>) {add = true}
      %mul3A_199 = arith.constant 10 : i32
      %mul3A_200 = arith.muli %scan3A_163, %mul3A_199 : i32
      %add3A_201 = arith.constant 4 : i32
      %add3A_202 = arith.addi %mul3A_200, %add3A_201 : i32
      %dma_start3A_203 = arith.constant 0 : i32
      %dma_start3A_204 = tpu.memref_slice %arg4[%add3A_202, %dma_start3A_203] : memref<80x128xi32, #tpu.memory_space<vmem>> -> memref<1x128xi32, #tpu.memory_space<vmem>>
      %dma_start3A_205 = tpu.memref_squeeze %dma_start3A_204 : memref<1x128xi32, #tpu.memory_space<vmem>> -> memref<128xi32, #tpu.memory_space<vmem>>
      %dma_start3A_206 = arith.constant 0 : i32
      %dma_start3A_207 = tpu.memref_slice %arg7[%dma_start3A_206] : memref<10240xf32, #tpu.memory_space<vmem_shared>> -> memref<10240xf32, #tpu.memory_space<vmem_shared>>
      tpu.enqueue_indirect_dma source(%arg5 : memref<128xf32, #tpu.memory_space<vmem>>) target(%dma_start3A_207 : memref<10240xf32, #tpu.memory_space<vmem_shared>>) offsets(%dma_start3A_205 : memref<128xi32, #tpu.memory_space<vmem>>) semaphore(%arg8 : memref<!tpu.dma_semaphore, #tpu.memory_space<semaphore_mem>>) {add = true}
      %mul3A_208 = arith.constant 10 : i32
      %mul3A_209 = arith.muli %scan3A_163, %mul3A_208 : i32
      %add3A_210 = arith.constant 5 : i32
      %add3A_211 = arith.addi %mul3A_209, %add3A_210 : i32
      %dma_start3A_212 = arith.constant 0 : i32
      %dma_start3A_213 = tpu.memref_slice %arg4[%add3A_211, %dma_start3A_212] : memref<80x128xi32, #tpu.memory_space<vmem>> -> memref<1x128xi32, #tpu.memory_space<vmem>>
      %dma_start3A_214 = tpu.memref_squeeze %dma_start3A_213 : memref<1x128xi32, #tpu.memory_space<vmem>> -> memref<128xi32, #tpu.memory_space<vmem>>
      %dma_start3A_215 = arith.constant 0 : i32
      %dma_start3A_216 = tpu.memref_slice %arg7[%dma_start3A_215] : memref<10240xf32, #tpu.memory_space<vmem_shared>> -> memref<10240xf32, #tpu.memory_space<vmem_shared>>
      tpu.enqueue_indirect_dma source(%arg5 : memref<128xf32, #tpu.memory_space<vmem>>) target(%dma_start3A_216 : memref<10240xf32, #tpu.memory_space<vmem_shared>>) offsets(%dma_start3A_214 : memref<128xi32, #tpu.memory_space<vmem>>) semaphore(%arg8 : memref<!tpu.dma_semaphore, #tpu.memory_space<semaphore_mem>>) {add = true}
      %mul3A_217 = arith.constant 10 : i32
      %mul3A_218 = arith.muli %scan3A_163, %mul3A_217 : i32
      %add3A_219 = arith.constant 6 : i32
      %add3A_220 = arith.addi %mul3A_218, %add3A_219 : i32
      %dma_start3A_221 = arith.constant 0 : i32
      %dma_start3A_222 = tpu.memref_slice %arg4[%add3A_220, %dma_start3A_221] : memref<80x128xi32, #tpu.memory_space<vmem>> -> memref<1x128xi32, #tpu.memory_space<vmem>>
      %dma_start3A_223 = tpu.memref_squeeze %dma_start3A_222 : memref<1x128xi32, #tpu.memory_space<vmem>> -> memref<128xi32, #tpu.memory_space<vmem>>
      %dma_start3A_224 = arith.constant 0 : i32
      %dma_start3A_225 = tpu.memref_slice %arg7[%dma_start3A_224] : memref<10240xf32, #tpu.memory_space<vmem_shared>> -> memref<10240xf32, #tpu.memory_space<vmem_shared>>
      tpu.enqueue_indirect_dma source(%arg5 : memref<128xf32, #tpu.memory_space<vmem>>) target(%dma_start3A_225 : memref<10240xf32, #tpu.memory_space<vmem_shared>>) offsets(%dma_start3A_223 : memref<128xi32, #tpu.memory_space<vmem>>) semaphore(%arg8 : memref<!tpu.dma_semaphore, #tpu.memory_space<semaphore_mem>>) {add = true}
      %mul3A_226 = arith.constant 10 : i32
      %mul3A_227 = arith.muli %scan3A_163, %mul3A_226 : i32
      %add3A_228 = arith.constant 7 : i32
      %add3A_229 = arith.addi %mul3A_227, %add3A_228 : i32
      %dma_start3A_230 = arith.constant 0 : i32
      %dma_start3A_231 = tpu.memref_slice %arg4[%add3A_229, %dma_start3A_230] : memref<80x128xi32, #tpu.memory_space<vmem>> -> memref<1x128xi32, #tpu.memory_space<vmem>>
      %dma_start3A_232 = tpu.memref_squeeze %dma_start3A_231 : memref<1x128xi32, #tpu.memory_space<vmem>> -> memref<128xi32, #tpu.memory_space<vmem>>
      %dma_start3A_233 = arith.constant 0 : i32
      %dma_start3A_234 = tpu.memref_slice %arg7[%dma_start3A_233] : memref<10240xf32, #tpu.memory_space<vmem_shared>> -> memref<10240xf32, #tpu.memory_space<vmem_shared>>
      tpu.enqueue_indirect_dma source(%arg5 : memref<128xf32, #tpu.memory_space<vmem>>) target(%dma_start3A_234 : memref<10240xf32, #tpu.memory_space<vmem_shared>>) offsets(%dma_start3A_232 : memref<128xi32, #tpu.memory_space<vmem>>) semaphore(%arg8 : memref<!tpu.dma_semaphore, #tpu.memory_space<semaphore_mem>>) {add = true}
      %mul3A_235 = arith.constant 10 : i32
      %mul3A_236 = arith.muli %scan3A_163, %mul3A_235 : i32
      %add3A_237 = arith.constant 8 : i32
      %add3A_238 = arith.addi %mul3A_236, %add3A_237 : i32
      %dma_start3A_239 = arith.constant 0 : i32
      %dma_start3A_240 = tpu.memref_slice %arg4[%add3A_238, %dma_start3A_239] : memref<80x128xi32, #tpu.memory_space<vmem>> -> memref<1x128xi32, #tpu.memory_space<vmem>>
      %dma_start3A_241 = tpu.memref_squeeze %dma_start3A_240 : memref<1x128xi32, #tpu.memory_space<vmem>> -> memref<128xi32, #tpu.memory_space<vmem>>
      %dma_start3A_242 = arith.constant 0 : i32
      %dma_start3A_243 = tpu.memref_slice %arg7[%dma_start3A_242] : memref<10240xf32, #tpu.memory_space<vmem_shared>> -> memref<10240xf32, #tpu.memory_space<vmem_shared>>
      tpu.enqueue_indirect_dma source(%arg5 : memref<128xf32, #tpu.memory_space<vmem>>) target(%dma_start3A_243 : memref<10240xf32, #tpu.memory_space<vmem_shared>>) offsets(%dma_start3A_241 : memref<128xi32, #tpu.memory_space<vmem>>) semaphore(%arg8 : memref<!tpu.dma_semaphore, #tpu.memory_space<semaphore_mem>>) {add = true}
      %mul3A_244 = arith.constant 10 : i32
      %mul3A_245 = arith.muli %scan3A_163, %mul3A_244 : i32
      %add3A_246 = arith.constant 9 : i32
      %add3A_247 = arith.addi %mul3A_245, %add3A_246 : i32
      %dma_start3A_248 = arith.constant 0 : i32
      %dma_start3A_249 = tpu.memref_slice %arg4[%add3A_247, %dma_start3A_248] : memref<80x128xi32, #tpu.memory_space<vmem>> -> memref<1x128xi32, #tpu.memory_space<vmem>>
      %dma_start3A_250 = tpu.memref_squeeze %dma_start3A_249 : memref<1x128xi32, #tpu.memory_space<vmem>> -> memref<128xi32, #tpu.memory_space<vmem>>
      %dma_start3A_251 = arith.constant 0 : i32
      %dma_start3A_252 = tpu.memref_slice %arg7[%dma_start3A_251] : memref<10240xf32, #tpu.memory_space<vmem_shared>> -> memref<10240xf32, #tpu.memory_space<vmem_shared>>
      tpu.enqueue_indirect_dma source(%arg5 : memref<128xf32, #tpu.memory_space<vmem>>) target(%dma_start3A_252 : memref<10240xf32, #tpu.memory_space<vmem_shared>>) offsets(%dma_start3A_250 : memref<128xi32, #tpu.memory_space<vmem>>) semaphore(%arg8 : memref<!tpu.dma_semaphore, #tpu.memory_space<semaphore_mem>>) {add = true}
      %dma_wait3A = arith.constant 0 : i32
      %dma_wait3A_253 = arith.constant 0 : i32
      %dma_wait3A_254 = tpu.memref_slice %arg4[%dma_wait3A, %dma_wait3A_253] : memref<80x128xi32, #tpu.memory_space<vmem>> -> memref<1x128xi32, #tpu.memory_space<vmem>>
      %dma_wait3A_255 = tpu.memref_squeeze %dma_wait3A_254 : memref<1x128xi32, #tpu.memory_space<vmem>> -> memref<128xi32, #tpu.memory_space<vmem>>
      %dma_wait3A_256 = arith.constant 0 : i32
      %dma_wait3A_257 = tpu.memref_slice %arg7[%dma_wait3A_256] : memref<10240xf32, #tpu.memory_space<vmem_shared>> -> memref<10240xf32, #tpu.memory_space<vmem_shared>>
      tpu.wait_indirect_dma semaphore(%arg8 : memref<!tpu.dma_semaphore, #tpu.memory_space<semaphore_mem>>) src(%arg5 : memref<128xf32, #tpu.memory_space<vmem>>) dst(%dma_wait3A_257 : memref<10240xf32, #tpu.memory_space<vmem_shared>>)
      %dma_wait3A_258 = arith.constant 0 : i32
      %dma_wait3A_259 = arith.constant 0 : i32
      %dma_wait3A_260 = tpu.memref_slice %arg4[%dma_wait3A_258, %dma_wait3A_259] : memref<80x128xi32, #tpu.memory_space<vmem>> -> memref<1x128xi32, #tpu.memory_space<vmem>>
      %dma_wait3A_261 = tpu.memref_squeeze %dma_wait3A_260 : memref<1x128xi32, #tpu.memory_space<vmem>> -> memref<128xi32, #tpu.memory_space<vmem>>
      %dma_wait3A_262 = arith.constant 0 : i32
      %dma_wait3A_263 = tpu.memref_slice %arg7[%dma_wait3A_262] : memref<10240xf32, #tpu.memory_space<vmem_shared>> -> memref<10240xf32, #tpu.memory_space<vmem_shared>>
      tpu.wait_indirect_dma semaphore(%arg8 : memref<!tpu.dma_semaphore, #tpu.memory_space<semaphore_mem>>) src(%arg5 : memref<128xf32, #tpu.memory_space<vmem>>) dst(%dma_wait3A_263 : memref<10240xf32, #tpu.memory_space<vmem_shared>>)
      %dma_wait3A_264 = arith.constant 0 : i32
      %dma_wait3A_265 = arith.constant 0 : i32
      %dma_wait3A_266 = tpu.memref_slice %arg4[%dma_wait3A_264, %dma_wait3A_265] : memref<80x128xi32, #tpu.memory_space<vmem>> -> memref<1x128xi32, #tpu.memory_space<vmem>>
      %dma_wait3A_267 = tpu.memref_squeeze %dma_wait3A_266 : memref<1x128xi32, #tpu.memory_space<vmem>> -> memref<128xi32, #tpu.memory_space<vmem>>
      %dma_wait3A_268 = arith.constant 0 : i32
      %dma_wait3A_269 = tpu.memref_slice %arg7[%dma_wait3A_268] : memref<10240xf32, #tpu.memory_space<vmem_shared>> -> memref<10240xf32, #tpu.memory_space<vmem_shared>>
      tpu.wait_indirect_dma semaphore(%arg8 : memref<!tpu.dma_semaphore, #tpu.memory_space<semaphore_mem>>) src(%arg5 : memref<128xf32, #tpu.memory_space<vmem>>) dst(%dma_wait3A_269 : memref<10240xf32, #tpu.memory_space<vmem_shared>>)
      %dma_wait3A_270 = arith.constant 0 : i32
      %dma_wait3A_271 = arith.constant 0 : i32
      %dma_wait3A_272 = tpu.memref_slice %arg4[%dma_wait3A_270, %dma_wait3A_271] : memref<80x128xi32, #tpu.memory_space<vmem>> -> memref<1x128xi32, #tpu.memory_space<vmem>>
      %dma_wait3A_273 = tpu.memref_squeeze %dma_wait3A_272 : memref<1x128xi32, #tpu.memory_space<vmem>> -> memref<128xi32, #tpu.memory_space<vmem>>
      %dma_wait3A_274 = arith.constant 0 : i32
      %dma_wait3A_275 = tpu.memref_slice %arg7[%dma_wait3A_274] : memref<10240xf32, #tpu.memory_space<vmem_shared>> -> memref<10240xf32, #tpu.memory_space<vmem_shared>>
      tpu.wait_indirect_dma semaphore(%arg8 : memref<!tpu.dma_semaphore, #tpu.memory_space<semaphore_mem>>) src(%arg5 : memref<128xf32, #tpu.memory_space<vmem>>) dst(%dma_wait3A_275 : memref<10240xf32, #tpu.memory_space<vmem_shared>>)
      %dma_wait3A_276 = arith.constant 0 : i32
      %dma_wait3A_277 = arith.constant 0 : i32
      %dma_wait3A_278 = tpu.memref_slice %arg4[%dma_wait3A_276, %dma_wait3A_277] : memref<80x128xi32, #tpu.memory_space<vmem>> -> memref<1x128xi32, #tpu.memory_space<vmem>>
      %dma_wait3A_279 = tpu.memref_squeeze %dma_wait3A_278 : memref<1x128xi32, #tpu.memory_space<vmem>> -> memref<128xi32, #tpu.memory_space<vmem>>
      %dma_wait3A_280 = arith.constant 0 : i32
      %dma_wait3A_281 = tpu.memref_slice %arg7[%dma_wait3A_280] : memref<10240xf32, #tpu.memory_space<vmem_shared>> -> memref<10240xf32, #tpu.memory_space<vmem_shared>>
      tpu.wait_indirect_dma semaphore(%arg8 : memref<!tpu.dma_semaphore, #tpu.memory_space<semaphore_mem>>) src(%arg5 : memref<128xf32, #tpu.memory_space<vmem>>) dst(%dma_wait3A_281 : memref<10240xf32, #tpu.memory_space<vmem_shared>>)
      %dma_wait3A_282 = arith.constant 0 : i32
      %dma_wait3A_283 = arith.constant 0 : i32
      %dma_wait3A_284 = tpu.memref_slice %arg4[%dma_wait3A_282, %dma_wait3A_283] : memref<80x128xi32, #tpu.memory_space<vmem>> -> memref<1x128xi32, #tpu.memory_space<vmem>>
      %dma_wait3A_285 = tpu.memref_squeeze %dma_wait3A_284 : memref<1x128xi32, #tpu.memory_space<vmem>> -> memref<128xi32, #tpu.memory_space<vmem>>
      %dma_wait3A_286 = arith.constant 0 : i32
      %dma_wait3A_287 = tpu.memref_slice %arg7[%dma_wait3A_286] : memref<10240xf32, #tpu.memory_space<vmem_shared>> -> memref<10240xf32, #tpu.memory_space<vmem_shared>>
      tpu.wait_indirect_dma semaphore(%arg8 : memref<!tpu.dma_semaphore, #tpu.memory_space<semaphore_mem>>) src(%arg5 : memref<128xf32, #tpu.memory_space<vmem>>) dst(%dma_wait3A_287 : memref<10240xf32, #tpu.memory_space<vmem_shared>>)
      %dma_wait3A_288 = arith.constant 0 : i32
      %dma_wait3A_289 = arith.constant 0 : i32
      %dma_wait3A_290 = tpu.memref_slice %arg4[%dma_wait3A_288, %dma_wait3A_289] : memref<80x128xi32, #tpu.memory_space<vmem>> -> memref<1x128xi32, #tpu.memory_space<vmem>>
      %dma_wait3A_291 = tpu.memref_squeeze %dma_wait3A_290 : memref<1x128xi32, #tpu.memory_space<vmem>> -> memref<128xi32, #tpu.memory_space<vmem>>
      %dma_wait3A_292 = arith.constant 0 : i32
      %dma_wait3A_293 = tpu.memref_slice %arg7[%dma_wait3A_292] : memref<10240xf32, #tpu.memory_space<vmem_shared>> -> memref<10240xf32, #tpu.memory_space<vmem_shared>>
      tpu.wait_indirect_dma semaphore(%arg8 : memref<!tpu.dma_semaphore, #tpu.memory_space<semaphore_mem>>) src(%arg5 : memref<128xf32, #tpu.memory_space<vmem>>) dst(%dma_wait3A_293 : memref<10240xf32, #tpu.memory_space<vmem_shared>>)
      %dma_wait3A_294 = arith.constant 0 : i32
      %dma_wait3A_295 = arith.constant 0 : i32
      %dma_wait3A_296 = tpu.memref_slice %arg4[%dma_wait3A_294, %dma_wait3A_295] : memref<80x128xi32, #tpu.memory_space<vmem>> -> memref<1x128xi32, #tpu.memory_space<vmem>>
      %dma_wait3A_297 = tpu.memref_squeeze %dma_wait3A_296 : memref<1x128xi32, #tpu.memory_space<vmem>> -> memref<128xi32, #tpu.memory_space<vmem>>
      %dma_wait3A_298 = arith.constant 0 : i32
      %dma_wait3A_299 = tpu.memref_slice %arg7[%dma_wait3A_298] : memref<10240xf32, #tpu.memory_space<vmem_shared>> -> memref<10240xf32, #tpu.memory_space<vmem_shared>>
      tpu.wait_indirect_dma semaphore(%arg8 : memref<!tpu.dma_semaphore, #tpu.memory_space<semaphore_mem>>) src(%arg5 : memref<128xf32, #tpu.memory_space<vmem>>) dst(%dma_wait3A_299 : memref<10240xf32, #tpu.memory_space<vmem_shared>>)
      %dma_wait3A_300 = arith.constant 0 : i32
      %dma_wait3A_301 = arith.constant 0 : i32
      %dma_wait3A_302 = tpu.memref_slice %arg4[%dma_wait3A_300, %dma_wait3A_301] : memref<80x128xi32, #tpu.memory_space<vmem>> -> memref<1x128xi32, #tpu.memory_space<vmem>>
      %dma_wait3A_303 = tpu.memref_squeeze %dma_wait3A_302 : memref<1x128xi32, #tpu.memory_space<vmem>> -> memref<128xi32, #tpu.memory_space<vmem>>
      %dma_wait3A_304 = arith.constant 0 : i32
      %dma_wait3A_305 = tpu.memref_slice %arg7[%dma_wait3A_304] : memref<10240xf32, #tpu.memory_space<vmem_shared>> -> memref<10240xf32, #tpu.memory_space<vmem_shared>>
      tpu.wait_indirect_dma semaphore(%arg8 : memref<!tpu.dma_semaphore, #tpu.memory_space<semaphore_mem>>) src(%arg5 : memref<128xf32, #tpu.memory_space<vmem>>) dst(%dma_wait3A_305 : memref<10240xf32, #tpu.memory_space<vmem_shared>>)
      %dma_wait3A_306 = arith.constant 0 : i32
      %dma_wait3A_307 = arith.constant 0 : i32
      %dma_wait3A_308 = tpu.memref_slice %arg4[%dma_wait3A_306, %dma_wait3A_307] : memref<80x128xi32, #tpu.memory_space<vmem>> -> memref<1x128xi32, #tpu.memory_space<vmem>>
      %dma_wait3A_309 = tpu.memref_squeeze %dma_wait3A_308 : memref<1x128xi32, #tpu.memory_space<vmem>> -> memref<128xi32, #tpu.memory_space<vmem>>
      %dma_wait3A_310 = arith.constant 0 : i32
      %dma_wait3A_311 = tpu.memref_slice %arg7[%dma_wait3A_310] : memref<10240xf32, #tpu.memory_space<vmem_shared>> -> memref<10240xf32, #tpu.memory_space<vmem_shared>>
      tpu.wait_indirect_dma semaphore(%arg8 : memref<!tpu.dma_semaphore, #tpu.memory_space<semaphore_mem>>) src(%arg5 : memref<128xf32, #tpu.memory_space<vmem>>) dst(%dma_wait3A_311 : memref<10240xf32, #tpu.memory_space<vmem_shared>>)
    }
    %scan3A_131 = arith.constant 8 : i32
    %barrier3A_132 = arith.constant 0 : index
    tpu.barrier barrier_id(%barrier3A_132)
    %mul3A_133 = arith.constant 5 : i32
    %mul3A_134 = arith.muli %arg1, %mul3A_133 : i32
    %add3A_135 = arith.constant 0 : i32
    %add3A_136 = arith.addi %mul3A_134, %add3A_135 : i32
    %mul3A_137 = arith.constant 128 : i32
    %mul3A_138 = arith.muli %add3A_136, %mul3A_137 : i32
    "tpu.region"() ({
      %run_scoped3A = tpu.sem_alloc : memref<!tpu.dma_semaphore, #tpu.memory_space<semaphore_mem>>
      %dma_start3A = tpu.memref_slice %arg7[%mul3A_138] : memref<10240xf32, #tpu.memory_space<vmem_shared>> -> memref<128xf32, #tpu.memory_space<vmem_shared>>
      %dma_start3A_163 = tpu.memref_slice %arg7[%mul3A_138] : memref<10240xf32, #tpu.memory_space<vmem_shared>> -> memref<128xf32, #tpu.memory_space<vmem_shared>>
      tpu.enqueue_dma source(%dma_start3A_163 : memref<128xf32, #tpu.memory_space<vmem_shared>>) target(%arg6 : memref<128xf32, #tpu.memory_space<vmem>>) target_semaphore(%run_scoped3A : memref<!tpu.dma_semaphore, #tpu.memory_space<semaphore_mem>>)
      %dma_wait3A = tpu.memref_slice %arg7[%mul3A_138] : memref<10240xf32, #tpu.memory_space<vmem_shared>> -> memref<128xf32, #tpu.memory_space<vmem_shared>>
      %dma_wait3A_164 = tpu.memref_slice %arg7[%mul3A_138] : memref<10240xf32, #tpu.memory_space<vmem_shared>> -> memref<128xf32, #tpu.memory_space<vmem_shared>>
      tpu.wait_dma2 semaphore(%run_scoped3A : memref<!tpu.dma_semaphore, #tpu.memory_space<semaphore_mem>>) src(%dma_wait3A_164 : memref<128xf32, #tpu.memory_space<vmem_shared>>) dst(%arg6 : memref<128xf32, #tpu.memory_space<vmem>>)
      tpu.yield
    }) : () -> ()
    "tpu.region"() ({
      %run_scoped3A = tpu.sem_alloc : memref<!tpu.dma_semaphore, #tpu.memory_space<semaphore_mem>>
      %dma_start3A = arith.constant 0 : i32
      %dma_start3A_163 = tpu.memref_slice %arg3[%arg0, %add3A_136, %dma_start3A] : memref<2x80x128xf32, #tpu.memory_space<hbm>> -> memref<1x1x128xf32, #tpu.memory_space<hbm>>
      %dma_start3A_164 = tpu.memref_squeeze %dma_start3A_163 : memref<1x1x128xf32, #tpu.memory_space<hbm>> -> memref<128xf32, #tpu.memory_space<hbm>>
      %dma_start3A_165 = arith.constant 0 : i32
      %dma_start3A_166 = tpu.memref_slice %arg3[%arg0, %add3A_136, %dma_start3A_165] : memref<2x80x128xf32, #tpu.memory_space<hbm>> -> memref<1x1x128xf32, #tpu.memory_space<hbm>>
      %dma_start3A_167 = tpu.memref_squeeze %dma_start3A_166 : memref<1x1x128xf32, #tpu.memory_space<hbm>> -> memref<128xf32, #tpu.memory_space<hbm>>
      tpu.enqueue_dma source(%arg6 : memref<128xf32, #tpu.memory_space<vmem>>) target(%dma_start3A_167 : memref<128xf32, #tpu.memory_space<hbm>>) target_semaphore(%run_scoped3A : memref<!tpu.dma_semaphore, #tpu.memory_space<semaphore_mem>>)
      %dma_wait3A = arith.constant 0 : i32
      %dma_wait3A_168 = tpu.memref_slice %arg3[%arg0, %add3A_136, %dma_wait3A] : memref<2x80x128xf32, #tpu.memory_space<hbm>> -> memref<1x1x128xf32, #tpu.memory_space<hbm>>
      %dma_wait3A_169 = tpu.memref_squeeze %dma_wait3A_168 : memref<1x1x128xf32, #tpu.memory_space<hbm>> -> memref<128xf32, #tpu.memory_space<hbm>>
      %dma_wait3A_170 = arith.constant 0 : i32
      %dma_wait3A_171 = tpu.memref_slice %arg3[%arg0, %add3A_136, %dma_wait3A_170] : memref<2x80x128xf32, #tpu.memory_space<hbm>> -> memref<1x1x128xf32, #tpu.memory_space<hbm>>
      %dma_wait3A_172 = tpu.memref_squeeze %dma_wait3A_171 : memref<1x1x128xf32, #tpu.memory_space<hbm>> -> memref<128xf32, #tpu.memory_space<hbm>>
      tpu.wait_dma2 semaphore(%run_scoped3A : memref<!tpu.dma_semaphore, #tpu.memory_space<semaphore_mem>>) src(%arg6 : memref<128xf32, #tpu.memory_space<vmem>>) dst(%dma_wait3A_172 : memref<128xf32, #tpu.memory_space<hbm>>)
      tpu.yield
    }) : () -> ()
    %mul3A_139 = arith.constant 5 : i32
    %mul3A_140 = arith.muli %arg1, %mul3A_139 : i32
    %add3A_141 = arith.constant 1 : i32
    %add3A_142 = arith.addi %mul3A_140, %add3A_141 : i32
    %mul3A_143 = arith.constant 128 : i32
    %mul3A_144 = arith.muli %add3A_142, %mul3A_143 : i32
    "tpu.region"() ({
      %run_scoped3A = tpu.sem_alloc : memref<!tpu.dma_semaphore, #tpu.memory_space<semaphore_mem>>
      %dma_start3A = tpu.memref_slice %arg7[%mul3A_144] : memref<10240xf32, #tpu.memory_space<vmem_shared>> -> memref<128xf32, #tpu.memory_space<vmem_shared>>
      %dma_start3A_163 = tpu.memref_slice %arg7[%mul3A_144] : memref<10240xf32, #tpu.memory_space<vmem_shared>> -> memref<128xf32, #tpu.memory_space<vmem_shared>>
      tpu.enqueue_dma source(%dma_start3A_163 : memref<128xf32, #tpu.memory_space<vmem_shared>>) target(%arg6 : memref<128xf32, #tpu.memory_space<vmem>>) target_semaphore(%run_scoped3A : memref<!tpu.dma_semaphore, #tpu.memory_space<semaphore_mem>>)
      %dma_wait3A = tpu.memref_slice %arg7[%mul3A_144] : memref<10240xf32, #tpu.memory_space<vmem_shared>> -> memref<128xf32, #tpu.memory_space<vmem_shared>>
      %dma_wait3A_164 = tpu.memref_slice %arg7[%mul3A_144] : memref<10240xf32, #tpu.memory_space<vmem_shared>> -> memref<128xf32, #tpu.memory_space<vmem_shared>>
      tpu.wait_dma2 semaphore(%run_scoped3A : memref<!tpu.dma_semaphore, #tpu.memory_space<semaphore_mem>>) src(%dma_wait3A_164 : memref<128xf32, #tpu.memory_space<vmem_shared>>) dst(%arg6 : memref<128xf32, #tpu.memory_space<vmem>>)
      tpu.yield
    }) : () -> ()
    "tpu.region"() ({
      %run_scoped3A = tpu.sem_alloc : memref<!tpu.dma_semaphore, #tpu.memory_space<semaphore_mem>>
      %dma_start3A = arith.constant 0 : i32
      %dma_start3A_163 = tpu.memref_slice %arg3[%arg0, %add3A_142, %dma_start3A] : memref<2x80x128xf32, #tpu.memory_space<hbm>> -> memref<1x1x128xf32, #tpu.memory_space<hbm>>
      %dma_start3A_164 = tpu.memref_squeeze %dma_start3A_163 : memref<1x1x128xf32, #tpu.memory_space<hbm>> -> memref<128xf32, #tpu.memory_space<hbm>>
      %dma_start3A_165 = arith.constant 0 : i32
      %dma_start3A_166 = tpu.memref_slice %arg3[%arg0, %add3A_142, %dma_start3A_165] : memref<2x80x128xf32, #tpu.memory_space<hbm>> -> memref<1x1x128xf32, #tpu.memory_space<hbm>>
      %dma_start3A_167 = tpu.memref_squeeze %dma_start3A_166 : memref<1x1x128xf32, #tpu.memory_space<hbm>> -> memref<128xf32, #tpu.memory_space<hbm>>
      tpu.enqueue_dma source(%arg6 : memref<128xf32, #tpu.memory_space<vmem>>) target(%dma_start3A_167 : memref<128xf32, #tpu.memory_space<hbm>>) target_semaphore(%run_scoped3A : memref<!tpu.dma_semaphore, #tpu.memory_space<semaphore_mem>>)
      %dma_wait3A = arith.constant 0 : i32
      %dma_wait3A_168 = tpu.memref_slice %arg3[%arg0, %add3A_142, %dma_wait3A] : memref<2x80x128xf32, #tpu.memory_space<hbm>> -> memref<1x1x128xf32, #tpu.memory_space<hbm>>
      %dma_wait3A_169 = tpu.memref_squeeze %dma_wait3A_168 : memref<1x1x128xf32, #tpu.memory_space<hbm>> -> memref<128xf32, #tpu.memory_space<hbm>>
      %dma_wait3A_170 = arith.constant 0 : i32
      %dma_wait3A_171 = tpu.memref_slice %arg3[%arg0, %add3A_142, %dma_wait3A_170] : memref<2x80x128xf32, #tpu.memory_space<hbm>> -> memref<1x1x128xf32, #tpu.memory_space<hbm>>
      %dma_wait3A_172 = tpu.memref_squeeze %dma_wait3A_171 : memref<1x1x128xf32, #tpu.memory_space<hbm>> -> memref<128xf32, #tpu.memory_space<hbm>>
      tpu.wait_dma2 semaphore(%run_scoped3A : memref<!tpu.dma_semaphore, #tpu.memory_space<semaphore_mem>>) src(%arg6 : memref<128xf32, #tpu.memory_space<vmem>>) dst(%dma_wait3A_172 : memref<128xf32, #tpu.memory_space<hbm>>)
      tpu.yield
    }) : () -> ()
    %mul3A_145 = arith.constant 5 : i32
    %mul3A_146 = arith.muli %arg1, %mul3A_145 : i32
    %add3A_147 = arith.constant 2 : i32
    %add3A_148 = arith.addi %mul3A_146, %add3A_147 : i32
    %mul3A_149 = arith.constant 128 : i32
    %mul3A_150 = arith.muli %add3A_148, %mul3A_149 : i32
    "tpu.region"() ({
      %run_scoped3A = tpu.sem_alloc : memref<!tpu.dma_semaphore, #tpu.memory_space<semaphore_mem>>
      %dma_start3A = tpu.memref_slice %arg7[%mul3A_150] : memref<10240xf32, #tpu.memory_space<vmem_shared>> -> memref<128xf32, #tpu.memory_space<vmem_shared>>
      %dma_start3A_163 = tpu.memref_slice %arg7[%mul3A_150] : memref<10240xf32, #tpu.memory_space<vmem_shared>> -> memref<128xf32, #tpu.memory_space<vmem_shared>>
      tpu.enqueue_dma source(%dma_start3A_163 : memref<128xf32, #tpu.memory_space<vmem_shared>>) target(%arg6 : memref<128xf32, #tpu.memory_space<vmem>>) target_semaphore(%run_scoped3A : memref<!tpu.dma_semaphore, #tpu.memory_space<semaphore_mem>>)
      %dma_wait3A = tpu.memref_slice %arg7[%mul3A_150] : memref<10240xf32, #tpu.memory_space<vmem_shared>> -> memref<128xf32, #tpu.memory_space<vmem_shared>>
      %dma_wait3A_164 = tpu.memref_slice %arg7[%mul3A_150] : memref<10240xf32, #tpu.memory_space<vmem_shared>> -> memref<128xf32, #tpu.memory_space<vmem_shared>>
      tpu.wait_dma2 semaphore(%run_scoped3A : memref<!tpu.dma_semaphore, #tpu.memory_space<semaphore_mem>>) src(%dma_wait3A_164 : memref<128xf32, #tpu.memory_space<vmem_shared>>) dst(%arg6 : memref<128xf32, #tpu.memory_space<vmem>>)
      tpu.yield
    }) : () -> ()
    "tpu.region"() ({
      %run_scoped3A = tpu.sem_alloc : memref<!tpu.dma_semaphore, #tpu.memory_space<semaphore_mem>>
      %dma_start3A = arith.constant 0 : i32
      %dma_start3A_163 = tpu.memref_slice %arg3[%arg0, %add3A_148, %dma_start3A] : memref<2x80x128xf32, #tpu.memory_space<hbm>> -> memref<1x1x128xf32, #tpu.memory_space<hbm>>
      %dma_start3A_164 = tpu.memref_squeeze %dma_start3A_163 : memref<1x1x128xf32, #tpu.memory_space<hbm>> -> memref<128xf32, #tpu.memory_space<hbm>>
      %dma_start3A_165 = arith.constant 0 : i32
      %dma_start3A_166 = tpu.memref_slice %arg3[%arg0, %add3A_148, %dma_start3A_165] : memref<2x80x128xf32, #tpu.memory_space<hbm>> -> memref<1x1x128xf32, #tpu.memory_space<hbm>>
      %dma_start3A_167 = tpu.memref_squeeze %dma_start3A_166 : memref<1x1x128xf32, #tpu.memory_space<hbm>> -> memref<128xf32, #tpu.memory_space<hbm>>
      tpu.enqueue_dma source(%arg6 : memref<128xf32, #tpu.memory_space<vmem>>) target(%dma_start3A_167 : memref<128xf32, #tpu.memory_space<hbm>>) target_semaphore(%run_scoped3A : memref<!tpu.dma_semaphore, #tpu.memory_space<semaphore_mem>>)
      %dma_wait3A = arith.constant 0 : i32
      %dma_wait3A_168 = tpu.memref_slice %arg3[%arg0, %add3A_148, %dma_wait3A] : memref<2x80x128xf32, #tpu.memory_space<hbm>> -> memref<1x1x128xf32, #tpu.memory_space<hbm>>
      %dma_wait3A_169 = tpu.memref_squeeze %dma_wait3A_168 : memref<1x1x128xf32, #tpu.memory_space<hbm>> -> memref<128xf32, #tpu.memory_space<hbm>>
      %dma_wait3A_170 = arith.constant 0 : i32
      %dma_wait3A_171 = tpu.memref_slice %arg3[%arg0, %add3A_148, %dma_wait3A_170] : memref<2x80x128xf32, #tpu.memory_space<hbm>> -> memref<1x1x128xf32, #tpu.memory_space<hbm>>
      %dma_wait3A_172 = tpu.memref_squeeze %dma_wait3A_171 : memref<1x1x128xf32, #tpu.memory_space<hbm>> -> memref<128xf32, #tpu.memory_space<hbm>>
      tpu.wait_dma2 semaphore(%run_scoped3A : memref<!tpu.dma_semaphore, #tpu.memory_space<semaphore_mem>>) src(%arg6 : memref<128xf32, #tpu.memory_space<vmem>>) dst(%dma_wait3A_172 : memref<128xf32, #tpu.memory_space<hbm>>)
      tpu.yield
    }) : () -> ()
    %mul3A_151 = arith.constant 5 : i32
    %mul3A_152 = arith.muli %arg1, %mul3A_151 : i32
    %add3A_153 = arith.constant 3 : i32
    %add3A_154 = arith.addi %mul3A_152, %add3A_153 : i32
    %mul3A_155 = arith.constant 128 : i32
    %mul3A_156 = arith.muli %add3A_154, %mul3A_155 : i32
    "tpu.region"() ({
      %run_scoped3A = tpu.sem_alloc : memref<!tpu.dma_semaphore, #tpu.memory_space<semaphore_mem>>
      %dma_start3A = tpu.memref_slice %arg7[%mul3A_156] : memref<10240xf32, #tpu.memory_space<vmem_shared>> -> memref<128xf32, #tpu.memory_space<vmem_shared>>
      %dma_start3A_163 = tpu.memref_slice %arg7[%mul3A_156] : memref<10240xf32, #tpu.memory_space<vmem_shared>> -> memref<128xf32, #tpu.memory_space<vmem_shared>>
      tpu.enqueue_dma source(%dma_start3A_163 : memref<128xf32, #tpu.memory_space<vmem_shared>>) target(%arg6 : memref<128xf32, #tpu.memory_space<vmem>>) target_semaphore(%run_scoped3A : memref<!tpu.dma_semaphore, #tpu.memory_space<semaphore_mem>>)
      %dma_wait3A = tpu.memref_slice %arg7[%mul3A_156] : memref<10240xf32, #tpu.memory_space<vmem_shared>> -> memref<128xf32, #tpu.memory_space<vmem_shared>>
      %dma_wait3A_164 = tpu.memref_slice %arg7[%mul3A_156] : memref<10240xf32, #tpu.memory_space<vmem_shared>> -> memref<128xf32, #tpu.memory_space<vmem_shared>>
      tpu.wait_dma2 semaphore(%run_scoped3A : memref<!tpu.dma_semaphore, #tpu.memory_space<semaphore_mem>>) src(%dma_wait3A_164 : memref<128xf32, #tpu.memory_space<vmem_shared>>) dst(%arg6 : memref<128xf32, #tpu.memory_space<vmem>>)
      tpu.yield
    }) : () -> ()
    "tpu.region"() ({
      %run_scoped3A = tpu.sem_alloc : memref<!tpu.dma_semaphore, #tpu.memory_space<semaphore_mem>>
      %dma_start3A = arith.constant 0 : i32
      %dma_start3A_163 = tpu.memref_slice %arg3[%arg0, %add3A_154, %dma_start3A] : memref<2x80x128xf32, #tpu.memory_space<hbm>> -> memref<1x1x128xf32, #tpu.memory_space<hbm>>
      %dma_start3A_164 = tpu.memref_squeeze %dma_start3A_163 : memref<1x1x128xf32, #tpu.memory_space<hbm>> -> memref<128xf32, #tpu.memory_space<hbm>>
      %dma_start3A_165 = arith.constant 0 : i32
      %dma_start3A_166 = tpu.memref_slice %arg3[%arg0, %add3A_154, %dma_start3A_165] : memref<2x80x128xf32, #tpu.memory_space<hbm>> -> memref<1x1x128xf32, #tpu.memory_space<hbm>>
      %dma_start3A_167 = tpu.memref_squeeze %dma_start3A_166 : memref<1x1x128xf32, #tpu.memory_space<hbm>> -> memref<128xf32, #tpu.memory_space<hbm>>
      tpu.enqueue_dma source(%arg6 : memref<128xf32, #tpu.memory_space<vmem>>) target(%dma_start3A_167 : memref<128xf32, #tpu.memory_space<hbm>>) target_semaphore(%run_scoped3A : memref<!tpu.dma_semaphore, #tpu.memory_space<semaphore_mem>>)
      %dma_wait3A = arith.constant 0 : i32
      %dma_wait3A_168 = tpu.memref_slice %arg3[%arg0, %add3A_154, %dma_wait3A] : memref<2x80x128xf32, #tpu.memory_space<hbm>> -> memref<1x1x128xf32, #tpu.memory_space<hbm>>
      %dma_wait3A_169 = tpu.memref_squeeze %dma_wait3A_168 : memref<1x1x128xf32, #tpu.memory_space<hbm>> -> memref<128xf32, #tpu.memory_space<hbm>>
      %dma_wait3A_170 = arith.constant 0 : i32
      %dma_wait3A_171 = tpu.memref_slice %arg3[%arg0, %add3A_154, %dma_wait3A_170] : memref<2x80x128xf32, #tpu.memory_space<hbm>> -> memref<1x1x128xf32, #tpu.memory_space<hbm>>
      %dma_wait3A_172 = tpu.memref_squeeze %dma_wait3A_171 : memref<1x1x128xf32, #tpu.memory_space<hbm>> -> memref<128xf32, #tpu.memory_space<hbm>>
      tpu.wait_dma2 semaphore(%run_scoped3A : memref<!tpu.dma_semaphore, #tpu.memory_space<semaphore_mem>>) src(%arg6 : memref<128xf32, #tpu.memory_space<vmem>>) dst(%dma_wait3A_172 : memref<128xf32, #tpu.memory_space<hbm>>)
      tpu.yield
    }) : () -> ()
    %mul3A_157 = arith.constant 5 : i32
    %mul3A_158 = arith.muli %arg1, %mul3A_157 : i32
    %add3A_159 = arith.constant 4 : i32
    %add3A_160 = arith.addi %mul3A_158, %add3A_159 : i32
    %mul3A_161 = arith.constant 128 : i32
    %mul3A_162 = arith.muli %add3A_160, %mul3A_161 : i32
    "tpu.region"() ({
      %run_scoped3A = tpu.sem_alloc : memref<!tpu.dma_semaphore, #tpu.memory_space<semaphore_mem>>
      %dma_start3A = tpu.memref_slice %arg7[%mul3A_162] : memref<10240xf32, #tpu.memory_space<vmem_shared>> -> memref<128xf32, #tpu.memory_space<vmem_shared>>
      %dma_start3A_163 = tpu.memref_slice %arg7[%mul3A_162] : memref<10240xf32, #tpu.memory_space<vmem_shared>> -> memref<128xf32, #tpu.memory_space<vmem_shared>>
      tpu.enqueue_dma source(%dma_start3A_163 : memref<128xf32, #tpu.memory_space<vmem_shared>>) target(%arg6 : memref<128xf32, #tpu.memory_space<vmem>>) target_semaphore(%run_scoped3A : memref<!tpu.dma_semaphore, #tpu.memory_space<semaphore_mem>>)
      %dma_wait3A = tpu.memref_slice %arg7[%mul3A_162] : memref<10240xf32, #tpu.memory_space<vmem_shared>> -> memref<128xf32, #tpu.memory_space<vmem_shared>>
      %dma_wait3A_164 = tpu.memref_slice %arg7[%mul3A_162] : memref<10240xf32, #tpu.memory_space<vmem_shared>> -> memref<128xf32, #tpu.memory_space<vmem_shared>>
      tpu.wait_dma2 semaphore(%run_scoped3A : memref<!tpu.dma_semaphore, #tpu.memory_space<semaphore_mem>>) src(%dma_wait3A_164 : memref<128xf32, #tpu.memory_space<vmem_shared>>) dst(%arg6 : memref<128xf32, #tpu.memory_space<vmem>>)
      tpu.yield
    }) : () -> ()
    "tpu.region"() ({
      %run_scoped3A = tpu.sem_alloc : memref<!tpu.dma_semaphore, #tpu.memory_space<semaphore_mem>>
      %dma_start3A = arith.constant 0 : i32
      %dma_start3A_163 = tpu.memref_slice %arg3[%arg0, %add3A_160, %dma_start3A] : memref<2x80x128xf32, #tpu.memory_space<hbm>> -> memref<1x1x128xf32, #tpu.memory_space<hbm>>
      %dma_start3A_164 = tpu.memref_squeeze %dma_start3A_163 : memref<1x1x128xf32, #tpu.memory_space<hbm>> -> memref<128xf32, #tpu.memory_space<hbm>>
      %dma_start3A_165 = arith.constant 0 : i32
      %dma_start3A_166 = tpu.memref_slice %arg3[%arg0, %add3A_160, %dma_start3A_165] : memref<2x80x128xf32, #tpu.memory_space<hbm>> -> memref<1x1x128xf32, #tpu.memory_space<hbm>>
      %dma_start3A_167 = tpu.memref_squeeze %dma_start3A_166 : memref<1x1x128xf32, #tpu.memory_space<hbm>> -> memref<128xf32, #tpu.memory_space<hbm>>
      tpu.enqueue_dma source(%arg6 : memref<128xf32, #tpu.memory_space<vmem>>) target(%dma_start3A_167 : memref<128xf32, #tpu.memory_space<hbm>>) target_semaphore(%run_scoped3A : memref<!tpu.dma_semaphore, #tpu.memory_space<semaphore_mem>>)
      %dma_wait3A = arith.constant 0 : i32
      %dma_wait3A_168 = tpu.memref_slice %arg3[%arg0, %add3A_160, %dma_wait3A] : memref<2x80x128xf32, #tpu.memory_space<hbm>> -> memref<1x1x128xf32, #tpu.memory_space<hbm>>
      %dma_wait3A_169 = tpu.memref_squeeze %dma_wait3A_168 : memref<1x1x128xf32, #tpu.memory_space<hbm>> -> memref<128xf32, #tpu.memory_space<hbm>>
      %dma_wait3A_170 = arith.constant 0 : i32
      %dma_wait3A_171 = tpu.memref_slice %arg3[%arg0, %add3A_160, %dma_wait3A_170] : memref<2x80x128xf32, #tpu.memory_space<hbm>> -> memref<1x1x128xf32, #tpu.memory_space<hbm>>
      %dma_wait3A_172 = tpu.memref_squeeze %dma_wait3A_171 : memref<1x1x128xf32, #tpu.memory_space<hbm>> -> memref<128xf32, #tpu.memory_space<hbm>>
      tpu.wait_dma2 semaphore(%run_scoped3A : memref<!tpu.dma_semaphore, #tpu.memory_space<semaphore_mem>>) src(%arg6 : memref<128xf32, #tpu.memory_space<vmem>>) dst(%dma_wait3A_172 : memref<128xf32, #tpu.memory_space<hbm>>)
      tpu.yield
    }) : () -> ()
    return
  }
}

#map = affine_map<(d0, d1) -> (0, 0)>
#map1 = affine_map<(d0, d1) -> (0, 0, 0)>
module attributes {stable_mosaic.version = 14 : i64} {
  func.func @scat_kernel(%arg0: i32, %arg1: i32, %arg2: memref<10000x128xf32, #tpu.memory_space<hbm>>, %arg3: memref<2560x128xi32, #tpu.memory_space<hbm>>, %arg4: memref<2560x128xi32, #tpu.memory_space<hbm>>, %arg5: memref<2x10000x128xf32, #tpu.memory_space<hbm>>, %arg6: memref<40x128xi32, #tpu.memory_space<vmem>>, %arg7: memref<40x128xi32, #tpu.memory_space<vmem>>, %arg8: memref<128x128xf32, #tpu.memory_space<vmem>>, %arg9: memref<128x128xf32, #tpu.memory_space<vmem>>, %arg10: memref<10080x128xf32, #tpu.memory_space<vmem_shared>>, %arg11: memref<!tpu.dma_semaphore, #tpu.memory_space<semaphore_mem>>, %arg12: memref<!tpu.dma_semaphore, #tpu.memory_space<semaphore_mem>>) attributes {dimension_semantics = [#tpu.dimension_semantics<core_parallel>, #tpu.dimension_semantics<subcore_parallel>], iteration_bounds = array<i64: 2, 16>, scalar_prefetch = 0 : i64, scratch_operands = 7 : i64, tpu.core_type = #tpu.core_type<sc_vector_subcore>, window_params = [{transform_indices = #map}, {transform_indices = #map}, {transform_indices = #map}, {transform_indices = #map1}]} {
    %mul3A = arith.constant 16 : i32
    %mul3A_0 = arith.muli %arg0, %mul3A : i32
    %add3A = arith.addi %mul3A_0, %arg1 : i32
    %scan3A = arith.constant 0 : i32
    %scan3A_1 = arith.constant 0 : i32
    %scan3A_2 = arith.constant 128 : i32
    %scan3A_3 = arith.addi %scan3A_1, %scan3A_2 : i32
    %scan3A_4 = arith.constant 1 : i32
    scf.for %scan3A_230 = %scan3A_1 to %scan3A_3 step %scan3A_4  : i32 {
      %broadcast_in_dim3A = arith.constant 0.000000e+00 : f32
      %broadcast_in_dim3A_231 = vector.broadcast %broadcast_in_dim3A : f32 to vector<16xf32>
      %swap3A = arith.index_cast %scan3A_230 : i32 to index
      %swap3A_232 = arith.constant 0 : index
      %swap3A_233 = tpu.vector_load %arg8[%swap3A, %swap3A_232] {strides = array<i32>} : memref<128x128xf32, #tpu.memory_space<vmem>>, vector<1x16xf32>,
      %swap3A_234 = vector.shape_cast %swap3A_233 : vector<1x16xf32> to vector<16xf32>
      %swap3A_235 = vector.shape_cast %broadcast_in_dim3A_231 : vector<16xf32> to vector<1x16xf32>
      tpu.vector_store %arg8[%swap3A, %swap3A_232], %swap3A_235 {strides = array<i32>} : memref<128x128xf32, #tpu.memory_space<vmem>>, vector<1x16xf32>,
      %broadcast_in_dim3A_236 = arith.constant 0.000000e+00 : f32
      %broadcast_in_dim3A_237 = vector.broadcast %broadcast_in_dim3A_236 : f32 to vector<16xf32>
      %swap3A_238 = arith.index_cast %scan3A_230 : i32 to index
      %swap3A_239 = arith.constant 16 : index
      %swap3A_240 = tpu.vector_load %arg8[%swap3A_238, %swap3A_239] {strides = array<i32>} : memref<128x128xf32, #tpu.memory_space<vmem>>, vector<1x16xf32>,
      %swap3A_241 = vector.shape_cast %swap3A_240 : vector<1x16xf32> to vector<16xf32>
      %swap3A_242 = vector.shape_cast %broadcast_in_dim3A_237 : vector<16xf32> to vector<1x16xf32>
      tpu.vector_store %arg8[%swap3A_238, %swap3A_239], %swap3A_242 {strides = array<i32>} : memref<128x128xf32, #tpu.memory_space<vmem>>, vector<1x16xf32>,
      %broadcast_in_dim3A_243 = arith.constant 0.000000e+00 : f32
      %broadcast_in_dim3A_244 = vector.broadcast %broadcast_in_dim3A_243 : f32 to vector<16xf32>
      %swap3A_245 = arith.index_cast %scan3A_230 : i32 to index
      %swap3A_246 = arith.constant 32 : index
      %swap3A_247 = tpu.vector_load %arg8[%swap3A_245, %swap3A_246] {strides = array<i32>} : memref<128x128xf32, #tpu.memory_space<vmem>>, vector<1x16xf32>,
      %swap3A_248 = vector.shape_cast %swap3A_247 : vector<1x16xf32> to vector<16xf32>
      %swap3A_249 = vector.shape_cast %broadcast_in_dim3A_244 : vector<16xf32> to vector<1x16xf32>
      tpu.vector_store %arg8[%swap3A_245, %swap3A_246], %swap3A_249 {strides = array<i32>} : memref<128x128xf32, #tpu.memory_space<vmem>>, vector<1x16xf32>,
      %broadcast_in_dim3A_250 = arith.constant 0.000000e+00 : f32
      %broadcast_in_dim3A_251 = vector.broadcast %broadcast_in_dim3A_250 : f32 to vector<16xf32>
      %swap3A_252 = arith.index_cast %scan3A_230 : i32 to index
      %swap3A_253 = arith.constant 48 : index
      %swap3A_254 = tpu.vector_load %arg8[%swap3A_252, %swap3A_253] {strides = array<i32>} : memref<128x128xf32, #tpu.memory_space<vmem>>, vector<1x16xf32>,
      %swap3A_255 = vector.shape_cast %swap3A_254 : vector<1x16xf32> to vector<16xf32>
      %swap3A_256 = vector.shape_cast %broadcast_in_dim3A_251 : vector<16xf32> to vector<1x16xf32>
      tpu.vector_store %arg8[%swap3A_252, %swap3A_253], %swap3A_256 {strides = array<i32>} : memref<128x128xf32, #tpu.memory_space<vmem>>, vector<1x16xf32>,
      %broadcast_in_dim3A_257 = arith.constant 0.000000e+00 : f32
      %broadcast_in_dim3A_258 = vector.broadcast %broadcast_in_dim3A_257 : f32 to vector<16xf32>
      %swap3A_259 = arith.index_cast %scan3A_230 : i32 to index
      %swap3A_260 = arith.constant 64 : index
      %swap3A_261 = tpu.vector_load %arg8[%swap3A_259, %swap3A_260] {strides = array<i32>} : memref<128x128xf32, #tpu.memory_space<vmem>>, vector<1x16xf32>,
      %swap3A_262 = vector.shape_cast %swap3A_261 : vector<1x16xf32> to vector<16xf32>
      %swap3A_263 = vector.shape_cast %broadcast_in_dim3A_258 : vector<16xf32> to vector<1x16xf32>
      tpu.vector_store %arg8[%swap3A_259, %swap3A_260], %swap3A_263 {strides = array<i32>} : memref<128x128xf32, #tpu.memory_space<vmem>>, vector<1x16xf32>,
      %broadcast_in_dim3A_264 = arith.constant 0.000000e+00 : f32
      %broadcast_in_dim3A_265 = vector.broadcast %broadcast_in_dim3A_264 : f32 to vector<16xf32>
      %swap3A_266 = arith.index_cast %scan3A_230 : i32 to index
      %swap3A_267 = arith.constant 80 : index
      %swap3A_268 = tpu.vector_load %arg8[%swap3A_266, %swap3A_267] {strides = array<i32>} : memref<128x128xf32, #tpu.memory_space<vmem>>, vector<1x16xf32>,
      %swap3A_269 = vector.shape_cast %swap3A_268 : vector<1x16xf32> to vector<16xf32>
      %swap3A_270 = vector.shape_cast %broadcast_in_dim3A_265 : vector<16xf32> to vector<1x16xf32>
      tpu.vector_store %arg8[%swap3A_266, %swap3A_267], %swap3A_270 {strides = array<i32>} : memref<128x128xf32, #tpu.memory_space<vmem>>, vector<1x16xf32>,
      %broadcast_in_dim3A_271 = arith.constant 0.000000e+00 : f32
      %broadcast_in_dim3A_272 = vector.broadcast %broadcast_in_dim3A_271 : f32 to vector<16xf32>
      %swap3A_273 = arith.index_cast %scan3A_230 : i32 to index
      %swap3A_274 = arith.constant 96 : index
      %swap3A_275 = tpu.vector_load %arg8[%swap3A_273, %swap3A_274] {strides = array<i32>} : memref<128x128xf32, #tpu.memory_space<vmem>>, vector<1x16xf32>,
      %swap3A_276 = vector.shape_cast %swap3A_275 : vector<1x16xf32> to vector<16xf32>
      %swap3A_277 = vector.shape_cast %broadcast_in_dim3A_272 : vector<16xf32> to vector<1x16xf32>
      tpu.vector_store %arg8[%swap3A_273, %swap3A_274], %swap3A_277 {strides = array<i32>} : memref<128x128xf32, #tpu.memory_space<vmem>>, vector<1x16xf32>,
      %broadcast_in_dim3A_278 = arith.constant 0.000000e+00 : f32
      %broadcast_in_dim3A_279 = vector.broadcast %broadcast_in_dim3A_278 : f32 to vector<16xf32>
      %swap3A_280 = arith.index_cast %scan3A_230 : i32 to index
      %swap3A_281 = arith.constant 112 : index
      %swap3A_282 = tpu.vector_load %arg8[%swap3A_280, %swap3A_281] {strides = array<i32>} : memref<128x128xf32, #tpu.memory_space<vmem>>, vector<1x16xf32>,
      %swap3A_283 = vector.shape_cast %swap3A_282 : vector<1x16xf32> to vector<16xf32>
      %swap3A_284 = vector.shape_cast %broadcast_in_dim3A_279 : vector<16xf32> to vector<1x16xf32>
      tpu.vector_store %arg8[%swap3A_280, %swap3A_281], %swap3A_284 {strides = array<i32>} : memref<128x128xf32, #tpu.memory_space<vmem>>, vector<1x16xf32>,
    }
    %scan3A_5 = arith.constant 128 : i32
    %mul3A_6 = arith.constant 640 : i32
    %mul3A_7 = arith.muli %arg1, %mul3A_6 : i32
    %add3A_8 = arith.constant 0 : i32
    %add3A_9 = arith.addi %mul3A_7, %add3A_8 : i32
    %lt3A = arith.constant 10080 : i32
    %lt3A_10 = arith.cmpi slt, %add3A_9, %lt3A : i32
    %convert_element_type3A = arith.extui %lt3A_10 : i1 to i32
    %cond3A = arith.constant 0 : i32
    %cond3A_11 = arith.cmpi ne, %convert_element_type3A, %cond3A : i32
    scf.if %cond3A_11 {
      "tpu.region"() ({
        %run_scoped3A = tpu.sem_alloc : memref<!tpu.dma_semaphore, #tpu.memory_space<semaphore_mem>>
        %dma_start3A_230 = arith.constant 0 : i32
        %dma_start3A_231 = arith.constant 0 : i32
        %dma_start3A_232 = tpu.memref_slice %arg8[%dma_start3A_230, %dma_start3A_231] : memref<128x128xf32, #tpu.memory_space<vmem>> -> memref<80x128xf32, #tpu.memory_space<vmem>>
        %dma_start3A_233 = arith.constant 0 : i32
        %dma_start3A_234 = tpu.memref_slice %arg10[%add3A_9, %dma_start3A_233] : memref<10080x128xf32, #tpu.memory_space<vmem_shared>> -> memref<80x128xf32, #tpu.memory_space<vmem_shared>>
        %dma_start3A_235 = arith.constant 0 : i32
        %dma_start3A_236 = tpu.memref_slice %arg10[%add3A_9, %dma_start3A_235] : memref<10080x128xf32, #tpu.memory_space<vmem_shared>> -> memref<80x128xf32, #tpu.memory_space<vmem_shared>>
        %dma_start3A_237 = arith.constant 0 : i32
        %dma_start3A_238 = arith.constant 0 : i32
        %dma_start3A_239 = tpu.memref_slice %arg8[%dma_start3A_237, %dma_start3A_238] : memref<128x128xf32, #tpu.memory_space<vmem>> -> memref<80x128xf32, #tpu.memory_space<vmem>>
        tpu.enqueue_dma source(%dma_start3A_239 : memref<80x128xf32, #tpu.memory_space<vmem>>) target(%dma_start3A_236 : memref<80x128xf32, #tpu.memory_space<vmem_shared>>) target_semaphore(%run_scoped3A : memref<!tpu.dma_semaphore, #tpu.memory_space<semaphore_mem>>)
        %dma_wait3A_240 = arith.constant 0 : i32
        %dma_wait3A_241 = arith.constant 0 : i32
        %dma_wait3A_242 = tpu.memref_slice %arg8[%dma_wait3A_240, %dma_wait3A_241] : memref<128x128xf32, #tpu.memory_space<vmem>> -> memref<80x128xf32, #tpu.memory_space<vmem>>
        %dma_wait3A_243 = arith.constant 0 : i32
        %dma_wait3A_244 = tpu.memref_slice %arg10[%add3A_9, %dma_wait3A_243] : memref<10080x128xf32, #tpu.memory_space<vmem_shared>> -> memref<80x128xf32, #tpu.memory_space<vmem_shared>>
        %dma_wait3A_245 = arith.constant 0 : i32
        %dma_wait3A_246 = tpu.memref_slice %arg10[%add3A_9, %dma_wait3A_245] : memref<10080x128xf32, #tpu.memory_space<vmem_shared>> -> memref<80x128xf32, #tpu.memory_space<vmem_shared>>
        %dma_wait3A_247 = arith.constant 0 : i32
        %dma_wait3A_248 = arith.constant 0 : i32
        %dma_wait3A_249 = tpu.memref_slice %arg8[%dma_wait3A_247, %dma_wait3A_248] : memref<128x128xf32, #tpu.memory_space<vmem>> -> memref<80x128xf32, #tpu.memory_space<vmem>>
        tpu.wait_dma2 semaphore(%run_scoped3A : memref<!tpu.dma_semaphore, #tpu.memory_space<semaphore_mem>>) src(%dma_wait3A_249 : memref<80x128xf32, #tpu.memory_space<vmem>>) dst(%dma_wait3A_246 : memref<80x128xf32, #tpu.memory_space<vmem_shared>>)
        tpu.yield
      }) : () -> ()
    } else {
    }
    %mul3A_12 = arith.constant 640 : i32
    %mul3A_13 = arith.muli %arg1, %mul3A_12 : i32
    %add3A_14 = arith.constant 80 : i32
    %add3A_15 = arith.addi %mul3A_13, %add3A_14 : i32
    %lt3A_16 = arith.constant 10080 : i32
    %lt3A_17 = arith.cmpi slt, %add3A_15, %lt3A_16 : i32
    %convert_element_type3A_18 = arith.extui %lt3A_17 : i1 to i32
    %cond3A_19 = arith.constant 0 : i32
    %cond3A_20 = arith.cmpi ne, %convert_element_type3A_18, %cond3A_19 : i32
    scf.if %cond3A_20 {
      "tpu.region"() ({
        %run_scoped3A = tpu.sem_alloc : memref<!tpu.dma_semaphore, #tpu.memory_space<semaphore_mem>>
        %dma_start3A_230 = arith.constant 0 : i32
        %dma_start3A_231 = arith.constant 0 : i32
        %dma_start3A_232 = tpu.memref_slice %arg8[%dma_start3A_230, %dma_start3A_231] : memref<128x128xf32, #tpu.memory_space<vmem>> -> memref<80x128xf32, #tpu.memory_space<vmem>>
        %dma_start3A_233 = arith.constant 0 : i32
        %dma_start3A_234 = tpu.memref_slice %arg10[%add3A_15, %dma_start3A_233] : memref<10080x128xf32, #tpu.memory_space<vmem_shared>> -> memref<80x128xf32, #tpu.memory_space<vmem_shared>>
        %dma_start3A_235 = arith.constant 0 : i32
        %dma_start3A_236 = tpu.memref_slice %arg10[%add3A_15, %dma_start3A_235] : memref<10080x128xf32, #tpu.memory_space<vmem_shared>> -> memref<80x128xf32, #tpu.memory_space<vmem_shared>>
        %dma_start3A_237 = arith.constant 0 : i32
        %dma_start3A_238 = arith.constant 0 : i32
        %dma_start3A_239 = tpu.memref_slice %arg8[%dma_start3A_237, %dma_start3A_238] : memref<128x128xf32, #tpu.memory_space<vmem>> -> memref<80x128xf32, #tpu.memory_space<vmem>>
        tpu.enqueue_dma source(%dma_start3A_239 : memref<80x128xf32, #tpu.memory_space<vmem>>) target(%dma_start3A_236 : memref<80x128xf32, #tpu.memory_space<vmem_shared>>) target_semaphore(%run_scoped3A : memref<!tpu.dma_semaphore, #tpu.memory_space<semaphore_mem>>)
        %dma_wait3A_240 = arith.constant 0 : i32
        %dma_wait3A_241 = arith.constant 0 : i32
        %dma_wait3A_242 = tpu.memref_slice %arg8[%dma_wait3A_240, %dma_wait3A_241] : memref<128x128xf32, #tpu.memory_space<vmem>> -> memref<80x128xf32, #tpu.memory_space<vmem>>
        %dma_wait3A_243 = arith.constant 0 : i32
        %dma_wait3A_244 = tpu.memref_slice %arg10[%add3A_15, %dma_wait3A_243] : memref<10080x128xf32, #tpu.memory_space<vmem_shared>> -> memref<80x128xf32, #tpu.memory_space<vmem_shared>>
        %dma_wait3A_245 = arith.constant 0 : i32
        %dma_wait3A_246 = tpu.memref_slice %arg10[%add3A_15, %dma_wait3A_245] : memref<10080x128xf32, #tpu.memory_space<vmem_shared>> -> memref<80x128xf32, #tpu.memory_space<vmem_shared>>
        %dma_wait3A_247 = arith.constant 0 : i32
        %dma_wait3A_248 = arith.constant 0 : i32
        %dma_wait3A_249 = tpu.memref_slice %arg8[%dma_wait3A_247, %dma_wait3A_248] : memref<128x128xf32, #tpu.memory_space<vmem>> -> memref<80x128xf32, #tpu.memory_space<vmem>>
        tpu.wait_dma2 semaphore(%run_scoped3A : memref<!tpu.dma_semaphore, #tpu.memory_space<semaphore_mem>>) src(%dma_wait3A_249 : memref<80x128xf32, #tpu.memory_space<vmem>>) dst(%dma_wait3A_246 : memref<80x128xf32, #tpu.memory_space<vmem_shared>>)
        tpu.yield
      }) : () -> ()
    } else {
    }
    %mul3A_21 = arith.constant 640 : i32
    %mul3A_22 = arith.muli %arg1, %mul3A_21 : i32
    %add3A_23 = arith.constant 160 : i32
    %add3A_24 = arith.addi %mul3A_22, %add3A_23 : i32
    %lt3A_25 = arith.constant 10080 : i32
    %lt3A_26 = arith.cmpi slt, %add3A_24, %lt3A_25 : i32
    %convert_element_type3A_27 = arith.extui %lt3A_26 : i1 to i32
    %cond3A_28 = arith.constant 0 : i32
    %cond3A_29 = arith.cmpi ne, %convert_element_type3A_27, %cond3A_28 : i32
    scf.if %cond3A_29 {
      "tpu.region"() ({
        %run_scoped3A = tpu.sem_alloc : memref<!tpu.dma_semaphore, #tpu.memory_space<semaphore_mem>>
        %dma_start3A_230 = arith.constant 0 : i32
        %dma_start3A_231 = arith.constant 0 : i32
        %dma_start3A_232 = tpu.memref_slice %arg8[%dma_start3A_230, %dma_start3A_231] : memref<128x128xf32, #tpu.memory_space<vmem>> -> memref<80x128xf32, #tpu.memory_space<vmem>>
        %dma_start3A_233 = arith.constant 0 : i32
        %dma_start3A_234 = tpu.memref_slice %arg10[%add3A_24, %dma_start3A_233] : memref<10080x128xf32, #tpu.memory_space<vmem_shared>> -> memref<80x128xf32, #tpu.memory_space<vmem_shared>>
        %dma_start3A_235 = arith.constant 0 : i32
        %dma_start3A_236 = tpu.memref_slice %arg10[%add3A_24, %dma_start3A_235] : memref<10080x128xf32, #tpu.memory_space<vmem_shared>> -> memref<80x128xf32, #tpu.memory_space<vmem_shared>>
        %dma_start3A_237 = arith.constant 0 : i32
        %dma_start3A_238 = arith.constant 0 : i32
        %dma_start3A_239 = tpu.memref_slice %arg8[%dma_start3A_237, %dma_start3A_238] : memref<128x128xf32, #tpu.memory_space<vmem>> -> memref<80x128xf32, #tpu.memory_space<vmem>>
        tpu.enqueue_dma source(%dma_start3A_239 : memref<80x128xf32, #tpu.memory_space<vmem>>) target(%dma_start3A_236 : memref<80x128xf32, #tpu.memory_space<vmem_shared>>) target_semaphore(%run_scoped3A : memref<!tpu.dma_semaphore, #tpu.memory_space<semaphore_mem>>)
        %dma_wait3A_240 = arith.constant 0 : i32
        %dma_wait3A_241 = arith.constant 0 : i32
        %dma_wait3A_242 = tpu.memref_slice %arg8[%dma_wait3A_240, %dma_wait3A_241] : memref<128x128xf32, #tpu.memory_space<vmem>> -> memref<80x128xf32, #tpu.memory_space<vmem>>
        %dma_wait3A_243 = arith.constant 0 : i32
        %dma_wait3A_244 = tpu.memref_slice %arg10[%add3A_24, %dma_wait3A_243] : memref<10080x128xf32, #tpu.memory_space<vmem_shared>> -> memref<80x128xf32, #tpu.memory_space<vmem_shared>>
        %dma_wait3A_245 = arith.constant 0 : i32
        %dma_wait3A_246 = tpu.memref_slice %arg10[%add3A_24, %dma_wait3A_245] : memref<10080x128xf32, #tpu.memory_space<vmem_shared>> -> memref<80x128xf32, #tpu.memory_space<vmem_shared>>
        %dma_wait3A_247 = arith.constant 0 : i32
        %dma_wait3A_248 = arith.constant 0 : i32
        %dma_wait3A_249 = tpu.memref_slice %arg8[%dma_wait3A_247, %dma_wait3A_248] : memref<128x128xf32, #tpu.memory_space<vmem>> -> memref<80x128xf32, #tpu.memory_space<vmem>>
        tpu.wait_dma2 semaphore(%run_scoped3A : memref<!tpu.dma_semaphore, #tpu.memory_space<semaphore_mem>>) src(%dma_wait3A_249 : memref<80x128xf32, #tpu.memory_space<vmem>>) dst(%dma_wait3A_246 : memref<80x128xf32, #tpu.memory_space<vmem_shared>>)
        tpu.yield
      }) : () -> ()
    } else {
    }
    %mul3A_30 = arith.constant 640 : i32
    %mul3A_31 = arith.muli %arg1, %mul3A_30 : i32
    %add3A_32 = arith.constant 240 : i32
    %add3A_33 = arith.addi %mul3A_31, %add3A_32 : i32
    %lt3A_34 = arith.constant 10080 : i32
    %lt3A_35 = arith.cmpi slt, %add3A_33, %lt3A_34 : i32
    %convert_element_type3A_36 = arith.extui %lt3A_35 : i1 to i32
    %cond3A_37 = arith.constant 0 : i32
    %cond3A_38 = arith.cmpi ne, %convert_element_type3A_36, %cond3A_37 : i32
    scf.if %cond3A_38 {
      "tpu.region"() ({
        %run_scoped3A = tpu.sem_alloc : memref<!tpu.dma_semaphore, #tpu.memory_space<semaphore_mem>>
        %dma_start3A_230 = arith.constant 0 : i32
        %dma_start3A_231 = arith.constant 0 : i32
        %dma_start3A_232 = tpu.memref_slice %arg8[%dma_start3A_230, %dma_start3A_231] : memref<128x128xf32, #tpu.memory_space<vmem>> -> memref<80x128xf32, #tpu.memory_space<vmem>>
        %dma_start3A_233 = arith.constant 0 : i32
        %dma_start3A_234 = tpu.memref_slice %arg10[%add3A_33, %dma_start3A_233] : memref<10080x128xf32, #tpu.memory_space<vmem_shared>> -> memref<80x128xf32, #tpu.memory_space<vmem_shared>>
        %dma_start3A_235 = arith.constant 0 : i32
        %dma_start3A_236 = tpu.memref_slice %arg10[%add3A_33, %dma_start3A_235] : memref<10080x128xf32, #tpu.memory_space<vmem_shared>> -> memref<80x128xf32, #tpu.memory_space<vmem_shared>>
        %dma_start3A_237 = arith.constant 0 : i32
        %dma_start3A_238 = arith.constant 0 : i32
        %dma_start3A_239 = tpu.memref_slice %arg8[%dma_start3A_237, %dma_start3A_238] : memref<128x128xf32, #tpu.memory_space<vmem>> -> memref<80x128xf32, #tpu.memory_space<vmem>>
        tpu.enqueue_dma source(%dma_start3A_239 : memref<80x128xf32, #tpu.memory_space<vmem>>) target(%dma_start3A_236 : memref<80x128xf32, #tpu.memory_space<vmem_shared>>) target_semaphore(%run_scoped3A : memref<!tpu.dma_semaphore, #tpu.memory_space<semaphore_mem>>)
        %dma_wait3A_240 = arith.constant 0 : i32
        %dma_wait3A_241 = arith.constant 0 : i32
        %dma_wait3A_242 = tpu.memref_slice %arg8[%dma_wait3A_240, %dma_wait3A_241] : memref<128x128xf32, #tpu.memory_space<vmem>> -> memref<80x128xf32, #tpu.memory_space<vmem>>
        %dma_wait3A_243 = arith.constant 0 : i32
        %dma_wait3A_244 = tpu.memref_slice %arg10[%add3A_33, %dma_wait3A_243] : memref<10080x128xf32, #tpu.memory_space<vmem_shared>> -> memref<80x128xf32, #tpu.memory_space<vmem_shared>>
        %dma_wait3A_245 = arith.constant 0 : i32
        %dma_wait3A_246 = tpu.memref_slice %arg10[%add3A_33, %dma_wait3A_245] : memref<10080x128xf32, #tpu.memory_space<vmem_shared>> -> memref<80x128xf32, #tpu.memory_space<vmem_shared>>
        %dma_wait3A_247 = arith.constant 0 : i32
        %dma_wait3A_248 = arith.constant 0 : i32
        %dma_wait3A_249 = tpu.memref_slice %arg8[%dma_wait3A_247, %dma_wait3A_248] : memref<128x128xf32, #tpu.memory_space<vmem>> -> memref<80x128xf32, #tpu.memory_space<vmem>>
        tpu.wait_dma2 semaphore(%run_scoped3A : memref<!tpu.dma_semaphore, #tpu.memory_space<semaphore_mem>>) src(%dma_wait3A_249 : memref<80x128xf32, #tpu.memory_space<vmem>>) dst(%dma_wait3A_246 : memref<80x128xf32, #tpu.memory_space<vmem_shared>>)
        tpu.yield
      }) : () -> ()
    } else {
    }
    %mul3A_39 = arith.constant 640 : i32
    %mul3A_40 = arith.muli %arg1, %mul3A_39 : i32
    %add3A_41 = arith.constant 320 : i32
    %add3A_42 = arith.addi %mul3A_40, %add3A_41 : i32
    %lt3A_43 = arith.constant 10080 : i32
    %lt3A_44 = arith.cmpi slt, %add3A_42, %lt3A_43 : i32
    %convert_element_type3A_45 = arith.extui %lt3A_44 : i1 to i32
    %cond3A_46 = arith.constant 0 : i32
    %cond3A_47 = arith.cmpi ne, %convert_element_type3A_45, %cond3A_46 : i32
    scf.if %cond3A_47 {
      "tpu.region"() ({
        %run_scoped3A = tpu.sem_alloc : memref<!tpu.dma_semaphore, #tpu.memory_space<semaphore_mem>>
        %dma_start3A_230 = arith.constant 0 : i32
        %dma_start3A_231 = arith.constant 0 : i32
        %dma_start3A_232 = tpu.memref_slice %arg8[%dma_start3A_230, %dma_start3A_231] : memref<128x128xf32, #tpu.memory_space<vmem>> -> memref<80x128xf32, #tpu.memory_space<vmem>>
        %dma_start3A_233 = arith.constant 0 : i32
        %dma_start3A_234 = tpu.memref_slice %arg10[%add3A_42, %dma_start3A_233] : memref<10080x128xf32, #tpu.memory_space<vmem_shared>> -> memref<80x128xf32, #tpu.memory_space<vmem_shared>>
        %dma_start3A_235 = arith.constant 0 : i32
        %dma_start3A_236 = tpu.memref_slice %arg10[%add3A_42, %dma_start3A_235] : memref<10080x128xf32, #tpu.memory_space<vmem_shared>> -> memref<80x128xf32, #tpu.memory_space<vmem_shared>>
        %dma_start3A_237 = arith.constant 0 : i32
        %dma_start3A_238 = arith.constant 0 : i32
        %dma_start3A_239 = tpu.memref_slice %arg8[%dma_start3A_237, %dma_start3A_238] : memref<128x128xf32, #tpu.memory_space<vmem>> -> memref<80x128xf32, #tpu.memory_space<vmem>>
        tpu.enqueue_dma source(%dma_start3A_239 : memref<80x128xf32, #tpu.memory_space<vmem>>) target(%dma_start3A_236 : memref<80x128xf32, #tpu.memory_space<vmem_shared>>) target_semaphore(%run_scoped3A : memref<!tpu.dma_semaphore, #tpu.memory_space<semaphore_mem>>)
        %dma_wait3A_240 = arith.constant 0 : i32
        %dma_wait3A_241 = arith.constant 0 : i32
        %dma_wait3A_242 = tpu.memref_slice %arg8[%dma_wait3A_240, %dma_wait3A_241] : memref<128x128xf32, #tpu.memory_space<vmem>> -> memref<80x128xf32, #tpu.memory_space<vmem>>
        %dma_wait3A_243 = arith.constant 0 : i32
        %dma_wait3A_244 = tpu.memref_slice %arg10[%add3A_42, %dma_wait3A_243] : memref<10080x128xf32, #tpu.memory_space<vmem_shared>> -> memref<80x128xf32, #tpu.memory_space<vmem_shared>>
        %dma_wait3A_245 = arith.constant 0 : i32
        %dma_wait3A_246 = tpu.memref_slice %arg10[%add3A_42, %dma_wait3A_245] : memref<10080x128xf32, #tpu.memory_space<vmem_shared>> -> memref<80x128xf32, #tpu.memory_space<vmem_shared>>
        %dma_wait3A_247 = arith.constant 0 : i32
        %dma_wait3A_248 = arith.constant 0 : i32
        %dma_wait3A_249 = tpu.memref_slice %arg8[%dma_wait3A_247, %dma_wait3A_248] : memref<128x128xf32, #tpu.memory_space<vmem>> -> memref<80x128xf32, #tpu.memory_space<vmem>>
        tpu.wait_dma2 semaphore(%run_scoped3A : memref<!tpu.dma_semaphore, #tpu.memory_space<semaphore_mem>>) src(%dma_wait3A_249 : memref<80x128xf32, #tpu.memory_space<vmem>>) dst(%dma_wait3A_246 : memref<80x128xf32, #tpu.memory_space<vmem_shared>>)
        tpu.yield
      }) : () -> ()
    } else {
    }
    %mul3A_48 = arith.constant 640 : i32
    %mul3A_49 = arith.muli %arg1, %mul3A_48 : i32
    %add3A_50 = arith.constant 400 : i32
    %add3A_51 = arith.addi %mul3A_49, %add3A_50 : i32
    %lt3A_52 = arith.constant 10080 : i32
    %lt3A_53 = arith.cmpi slt, %add3A_51, %lt3A_52 : i32
    %convert_element_type3A_54 = arith.extui %lt3A_53 : i1 to i32
    %cond3A_55 = arith.constant 0 : i32
    %cond3A_56 = arith.cmpi ne, %convert_element_type3A_54, %cond3A_55 : i32
    scf.if %cond3A_56 {
      "tpu.region"() ({
        %run_scoped3A = tpu.sem_alloc : memref<!tpu.dma_semaphore, #tpu.memory_space<semaphore_mem>>
        %dma_start3A_230 = arith.constant 0 : i32
        %dma_start3A_231 = arith.constant 0 : i32
        %dma_start3A_232 = tpu.memref_slice %arg8[%dma_start3A_230, %dma_start3A_231] : memref<128x128xf32, #tpu.memory_space<vmem>> -> memref<80x128xf32, #tpu.memory_space<vmem>>
        %dma_start3A_233 = arith.constant 0 : i32
        %dma_start3A_234 = tpu.memref_slice %arg10[%add3A_51, %dma_start3A_233] : memref<10080x128xf32, #tpu.memory_space<vmem_shared>> -> memref<80x128xf32, #tpu.memory_space<vmem_shared>>
        %dma_start3A_235 = arith.constant 0 : i32
        %dma_start3A_236 = tpu.memref_slice %arg10[%add3A_51, %dma_start3A_235] : memref<10080x128xf32, #tpu.memory_space<vmem_shared>> -> memref<80x128xf32, #tpu.memory_space<vmem_shared>>
        %dma_start3A_237 = arith.constant 0 : i32
        %dma_start3A_238 = arith.constant 0 : i32
        %dma_start3A_239 = tpu.memref_slice %arg8[%dma_start3A_237, %dma_start3A_238] : memref<128x128xf32, #tpu.memory_space<vmem>> -> memref<80x128xf32, #tpu.memory_space<vmem>>
        tpu.enqueue_dma source(%dma_start3A_239 : memref<80x128xf32, #tpu.memory_space<vmem>>) target(%dma_start3A_236 : memref<80x128xf32, #tpu.memory_space<vmem_shared>>) target_semaphore(%run_scoped3A : memref<!tpu.dma_semaphore, #tpu.memory_space<semaphore_mem>>)
        %dma_wait3A_240 = arith.constant 0 : i32
        %dma_wait3A_241 = arith.constant 0 : i32
        %dma_wait3A_242 = tpu.memref_slice %arg8[%dma_wait3A_240, %dma_wait3A_241] : memref<128x128xf32, #tpu.memory_space<vmem>> -> memref<80x128xf32, #tpu.memory_space<vmem>>
        %dma_wait3A_243 = arith.constant 0 : i32
        %dma_wait3A_244 = tpu.memref_slice %arg10[%add3A_51, %dma_wait3A_243] : memref<10080x128xf32, #tpu.memory_space<vmem_shared>> -> memref<80x128xf32, #tpu.memory_space<vmem_shared>>
        %dma_wait3A_245 = arith.constant 0 : i32
        %dma_wait3A_246 = tpu.memref_slice %arg10[%add3A_51, %dma_wait3A_245] : memref<10080x128xf32, #tpu.memory_space<vmem_shared>> -> memref<80x128xf32, #tpu.memory_space<vmem_shared>>
        %dma_wait3A_247 = arith.constant 0 : i32
        %dma_wait3A_248 = arith.constant 0 : i32
        %dma_wait3A_249 = tpu.memref_slice %arg8[%dma_wait3A_247, %dma_wait3A_248] : memref<128x128xf32, #tpu.memory_space<vmem>> -> memref<80x128xf32, #tpu.memory_space<vmem>>
        tpu.wait_dma2 semaphore(%run_scoped3A : memref<!tpu.dma_semaphore, #tpu.memory_space<semaphore_mem>>) src(%dma_wait3A_249 : memref<80x128xf32, #tpu.memory_space<vmem>>) dst(%dma_wait3A_246 : memref<80x128xf32, #tpu.memory_space<vmem_shared>>)
        tpu.yield
      }) : () -> ()
    } else {
    }
    %mul3A_57 = arith.constant 640 : i32
    %mul3A_58 = arith.muli %arg1, %mul3A_57 : i32
    %add3A_59 = arith.constant 480 : i32
    %add3A_60 = arith.addi %mul3A_58, %add3A_59 : i32
    %lt3A_61 = arith.constant 10080 : i32
    %lt3A_62 = arith.cmpi slt, %add3A_60, %lt3A_61 : i32
    %convert_element_type3A_63 = arith.extui %lt3A_62 : i1 to i32
    %cond3A_64 = arith.constant 0 : i32
    %cond3A_65 = arith.cmpi ne, %convert_element_type3A_63, %cond3A_64 : i32
    scf.if %cond3A_65 {
      "tpu.region"() ({
        %run_scoped3A = tpu.sem_alloc : memref<!tpu.dma_semaphore, #tpu.memory_space<semaphore_mem>>
        %dma_start3A_230 = arith.constant 0 : i32
        %dma_start3A_231 = arith.constant 0 : i32
        %dma_start3A_232 = tpu.memref_slice %arg8[%dma_start3A_230, %dma_start3A_231] : memref<128x128xf32, #tpu.memory_space<vmem>> -> memref<80x128xf32, #tpu.memory_space<vmem>>
        %dma_start3A_233 = arith.constant 0 : i32
        %dma_start3A_234 = tpu.memref_slice %arg10[%add3A_60, %dma_start3A_233] : memref<10080x128xf32, #tpu.memory_space<vmem_shared>> -> memref<80x128xf32, #tpu.memory_space<vmem_shared>>
        %dma_start3A_235 = arith.constant 0 : i32
        %dma_start3A_236 = tpu.memref_slice %arg10[%add3A_60, %dma_start3A_235] : memref<10080x128xf32, #tpu.memory_space<vmem_shared>> -> memref<80x128xf32, #tpu.memory_space<vmem_shared>>
        %dma_start3A_237 = arith.constant 0 : i32
        %dma_start3A_238 = arith.constant 0 : i32
        %dma_start3A_239 = tpu.memref_slice %arg8[%dma_start3A_237, %dma_start3A_238] : memref<128x128xf32, #tpu.memory_space<vmem>> -> memref<80x128xf32, #tpu.memory_space<vmem>>
        tpu.enqueue_dma source(%dma_start3A_239 : memref<80x128xf32, #tpu.memory_space<vmem>>) target(%dma_start3A_236 : memref<80x128xf32, #tpu.memory_space<vmem_shared>>) target_semaphore(%run_scoped3A : memref<!tpu.dma_semaphore, #tpu.memory_space<semaphore_mem>>)
        %dma_wait3A_240 = arith.constant 0 : i32
        %dma_wait3A_241 = arith.constant 0 : i32
        %dma_wait3A_242 = tpu.memref_slice %arg8[%dma_wait3A_240, %dma_wait3A_241] : memref<128x128xf32, #tpu.memory_space<vmem>> -> memref<80x128xf32, #tpu.memory_space<vmem>>
        %dma_wait3A_243 = arith.constant 0 : i32
        %dma_wait3A_244 = tpu.memref_slice %arg10[%add3A_60, %dma_wait3A_243] : memref<10080x128xf32, #tpu.memory_space<vmem_shared>> -> memref<80x128xf32, #tpu.memory_space<vmem_shared>>
        %dma_wait3A_245 = arith.constant 0 : i32
        %dma_wait3A_246 = tpu.memref_slice %arg10[%add3A_60, %dma_wait3A_245] : memref<10080x128xf32, #tpu.memory_space<vmem_shared>> -> memref<80x128xf32, #tpu.memory_space<vmem_shared>>
        %dma_wait3A_247 = arith.constant 0 : i32
        %dma_wait3A_248 = arith.constant 0 : i32
        %dma_wait3A_249 = tpu.memref_slice %arg8[%dma_wait3A_247, %dma_wait3A_248] : memref<128x128xf32, #tpu.memory_space<vmem>> -> memref<80x128xf32, #tpu.memory_space<vmem>>
        tpu.wait_dma2 semaphore(%run_scoped3A : memref<!tpu.dma_semaphore, #tpu.memory_space<semaphore_mem>>) src(%dma_wait3A_249 : memref<80x128xf32, #tpu.memory_space<vmem>>) dst(%dma_wait3A_246 : memref<80x128xf32, #tpu.memory_space<vmem_shared>>)
        tpu.yield
      }) : () -> ()
    } else {
    }
    %mul3A_66 = arith.constant 640 : i32
    %mul3A_67 = arith.muli %arg1, %mul3A_66 : i32
    %add3A_68 = arith.constant 560 : i32
    %add3A_69 = arith.addi %mul3A_67, %add3A_68 : i32
    %lt3A_70 = arith.constant 10080 : i32
    %lt3A_71 = arith.cmpi slt, %add3A_69, %lt3A_70 : i32
    %convert_element_type3A_72 = arith.extui %lt3A_71 : i1 to i32
    %cond3A_73 = arith.constant 0 : i32
    %cond3A_74 = arith.cmpi ne, %convert_element_type3A_72, %cond3A_73 : i32
    scf.if %cond3A_74 {
      "tpu.region"() ({
        %run_scoped3A = tpu.sem_alloc : memref<!tpu.dma_semaphore, #tpu.memory_space<semaphore_mem>>
        %dma_start3A_230 = arith.constant 0 : i32
        %dma_start3A_231 = arith.constant 0 : i32
        %dma_start3A_232 = tpu.memref_slice %arg8[%dma_start3A_230, %dma_start3A_231] : memref<128x128xf32, #tpu.memory_space<vmem>> -> memref<80x128xf32, #tpu.memory_space<vmem>>
        %dma_start3A_233 = arith.constant 0 : i32
        %dma_start3A_234 = tpu.memref_slice %arg10[%add3A_69, %dma_start3A_233] : memref<10080x128xf32, #tpu.memory_space<vmem_shared>> -> memref<80x128xf32, #tpu.memory_space<vmem_shared>>
        %dma_start3A_235 = arith.constant 0 : i32
        %dma_start3A_236 = tpu.memref_slice %arg10[%add3A_69, %dma_start3A_235] : memref<10080x128xf32, #tpu.memory_space<vmem_shared>> -> memref<80x128xf32, #tpu.memory_space<vmem_shared>>
        %dma_start3A_237 = arith.constant 0 : i32
        %dma_start3A_238 = arith.constant 0 : i32
        %dma_start3A_239 = tpu.memref_slice %arg8[%dma_start3A_237, %dma_start3A_238] : memref<128x128xf32, #tpu.memory_space<vmem>> -> memref<80x128xf32, #tpu.memory_space<vmem>>
        tpu.enqueue_dma source(%dma_start3A_239 : memref<80x128xf32, #tpu.memory_space<vmem>>) target(%dma_start3A_236 : memref<80x128xf32, #tpu.memory_space<vmem_shared>>) target_semaphore(%run_scoped3A : memref<!tpu.dma_semaphore, #tpu.memory_space<semaphore_mem>>)
        %dma_wait3A_240 = arith.constant 0 : i32
        %dma_wait3A_241 = arith.constant 0 : i32
        %dma_wait3A_242 = tpu.memref_slice %arg8[%dma_wait3A_240, %dma_wait3A_241] : memref<128x128xf32, #tpu.memory_space<vmem>> -> memref<80x128xf32, #tpu.memory_space<vmem>>
        %dma_wait3A_243 = arith.constant 0 : i32
        %dma_wait3A_244 = tpu.memref_slice %arg10[%add3A_69, %dma_wait3A_243] : memref<10080x128xf32, #tpu.memory_space<vmem_shared>> -> memref<80x128xf32, #tpu.memory_space<vmem_shared>>
        %dma_wait3A_245 = arith.constant 0 : i32
        %dma_wait3A_246 = tpu.memref_slice %arg10[%add3A_69, %dma_wait3A_245] : memref<10080x128xf32, #tpu.memory_space<vmem_shared>> -> memref<80x128xf32, #tpu.memory_space<vmem_shared>>
        %dma_wait3A_247 = arith.constant 0 : i32
        %dma_wait3A_248 = arith.constant 0 : i32
        %dma_wait3A_249 = tpu.memref_slice %arg8[%dma_wait3A_247, %dma_wait3A_248] : memref<128x128xf32, #tpu.memory_space<vmem>> -> memref<80x128xf32, #tpu.memory_space<vmem>>
        tpu.wait_dma2 semaphore(%run_scoped3A : memref<!tpu.dma_semaphore, #tpu.memory_space<semaphore_mem>>) src(%dma_wait3A_249 : memref<80x128xf32, #tpu.memory_space<vmem>>) dst(%dma_wait3A_246 : memref<80x128xf32, #tpu.memory_space<vmem_shared>>)
        tpu.yield
      }) : () -> ()
    } else {
    }
    %barrier3A = arith.constant 0 : index
    tpu.barrier barrier_id(%barrier3A)
    %mul3A_75 = arith.constant 80 : i32
    %mul3A_76 = arith.muli %add3A, %mul3A_75 : i32
    %add3A_77 = arith.constant 0 : i32
    %add3A_78 = arith.addi %mul3A_76, %add3A_77 : i32
    "tpu.region"() ({
      %run_scoped3A = tpu.sem_alloc : memref<!tpu.dma_semaphore, #tpu.memory_space<semaphore_mem>>
      %dma_start3A_230 = arith.constant 0 : i32
      %dma_start3A_231 = tpu.memref_slice %arg3[%add3A_78, %dma_start3A_230] : memref<2560x128xi32, #tpu.memory_space<hbm>> -> memref<40x128xi32, #tpu.memory_space<hbm>>
      %dma_start3A_232 = arith.constant 0 : i32
      %dma_start3A_233 = tpu.memref_slice %arg3[%add3A_78, %dma_start3A_232] : memref<2560x128xi32, #tpu.memory_space<hbm>> -> memref<40x128xi32, #tpu.memory_space<hbm>>
      tpu.enqueue_dma source(%dma_start3A_233 : memref<40x128xi32, #tpu.memory_space<hbm>>) target(%arg6 : memref<40x128xi32, #tpu.memory_space<vmem>>) target_semaphore(%run_scoped3A : memref<!tpu.dma_semaphore, #tpu.memory_space<semaphore_mem>>)
      %dma_wait3A_234 = arith.constant 0 : i32
      %dma_wait3A_235 = tpu.memref_slice %arg3[%add3A_78, %dma_wait3A_234] : memref<2560x128xi32, #tpu.memory_space<hbm>> -> memref<40x128xi32, #tpu.memory_space<hbm>>
      %dma_wait3A_236 = arith.constant 0 : i32
      %dma_wait3A_237 = tpu.memref_slice %arg3[%add3A_78, %dma_wait3A_236] : memref<2560x128xi32, #tpu.memory_space<hbm>> -> memref<40x128xi32, #tpu.memory_space<hbm>>
      tpu.wait_dma2 semaphore(%run_scoped3A : memref<!tpu.dma_semaphore, #tpu.memory_space<semaphore_mem>>) src(%dma_wait3A_237 : memref<40x128xi32, #tpu.memory_space<hbm>>) dst(%arg6 : memref<40x128xi32, #tpu.memory_space<vmem>>)
      tpu.yield
    }) : () -> ()
    "tpu.region"() ({
      %run_scoped3A = tpu.sem_alloc : memref<!tpu.dma_semaphore, #tpu.memory_space<semaphore_mem>>
      %dma_start3A_230 = arith.constant 0 : i32
      %dma_start3A_231 = tpu.memref_slice %arg4[%add3A_78, %dma_start3A_230] : memref<2560x128xi32, #tpu.memory_space<hbm>> -> memref<40x128xi32, #tpu.memory_space<hbm>>
      %dma_start3A_232 = arith.constant 0 : i32
      %dma_start3A_233 = tpu.memref_slice %arg4[%add3A_78, %dma_start3A_232] : memref<2560x128xi32, #tpu.memory_space<hbm>> -> memref<40x128xi32, #tpu.memory_space<hbm>>
      tpu.enqueue_dma source(%dma_start3A_233 : memref<40x128xi32, #tpu.memory_space<hbm>>) target(%arg7 : memref<40x128xi32, #tpu.memory_space<vmem>>) target_semaphore(%run_scoped3A : memref<!tpu.dma_semaphore, #tpu.memory_space<semaphore_mem>>)
      %dma_wait3A_234 = arith.constant 0 : i32
      %dma_wait3A_235 = tpu.memref_slice %arg4[%add3A_78, %dma_wait3A_234] : memref<2560x128xi32, #tpu.memory_space<hbm>> -> memref<40x128xi32, #tpu.memory_space<hbm>>
      %dma_wait3A_236 = arith.constant 0 : i32
      %dma_wait3A_237 = tpu.memref_slice %arg4[%add3A_78, %dma_wait3A_236] : memref<2560x128xi32, #tpu.memory_space<hbm>> -> memref<40x128xi32, #tpu.memory_space<hbm>>
      tpu.wait_dma2 semaphore(%run_scoped3A : memref<!tpu.dma_semaphore, #tpu.memory_space<semaphore_mem>>) src(%dma_wait3A_237 : memref<40x128xi32, #tpu.memory_space<hbm>>) dst(%arg7 : memref<40x128xi32, #tpu.memory_space<vmem>>)
      tpu.yield
    }) : () -> ()
    %dma_start3A = arith.constant 0 : i32
    %dma_start3A_79 = arith.constant 0 : i32
    %dma_start3A_80 = tpu.memref_slice %arg6[%dma_start3A, %dma_start3A_79] : memref<40x128xi32, #tpu.memory_space<vmem>> -> memref<1x128xi32, #tpu.memory_space<vmem>>
    %dma_start3A_81 = tpu.memref_squeeze %dma_start3A_80 : memref<1x128xi32, #tpu.memory_space<vmem>> -> memref<128xi32, #tpu.memory_space<vmem>>
    %dma_start3A_82 = arith.constant 0 : i32
    %dma_start3A_83 = arith.constant 0 : i32
    %dma_start3A_84 = tpu.memref_slice %arg2[%dma_start3A_82, %dma_start3A_83] : memref<10000x128xf32, #tpu.memory_space<hbm>> -> memref<10000x128xf32, #tpu.memory_space<hbm>>
    tpu.enqueue_indirect_dma source(%dma_start3A_84 : memref<10000x128xf32, #tpu.memory_space<hbm>>) target(%arg8 : memref<128x128xf32, #tpu.memory_space<vmem>>) offsets(%dma_start3A_81 : memref<128xi32, #tpu.memory_space<vmem>>) semaphore(%arg11 : memref<!tpu.dma_semaphore, #tpu.memory_space<semaphore_mem>>)
    %scan3A_85 = arith.constant 0 : i32
    %scan3A_86 = arith.constant 0 : i32
    %scan3A_87 = arith.constant 19 : i32
    %scan3A_88 = arith.addi %scan3A_86, %scan3A_87 : i32
    %scan3A_89 = arith.constant 1 : i32
    scf.for %scan3A_230 = %scan3A_86 to %scan3A_88 step %scan3A_89  : i32 {
      %mul3A_231 = arith.constant 2 : i32
      %mul3A_232 = arith.muli %mul3A_231, %scan3A_230 : i32
      %add3A_233 = arith.constant 1 : i32
      %add3A_234 = arith.addi %mul3A_232, %add3A_233 : i32
      %dma_start3A_235 = arith.constant 0 : i32
      %dma_start3A_236 = tpu.memref_slice %arg6[%add3A_234, %dma_start3A_235] : memref<40x128xi32, #tpu.memory_space<vmem>> -> memref<1x128xi32, #tpu.memory_space<vmem>>
      %dma_start3A_237 = tpu.memref_squeeze %dma_start3A_236 : memref<1x128xi32, #tpu.memory_space<vmem>> -> memref<128xi32, #tpu.memory_space<vmem>>
      %dma_start3A_238 = arith.constant 0 : i32
      %dma_start3A_239 = arith.constant 0 : i32
      %dma_start3A_240 = tpu.memref_slice %arg2[%dma_start3A_238, %dma_start3A_239] : memref<10000x128xf32, #tpu.memory_space<hbm>> -> memref<10000x128xf32, #tpu.memory_space<hbm>>
      tpu.enqueue_indirect_dma source(%dma_start3A_240 : memref<10000x128xf32, #tpu.memory_space<hbm>>) target(%arg9 : memref<128x128xf32, #tpu.memory_space<vmem>>) offsets(%dma_start3A_237 : memref<128xi32, #tpu.memory_space<vmem>>) semaphore(%arg12 : memref<!tpu.dma_semaphore, #tpu.memory_space<semaphore_mem>>)
      %dma_wait3A_241 = arith.constant 0 : i32
      %dma_wait3A_242 = arith.constant 0 : i32
      %dma_wait3A_243 = tpu.memref_slice %arg6[%dma_wait3A_241, %dma_wait3A_242] : memref<40x128xi32, #tpu.memory_space<vmem>> -> memref<1x128xi32, #tpu.memory_space<vmem>>
      %dma_wait3A_244 = tpu.memref_squeeze %dma_wait3A_243 : memref<1x128xi32, #tpu.memory_space<vmem>> -> memref<128xi32, #tpu.memory_space<vmem>>
      %dma_wait3A_245 = arith.constant 0 : i32
      %dma_wait3A_246 = arith.constant 0 : i32
      %dma_wait3A_247 = tpu.memref_slice %arg2[%dma_wait3A_245, %dma_wait3A_246] : memref<10000x128xf32, #tpu.memory_space<hbm>> -> memref<10000x128xf32, #tpu.memory_space<hbm>>
      tpu.wait_indirect_dma semaphore(%arg11 : memref<!tpu.dma_semaphore, #tpu.memory_space<semaphore_mem>>) src(%dma_wait3A_247 : memref<10000x128xf32, #tpu.memory_space<hbm>>) dst(%arg8 : memref<128x128xf32, #tpu.memory_space<vmem>>)
      %mul3A_248 = arith.constant 640 : i32
      %mul3A_249 = arith.muli %arg1, %mul3A_248 : i32
      "tpu.region"() ({
        %run_scoped3A = tpu.sem_alloc : memref<!tpu.dma_semaphore, #tpu.memory_space<semaphore_mem>>
        %dma_start3A_269 = arith.constant 0 : i32
        %dma_start3A_270 = tpu.memref_slice %arg10[%mul3A_249, %dma_start3A_269] : memref<10080x128xf32, #tpu.memory_space<vmem_shared>> -> memref<128x128xf32, #tpu.memory_space<vmem_shared>>
        %dma_start3A_271 = arith.constant 0 : i32
        %dma_start3A_272 = tpu.memref_slice %arg10[%mul3A_249, %dma_start3A_271] : memref<10080x128xf32, #tpu.memory_space<vmem_shared>> -> memref<128x128xf32, #tpu.memory_space<vmem_shared>>
        tpu.enqueue_dma source(%arg8 : memref<128x128xf32, #tpu.memory_space<vmem>>) target(%dma_start3A_272 : memref<128x128xf32, #tpu.memory_space<vmem_shared>>) target_semaphore(%run_scoped3A : memref<!tpu.dma_semaphore, #tpu.memory_space<semaphore_mem>>)
        %dma_wait3A_273 = arith.constant 0 : i32
        %dma_wait3A_274 = tpu.memref_slice %arg10[%mul3A_249, %dma_wait3A_273] : memref<10080x128xf32, #tpu.memory_space<vmem_shared>> -> memref<128x128xf32, #tpu.memory_space<vmem_shared>>
        %dma_wait3A_275 = arith.constant 0 : i32
        %dma_wait3A_276 = tpu.memref_slice %arg10[%mul3A_249, %dma_wait3A_275] : memref<10080x128xf32, #tpu.memory_space<vmem_shared>> -> memref<128x128xf32, #tpu.memory_space<vmem_shared>>
        tpu.wait_dma2 semaphore(%run_scoped3A : memref<!tpu.dma_semaphore, #tpu.memory_space<semaphore_mem>>) src(%arg8 : memref<128x128xf32, #tpu.memory_space<vmem>>) dst(%dma_wait3A_276 : memref<128x128xf32, #tpu.memory_space<vmem_shared>>)
        tpu.yield
      }) : () -> ()
      %add3A_250 = arith.constant 2 : i32
      %add3A_251 = arith.addi %mul3A_232, %add3A_250 : i32
      %dma_start3A_252 = arith.constant 0 : i32
      %dma_start3A_253 = tpu.memref_slice %arg6[%add3A_251, %dma_start3A_252] : memref<40x128xi32, #tpu.memory_space<vmem>> -> memref<1x128xi32, #tpu.memory_space<vmem>>
      %dma_start3A_254 = tpu.memref_squeeze %dma_start3A_253 : memref<1x128xi32, #tpu.memory_space<vmem>> -> memref<128xi32, #tpu.memory_space<vmem>>
      %dma_start3A_255 = arith.constant 0 : i32
      %dma_start3A_256 = arith.constant 0 : i32
      %dma_start3A_257 = tpu.memref_slice %arg2[%dma_start3A_255, %dma_start3A_256] : memref<10000x128xf32, #tpu.memory_space<hbm>> -> memref<10000x128xf32, #tpu.memory_space<hbm>>
      tpu.enqueue_indirect_dma source(%dma_start3A_257 : memref<10000x128xf32, #tpu.memory_space<hbm>>) target(%arg8 : memref<128x128xf32, #tpu.memory_space<vmem>>) offsets(%dma_start3A_254 : memref<128xi32, #tpu.memory_space<vmem>>) semaphore(%arg11 : memref<!tpu.dma_semaphore, #tpu.memory_space<semaphore_mem>>)
      %dma_wait3A_258 = arith.constant 0 : i32
      %dma_wait3A_259 = arith.constant 0 : i32
      %dma_wait3A_260 = tpu.memref_slice %arg6[%dma_wait3A_258, %dma_wait3A_259] : memref<40x128xi32, #tpu.memory_space<vmem>> -> memref<1x128xi32, #tpu.memory_space<vmem>>
      %dma_wait3A_261 = tpu.memref_squeeze %dma_wait3A_260 : memref<1x128xi32, #tpu.memory_space<vmem>> -> memref<128xi32, #tpu.memory_space<vmem>>
      %dma_wait3A_262 = arith.constant 0 : i32
      %dma_wait3A_263 = arith.constant 0 : i32
      %dma_wait3A_264 = tpu.memref_slice %arg2[%dma_wait3A_262, %dma_wait3A_263] : memref<10000x128xf32, #tpu.memory_space<hbm>> -> memref<10000x128xf32, #tpu.memory_space<hbm>>
      tpu.wait_indirect_dma semaphore(%arg12 : memref<!tpu.dma_semaphore, #tpu.memory_space<semaphore_mem>>) src(%dma_wait3A_264 : memref<10000x128xf32, #tpu.memory_space<hbm>>) dst(%arg9 : memref<128x128xf32, #tpu.memory_space<vmem>>)
      %add3A_265 = arith.constant 1 : i32
      %add3A_266 = arith.addi %mul3A_232, %add3A_265 : i32
      %mul3A_267 = arith.constant 640 : i32
      %mul3A_268 = arith.muli %arg1, %mul3A_267 : i32
      "tpu.region"() ({
        %run_scoped3A = tpu.sem_alloc : memref<!tpu.dma_semaphore, #tpu.memory_space<semaphore_mem>>
        %dma_start3A_269 = arith.constant 0 : i32
        %dma_start3A_270 = tpu.memref_slice %arg10[%mul3A_268, %dma_start3A_269] : memref<10080x128xf32, #tpu.memory_space<vmem_shared>> -> memref<128x128xf32, #tpu.memory_space<vmem_shared>>
        %dma_start3A_271 = arith.constant 0 : i32
        %dma_start3A_272 = tpu.memref_slice %arg10[%mul3A_268, %dma_start3A_271] : memref<10080x128xf32, #tpu.memory_space<vmem_shared>> -> memref<128x128xf32, #tpu.memory_space<vmem_shared>>
        tpu.enqueue_dma source(%arg9 : memref<128x128xf32, #tpu.memory_space<vmem>>) target(%dma_start3A_272 : memref<128x128xf32, #tpu.memory_space<vmem_shared>>) target_semaphore(%run_scoped3A : memref<!tpu.dma_semaphore, #tpu.memory_space<semaphore_mem>>)
        %dma_wait3A_273 = arith.constant 0 : i32
        %dma_wait3A_274 = tpu.memref_slice %arg10[%mul3A_268, %dma_wait3A_273] : memref<10080x128xf32, #tpu.memory_space<vmem_shared>> -> memref<128x128xf32, #tpu.memory_space<vmem_shared>>
        %dma_wait3A_275 = arith.constant 0 : i32
        %dma_wait3A_276 = tpu.memref_slice %arg10[%mul3A_268, %dma_wait3A_275] : memref<10080x128xf32, #tpu.memory_space<vmem_shared>> -> memref<128x128xf32, #tpu.memory_space<vmem_shared>>
        tpu.wait_dma2 semaphore(%run_scoped3A : memref<!tpu.dma_semaphore, #tpu.memory_space<semaphore_mem>>) src(%arg9 : memref<128x128xf32, #tpu.memory_space<vmem>>) dst(%dma_wait3A_276 : memref<128x128xf32, #tpu.memory_space<vmem_shared>>)
        tpu.yield
      }) : () -> ()
    }
    %scan3A_90 = arith.constant 19 : i32
    %dma_start3A_91 = arith.constant 39 : i32
    %dma_start3A_92 = arith.constant 0 : i32
    %dma_start3A_93 = tpu.memref_slice %arg6[%dma_start3A_91, %dma_start3A_92] : memref<40x128xi32, #tpu.memory_space<vmem>> -> memref<1x128xi32, #tpu.memory_space<vmem>>
    %dma_start3A_94 = tpu.memref_squeeze %dma_start3A_93 : memref<1x128xi32, #tpu.memory_space<vmem>> -> memref<128xi32, #tpu.memory_space<vmem>>
    %dma_start3A_95 = arith.constant 0 : i32
    %dma_start3A_96 = arith.constant 0 : i32
    %dma_start3A_97 = tpu.memref_slice %arg2[%dma_start3A_95, %dma_start3A_96] : memref<10000x128xf32, #tpu.memory_space<hbm>> -> memref<10000x128xf32, #tpu.memory_space<hbm>>
    tpu.enqueue_indirect_dma source(%dma_start3A_97 : memref<10000x128xf32, #tpu.memory_space<hbm>>) target(%arg9 : memref<128x128xf32, #tpu.memory_space<vmem>>) offsets(%dma_start3A_94 : memref<128xi32, #tpu.memory_space<vmem>>) semaphore(%arg12 : memref<!tpu.dma_semaphore, #tpu.memory_space<semaphore_mem>>)
    %dma_wait3A = arith.constant 0 : i32
    %dma_wait3A_98 = arith.constant 0 : i32
    %dma_wait3A_99 = tpu.memref_slice %arg6[%dma_wait3A, %dma_wait3A_98] : memref<40x128xi32, #tpu.memory_space<vmem>> -> memref<1x128xi32, #tpu.memory_space<vmem>>
    %dma_wait3A_100 = tpu.memref_squeeze %dma_wait3A_99 : memref<1x128xi32, #tpu.memory_space<vmem>> -> memref<128xi32, #tpu.memory_space<vmem>>
    %dma_wait3A_101 = arith.constant 0 : i32
    %dma_wait3A_102 = arith.constant 0 : i32
    %dma_wait3A_103 = tpu.memref_slice %arg2[%dma_wait3A_101, %dma_wait3A_102] : memref<10000x128xf32, #tpu.memory_space<hbm>> -> memref<10000x128xf32, #tpu.memory_space<hbm>>
    tpu.wait_indirect_dma semaphore(%arg11 : memref<!tpu.dma_semaphore, #tpu.memory_space<semaphore_mem>>) src(%dma_wait3A_103 : memref<10000x128xf32, #tpu.memory_space<hbm>>) dst(%arg8 : memref<128x128xf32, #tpu.memory_space<vmem>>)
    %mul3A_104 = arith.constant 640 : i32
    %mul3A_105 = arith.muli %arg1, %mul3A_104 : i32
    "tpu.region"() ({
      %run_scoped3A = tpu.sem_alloc : memref<!tpu.dma_semaphore, #tpu.memory_space<semaphore_mem>>
      %dma_start3A_230 = arith.constant 0 : i32
      %dma_start3A_231 = tpu.memref_slice %arg10[%mul3A_105, %dma_start3A_230] : memref<10080x128xf32, #tpu.memory_space<vmem_shared>> -> memref<128x128xf32, #tpu.memory_space<vmem_shared>>
      %dma_start3A_232 = arith.constant 0 : i32
      %dma_start3A_233 = tpu.memref_slice %arg10[%mul3A_105, %dma_start3A_232] : memref<10080x128xf32, #tpu.memory_space<vmem_shared>> -> memref<128x128xf32, #tpu.memory_space<vmem_shared>>
      tpu.enqueue_dma source(%arg8 : memref<128x128xf32, #tpu.memory_space<vmem>>) target(%dma_start3A_233 : memref<128x128xf32, #tpu.memory_space<vmem_shared>>) target_semaphore(%run_scoped3A : memref<!tpu.dma_semaphore, #tpu.memory_space<semaphore_mem>>)
      %dma_wait3A_234 = arith.constant 0 : i32
      %dma_wait3A_235 = tpu.memref_slice %arg10[%mul3A_105, %dma_wait3A_234] : memref<10080x128xf32, #tpu.memory_space<vmem_shared>> -> memref<128x128xf32, #tpu.memory_space<vmem_shared>>
      %dma_wait3A_236 = arith.constant 0 : i32
      %dma_wait3A_237 = tpu.memref_slice %arg10[%mul3A_105, %dma_wait3A_236] : memref<10080x128xf32, #tpu.memory_space<vmem_shared>> -> memref<128x128xf32, #tpu.memory_space<vmem_shared>>
      tpu.wait_dma2 semaphore(%run_scoped3A : memref<!tpu.dma_semaphore, #tpu.memory_space<semaphore_mem>>) src(%arg8 : memref<128x128xf32, #tpu.memory_space<vmem>>) dst(%dma_wait3A_237 : memref<128x128xf32, #tpu.memory_space<vmem_shared>>)
      tpu.yield
    }) : () -> ()
    %dma_wait3A_106 = arith.constant 0 : i32
    %dma_wait3A_107 = arith.constant 0 : i32
    %dma_wait3A_108 = tpu.memref_slice %arg6[%dma_wait3A_106, %dma_wait3A_107] : memref<40x128xi32, #tpu.memory_space<vmem>> -> memref<1x128xi32, #tpu.memory_space<vmem>>
    %dma_wait3A_109 = tpu.memref_squeeze %dma_wait3A_108 : memref<1x128xi32, #tpu.memory_space<vmem>> -> memref<128xi32, #tpu.memory_space<vmem>>
    %dma_wait3A_110 = arith.constant 0 : i32
    %dma_wait3A_111 = arith.constant 0 : i32
    %dma_wait3A_112 = tpu.memref_slice %arg2[%dma_wait3A_110, %dma_wait3A_111] : memref<10000x128xf32, #tpu.memory_space<hbm>> -> memref<10000x128xf32, #tpu.memory_space<hbm>>
    tpu.wait_indirect_dma semaphore(%arg12 : memref<!tpu.dma_semaphore, #tpu.memory_space<semaphore_mem>>) src(%dma_wait3A_112 : memref<10000x128xf32, #tpu.memory_space<hbm>>) dst(%arg9 : memref<128x128xf32, #tpu.memory_space<vmem>>)
    %mul3A_113 = arith.constant 640 : i32
    %mul3A_114 = arith.muli %arg1, %mul3A_113 : i32
    "tpu.region"() ({
      %run_scoped3A = tpu.sem_alloc : memref<!tpu.dma_semaphore, #tpu.memory_space<semaphore_mem>>
      %dma_start3A_230 = arith.constant 0 : i32
      %dma_start3A_231 = tpu.memref_slice %arg10[%mul3A_114, %dma_start3A_230] : memref<10080x128xf32, #tpu.memory_space<vmem_shared>> -> memref<128x128xf32, #tpu.memory_space<vmem_shared>>
      %dma_start3A_232 = arith.constant 0 : i32
      %dma_start3A_233 = tpu.memref_slice %arg10[%mul3A_114, %dma_start3A_232] : memref<10080x128xf32, #tpu.memory_space<vmem_shared>> -> memref<128x128xf32, #tpu.memory_space<vmem_shared>>
      tpu.enqueue_dma source(%arg9 : memref<128x128xf32, #tpu.memory_space<vmem>>) target(%dma_start3A_233 : memref<128x128xf32, #tpu.memory_space<vmem_shared>>) target_semaphore(%run_scoped3A : memref<!tpu.dma_semaphore, #tpu.memory_space<semaphore_mem>>)
      %dma_wait3A_234 = arith.constant 0 : i32
      %dma_wait3A_235 = tpu.memref_slice %arg10[%mul3A_114, %dma_wait3A_234] : memref<10080x128xf32, #tpu.memory_space<vmem_shared>> -> memref<128x128xf32, #tpu.memory_space<vmem_shared>>
      %dma_wait3A_236 = arith.constant 0 : i32
      %dma_wait3A_237 = tpu.memref_slice %arg10[%mul3A_114, %dma_wait3A_236] : memref<10080x128xf32, #tpu.memory_space<vmem_shared>> -> memref<128x128xf32, #tpu.memory_space<vmem_shared>>
      tpu.wait_dma2 semaphore(%run_scoped3A : memref<!tpu.dma_semaphore, #tpu.memory_space<semaphore_mem>>) src(%arg9 : memref<128x128xf32, #tpu.memory_space<vmem>>) dst(%dma_wait3A_237 : memref<128x128xf32, #tpu.memory_space<vmem_shared>>)
      tpu.yield
    }) : () -> ()
    %mul3A_115 = arith.constant 80 : i32
    %mul3A_116 = arith.muli %add3A, %mul3A_115 : i32
    %add3A_117 = arith.constant 40 : i32
    %add3A_118 = arith.addi %mul3A_116, %add3A_117 : i32
    "tpu.region"() ({
      %run_scoped3A = tpu.sem_alloc : memref<!tpu.dma_semaphore, #tpu.memory_space<semaphore_mem>>
      %dma_start3A_230 = arith.constant 0 : i32
      %dma_start3A_231 = tpu.memref_slice %arg3[%add3A_118, %dma_start3A_230] : memref<2560x128xi32, #tpu.memory_space<hbm>> -> memref<40x128xi32, #tpu.memory_space<hbm>>
      %dma_start3A_232 = arith.constant 0 : i32
      %dma_start3A_233 = tpu.memref_slice %arg3[%add3A_118, %dma_start3A_232] : memref<2560x128xi32, #tpu.memory_space<hbm>> -> memref<40x128xi32, #tpu.memory_space<hbm>>
      tpu.enqueue_dma source(%dma_start3A_233 : memref<40x128xi32, #tpu.memory_space<hbm>>) target(%arg6 : memref<40x128xi32, #tpu.memory_space<vmem>>) target_semaphore(%run_scoped3A : memref<!tpu.dma_semaphore, #tpu.memory_space<semaphore_mem>>)
      %dma_wait3A_234 = arith.constant 0 : i32
      %dma_wait3A_235 = tpu.memref_slice %arg3[%add3A_118, %dma_wait3A_234] : memref<2560x128xi32, #tpu.memory_space<hbm>> -> memref<40x128xi32, #tpu.memory_space<hbm>>
      %dma_wait3A_236 = arith.constant 0 : i32
      %dma_wait3A_237 = tpu.memref_slice %arg3[%add3A_118, %dma_wait3A_236] : memref<2560x128xi32, #tpu.memory_space<hbm>> -> memref<40x128xi32, #tpu.memory_space<hbm>>
      tpu.wait_dma2 semaphore(%run_scoped3A : memref<!tpu.dma_semaphore, #tpu.memory_space<semaphore_mem>>) src(%dma_wait3A_237 : memref<40x128xi32, #tpu.memory_space<hbm>>) dst(%arg6 : memref<40x128xi32, #tpu.memory_space<vmem>>)
      tpu.yield
    }) : () -> ()
    "tpu.region"() ({
      %run_scoped3A = tpu.sem_alloc : memref<!tpu.dma_semaphore, #tpu.memory_space<semaphore_mem>>
      %dma_start3A_230 = arith.constant 0 : i32
      %dma_start3A_231 = tpu.memref_slice %arg4[%add3A_118, %dma_start3A_230] : memref<2560x128xi32, #tpu.memory_space<hbm>> -> memref<40x128xi32, #tpu.memory_space<hbm>>
      %dma_start3A_232 = arith.constant 0 : i32
      %dma_start3A_233 = tpu.memref_slice %arg4[%add3A_118, %dma_start3A_232] : memref<2560x128xi32, #tpu.memory_space<hbm>> -> memref<40x128xi32, #tpu.memory_space<hbm>>
      tpu.enqueue_dma source(%dma_start3A_233 : memref<40x128xi32, #tpu.memory_space<hbm>>) target(%arg7 : memref<40x128xi32, #tpu.memory_space<vmem>>) target_semaphore(%run_scoped3A : memref<!tpu.dma_semaphore, #tpu.memory_space<semaphore_mem>>)
      %dma_wait3A_234 = arith.constant 0 : i32
      %dma_wait3A_235 = tpu.memref_slice %arg4[%add3A_118, %dma_wait3A_234] : memref<2560x128xi32, #tpu.memory_space<hbm>> -> memref<40x128xi32, #tpu.memory_space<hbm>>
      %dma_wait3A_236 = arith.constant 0 : i32
      %dma_wait3A_237 = tpu.memref_slice %arg4[%add3A_118, %dma_wait3A_236] : memref<2560x128xi32, #tpu.memory_space<hbm>> -> memref<40x128xi32, #tpu.memory_space<hbm>>
      tpu.wait_dma2 semaphore(%run_scoped3A : memref<!tpu.dma_semaphore, #tpu.memory_space<semaphore_mem>>) src(%dma_wait3A_237 : memref<40x128xi32, #tpu.memory_space<hbm>>) dst(%arg7 : memref<40x128xi32, #tpu.memory_space<vmem>>)
      tpu.yield
    }) : () -> ()
    %dma_start3A_119 = arith.constant 0 : i32
    %dma_start3A_120 = arith.constant 0 : i32
    %dma_start3A_121 = tpu.memref_slice %arg6[%dma_start3A_119, %dma_start3A_120] : memref<40x128xi32, #tpu.memory_space<vmem>> -> memref<1x128xi32, #tpu.memory_space<vmem>>
    %dma_start3A_122 = tpu.memref_squeeze %dma_start3A_121 : memref<1x128xi32, #tpu.memory_space<vmem>> -> memref<128xi32, #tpu.memory_space<vmem>>
    %dma_start3A_123 = arith.constant 0 : i32
    %dma_start3A_124 = arith.constant 0 : i32
    %dma_start3A_125 = tpu.memref_slice %arg2[%dma_start3A_123, %dma_start3A_124] : memref<10000x128xf32, #tpu.memory_space<hbm>> -> memref<10000x128xf32, #tpu.memory_space<hbm>>
    tpu.enqueue_indirect_dma source(%dma_start3A_125 : memref<10000x128xf32, #tpu.memory_space<hbm>>) target(%arg8 : memref<128x128xf32, #tpu.memory_space<vmem>>) offsets(%dma_start3A_122 : memref<128xi32, #tpu.memory_space<vmem>>) semaphore(%arg11 : memref<!tpu.dma_semaphore, #tpu.memory_space<semaphore_mem>>)
    %scan3A_126 = arith.constant 0 : i32
    %scan3A_127 = arith.constant 0 : i32
    %scan3A_128 = arith.constant 19 : i32
    %scan3A_129 = arith.addi %scan3A_127, %scan3A_128 : i32
    %scan3A_130 = arith.constant 1 : i32
    scf.for %scan3A_230 = %scan3A_127 to %scan3A_129 step %scan3A_130  : i32 {
      %mul3A_231 = arith.constant 2 : i32
      %mul3A_232 = arith.muli %mul3A_231, %scan3A_230 : i32
      %add3A_233 = arith.constant 1 : i32
      %add3A_234 = arith.addi %mul3A_232, %add3A_233 : i32
      %dma_start3A_235 = arith.constant 0 : i32
      %dma_start3A_236 = tpu.memref_slice %arg6[%add3A_234, %dma_start3A_235] : memref<40x128xi32, #tpu.memory_space<vmem>> -> memref<1x128xi32, #tpu.memory_space<vmem>>
      %dma_start3A_237 = tpu.memref_squeeze %dma_start3A_236 : memref<1x128xi32, #tpu.memory_space<vmem>> -> memref<128xi32, #tpu.memory_space<vmem>>
      %dma_start3A_238 = arith.constant 0 : i32
      %dma_start3A_239 = arith.constant 0 : i32
      %dma_start3A_240 = tpu.memref_slice %arg2[%dma_start3A_238, %dma_start3A_239] : memref<10000x128xf32, #tpu.memory_space<hbm>> -> memref<10000x128xf32, #tpu.memory_space<hbm>>
      tpu.enqueue_indirect_dma source(%dma_start3A_240 : memref<10000x128xf32, #tpu.memory_space<hbm>>) target(%arg9 : memref<128x128xf32, #tpu.memory_space<vmem>>) offsets(%dma_start3A_237 : memref<128xi32, #tpu.memory_space<vmem>>) semaphore(%arg12 : memref<!tpu.dma_semaphore, #tpu.memory_space<semaphore_mem>>)
      %dma_wait3A_241 = arith.constant 0 : i32
      %dma_wait3A_242 = arith.constant 0 : i32
      %dma_wait3A_243 = tpu.memref_slice %arg6[%dma_wait3A_241, %dma_wait3A_242] : memref<40x128xi32, #tpu.memory_space<vmem>> -> memref<1x128xi32, #tpu.memory_space<vmem>>
      %dma_wait3A_244 = tpu.memref_squeeze %dma_wait3A_243 : memref<1x128xi32, #tpu.memory_space<vmem>> -> memref<128xi32, #tpu.memory_space<vmem>>
      %dma_wait3A_245 = arith.constant 0 : i32
      %dma_wait3A_246 = arith.constant 0 : i32
      %dma_wait3A_247 = tpu.memref_slice %arg2[%dma_wait3A_245, %dma_wait3A_246] : memref<10000x128xf32, #tpu.memory_space<hbm>> -> memref<10000x128xf32, #tpu.memory_space<hbm>>
      tpu.wait_indirect_dma semaphore(%arg11 : memref<!tpu.dma_semaphore, #tpu.memory_space<semaphore_mem>>) src(%dma_wait3A_247 : memref<10000x128xf32, #tpu.memory_space<hbm>>) dst(%arg8 : memref<128x128xf32, #tpu.memory_space<vmem>>)
      %mul3A_248 = arith.constant 640 : i32
      %mul3A_249 = arith.muli %arg1, %mul3A_248 : i32
      "tpu.region"() ({
        %run_scoped3A = tpu.sem_alloc : memref<!tpu.dma_semaphore, #tpu.memory_space<semaphore_mem>>
        %dma_start3A_269 = arith.constant 0 : i32
        %dma_start3A_270 = tpu.memref_slice %arg10[%mul3A_249, %dma_start3A_269] : memref<10080x128xf32, #tpu.memory_space<vmem_shared>> -> memref<128x128xf32, #tpu.memory_space<vmem_shared>>
        %dma_start3A_271 = arith.constant 0 : i32
        %dma_start3A_272 = tpu.memref_slice %arg10[%mul3A_249, %dma_start3A_271] : memref<10080x128xf32, #tpu.memory_space<vmem_shared>> -> memref<128x128xf32, #tpu.memory_space<vmem_shared>>
        tpu.enqueue_dma source(%arg8 : memref<128x128xf32, #tpu.memory_space<vmem>>) target(%dma_start3A_272 : memref<128x128xf32, #tpu.memory_space<vmem_shared>>) target_semaphore(%run_scoped3A : memref<!tpu.dma_semaphore, #tpu.memory_space<semaphore_mem>>)
        %dma_wait3A_273 = arith.constant 0 : i32
        %dma_wait3A_274 = tpu.memref_slice %arg10[%mul3A_249, %dma_wait3A_273] : memref<10080x128xf32, #tpu.memory_space<vmem_shared>> -> memref<128x128xf32, #tpu.memory_space<vmem_shared>>
        %dma_wait3A_275 = arith.constant 0 : i32
        %dma_wait3A_276 = tpu.memref_slice %arg10[%mul3A_249, %dma_wait3A_275] : memref<10080x128xf32, #tpu.memory_space<vmem_shared>> -> memref<128x128xf32, #tpu.memory_space<vmem_shared>>
        tpu.wait_dma2 semaphore(%run_scoped3A : memref<!tpu.dma_semaphore, #tpu.memory_space<semaphore_mem>>) src(%arg8 : memref<128x128xf32, #tpu.memory_space<vmem>>) dst(%dma_wait3A_276 : memref<128x128xf32, #tpu.memory_space<vmem_shared>>)
        tpu.yield
      }) : () -> ()
      %add3A_250 = arith.constant 2 : i32
      %add3A_251 = arith.addi %mul3A_232, %add3A_250 : i32
      %dma_start3A_252 = arith.constant 0 : i32
      %dma_start3A_253 = tpu.memref_slice %arg6[%add3A_251, %dma_start3A_252] : memref<40x128xi32, #tpu.memory_space<vmem>> -> memref<1x128xi32, #tpu.memory_space<vmem>>
      %dma_start3A_254 = tpu.memref_squeeze %dma_start3A_253 : memref<1x128xi32, #tpu.memory_space<vmem>> -> memref<128xi32, #tpu.memory_space<vmem>>
      %dma_start3A_255 = arith.constant 0 : i32
      %dma_start3A_256 = arith.constant 0 : i32
      %dma_start3A_257 = tpu.memref_slice %arg2[%dma_start3A_255, %dma_start3A_256] : memref<10000x128xf32, #tpu.memory_space<hbm>> -> memref<10000x128xf32, #tpu.memory_space<hbm>>
      tpu.enqueue_indirect_dma source(%dma_start3A_257 : memref<10000x128xf32, #tpu.memory_space<hbm>>) target(%arg8 : memref<128x128xf32, #tpu.memory_space<vmem>>) offsets(%dma_start3A_254 : memref<128xi32, #tpu.memory_space<vmem>>) semaphore(%arg11 : memref<!tpu.dma_semaphore, #tpu.memory_space<semaphore_mem>>)
      %dma_wait3A_258 = arith.constant 0 : i32
      %dma_wait3A_259 = arith.constant 0 : i32
      %dma_wait3A_260 = tpu.memref_slice %arg6[%dma_wait3A_258, %dma_wait3A_259] : memref<40x128xi32, #tpu.memory_space<vmem>> -> memref<1x128xi32, #tpu.memory_space<vmem>>
      %dma_wait3A_261 = tpu.memref_squeeze %dma_wait3A_260 : memref<1x128xi32, #tpu.memory_space<vmem>> -> memref<128xi32, #tpu.memory_space<vmem>>
      %dma_wait3A_262 = arith.constant 0 : i32
      %dma_wait3A_263 = arith.constant 0 : i32
      %dma_wait3A_264 = tpu.memref_slice %arg2[%dma_wait3A_262, %dma_wait3A_263] : memref<10000x128xf32, #tpu.memory_space<hbm>> -> memref<10000x128xf32, #tpu.memory_space<hbm>>
      tpu.wait_indirect_dma semaphore(%arg12 : memref<!tpu.dma_semaphore, #tpu.memory_space<semaphore_mem>>) src(%dma_wait3A_264 : memref<10000x128xf32, #tpu.memory_space<hbm>>) dst(%arg9 : memref<128x128xf32, #tpu.memory_space<vmem>>)
      %add3A_265 = arith.constant 1 : i32
      %add3A_266 = arith.addi %mul3A_232, %add3A_265 : i32
      %mul3A_267 = arith.constant 640 : i32
      %mul3A_268 = arith.muli %arg1, %mul3A_267 : i32
      "tpu.region"() ({
        %run_scoped3A = tpu.sem_alloc : memref<!tpu.dma_semaphore, #tpu.memory_space<semaphore_mem>>
        %dma_start3A_269 = arith.constant 0 : i32
        %dma_start3A_270 = tpu.memref_slice %arg10[%mul3A_268, %dma_start3A_269] : memref<10080x128xf32, #tpu.memory_space<vmem_shared>> -> memref<128x128xf32, #tpu.memory_space<vmem_shared>>
        %dma_start3A_271 = arith.constant 0 : i32
        %dma_start3A_272 = tpu.memref_slice %arg10[%mul3A_268, %dma_start3A_271] : memref<10080x128xf32, #tpu.memory_space<vmem_shared>> -> memref<128x128xf32, #tpu.memory_space<vmem_shared>>
        tpu.enqueue_dma source(%arg9 : memref<128x128xf32, #tpu.memory_space<vmem>>) target(%dma_start3A_272 : memref<128x128xf32, #tpu.memory_space<vmem_shared>>) target_semaphore(%run_scoped3A : memref<!tpu.dma_semaphore, #tpu.memory_space<semaphore_mem>>)
        %dma_wait3A_273 = arith.constant 0 : i32
        %dma_wait3A_274 = tpu.memref_slice %arg10[%mul3A_268, %dma_wait3A_273] : memref<10080x128xf32, #tpu.memory_space<vmem_shared>> -> memref<128x128xf32, #tpu.memory_space<vmem_shared>>
        %dma_wait3A_275 = arith.constant 0 : i32
        %dma_wait3A_276 = tpu.memref_slice %arg10[%mul3A_268, %dma_wait3A_275] : memref<10080x128xf32, #tpu.memory_space<vmem_shared>> -> memref<128x128xf32, #tpu.memory_space<vmem_shared>>
        tpu.wait_dma2 semaphore(%run_scoped3A : memref<!tpu.dma_semaphore, #tpu.memory_space<semaphore_mem>>) src(%arg9 : memref<128x128xf32, #tpu.memory_space<vmem>>) dst(%dma_wait3A_276 : memref<128x128xf32, #tpu.memory_space<vmem_shared>>)
        tpu.yield
      }) : () -> ()
    }
    %scan3A_131 = arith.constant 19 : i32
    %dma_start3A_132 = arith.constant 39 : i32
    %dma_start3A_133 = arith.constant 0 : i32
    %dma_start3A_134 = tpu.memref_slice %arg6[%dma_start3A_132, %dma_start3A_133] : memref<40x128xi32, #tpu.memory_space<vmem>> -> memref<1x128xi32, #tpu.memory_space<vmem>>
    %dma_start3A_135 = tpu.memref_squeeze %dma_start3A_134 : memref<1x128xi32, #tpu.memory_space<vmem>> -> memref<128xi32, #tpu.memory_space<vmem>>
    %dma_start3A_136 = arith.constant 0 : i32
    %dma_start3A_137 = arith.constant 0 : i32
    %dma_start3A_138 = tpu.memref_slice %arg2[%dma_start3A_136, %dma_start3A_137] : memref<10000x128xf32, #tpu.memory_space<hbm>> -> memref<10000x128xf32, #tpu.memory_space<hbm>>
    tpu.enqueue_indirect_dma source(%dma_start3A_138 : memref<10000x128xf32, #tpu.memory_space<hbm>>) target(%arg9 : memref<128x128xf32, #tpu.memory_space<vmem>>) offsets(%dma_start3A_135 : memref<128xi32, #tpu.memory_space<vmem>>) semaphore(%arg12 : memref<!tpu.dma_semaphore, #tpu.memory_space<semaphore_mem>>)
    %dma_wait3A_139 = arith.constant 0 : i32
    %dma_wait3A_140 = arith.constant 0 : i32
    %dma_wait3A_141 = tpu.memref_slice %arg6[%dma_wait3A_139, %dma_wait3A_140] : memref<40x128xi32, #tpu.memory_space<vmem>> -> memref<1x128xi32, #tpu.memory_space<vmem>>
    %dma_wait3A_142 = tpu.memref_squeeze %dma_wait3A_141 : memref<1x128xi32, #tpu.memory_space<vmem>> -> memref<128xi32, #tpu.memory_space<vmem>>
    %dma_wait3A_143 = arith.constant 0 : i32
    %dma_wait3A_144 = arith.constant 0 : i32
    %dma_wait3A_145 = tpu.memref_slice %arg2[%dma_wait3A_143, %dma_wait3A_144] : memref<10000x128xf32, #tpu.memory_space<hbm>> -> memref<10000x128xf32, #tpu.memory_space<hbm>>
    tpu.wait_indirect_dma semaphore(%arg11 : memref<!tpu.dma_semaphore, #tpu.memory_space<semaphore_mem>>) src(%dma_wait3A_145 : memref<10000x128xf32, #tpu.memory_space<hbm>>) dst(%arg8 : memref<128x128xf32, #tpu.memory_space<vmem>>)
    %mul3A_146 = arith.constant 640 : i32
    %mul3A_147 = arith.muli %arg1, %mul3A_146 : i32
    "tpu.region"() ({
      %run_scoped3A = tpu.sem_alloc : memref<!tpu.dma_semaphore, #tpu.memory_space<semaphore_mem>>
      %dma_start3A_230 = arith.constant 0 : i32
      %dma_start3A_231 = tpu.memref_slice %arg10[%mul3A_147, %dma_start3A_230] : memref<10080x128xf32, #tpu.memory_space<vmem_shared>> -> memref<128x128xf32, #tpu.memory_space<vmem_shared>>
      %dma_start3A_232 = arith.constant 0 : i32
      %dma_start3A_233 = tpu.memref_slice %arg10[%mul3A_147, %dma_start3A_232] : memref<10080x128xf32, #tpu.memory_space<vmem_shared>> -> memref<128x128xf32, #tpu.memory_space<vmem_shared>>
      tpu.enqueue_dma source(%arg8 : memref<128x128xf32, #tpu.memory_space<vmem>>) target(%dma_start3A_233 : memref<128x128xf32, #tpu.memory_space<vmem_shared>>) target_semaphore(%run_scoped3A : memref<!tpu.dma_semaphore, #tpu.memory_space<semaphore_mem>>)
      %dma_wait3A_234 = arith.constant 0 : i32
      %dma_wait3A_235 = tpu.memref_slice %arg10[%mul3A_147, %dma_wait3A_234] : memref<10080x128xf32, #tpu.memory_space<vmem_shared>> -> memref<128x128xf32, #tpu.memory_space<vmem_shared>>
      %dma_wait3A_236 = arith.constant 0 : i32
      %dma_wait3A_237 = tpu.memref_slice %arg10[%mul3A_147, %dma_wait3A_236] : memref<10080x128xf32, #tpu.memory_space<vmem_shared>> -> memref<128x128xf32, #tpu.memory_space<vmem_shared>>
      tpu.wait_dma2 semaphore(%run_scoped3A : memref<!tpu.dma_semaphore, #tpu.memory_space<semaphore_mem>>) src(%arg8 : memref<128x128xf32, #tpu.memory_space<vmem>>) dst(%dma_wait3A_237 : memref<128x128xf32, #tpu.memory_space<vmem_shared>>)
      tpu.yield
    }) : () -> ()
    %dma_wait3A_148 = arith.constant 0 : i32
    %dma_wait3A_149 = arith.constant 0 : i32
    %dma_wait3A_150 = tpu.memref_slice %arg6[%dma_wait3A_148, %dma_wait3A_149] : memref<40x128xi32, #tpu.memory_space<vmem>> -> memref<1x128xi32, #tpu.memory_space<vmem>>
    %dma_wait3A_151 = tpu.memref_squeeze %dma_wait3A_150 : memref<1x128xi32, #tpu.memory_space<vmem>> -> memref<128xi32, #tpu.memory_space<vmem>>
    %dma_wait3A_152 = arith.constant 0 : i32
    %dma_wait3A_153 = arith.constant 0 : i32
    %dma_wait3A_154 = tpu.memref_slice %arg2[%dma_wait3A_152, %dma_wait3A_153] : memref<10000x128xf32, #tpu.memory_space<hbm>> -> memref<10000x128xf32, #tpu.memory_space<hbm>>
    tpu.wait_indirect_dma semaphore(%arg12 : memref<!tpu.dma_semaphore, #tpu.memory_space<semaphore_mem>>) src(%dma_wait3A_154 : memref<10000x128xf32, #tpu.memory_space<hbm>>) dst(%arg9 : memref<128x128xf32, #tpu.memory_space<vmem>>)
    %mul3A_155 = arith.constant 640 : i32
    %mul3A_156 = arith.muli %arg1, %mul3A_155 : i32
    "tpu.region"() ({
      %run_scoped3A = tpu.sem_alloc : memref<!tpu.dma_semaphore, #tpu.memory_space<semaphore_mem>>
      %dma_start3A_230 = arith.constant 0 : i32
      %dma_start3A_231 = tpu.memref_slice %arg10[%mul3A_156, %dma_start3A_230] : memref<10080x128xf32, #tpu.memory_space<vmem_shared>> -> memref<128x128xf32, #tpu.memory_space<vmem_shared>>
      %dma_start3A_232 = arith.constant 0 : i32
      %dma_start3A_233 = tpu.memref_slice %arg10[%mul3A_156, %dma_start3A_232] : memref<10080x128xf32, #tpu.memory_space<vmem_shared>> -> memref<128x128xf32, #tpu.memory_space<vmem_shared>>
      tpu.enqueue_dma source(%arg9 : memref<128x128xf32, #tpu.memory_space<vmem>>) target(%dma_start3A_233 : memref<128x128xf32, #tpu.memory_space<vmem_shared>>) target_semaphore(%run_scoped3A : memref<!tpu.dma_semaphore, #tpu.memory_space<semaphore_mem>>)
      %dma_wait3A_234 = arith.constant 0 : i32
      %dma_wait3A_235 = tpu.memref_slice %arg10[%mul3A_156, %dma_wait3A_234] : memref<10080x128xf32, #tpu.memory_space<vmem_shared>> -> memref<128x128xf32, #tpu.memory_space<vmem_shared>>
      %dma_wait3A_236 = arith.constant 0 : i32
      %dma_wait3A_237 = tpu.memref_slice %arg10[%mul3A_156, %dma_wait3A_236] : memref<10080x128xf32, #tpu.memory_space<vmem_shared>> -> memref<128x128xf32, #tpu.memory_space<vmem_shared>>
      tpu.wait_dma2 semaphore(%run_scoped3A : memref<!tpu.dma_semaphore, #tpu.memory_space<semaphore_mem>>) src(%arg9 : memref<128x128xf32, #tpu.memory_space<vmem>>) dst(%dma_wait3A_237 : memref<128x128xf32, #tpu.memory_space<vmem_shared>>)
      tpu.yield
    }) : () -> ()
    %barrier3A_157 = arith.constant 0 : index
    tpu.barrier barrier_id(%barrier3A_157)
    %mul3A_158 = arith.constant 640 : i32
    %mul3A_159 = arith.muli %arg1, %mul3A_158 : i32
    %add3A_160 = arith.constant 0 : i32
    %add3A_161 = arith.addi %mul3A_159, %add3A_160 : i32
    %lt3A_162 = arith.constant 10000 : i32
    %lt3A_163 = arith.cmpi slt, %add3A_161, %lt3A_162 : i32
    %convert_element_type3A_164 = arith.extui %lt3A_163 : i1 to i32
    %cond3A_165 = arith.constant 0 : i32
    %cond3A_166 = arith.cmpi ne, %convert_element_type3A_164, %cond3A_165 : i32
    scf.if %cond3A_166 {
      "tpu.region"() ({
        %run_scoped3A = tpu.sem_alloc : memref<!tpu.dma_semaphore, #tpu.memory_space<semaphore_mem>>
        %dma_start3A_230 = arith.constant 0 : i32
        %dma_start3A_231 = arith.constant 0 : i32
        %dma_start3A_232 = tpu.memref_slice %arg8[%dma_start3A_230, %dma_start3A_231] : memref<128x128xf32, #tpu.memory_space<vmem>> -> memref<80x128xf32, #tpu.memory_space<vmem>>
        %dma_start3A_233 = arith.constant 0 : i32
        %dma_start3A_234 = tpu.memref_slice %arg10[%add3A_161, %dma_start3A_233] : memref<10080x128xf32, #tpu.memory_space<vmem_shared>> -> memref<80x128xf32, #tpu.memory_space<vmem_shared>>
        %dma_start3A_235 = arith.constant 0 : i32
        %dma_start3A_236 = arith.constant 0 : i32
        %dma_start3A_237 = tpu.memref_slice %arg8[%dma_start3A_235, %dma_start3A_236] : memref<128x128xf32, #tpu.memory_space<vmem>> -> memref<80x128xf32, #tpu.memory_space<vmem>>
        %dma_start3A_238 = arith.constant 0 : i32
        %dma_start3A_239 = tpu.memref_slice %arg10[%add3A_161, %dma_start3A_238] : memref<10080x128xf32, #tpu.memory_space<vmem_shared>> -> memref<80x128xf32, #tpu.memory_space<vmem_shared>>
        tpu.enqueue_dma source(%dma_start3A_239 : memref<80x128xf32, #tpu.memory_space<vmem_shared>>) target(%dma_start3A_237 : memref<80x128xf32, #tpu.memory_space<vmem>>) target_semaphore(%run_scoped3A : memref<!tpu.dma_semaphore, #tpu.memory_space<semaphore_mem>>)
        %dma_wait3A_240 = arith.constant 0 : i32
        %dma_wait3A_241 = arith.constant 0 : i32
        %dma_wait3A_242 = tpu.memref_slice %arg8[%dma_wait3A_240, %dma_wait3A_241] : memref<128x128xf32, #tpu.memory_space<vmem>> -> memref<80x128xf32, #tpu.memory_space<vmem>>
        %dma_wait3A_243 = arith.constant 0 : i32
        %dma_wait3A_244 = tpu.memref_slice %arg10[%add3A_161, %dma_wait3A_243] : memref<10080x128xf32, #tpu.memory_space<vmem_shared>> -> memref<80x128xf32, #tpu.memory_space<vmem_shared>>
        %dma_wait3A_245 = arith.constant 0 : i32
        %dma_wait3A_246 = arith.constant 0 : i32
        %dma_wait3A_247 = tpu.memref_slice %arg8[%dma_wait3A_245, %dma_wait3A_246] : memref<128x128xf32, #tpu.memory_space<vmem>> -> memref<80x128xf32, #tpu.memory_space<vmem>>
        %dma_wait3A_248 = arith.constant 0 : i32
        %dma_wait3A_249 = tpu.memref_slice %arg10[%add3A_161, %dma_wait3A_248] : memref<10080x128xf32, #tpu.memory_space<vmem_shared>> -> memref<80x128xf32, #tpu.memory_space<vmem_shared>>
        tpu.wait_dma2 semaphore(%run_scoped3A : memref<!tpu.dma_semaphore, #tpu.memory_space<semaphore_mem>>) src(%dma_wait3A_249 : memref<80x128xf32, #tpu.memory_space<vmem_shared>>) dst(%dma_wait3A_247 : memref<80x128xf32, #tpu.memory_space<vmem>>)
        tpu.yield
      }) : () -> ()
      "tpu.region"() ({
        %run_scoped3A = tpu.sem_alloc : memref<!tpu.dma_semaphore, #tpu.memory_space<semaphore_mem>>
        %dma_start3A_230 = arith.constant 0 : i32
        %dma_start3A_231 = arith.constant 0 : i32
        %dma_start3A_232 = tpu.memref_slice %arg8[%dma_start3A_230, %dma_start3A_231] : memref<128x128xf32, #tpu.memory_space<vmem>> -> memref<80x128xf32, #tpu.memory_space<vmem>>
        %dma_start3A_233 = arith.constant 0 : i32
        %dma_start3A_234 = tpu.memref_slice %arg5[%arg0, %add3A_161, %dma_start3A_233] : memref<2x10000x128xf32, #tpu.memory_space<hbm>> -> memref<1x80x128xf32, #tpu.memory_space<hbm>>
        %dma_start3A_235 = tpu.memref_squeeze %dma_start3A_234 : memref<1x80x128xf32, #tpu.memory_space<hbm>> -> memref<80x128xf32, #tpu.memory_space<hbm>>
        %dma_start3A_236 = arith.constant 0 : i32
        %dma_start3A_237 = tpu.memref_slice %arg5[%arg0, %add3A_161, %dma_start3A_236] : memref<2x10000x128xf32, #tpu.memory_space<hbm>> -> memref<1x80x128xf32, #tpu.memory_space<hbm>>
        %dma_start3A_238 = tpu.memref_squeeze %dma_start3A_237 : memref<1x80x128xf32, #tpu.memory_space<hbm>> -> memref<80x128xf32, #tpu.memory_space<hbm>>
        %dma_start3A_239 = arith.constant 0 : i32
        %dma_start3A_240 = arith.constant 0 : i32
        %dma_start3A_241 = tpu.memref_slice %arg8[%dma_start3A_239, %dma_start3A_240] : memref<128x128xf32, #tpu.memory_space<vmem>> -> memref<80x128xf32, #tpu.memory_space<vmem>>
        tpu.enqueue_dma source(%dma_start3A_241 : memref<80x128xf32, #tpu.memory_space<vmem>>) target(%dma_start3A_238 : memref<80x128xf32, #tpu.memory_space<hbm>>) target_semaphore(%run_scoped3A : memref<!tpu.dma_semaphore, #tpu.memory_space<semaphore_mem>>)
        %dma_wait3A_242 = arith.constant 0 : i32
        %dma_wait3A_243 = arith.constant 0 : i32
        %dma_wait3A_244 = tpu.memref_slice %arg8[%dma_wait3A_242, %dma_wait3A_243] : memref<128x128xf32, #tpu.memory_space<vmem>> -> memref<80x128xf32, #tpu.memory_space<vmem>>
        %dma_wait3A_245 = arith.constant 0 : i32
        %dma_wait3A_246 = tpu.memref_slice %arg5[%arg0, %add3A_161, %dma_wait3A_245] : memref<2x10000x128xf32, #tpu.memory_space<hbm>> -> memref<1x80x128xf32, #tpu.memory_space<hbm>>
        %dma_wait3A_247 = tpu.memref_squeeze %dma_wait3A_246 : memref<1x80x128xf32, #tpu.memory_space<hbm>> -> memref<80x128xf32, #tpu.memory_space<hbm>>
        %dma_wait3A_248 = arith.constant 0 : i32
        %dma_wait3A_249 = tpu.memref_slice %arg5[%arg0, %add3A_161, %dma_wait3A_248] : memref<2x10000x128xf32, #tpu.memory_space<hbm>> -> memref<1x80x128xf32, #tpu.memory_space<hbm>>
        %dma_wait3A_250 = tpu.memref_squeeze %dma_wait3A_249 : memref<1x80x128xf32, #tpu.memory_space<hbm>> -> memref<80x128xf32, #tpu.memory_space<hbm>>
        %dma_wait3A_251 = arith.constant 0 : i32
        %dma_wait3A_252 = arith.constant 0 : i32
        %dma_wait3A_253 = tpu.memref_slice %arg8[%dma_wait3A_251, %dma_wait3A_252] : memref<128x128xf32, #tpu.memory_space<vmem>> -> memref<80x128xf32, #tpu.memory_space<vmem>>
        tpu.wait_dma2 semaphore(%run_scoped3A : memref<!tpu.dma_semaphore, #tpu.memory_space<semaphore_mem>>) src(%dma_wait3A_253 : memref<80x128xf32, #tpu.memory_space<vmem>>) dst(%dma_wait3A_250 : memref<80x128xf32, #tpu.memory_space<hbm>>)
        tpu.yield
      }) : () -> ()
    } else {
    }
    %mul3A_167 = arith.constant 640 : i32
    %mul3A_168 = arith.muli %arg1, %mul3A_167 : i32
    %add3A_169 = arith.constant 80 : i32
    %add3A_170 = arith.addi %mul3A_168, %add3A_169 : i32
    %lt3A_171 = arith.constant 10000 : i32
    %lt3A_172 = arith.cmpi slt, %add3A_170, %lt3A_171 : i32
    %convert_element_type3A_173 = arith.extui %lt3A_172 : i1 to i32
    %cond3A_174 = arith.constant 0 : i32
    %cond3A_175 = arith.cmpi ne, %convert_element_type3A_173, %cond3A_174 : i32
    scf.if %cond3A_175 {
      "tpu.region"() ({
        %run_scoped3A = tpu.sem_alloc : memref<!tpu.dma_semaphore, #tpu.memory_space<semaphore_mem>>
        %dma_start3A_230 = arith.constant 0 : i32
        %dma_start3A_231 = arith.constant 0 : i32
        %dma_start3A_232 = tpu.memref_slice %arg8[%dma_start3A_230, %dma_start3A_231] : memref<128x128xf32, #tpu.memory_space<vmem>> -> memref<80x128xf32, #tpu.memory_space<vmem>>
        %dma_start3A_233 = arith.constant 0 : i32
        %dma_start3A_234 = tpu.memref_slice %arg10[%add3A_170, %dma_start3A_233] : memref<10080x128xf32, #tpu.memory_space<vmem_shared>> -> memref<80x128xf32, #tpu.memory_space<vmem_shared>>
        %dma_start3A_235 = arith.constant 0 : i32
        %dma_start3A_236 = arith.constant 0 : i32
        %dma_start3A_237 = tpu.memref_slice %arg8[%dma_start3A_235, %dma_start3A_236] : memref<128x128xf32, #tpu.memory_space<vmem>> -> memref<80x128xf32, #tpu.memory_space<vmem>>
        %dma_start3A_238 = arith.constant 0 : i32
        %dma_start3A_239 = tpu.memref_slice %arg10[%add3A_170, %dma_start3A_238] : memref<10080x128xf32, #tpu.memory_space<vmem_shared>> -> memref<80x128xf32, #tpu.memory_space<vmem_shared>>
        tpu.enqueue_dma source(%dma_start3A_239 : memref<80x128xf32, #tpu.memory_space<vmem_shared>>) target(%dma_start3A_237 : memref<80x128xf32, #tpu.memory_space<vmem>>) target_semaphore(%run_scoped3A : memref<!tpu.dma_semaphore, #tpu.memory_space<semaphore_mem>>)
        %dma_wait3A_240 = arith.constant 0 : i32
        %dma_wait3A_241 = arith.constant 0 : i32
        %dma_wait3A_242 = tpu.memref_slice %arg8[%dma_wait3A_240, %dma_wait3A_241] : memref<128x128xf32, #tpu.memory_space<vmem>> -> memref<80x128xf32, #tpu.memory_space<vmem>>
        %dma_wait3A_243 = arith.constant 0 : i32
        %dma_wait3A_244 = tpu.memref_slice %arg10[%add3A_170, %dma_wait3A_243] : memref<10080x128xf32, #tpu.memory_space<vmem_shared>> -> memref<80x128xf32, #tpu.memory_space<vmem_shared>>
        %dma_wait3A_245 = arith.constant 0 : i32
        %dma_wait3A_246 = arith.constant 0 : i32
        %dma_wait3A_247 = tpu.memref_slice %arg8[%dma_wait3A_245, %dma_wait3A_246] : memref<128x128xf32, #tpu.memory_space<vmem>> -> memref<80x128xf32, #tpu.memory_space<vmem>>
        %dma_wait3A_248 = arith.constant 0 : i32
        %dma_wait3A_249 = tpu.memref_slice %arg10[%add3A_170, %dma_wait3A_248] : memref<10080x128xf32, #tpu.memory_space<vmem_shared>> -> memref<80x128xf32, #tpu.memory_space<vmem_shared>>
        tpu.wait_dma2 semaphore(%run_scoped3A : memref<!tpu.dma_semaphore, #tpu.memory_space<semaphore_mem>>) src(%dma_wait3A_249 : memref<80x128xf32, #tpu.memory_space<vmem_shared>>) dst(%dma_wait3A_247 : memref<80x128xf32, #tpu.memory_space<vmem>>)
        tpu.yield
      }) : () -> ()
      "tpu.region"() ({
        %run_scoped3A = tpu.sem_alloc : memref<!tpu.dma_semaphore, #tpu.memory_space<semaphore_mem>>
        %dma_start3A_230 = arith.constant 0 : i32
        %dma_start3A_231 = arith.constant 0 : i32
        %dma_start3A_232 = tpu.memref_slice %arg8[%dma_start3A_230, %dma_start3A_231] : memref<128x128xf32, #tpu.memory_space<vmem>> -> memref<80x128xf32, #tpu.memory_space<vmem>>
        %dma_start3A_233 = arith.constant 0 : i32
        %dma_start3A_234 = tpu.memref_slice %arg5[%arg0, %add3A_170, %dma_start3A_233] : memref<2x10000x128xf32, #tpu.memory_space<hbm>> -> memref<1x80x128xf32, #tpu.memory_space<hbm>>
        %dma_start3A_235 = tpu.memref_squeeze %dma_start3A_234 : memref<1x80x128xf32, #tpu.memory_space<hbm>> -> memref<80x128xf32, #tpu.memory_space<hbm>>
        %dma_start3A_236 = arith.constant 0 : i32
        %dma_start3A_237 = tpu.memref_slice %arg5[%arg0, %add3A_170, %dma_start3A_236] : memref<2x10000x128xf32, #tpu.memory_space<hbm>> -> memref<1x80x128xf32, #tpu.memory_space<hbm>>
        %dma_start3A_238 = tpu.memref_squeeze %dma_start3A_237 : memref<1x80x128xf32, #tpu.memory_space<hbm>> -> memref<80x128xf32, #tpu.memory_space<hbm>>
        %dma_start3A_239 = arith.constant 0 : i32
        %dma_start3A_240 = arith.constant 0 : i32
        %dma_start3A_241 = tpu.memref_slice %arg8[%dma_start3A_239, %dma_start3A_240] : memref<128x128xf32, #tpu.memory_space<vmem>> -> memref<80x128xf32, #tpu.memory_space<vmem>>
        tpu.enqueue_dma source(%dma_start3A_241 : memref<80x128xf32, #tpu.memory_space<vmem>>) target(%dma_start3A_238 : memref<80x128xf32, #tpu.memory_space<hbm>>) target_semaphore(%run_scoped3A : memref<!tpu.dma_semaphore, #tpu.memory_space<semaphore_mem>>)
        %dma_wait3A_242 = arith.constant 0 : i32
        %dma_wait3A_243 = arith.constant 0 : i32
        %dma_wait3A_244 = tpu.memref_slice %arg8[%dma_wait3A_242, %dma_wait3A_243] : memref<128x128xf32, #tpu.memory_space<vmem>> -> memref<80x128xf32, #tpu.memory_space<vmem>>
        %dma_wait3A_245 = arith.constant 0 : i32
        %dma_wait3A_246 = tpu.memref_slice %arg5[%arg0, %add3A_170, %dma_wait3A_245] : memref<2x10000x128xf32, #tpu.memory_space<hbm>> -> memref<1x80x128xf32, #tpu.memory_space<hbm>>
        %dma_wait3A_247 = tpu.memref_squeeze %dma_wait3A_246 : memref<1x80x128xf32, #tpu.memory_space<hbm>> -> memref<80x128xf32, #tpu.memory_space<hbm>>
        %dma_wait3A_248 = arith.constant 0 : i32
        %dma_wait3A_249 = tpu.memref_slice %arg5[%arg0, %add3A_170, %dma_wait3A_248] : memref<2x10000x128xf32, #tpu.memory_space<hbm>> -> memref<1x80x128xf32, #tpu.memory_space<hbm>>
        %dma_wait3A_250 = tpu.memref_squeeze %dma_wait3A_249 : memref<1x80x128xf32, #tpu.memory_space<hbm>> -> memref<80x128xf32, #tpu.memory_space<hbm>>
        %dma_wait3A_251 = arith.constant 0 : i32
        %dma_wait3A_252 = arith.constant 0 : i32
        %dma_wait3A_253 = tpu.memref_slice %arg8[%dma_wait3A_251, %dma_wait3A_252] : memref<128x128xf32, #tpu.memory_space<vmem>> -> memref<80x128xf32, #tpu.memory_space<vmem>>
        tpu.wait_dma2 semaphore(%run_scoped3A : memref<!tpu.dma_semaphore, #tpu.memory_space<semaphore_mem>>) src(%dma_wait3A_253 : memref<80x128xf32, #tpu.memory_space<vmem>>) dst(%dma_wait3A_250 : memref<80x128xf32, #tpu.memory_space<hbm>>)
        tpu.yield
      }) : () -> ()
    } else {
    }
    %mul3A_176 = arith.constant 640 : i32
    %mul3A_177 = arith.muli %arg1, %mul3A_176 : i32
    %add3A_178 = arith.constant 160 : i32
    %add3A_179 = arith.addi %mul3A_177, %add3A_178 : i32
    %lt3A_180 = arith.constant 10000 : i32
    %lt3A_181 = arith.cmpi slt, %add3A_179, %lt3A_180 : i32
    %convert_element_type3A_182 = arith.extui %lt3A_181 : i1 to i32
    %cond3A_183 = arith.constant 0 : i32
    %cond3A_184 = arith.cmpi ne, %convert_element_type3A_182, %cond3A_183 : i32
    scf.if %cond3A_184 {
      "tpu.region"() ({
        %run_scoped3A = tpu.sem_alloc : memref<!tpu.dma_semaphore, #tpu.memory_space<semaphore_mem>>
        %dma_start3A_230 = arith.constant 0 : i32
        %dma_start3A_231 = arith.constant 0 : i32
        %dma_start3A_232 = tpu.memref_slice %arg8[%dma_start3A_230, %dma_start3A_231] : memref<128x128xf32, #tpu.memory_space<vmem>> -> memref<80x128xf32, #tpu.memory_space<vmem>>
        %dma_start3A_233 = arith.constant 0 : i32
        %dma_start3A_234 = tpu.memref_slice %arg10[%add3A_179, %dma_start3A_233] : memref<10080x128xf32, #tpu.memory_space<vmem_shared>> -> memref<80x128xf32, #tpu.memory_space<vmem_shared>>
        %dma_start3A_235 = arith.constant 0 : i32
        %dma_start3A_236 = arith.constant 0 : i32
        %dma_start3A_237 = tpu.memref_slice %arg8[%dma_start3A_235, %dma_start3A_236] : memref<128x128xf32, #tpu.memory_space<vmem>> -> memref<80x128xf32, #tpu.memory_space<vmem>>
        %dma_start3A_238 = arith.constant 0 : i32
        %dma_start3A_239 = tpu.memref_slice %arg10[%add3A_179, %dma_start3A_238] : memref<10080x128xf32, #tpu.memory_space<vmem_shared>> -> memref<80x128xf32, #tpu.memory_space<vmem_shared>>
        tpu.enqueue_dma source(%dma_start3A_239 : memref<80x128xf32, #tpu.memory_space<vmem_shared>>) target(%dma_start3A_237 : memref<80x128xf32, #tpu.memory_space<vmem>>) target_semaphore(%run_scoped3A : memref<!tpu.dma_semaphore, #tpu.memory_space<semaphore_mem>>)
        %dma_wait3A_240 = arith.constant 0 : i32
        %dma_wait3A_241 = arith.constant 0 : i32
        %dma_wait3A_242 = tpu.memref_slice %arg8[%dma_wait3A_240, %dma_wait3A_241] : memref<128x128xf32, #tpu.memory_space<vmem>> -> memref<80x128xf32, #tpu.memory_space<vmem>>
        %dma_wait3A_243 = arith.constant 0 : i32
        %dma_wait3A_244 = tpu.memref_slice %arg10[%add3A_179, %dma_wait3A_243] : memref<10080x128xf32, #tpu.memory_space<vmem_shared>> -> memref<80x128xf32, #tpu.memory_space<vmem_shared>>
        %dma_wait3A_245 = arith.constant 0 : i32
        %dma_wait3A_246 = arith.constant 0 : i32
        %dma_wait3A_247 = tpu.memref_slice %arg8[%dma_wait3A_245, %dma_wait3A_246] : memref<128x128xf32, #tpu.memory_space<vmem>> -> memref<80x128xf32, #tpu.memory_space<vmem>>
        %dma_wait3A_248 = arith.constant 0 : i32
        %dma_wait3A_249 = tpu.memref_slice %arg10[%add3A_179, %dma_wait3A_248] : memref<10080x128xf32, #tpu.memory_space<vmem_shared>> -> memref<80x128xf32, #tpu.memory_space<vmem_shared>>
        tpu.wait_dma2 semaphore(%run_scoped3A : memref<!tpu.dma_semaphore, #tpu.memory_space<semaphore_mem>>) src(%dma_wait3A_249 : memref<80x128xf32, #tpu.memory_space<vmem_shared>>) dst(%dma_wait3A_247 : memref<80x128xf32, #tpu.memory_space<vmem>>)
        tpu.yield
      }) : () -> ()
      "tpu.region"() ({
        %run_scoped3A = tpu.sem_alloc : memref<!tpu.dma_semaphore, #tpu.memory_space<semaphore_mem>>
        %dma_start3A_230 = arith.constant 0 : i32
        %dma_start3A_231 = arith.constant 0 : i32
        %dma_start3A_232 = tpu.memref_slice %arg8[%dma_start3A_230, %dma_start3A_231] : memref<128x128xf32, #tpu.memory_space<vmem>> -> memref<80x128xf32, #tpu.memory_space<vmem>>
        %dma_start3A_233 = arith.constant 0 : i32
        %dma_start3A_234 = tpu.memref_slice %arg5[%arg0, %add3A_179, %dma_start3A_233] : memref<2x10000x128xf32, #tpu.memory_space<hbm>> -> memref<1x80x128xf32, #tpu.memory_space<hbm>>
        %dma_start3A_235 = tpu.memref_squeeze %dma_start3A_234 : memref<1x80x128xf32, #tpu.memory_space<hbm>> -> memref<80x128xf32, #tpu.memory_space<hbm>>
        %dma_start3A_236 = arith.constant 0 : i32
        %dma_start3A_237 = tpu.memref_slice %arg5[%arg0, %add3A_179, %dma_start3A_236] : memref<2x10000x128xf32, #tpu.memory_space<hbm>> -> memref<1x80x128xf32, #tpu.memory_space<hbm>>
        %dma_start3A_238 = tpu.memref_squeeze %dma_start3A_237 : memref<1x80x128xf32, #tpu.memory_space<hbm>> -> memref<80x128xf32, #tpu.memory_space<hbm>>
        %dma_start3A_239 = arith.constant 0 : i32
        %dma_start3A_240 = arith.constant 0 : i32
        %dma_start3A_241 = tpu.memref_slice %arg8[%dma_start3A_239, %dma_start3A_240] : memref<128x128xf32, #tpu.memory_space<vmem>> -> memref<80x128xf32, #tpu.memory_space<vmem>>
        tpu.enqueue_dma source(%dma_start3A_241 : memref<80x128xf32, #tpu.memory_space<vmem>>) target(%dma_start3A_238 : memref<80x128xf32, #tpu.memory_space<hbm>>) target_semaphore(%run_scoped3A : memref<!tpu.dma_semaphore, #tpu.memory_space<semaphore_mem>>)
        %dma_wait3A_242 = arith.constant 0 : i32
        %dma_wait3A_243 = arith.constant 0 : i32
        %dma_wait3A_244 = tpu.memref_slice %arg8[%dma_wait3A_242, %dma_wait3A_243] : memref<128x128xf32, #tpu.memory_space<vmem>> -> memref<80x128xf32, #tpu.memory_space<vmem>>
        %dma_wait3A_245 = arith.constant 0 : i32
        %dma_wait3A_246 = tpu.memref_slice %arg5[%arg0, %add3A_179, %dma_wait3A_245] : memref<2x10000x128xf32, #tpu.memory_space<hbm>> -> memref<1x80x128xf32, #tpu.memory_space<hbm>>
        %dma_wait3A_247 = tpu.memref_squeeze %dma_wait3A_246 : memref<1x80x128xf32, #tpu.memory_space<hbm>> -> memref<80x128xf32, #tpu.memory_space<hbm>>
        %dma_wait3A_248 = arith.constant 0 : i32
        %dma_wait3A_249 = tpu.memref_slice %arg5[%arg0, %add3A_179, %dma_wait3A_248] : memref<2x10000x128xf32, #tpu.memory_space<hbm>> -> memref<1x80x128xf32, #tpu.memory_space<hbm>>
        %dma_wait3A_250 = tpu.memref_squeeze %dma_wait3A_249 : memref<1x80x128xf32, #tpu.memory_space<hbm>> -> memref<80x128xf32, #tpu.memory_space<hbm>>
        %dma_wait3A_251 = arith.constant 0 : i32
        %dma_wait3A_252 = arith.constant 0 : i32
        %dma_wait3A_253 = tpu.memref_slice %arg8[%dma_wait3A_251, %dma_wait3A_252] : memref<128x128xf32, #tpu.memory_space<vmem>> -> memref<80x128xf32, #tpu.memory_space<vmem>>
        tpu.wait_dma2 semaphore(%run_scoped3A : memref<!tpu.dma_semaphore, #tpu.memory_space<semaphore_mem>>) src(%dma_wait3A_253 : memref<80x128xf32, #tpu.memory_space<vmem>>) dst(%dma_wait3A_250 : memref<80x128xf32, #tpu.memory_space<hbm>>)
        tpu.yield
      }) : () -> ()
    } else {
    }
    %mul3A_185 = arith.constant 640 : i32
    %mul3A_186 = arith.muli %arg1, %mul3A_185 : i32
    %add3A_187 = arith.constant 240 : i32
    %add3A_188 = arith.addi %mul3A_186, %add3A_187 : i32
    %lt3A_189 = arith.constant 10000 : i32
    %lt3A_190 = arith.cmpi slt, %add3A_188, %lt3A_189 : i32
    %convert_element_type3A_191 = arith.extui %lt3A_190 : i1 to i32
    %cond3A_192 = arith.constant 0 : i32
    %cond3A_193 = arith.cmpi ne, %convert_element_type3A_191, %cond3A_192 : i32
    scf.if %cond3A_193 {
      "tpu.region"() ({
        %run_scoped3A = tpu.sem_alloc : memref<!tpu.dma_semaphore, #tpu.memory_space<semaphore_mem>>
        %dma_start3A_230 = arith.constant 0 : i32
        %dma_start3A_231 = arith.constant 0 : i32
        %dma_start3A_232 = tpu.memref_slice %arg8[%dma_start3A_230, %dma_start3A_231] : memref<128x128xf32, #tpu.memory_space<vmem>> -> memref<80x128xf32, #tpu.memory_space<vmem>>
        %dma_start3A_233 = arith.constant 0 : i32
        %dma_start3A_234 = tpu.memref_slice %arg10[%add3A_188, %dma_start3A_233] : memref<10080x128xf32, #tpu.memory_space<vmem_shared>> -> memref<80x128xf32, #tpu.memory_space<vmem_shared>>
        %dma_start3A_235 = arith.constant 0 : i32
        %dma_start3A_236 = arith.constant 0 : i32
        %dma_start3A_237 = tpu.memref_slice %arg8[%dma_start3A_235, %dma_start3A_236] : memref<128x128xf32, #tpu.memory_space<vmem>> -> memref<80x128xf32, #tpu.memory_space<vmem>>
        %dma_start3A_238 = arith.constant 0 : i32
        %dma_start3A_239 = tpu.memref_slice %arg10[%add3A_188, %dma_start3A_238] : memref<10080x128xf32, #tpu.memory_space<vmem_shared>> -> memref<80x128xf32, #tpu.memory_space<vmem_shared>>
        tpu.enqueue_dma source(%dma_start3A_239 : memref<80x128xf32, #tpu.memory_space<vmem_shared>>) target(%dma_start3A_237 : memref<80x128xf32, #tpu.memory_space<vmem>>) target_semaphore(%run_scoped3A : memref<!tpu.dma_semaphore, #tpu.memory_space<semaphore_mem>>)
        %dma_wait3A_240 = arith.constant 0 : i32
        %dma_wait3A_241 = arith.constant 0 : i32
        %dma_wait3A_242 = tpu.memref_slice %arg8[%dma_wait3A_240, %dma_wait3A_241] : memref<128x128xf32, #tpu.memory_space<vmem>> -> memref<80x128xf32, #tpu.memory_space<vmem>>
        %dma_wait3A_243 = arith.constant 0 : i32
        %dma_wait3A_244 = tpu.memref_slice %arg10[%add3A_188, %dma_wait3A_243] : memref<10080x128xf32, #tpu.memory_space<vmem_shared>> -> memref<80x128xf32, #tpu.memory_space<vmem_shared>>
        %dma_wait3A_245 = arith.constant 0 : i32
        %dma_wait3A_246 = arith.constant 0 : i32
        %dma_wait3A_247 = tpu.memref_slice %arg8[%dma_wait3A_245, %dma_wait3A_246] : memref<128x128xf32, #tpu.memory_space<vmem>> -> memref<80x128xf32, #tpu.memory_space<vmem>>
        %dma_wait3A_248 = arith.constant 0 : i32
        %dma_wait3A_249 = tpu.memref_slice %arg10[%add3A_188, %dma_wait3A_248] : memref<10080x128xf32, #tpu.memory_space<vmem_shared>> -> memref<80x128xf32, #tpu.memory_space<vmem_shared>>
        tpu.wait_dma2 semaphore(%run_scoped3A : memref<!tpu.dma_semaphore, #tpu.memory_space<semaphore_mem>>) src(%dma_wait3A_249 : memref<80x128xf32, #tpu.memory_space<vmem_shared>>) dst(%dma_wait3A_247 : memref<80x128xf32, #tpu.memory_space<vmem>>)
        tpu.yield
      }) : () -> ()
      "tpu.region"() ({
        %run_scoped3A = tpu.sem_alloc : memref<!tpu.dma_semaphore, #tpu.memory_space<semaphore_mem>>
        %dma_start3A_230 = arith.constant 0 : i32
        %dma_start3A_231 = arith.constant 0 : i32
        %dma_start3A_232 = tpu.memref_slice %arg8[%dma_start3A_230, %dma_start3A_231] : memref<128x128xf32, #tpu.memory_space<vmem>> -> memref<80x128xf32, #tpu.memory_space<vmem>>
        %dma_start3A_233 = arith.constant 0 : i32
        %dma_start3A_234 = tpu.memref_slice %arg5[%arg0, %add3A_188, %dma_start3A_233] : memref<2x10000x128xf32, #tpu.memory_space<hbm>> -> memref<1x80x128xf32, #tpu.memory_space<hbm>>
        %dma_start3A_235 = tpu.memref_squeeze %dma_start3A_234 : memref<1x80x128xf32, #tpu.memory_space<hbm>> -> memref<80x128xf32, #tpu.memory_space<hbm>>
        %dma_start3A_236 = arith.constant 0 : i32
        %dma_start3A_237 = tpu.memref_slice %arg5[%arg0, %add3A_188, %dma_start3A_236] : memref<2x10000x128xf32, #tpu.memory_space<hbm>> -> memref<1x80x128xf32, #tpu.memory_space<hbm>>
        %dma_start3A_238 = tpu.memref_squeeze %dma_start3A_237 : memref<1x80x128xf32, #tpu.memory_space<hbm>> -> memref<80x128xf32, #tpu.memory_space<hbm>>
        %dma_start3A_239 = arith.constant 0 : i32
        %dma_start3A_240 = arith.constant 0 : i32
        %dma_start3A_241 = tpu.memref_slice %arg8[%dma_start3A_239, %dma_start3A_240] : memref<128x128xf32, #tpu.memory_space<vmem>> -> memref<80x128xf32, #tpu.memory_space<vmem>>
        tpu.enqueue_dma source(%dma_start3A_241 : memref<80x128xf32, #tpu.memory_space<vmem>>) target(%dma_start3A_238 : memref<80x128xf32, #tpu.memory_space<hbm>>) target_semaphore(%run_scoped3A : memref<!tpu.dma_semaphore, #tpu.memory_space<semaphore_mem>>)
        %dma_wait3A_242 = arith.constant 0 : i32
        %dma_wait3A_243 = arith.constant 0 : i32
        %dma_wait3A_244 = tpu.memref_slice %arg8[%dma_wait3A_242, %dma_wait3A_243] : memref<128x128xf32, #tpu.memory_space<vmem>> -> memref<80x128xf32, #tpu.memory_space<vmem>>
        %dma_wait3A_245 = arith.constant 0 : i32
        %dma_wait3A_246 = tpu.memref_slice %arg5[%arg0, %add3A_188, %dma_wait3A_245] : memref<2x10000x128xf32, #tpu.memory_space<hbm>> -> memref<1x80x128xf32, #tpu.memory_space<hbm>>
        %dma_wait3A_247 = tpu.memref_squeeze %dma_wait3A_246 : memref<1x80x128xf32, #tpu.memory_space<hbm>> -> memref<80x128xf32, #tpu.memory_space<hbm>>
        %dma_wait3A_248 = arith.constant 0 : i32
        %dma_wait3A_249 = tpu.memref_slice %arg5[%arg0, %add3A_188, %dma_wait3A_248] : memref<2x10000x128xf32, #tpu.memory_space<hbm>> -> memref<1x80x128xf32, #tpu.memory_space<hbm>>
        %dma_wait3A_250 = tpu.memref_squeeze %dma_wait3A_249 : memref<1x80x128xf32, #tpu.memory_space<hbm>> -> memref<80x128xf32, #tpu.memory_space<hbm>>
        %dma_wait3A_251 = arith.constant 0 : i32
        %dma_wait3A_252 = arith.constant 0 : i32
        %dma_wait3A_253 = tpu.memref_slice %arg8[%dma_wait3A_251, %dma_wait3A_252] : memref<128x128xf32, #tpu.memory_space<vmem>> -> memref<80x128xf32, #tpu.memory_space<vmem>>
        tpu.wait_dma2 semaphore(%run_scoped3A : memref<!tpu.dma_semaphore, #tpu.memory_space<semaphore_mem>>) src(%dma_wait3A_253 : memref<80x128xf32, #tpu.memory_space<vmem>>) dst(%dma_wait3A_250 : memref<80x128xf32, #tpu.memory_space<hbm>>)
        tpu.yield
      }) : () -> ()
    } else {
    }
    %mul3A_194 = arith.constant 640 : i32
    %mul3A_195 = arith.muli %arg1, %mul3A_194 : i32
    %add3A_196 = arith.constant 320 : i32
    %add3A_197 = arith.addi %mul3A_195, %add3A_196 : i32
    %lt3A_198 = arith.constant 10000 : i32
    %lt3A_199 = arith.cmpi slt, %add3A_197, %lt3A_198 : i32
    %convert_element_type3A_200 = arith.extui %lt3A_199 : i1 to i32
    %cond3A_201 = arith.constant 0 : i32
    %cond3A_202 = arith.cmpi ne, %convert_element_type3A_200, %cond3A_201 : i32
    scf.if %cond3A_202 {
      "tpu.region"() ({
        %run_scoped3A = tpu.sem_alloc : memref<!tpu.dma_semaphore, #tpu.memory_space<semaphore_mem>>
        %dma_start3A_230 = arith.constant 0 : i32
        %dma_start3A_231 = arith.constant 0 : i32
        %dma_start3A_232 = tpu.memref_slice %arg8[%dma_start3A_230, %dma_start3A_231] : memref<128x128xf32, #tpu.memory_space<vmem>> -> memref<80x128xf32, #tpu.memory_space<vmem>>
        %dma_start3A_233 = arith.constant 0 : i32
        %dma_start3A_234 = tpu.memref_slice %arg10[%add3A_197, %dma_start3A_233] : memref<10080x128xf32, #tpu.memory_space<vmem_shared>> -> memref<80x128xf32, #tpu.memory_space<vmem_shared>>
        %dma_start3A_235 = arith.constant 0 : i32
        %dma_start3A_236 = arith.constant 0 : i32
        %dma_start3A_237 = tpu.memref_slice %arg8[%dma_start3A_235, %dma_start3A_236] : memref<128x128xf32, #tpu.memory_space<vmem>> -> memref<80x128xf32, #tpu.memory_space<vmem>>
        %dma_start3A_238 = arith.constant 0 : i32
        %dma_start3A_239 = tpu.memref_slice %arg10[%add3A_197, %dma_start3A_238] : memref<10080x128xf32, #tpu.memory_space<vmem_shared>> -> memref<80x128xf32, #tpu.memory_space<vmem_shared>>
        tpu.enqueue_dma source(%dma_start3A_239 : memref<80x128xf32, #tpu.memory_space<vmem_shared>>) target(%dma_start3A_237 : memref<80x128xf32, #tpu.memory_space<vmem>>) target_semaphore(%run_scoped3A : memref<!tpu.dma_semaphore, #tpu.memory_space<semaphore_mem>>)
        %dma_wait3A_240 = arith.constant 0 : i32
        %dma_wait3A_241 = arith.constant 0 : i32
        %dma_wait3A_242 = tpu.memref_slice %arg8[%dma_wait3A_240, %dma_wait3A_241] : memref<128x128xf32, #tpu.memory_space<vmem>> -> memref<80x128xf32, #tpu.memory_space<vmem>>
        %dma_wait3A_243 = arith.constant 0 : i32
        %dma_wait3A_244 = tpu.memref_slice %arg10[%add3A_197, %dma_wait3A_243] : memref<10080x128xf32, #tpu.memory_space<vmem_shared>> -> memref<80x128xf32, #tpu.memory_space<vmem_shared>>
        %dma_wait3A_245 = arith.constant 0 : i32
        %dma_wait3A_246 = arith.constant 0 : i32
        %dma_wait3A_247 = tpu.memref_slice %arg8[%dma_wait3A_245, %dma_wait3A_246] : memref<128x128xf32, #tpu.memory_space<vmem>> -> memref<80x128xf32, #tpu.memory_space<vmem>>
        %dma_wait3A_248 = arith.constant 0 : i32
        %dma_wait3A_249 = tpu.memref_slice %arg10[%add3A_197, %dma_wait3A_248] : memref<10080x128xf32, #tpu.memory_space<vmem_shared>> -> memref<80x128xf32, #tpu.memory_space<vmem_shared>>
        tpu.wait_dma2 semaphore(%run_scoped3A : memref<!tpu.dma_semaphore, #tpu.memory_space<semaphore_mem>>) src(%dma_wait3A_249 : memref<80x128xf32, #tpu.memory_space<vmem_shared>>) dst(%dma_wait3A_247 : memref<80x128xf32, #tpu.memory_space<vmem>>)
        tpu.yield
      }) : () -> ()
      "tpu.region"() ({
        %run_scoped3A = tpu.sem_alloc : memref<!tpu.dma_semaphore, #tpu.memory_space<semaphore_mem>>
        %dma_start3A_230 = arith.constant 0 : i32
        %dma_start3A_231 = arith.constant 0 : i32
        %dma_start3A_232 = tpu.memref_slice %arg8[%dma_start3A_230, %dma_start3A_231] : memref<128x128xf32, #tpu.memory_space<vmem>> -> memref<80x128xf32, #tpu.memory_space<vmem>>
        %dma_start3A_233 = arith.constant 0 : i32
        %dma_start3A_234 = tpu.memref_slice %arg5[%arg0, %add3A_197, %dma_start3A_233] : memref<2x10000x128xf32, #tpu.memory_space<hbm>> -> memref<1x80x128xf32, #tpu.memory_space<hbm>>
        %dma_start3A_235 = tpu.memref_squeeze %dma_start3A_234 : memref<1x80x128xf32, #tpu.memory_space<hbm>> -> memref<80x128xf32, #tpu.memory_space<hbm>>
        %dma_start3A_236 = arith.constant 0 : i32
        %dma_start3A_237 = tpu.memref_slice %arg5[%arg0, %add3A_197, %dma_start3A_236] : memref<2x10000x128xf32, #tpu.memory_space<hbm>> -> memref<1x80x128xf32, #tpu.memory_space<hbm>>
        %dma_start3A_238 = tpu.memref_squeeze %dma_start3A_237 : memref<1x80x128xf32, #tpu.memory_space<hbm>> -> memref<80x128xf32, #tpu.memory_space<hbm>>
        %dma_start3A_239 = arith.constant 0 : i32
        %dma_start3A_240 = arith.constant 0 : i32
        %dma_start3A_241 = tpu.memref_slice %arg8[%dma_start3A_239, %dma_start3A_240] : memref<128x128xf32, #tpu.memory_space<vmem>> -> memref<80x128xf32, #tpu.memory_space<vmem>>
        tpu.enqueue_dma source(%dma_start3A_241 : memref<80x128xf32, #tpu.memory_space<vmem>>) target(%dma_start3A_238 : memref<80x128xf32, #tpu.memory_space<hbm>>) target_semaphore(%run_scoped3A : memref<!tpu.dma_semaphore, #tpu.memory_space<semaphore_mem>>)
        %dma_wait3A_242 = arith.constant 0 : i32
        %dma_wait3A_243 = arith.constant 0 : i32
        %dma_wait3A_244 = tpu.memref_slice %arg8[%dma_wait3A_242, %dma_wait3A_243] : memref<128x128xf32, #tpu.memory_space<vmem>> -> memref<80x128xf32, #tpu.memory_space<vmem>>
        %dma_wait3A_245 = arith.constant 0 : i32
        %dma_wait3A_246 = tpu.memref_slice %arg5[%arg0, %add3A_197, %dma_wait3A_245] : memref<2x10000x128xf32, #tpu.memory_space<hbm>> -> memref<1x80x128xf32, #tpu.memory_space<hbm>>
        %dma_wait3A_247 = tpu.memref_squeeze %dma_wait3A_246 : memref<1x80x128xf32, #tpu.memory_space<hbm>> -> memref<80x128xf32, #tpu.memory_space<hbm>>
        %dma_wait3A_248 = arith.constant 0 : i32
        %dma_wait3A_249 = tpu.memref_slice %arg5[%arg0, %add3A_197, %dma_wait3A_248] : memref<2x10000x128xf32, #tpu.memory_space<hbm>> -> memref<1x80x128xf32, #tpu.memory_space<hbm>>
        %dma_wait3A_250 = tpu.memref_squeeze %dma_wait3A_249 : memref<1x80x128xf32, #tpu.memory_space<hbm>> -> memref<80x128xf32, #tpu.memory_space<hbm>>
        %dma_wait3A_251 = arith.constant 0 : i32
        %dma_wait3A_252 = arith.constant 0 : i32
        %dma_wait3A_253 = tpu.memref_slice %arg8[%dma_wait3A_251, %dma_wait3A_252] : memref<128x128xf32, #tpu.memory_space<vmem>> -> memref<80x128xf32, #tpu.memory_space<vmem>>
        tpu.wait_dma2 semaphore(%run_scoped3A : memref<!tpu.dma_semaphore, #tpu.memory_space<semaphore_mem>>) src(%dma_wait3A_253 : memref<80x128xf32, #tpu.memory_space<vmem>>) dst(%dma_wait3A_250 : memref<80x128xf32, #tpu.memory_space<hbm>>)
        tpu.yield
      }) : () -> ()
    } else {
    }
    %mul3A_203 = arith.constant 640 : i32
    %mul3A_204 = arith.muli %arg1, %mul3A_203 : i32
    %add3A_205 = arith.constant 400 : i32
    %add3A_206 = arith.addi %mul3A_204, %add3A_205 : i32
    %lt3A_207 = arith.constant 10000 : i32
    %lt3A_208 = arith.cmpi slt, %add3A_206, %lt3A_207 : i32
    %convert_element_type3A_209 = arith.extui %lt3A_208 : i1 to i32
    %cond3A_210 = arith.constant 0 : i32
    %cond3A_211 = arith.cmpi ne, %convert_element_type3A_209, %cond3A_210 : i32
    scf.if %cond3A_211 {
      "tpu.region"() ({
        %run_scoped3A = tpu.sem_alloc : memref<!tpu.dma_semaphore, #tpu.memory_space<semaphore_mem>>
        %dma_start3A_230 = arith.constant 0 : i32
        %dma_start3A_231 = arith.constant 0 : i32
        %dma_start3A_232 = tpu.memref_slice %arg8[%dma_start3A_230, %dma_start3A_231] : memref<128x128xf32, #tpu.memory_space<vmem>> -> memref<80x128xf32, #tpu.memory_space<vmem>>
        %dma_start3A_233 = arith.constant 0 : i32
        %dma_start3A_234 = tpu.memref_slice %arg10[%add3A_206, %dma_start3A_233] : memref<10080x128xf32, #tpu.memory_space<vmem_shared>> -> memref<80x128xf32, #tpu.memory_space<vmem_shared>>
        %dma_start3A_235 = arith.constant 0 : i32
        %dma_start3A_236 = arith.constant 0 : i32
        %dma_start3A_237 = tpu.memref_slice %arg8[%dma_start3A_235, %dma_start3A_236] : memref<128x128xf32, #tpu.memory_space<vmem>> -> memref<80x128xf32, #tpu.memory_space<vmem>>
        %dma_start3A_238 = arith.constant 0 : i32
        %dma_start3A_239 = tpu.memref_slice %arg10[%add3A_206, %dma_start3A_238] : memref<10080x128xf32, #tpu.memory_space<vmem_shared>> -> memref<80x128xf32, #tpu.memory_space<vmem_shared>>
        tpu.enqueue_dma source(%dma_start3A_239 : memref<80x128xf32, #tpu.memory_space<vmem_shared>>) target(%dma_start3A_237 : memref<80x128xf32, #tpu.memory_space<vmem>>) target_semaphore(%run_scoped3A : memref<!tpu.dma_semaphore, #tpu.memory_space<semaphore_mem>>)
        %dma_wait3A_240 = arith.constant 0 : i32
        %dma_wait3A_241 = arith.constant 0 : i32
        %dma_wait3A_242 = tpu.memref_slice %arg8[%dma_wait3A_240, %dma_wait3A_241] : memref<128x128xf32, #tpu.memory_space<vmem>> -> memref<80x128xf32, #tpu.memory_space<vmem>>
        %dma_wait3A_243 = arith.constant 0 : i32
        %dma_wait3A_244 = tpu.memref_slice %arg10[%add3A_206, %dma_wait3A_243] : memref<10080x128xf32, #tpu.memory_space<vmem_shared>> -> memref<80x128xf32, #tpu.memory_space<vmem_shared>>
        %dma_wait3A_245 = arith.constant 0 : i32
        %dma_wait3A_246 = arith.constant 0 : i32
        %dma_wait3A_247 = tpu.memref_slice %arg8[%dma_wait3A_245, %dma_wait3A_246] : memref<128x128xf32, #tpu.memory_space<vmem>> -> memref<80x128xf32, #tpu.memory_space<vmem>>
        %dma_wait3A_248 = arith.constant 0 : i32
        %dma_wait3A_249 = tpu.memref_slice %arg10[%add3A_206, %dma_wait3A_248] : memref<10080x128xf32, #tpu.memory_space<vmem_shared>> -> memref<80x128xf32, #tpu.memory_space<vmem_shared>>
        tpu.wait_dma2 semaphore(%run_scoped3A : memref<!tpu.dma_semaphore, #tpu.memory_space<semaphore_mem>>) src(%dma_wait3A_249 : memref<80x128xf32, #tpu.memory_space<vmem_shared>>) dst(%dma_wait3A_247 : memref<80x128xf32, #tpu.memory_space<vmem>>)
        tpu.yield
      }) : () -> ()
      "tpu.region"() ({
        %run_scoped3A = tpu.sem_alloc : memref<!tpu.dma_semaphore, #tpu.memory_space<semaphore_mem>>
        %dma_start3A_230 = arith.constant 0 : i32
        %dma_start3A_231 = arith.constant 0 : i32
        %dma_start3A_232 = tpu.memref_slice %arg8[%dma_start3A_230, %dma_start3A_231] : memref<128x128xf32, #tpu.memory_space<vmem>> -> memref<80x128xf32, #tpu.memory_space<vmem>>
        %dma_start3A_233 = arith.constant 0 : i32
        %dma_start3A_234 = tpu.memref_slice %arg5[%arg0, %add3A_206, %dma_start3A_233] : memref<2x10000x128xf32, #tpu.memory_space<hbm>> -> memref<1x80x128xf32, #tpu.memory_space<hbm>>
        %dma_start3A_235 = tpu.memref_squeeze %dma_start3A_234 : memref<1x80x128xf32, #tpu.memory_space<hbm>> -> memref<80x128xf32, #tpu.memory_space<hbm>>
        %dma_start3A_236 = arith.constant 0 : i32
        %dma_start3A_237 = tpu.memref_slice %arg5[%arg0, %add3A_206, %dma_start3A_236] : memref<2x10000x128xf32, #tpu.memory_space<hbm>> -> memref<1x80x128xf32, #tpu.memory_space<hbm>>
        %dma_start3A_238 = tpu.memref_squeeze %dma_start3A_237 : memref<1x80x128xf32, #tpu.memory_space<hbm>> -> memref<80x128xf32, #tpu.memory_space<hbm>>
        %dma_start3A_239 = arith.constant 0 : i32
        %dma_start3A_240 = arith.constant 0 : i32
        %dma_start3A_241 = tpu.memref_slice %arg8[%dma_start3A_239, %dma_start3A_240] : memref<128x128xf32, #tpu.memory_space<vmem>> -> memref<80x128xf32, #tpu.memory_space<vmem>>
        tpu.enqueue_dma source(%dma_start3A_241 : memref<80x128xf32, #tpu.memory_space<vmem>>) target(%dma_start3A_238 : memref<80x128xf32, #tpu.memory_space<hbm>>) target_semaphore(%run_scoped3A : memref<!tpu.dma_semaphore, #tpu.memory_space<semaphore_mem>>)
        %dma_wait3A_242 = arith.constant 0 : i32
        %dma_wait3A_243 = arith.constant 0 : i32
        %dma_wait3A_244 = tpu.memref_slice %arg8[%dma_wait3A_242, %dma_wait3A_243] : memref<128x128xf32, #tpu.memory_space<vmem>> -> memref<80x128xf32, #tpu.memory_space<vmem>>
        %dma_wait3A_245 = arith.constant 0 : i32
        %dma_wait3A_246 = tpu.memref_slice %arg5[%arg0, %add3A_206, %dma_wait3A_245] : memref<2x10000x128xf32, #tpu.memory_space<hbm>> -> memref<1x80x128xf32, #tpu.memory_space<hbm>>
        %dma_wait3A_247 = tpu.memref_squeeze %dma_wait3A_246 : memref<1x80x128xf32, #tpu.memory_space<hbm>> -> memref<80x128xf32, #tpu.memory_space<hbm>>
        %dma_wait3A_248 = arith.constant 0 : i32
        %dma_wait3A_249 = tpu.memref_slice %arg5[%arg0, %add3A_206, %dma_wait3A_248] : memref<2x10000x128xf32, #tpu.memory_space<hbm>> -> memref<1x80x128xf32, #tpu.memory_space<hbm>>
        %dma_wait3A_250 = tpu.memref_squeeze %dma_wait3A_249 : memref<1x80x128xf32, #tpu.memory_space<hbm>> -> memref<80x128xf32, #tpu.memory_space<hbm>>
        %dma_wait3A_251 = arith.constant 0 : i32
        %dma_wait3A_252 = arith.constant 0 : i32
        %dma_wait3A_253 = tpu.memref_slice %arg8[%dma_wait3A_251, %dma_wait3A_252] : memref<128x128xf32, #tpu.memory_space<vmem>> -> memref<80x128xf32, #tpu.memory_space<vmem>>
        tpu.wait_dma2 semaphore(%run_scoped3A : memref<!tpu.dma_semaphore, #tpu.memory_space<semaphore_mem>>) src(%dma_wait3A_253 : memref<80x128xf32, #tpu.memory_space<vmem>>) dst(%dma_wait3A_250 : memref<80x128xf32, #tpu.memory_space<hbm>>)
        tpu.yield
      }) : () -> ()
    } else {
    }
    %mul3A_212 = arith.constant 640 : i32
    %mul3A_213 = arith.muli %arg1, %mul3A_212 : i32
    %add3A_214 = arith.constant 480 : i32
    %add3A_215 = arith.addi %mul3A_213, %add3A_214 : i32
    %lt3A_216 = arith.constant 10000 : i32
    %lt3A_217 = arith.cmpi slt, %add3A_215, %lt3A_216 : i32
    %convert_element_type3A_218 = arith.extui %lt3A_217 : i1 to i32
    %cond3A_219 = arith.constant 0 : i32
    %cond3A_220 = arith.cmpi ne, %convert_element_type3A_218, %cond3A_219 : i32
    scf.if %cond3A_220 {
      "tpu.region"() ({
        %run_scoped3A = tpu.sem_alloc : memref<!tpu.dma_semaphore, #tpu.memory_space<semaphore_mem>>
        %dma_start3A_230 = arith.constant 0 : i32
        %dma_start3A_231 = arith.constant 0 : i32
        %dma_start3A_232 = tpu.memref_slice %arg8[%dma_start3A_230, %dma_start3A_231] : memref<128x128xf32, #tpu.memory_space<vmem>> -> memref<80x128xf32, #tpu.memory_space<vmem>>
        %dma_start3A_233 = arith.constant 0 : i32
        %dma_start3A_234 = tpu.memref_slice %arg10[%add3A_215, %dma_start3A_233] : memref<10080x128xf32, #tpu.memory_space<vmem_shared>> -> memref<80x128xf32, #tpu.memory_space<vmem_shared>>
        %dma_start3A_235 = arith.constant 0 : i32
        %dma_start3A_236 = arith.constant 0 : i32
        %dma_start3A_237 = tpu.memref_slice %arg8[%dma_start3A_235, %dma_start3A_236] : memref<128x128xf32, #tpu.memory_space<vmem>> -> memref<80x128xf32, #tpu.memory_space<vmem>>
        %dma_start3A_238 = arith.constant 0 : i32
        %dma_start3A_239 = tpu.memref_slice %arg10[%add3A_215, %dma_start3A_238] : memref<10080x128xf32, #tpu.memory_space<vmem_shared>> -> memref<80x128xf32, #tpu.memory_space<vmem_shared>>
        tpu.enqueue_dma source(%dma_start3A_239 : memref<80x128xf32, #tpu.memory_space<vmem_shared>>) target(%dma_start3A_237 : memref<80x128xf32, #tpu.memory_space<vmem>>) target_semaphore(%run_scoped3A : memref<!tpu.dma_semaphore, #tpu.memory_space<semaphore_mem>>)
        %dma_wait3A_240 = arith.constant 0 : i32
        %dma_wait3A_241 = arith.constant 0 : i32
        %dma_wait3A_242 = tpu.memref_slice %arg8[%dma_wait3A_240, %dma_wait3A_241] : memref<128x128xf32, #tpu.memory_space<vmem>> -> memref<80x128xf32, #tpu.memory_space<vmem>>
        %dma_wait3A_243 = arith.constant 0 : i32
        %dma_wait3A_244 = tpu.memref_slice %arg10[%add3A_215, %dma_wait3A_243] : memref<10080x128xf32, #tpu.memory_space<vmem_shared>> -> memref<80x128xf32, #tpu.memory_space<vmem_shared>>
        %dma_wait3A_245 = arith.constant 0 : i32
        %dma_wait3A_246 = arith.constant 0 : i32
        %dma_wait3A_247 = tpu.memref_slice %arg8[%dma_wait3A_245, %dma_wait3A_246] : memref<128x128xf32, #tpu.memory_space<vmem>> -> memref<80x128xf32, #tpu.memory_space<vmem>>
        %dma_wait3A_248 = arith.constant 0 : i32
        %dma_wait3A_249 = tpu.memref_slice %arg10[%add3A_215, %dma_wait3A_248] : memref<10080x128xf32, #tpu.memory_space<vmem_shared>> -> memref<80x128xf32, #tpu.memory_space<vmem_shared>>
        tpu.wait_dma2 semaphore(%run_scoped3A : memref<!tpu.dma_semaphore, #tpu.memory_space<semaphore_mem>>) src(%dma_wait3A_249 : memref<80x128xf32, #tpu.memory_space<vmem_shared>>) dst(%dma_wait3A_247 : memref<80x128xf32, #tpu.memory_space<vmem>>)
        tpu.yield
      }) : () -> ()
      "tpu.region"() ({
        %run_scoped3A = tpu.sem_alloc : memref<!tpu.dma_semaphore, #tpu.memory_space<semaphore_mem>>
        %dma_start3A_230 = arith.constant 0 : i32
        %dma_start3A_231 = arith.constant 0 : i32
        %dma_start3A_232 = tpu.memref_slice %arg8[%dma_start3A_230, %dma_start3A_231] : memref<128x128xf32, #tpu.memory_space<vmem>> -> memref<80x128xf32, #tpu.memory_space<vmem>>
        %dma_start3A_233 = arith.constant 0 : i32
        %dma_start3A_234 = tpu.memref_slice %arg5[%arg0, %add3A_215, %dma_start3A_233] : memref<2x10000x128xf32, #tpu.memory_space<hbm>> -> memref<1x80x128xf32, #tpu.memory_space<hbm>>
        %dma_start3A_235 = tpu.memref_squeeze %dma_start3A_234 : memref<1x80x128xf32, #tpu.memory_space<hbm>> -> memref<80x128xf32, #tpu.memory_space<hbm>>
        %dma_start3A_236 = arith.constant 0 : i32
        %dma_start3A_237 = tpu.memref_slice %arg5[%arg0, %add3A_215, %dma_start3A_236] : memref<2x10000x128xf32, #tpu.memory_space<hbm>> -> memref<1x80x128xf32, #tpu.memory_space<hbm>>
        %dma_start3A_238 = tpu.memref_squeeze %dma_start3A_237 : memref<1x80x128xf32, #tpu.memory_space<hbm>> -> memref<80x128xf32, #tpu.memory_space<hbm>>
        %dma_start3A_239 = arith.constant 0 : i32
        %dma_start3A_240 = arith.constant 0 : i32
        %dma_start3A_241 = tpu.memref_slice %arg8[%dma_start3A_239, %dma_start3A_240] : memref<128x128xf32, #tpu.memory_space<vmem>> -> memref<80x128xf32, #tpu.memory_space<vmem>>
        tpu.enqueue_dma source(%dma_start3A_241 : memref<80x128xf32, #tpu.memory_space<vmem>>) target(%dma_start3A_238 : memref<80x128xf32, #tpu.memory_space<hbm>>) target_semaphore(%run_scoped3A : memref<!tpu.dma_semaphore, #tpu.memory_space<semaphore_mem>>)
        %dma_wait3A_242 = arith.constant 0 : i32
        %dma_wait3A_243 = arith.constant 0 : i32
        %dma_wait3A_244 = tpu.memref_slice %arg8[%dma_wait3A_242, %dma_wait3A_243] : memref<128x128xf32, #tpu.memory_space<vmem>> -> memref<80x128xf32, #tpu.memory_space<vmem>>
        %dma_wait3A_245 = arith.constant 0 : i32
        %dma_wait3A_246 = tpu.memref_slice %arg5[%arg0, %add3A_215, %dma_wait3A_245] : memref<2x10000x128xf32, #tpu.memory_space<hbm>> -> memref<1x80x128xf32, #tpu.memory_space<hbm>>
        %dma_wait3A_247 = tpu.memref_squeeze %dma_wait3A_246 : memref<1x80x128xf32, #tpu.memory_space<hbm>> -> memref<80x128xf32, #tpu.memory_space<hbm>>
        %dma_wait3A_248 = arith.constant 0 : i32
        %dma_wait3A_249 = tpu.memref_slice %arg5[%arg0, %add3A_215, %dma_wait3A_248] : memref<2x10000x128xf32, #tpu.memory_space<hbm>> -> memref<1x80x128xf32, #tpu.memory_space<hbm>>
        %dma_wait3A_250 = tpu.memref_squeeze %dma_wait3A_249 : memref<1x80x128xf32, #tpu.memory_space<hbm>> -> memref<80x128xf32, #tpu.memory_space<hbm>>
        %dma_wait3A_251 = arith.constant 0 : i32
        %dma_wait3A_252 = arith.constant 0 : i32
        %dma_wait3A_253 = tpu.memref_slice %arg8[%dma_wait3A_251, %dma_wait3A_252] : memref<128x128xf32, #tpu.memory_space<vmem>> -> memref<80x128xf32, #tpu.memory_space<vmem>>
        tpu.wait_dma2 semaphore(%run_scoped3A : memref<!tpu.dma_semaphore, #tpu.memory_space<semaphore_mem>>) src(%dma_wait3A_253 : memref<80x128xf32, #tpu.memory_space<vmem>>) dst(%dma_wait3A_250 : memref<80x128xf32, #tpu.memory_space<hbm>>)
        tpu.yield
      }) : () -> ()
    } else {
    }
    %mul3A_221 = arith.constant 640 : i32
    %mul3A_222 = arith.muli %arg1, %mul3A_221 : i32
    %add3A_223 = arith.constant 560 : i32
    %add3A_224 = arith.addi %mul3A_222, %add3A_223 : i32
    %lt3A_225 = arith.constant 10000 : i32
    %lt3A_226 = arith.cmpi slt, %add3A_224, %lt3A_225 : i32
    %convert_element_type3A_227 = arith.extui %lt3A_226 : i1 to i32
    %cond3A_228 = arith.constant 0 : i32
    %cond3A_229 = arith.cmpi ne, %convert_element_type3A_227, %cond3A_228 : i32
    scf.if %cond3A_229 {
      "tpu.region"() ({
        %run_scoped3A = tpu.sem_alloc : memref<!tpu.dma_semaphore, #tpu.memory_space<semaphore_mem>>
        %dma_start3A_230 = arith.constant 0 : i32
        %dma_start3A_231 = arith.constant 0 : i32
        %dma_start3A_232 = tpu.memref_slice %arg8[%dma_start3A_230, %dma_start3A_231] : memref<128x128xf32, #tpu.memory_space<vmem>> -> memref<80x128xf32, #tpu.memory_space<vmem>>
        %dma_start3A_233 = arith.constant 0 : i32
        %dma_start3A_234 = tpu.memref_slice %arg10[%add3A_224, %dma_start3A_233] : memref<10080x128xf32, #tpu.memory_space<vmem_shared>> -> memref<80x128xf32, #tpu.memory_space<vmem_shared>>
        %dma_start3A_235 = arith.constant 0 : i32
        %dma_start3A_236 = arith.constant 0 : i32
        %dma_start3A_237 = tpu.memref_slice %arg8[%dma_start3A_235, %dma_start3A_236] : memref<128x128xf32, #tpu.memory_space<vmem>> -> memref<80x128xf32, #tpu.memory_space<vmem>>
        %dma_start3A_238 = arith.constant 0 : i32
        %dma_start3A_239 = tpu.memref_slice %arg10[%add3A_224, %dma_start3A_238] : memref<10080x128xf32, #tpu.memory_space<vmem_shared>> -> memref<80x128xf32, #tpu.memory_space<vmem_shared>>
        tpu.enqueue_dma source(%dma_start3A_239 : memref<80x128xf32, #tpu.memory_space<vmem_shared>>) target(%dma_start3A_237 : memref<80x128xf32, #tpu.memory_space<vmem>>) target_semaphore(%run_scoped3A : memref<!tpu.dma_semaphore, #tpu.memory_space<semaphore_mem>>)
        %dma_wait3A_240 = arith.constant 0 : i32
        %dma_wait3A_241 = arith.constant 0 : i32
        %dma_wait3A_242 = tpu.memref_slice %arg8[%dma_wait3A_240, %dma_wait3A_241] : memref<128x128xf32, #tpu.memory_space<vmem>> -> memref<80x128xf32, #tpu.memory_space<vmem>>
        %dma_wait3A_243 = arith.constant 0 : i32
        %dma_wait3A_244 = tpu.memref_slice %arg10[%add3A_224, %dma_wait3A_243] : memref<10080x128xf32, #tpu.memory_space<vmem_shared>> -> memref<80x128xf32, #tpu.memory_space<vmem_shared>>
        %dma_wait3A_245 = arith.constant 0 : i32
        %dma_wait3A_246 = arith.constant 0 : i32
        %dma_wait3A_247 = tpu.memref_slice %arg8[%dma_wait3A_245, %dma_wait3A_246] : memref<128x128xf32, #tpu.memory_space<vmem>> -> memref<80x128xf32, #tpu.memory_space<vmem>>
        %dma_wait3A_248 = arith.constant 0 : i32
        %dma_wait3A_249 = tpu.memref_slice %arg10[%add3A_224, %dma_wait3A_248] : memref<10080x128xf32, #tpu.memory_space<vmem_shared>> -> memref<80x128xf32, #tpu.memory_space<vmem_shared>>
        tpu.wait_dma2 semaphore(%run_scoped3A : memref<!tpu.dma_semaphore, #tpu.memory_space<semaphore_mem>>) src(%dma_wait3A_249 : memref<80x128xf32, #tpu.memory_space<vmem_shared>>) dst(%dma_wait3A_247 : memref<80x128xf32, #tpu.memory_space<vmem>>)
        tpu.yield
      }) : () -> ()
      "tpu.region"() ({
        %run_scoped3A = tpu.sem_alloc : memref<!tpu.dma_semaphore, #tpu.memory_space<semaphore_mem>>
        %dma_start3A_230 = arith.constant 0 : i32
        %dma_start3A_231 = arith.constant 0 : i32
        %dma_start3A_232 = tpu.memref_slice %arg8[%dma_start3A_230, %dma_start3A_231] : memref<128x128xf32, #tpu.memory_space<vmem>> -> memref<80x128xf32, #tpu.memory_space<vmem>>
        %dma_start3A_233 = arith.constant 0 : i32
        %dma_start3A_234 = tpu.memref_slice %arg5[%arg0, %add3A_224, %dma_start3A_233] : memref<2x10000x128xf32, #tpu.memory_space<hbm>> -> memref<1x80x128xf32, #tpu.memory_space<hbm>>
        %dma_start3A_235 = tpu.memref_squeeze %dma_start3A_234 : memref<1x80x128xf32, #tpu.memory_space<hbm>> -> memref<80x128xf32, #tpu.memory_space<hbm>>
        %dma_start3A_236 = arith.constant 0 : i32
        %dma_start3A_237 = tpu.memref_slice %arg5[%arg0, %add3A_224, %dma_start3A_236] : memref<2x10000x128xf32, #tpu.memory_space<hbm>> -> memref<1x80x128xf32, #tpu.memory_space<hbm>>
        %dma_start3A_238 = tpu.memref_squeeze %dma_start3A_237 : memref<1x80x128xf32, #tpu.memory_space<hbm>> -> memref<80x128xf32, #tpu.memory_space<hbm>>
        %dma_start3A_239 = arith.constant 0 : i32
        %dma_start3A_240 = arith.constant 0 : i32
        %dma_start3A_241 = tpu.memref_slice %arg8[%dma_start3A_239, %dma_start3A_240] : memref<128x128xf32, #tpu.memory_space<vmem>> -> memref<80x128xf32, #tpu.memory_space<vmem>>
        tpu.enqueue_dma source(%dma_start3A_241 : memref<80x128xf32, #tpu.memory_space<vmem>>) target(%dma_start3A_238 : memref<80x128xf32, #tpu.memory_space<hbm>>) target_semaphore(%run_scoped3A : memref<!tpu.dma_semaphore, #tpu.memory_space<semaphore_mem>>)
        %dma_wait3A_242 = arith.constant 0 : i32
        %dma_wait3A_243 = arith.constant 0 : i32
        %dma_wait3A_244 = tpu.memref_slice %arg8[%dma_wait3A_242, %dma_wait3A_243] : memref<128x128xf32, #tpu.memory_space<vmem>> -> memref<80x128xf32, #tpu.memory_space<vmem>>
        %dma_wait3A_245 = arith.constant 0 : i32
        %dma_wait3A_246 = tpu.memref_slice %arg5[%arg0, %add3A_224, %dma_wait3A_245] : memref<2x10000x128xf32, #tpu.memory_space<hbm>> -> memref<1x80x128xf32, #tpu.memory_space<hbm>>
        %dma_wait3A_247 = tpu.memref_squeeze %dma_wait3A_246 : memref<1x80x128xf32, #tpu.memory_space<hbm>> -> memref<80x128xf32, #tpu.memory_space<hbm>>
        %dma_wait3A_248 = arith.constant 0 : i32
        %dma_wait3A_249 = tpu.memref_slice %arg5[%arg0, %add3A_224, %dma_wait3A_248] : memref<2x10000x128xf32, #tpu.memory_space<hbm>> -> memref<1x80x128xf32, #tpu.memory_space<hbm>>
        %dma_wait3A_250 = tpu.memref_squeeze %dma_wait3A_249 : memref<1x80x128xf32, #tpu.memory_space<hbm>> -> memref<80x128xf32, #tpu.memory_space<hbm>>
        %dma_wait3A_251 = arith.constant 0 : i32
        %dma_wait3A_252 = arith.constant 0 : i32
        %dma_wait3A_253 = tpu.memref_slice %arg8[%dma_wait3A_251, %dma_wait3A_252] : memref<128x128xf32, #tpu.memory_space<vmem>> -> memref<80x128xf32, #tpu.memory_space<vmem>>
        tpu.wait_dma2 semaphore(%run_scoped3A : memref<!tpu.dma_semaphore, #tpu.memory_space<semaphore_mem>>) src(%dma_wait3A_253 : memref<80x128xf32, #tpu.memory_space<vmem>>) dst(%dma_wait3A_250 : memref<80x128xf32, #tpu.memory_space<hbm>>)
        tpu.yield
      }) : () -> ()
    } else {
    }
    return
  }
}

#map = affine_map<(d0, d1) -> (0, 0)>
#map1 = affine_map<(d0, d1) -> (0, 0, 0)>
module attributes {stable_mosaic.version = 14 : i64} {
  func.func @scat_kernel(%arg0: i32, %arg1: i32, %arg2: memref<10000x128xf32, #tpu.memory_space<hbm>>, %arg3: memref<2560x128xi32, #tpu.memory_space<hbm>>, %arg4: memref<2560x128xi32, #tpu.memory_space<hbm>>, %arg5: memref<2x10000x128xf32, #tpu.memory_space<hbm>>, %arg6: memref<40x128xi32, #tpu.memory_space<vmem>>, %arg7: memref<40x128xi32, #tpu.memory_space<vmem>>, %arg8: memref<128x128xf32, #tpu.memory_space<vmem>>, %arg9: memref<128x128xf32, #tpu.memory_space<vmem>>, %arg10: memref<10080x128xf32, #tpu.memory_space<vmem_shared>>, %arg11: memref<!tpu.dma_semaphore, #tpu.memory_space<semaphore_mem>>, %arg12: memref<!tpu.dma_semaphore, #tpu.memory_space<semaphore_mem>>) attributes {dimension_semantics = [#tpu.dimension_semantics<core_parallel>, #tpu.dimension_semantics<subcore_parallel>], iteration_bounds = array<i64: 2, 16>, scalar_prefetch = 0 : i64, scratch_operands = 7 : i64, tpu.core_type = #tpu.core_type<sc_vector_subcore>, window_params = [{transform_indices = #map}, {transform_indices = #map}, {transform_indices = #map}, {transform_indices = #map1}]} {
    %mul3A = arith.constant 16 : i32
    %mul3A_0 = arith.muli %arg0, %mul3A : i32
    %add3A = arith.addi %mul3A_0, %arg1 : i32
    %scan3A = arith.constant 0 : i32
    %scan3A_1 = arith.constant 0 : i32
    %scan3A_2 = arith.constant 128 : i32
    %scan3A_3 = arith.addi %scan3A_1, %scan3A_2 : i32
    %scan3A_4 = arith.constant 1 : i32
    scf.for %scan3A_230 = %scan3A_1 to %scan3A_3 step %scan3A_4  : i32 {
      %broadcast_in_dim3A = arith.constant 0.000000e+00 : f32
      %broadcast_in_dim3A_231 = vector.broadcast %broadcast_in_dim3A : f32 to vector<16xf32>
      %swap3A = arith.index_cast %scan3A_230 : i32 to index
      %swap3A_232 = arith.constant 0 : index
      %swap3A_233 = tpu.vector_load %arg8[%swap3A, %swap3A_232] {strides = array<i32>} : memref<128x128xf32, #tpu.memory_space<vmem>>, vector<1x16xf32>,
      %swap3A_234 = vector.shape_cast %swap3A_233 : vector<1x16xf32> to vector<16xf32>
      %swap3A_235 = vector.shape_cast %broadcast_in_dim3A_231 : vector<16xf32> to vector<1x16xf32>
      tpu.vector_store %arg8[%swap3A, %swap3A_232], %swap3A_235 {strides = array<i32>} : memref<128x128xf32, #tpu.memory_space<vmem>>, vector<1x16xf32>,
      %broadcast_in_dim3A_236 = arith.constant 0.000000e+00 : f32
      %broadcast_in_dim3A_237 = vector.broadcast %broadcast_in_dim3A_236 : f32 to vector<16xf32>
      %swap3A_238 = arith.index_cast %scan3A_230 : i32 to index
      %swap3A_239 = arith.constant 16 : index
      %swap3A_240 = tpu.vector_load %arg8[%swap3A_238, %swap3A_239] {strides = array<i32>} : memref<128x128xf32, #tpu.memory_space<vmem>>, vector<1x16xf32>,
      %swap3A_241 = vector.shape_cast %swap3A_240 : vector<1x16xf32> to vector<16xf32>
      %swap3A_242 = vector.shape_cast %broadcast_in_dim3A_237 : vector<16xf32> to vector<1x16xf32>
      tpu.vector_store %arg8[%swap3A_238, %swap3A_239], %swap3A_242 {strides = array<i32>} : memref<128x128xf32, #tpu.memory_space<vmem>>, vector<1x16xf32>,
      %broadcast_in_dim3A_243 = arith.constant 0.000000e+00 : f32
      %broadcast_in_dim3A_244 = vector.broadcast %broadcast_in_dim3A_243 : f32 to vector<16xf32>
      %swap3A_245 = arith.index_cast %scan3A_230 : i32 to index
      %swap3A_246 = arith.constant 32 : index
      %swap3A_247 = tpu.vector_load %arg8[%swap3A_245, %swap3A_246] {strides = array<i32>} : memref<128x128xf32, #tpu.memory_space<vmem>>, vector<1x16xf32>,
      %swap3A_248 = vector.shape_cast %swap3A_247 : vector<1x16xf32> to vector<16xf32>
      %swap3A_249 = vector.shape_cast %broadcast_in_dim3A_244 : vector<16xf32> to vector<1x16xf32>
      tpu.vector_store %arg8[%swap3A_245, %swap3A_246], %swap3A_249 {strides = array<i32>} : memref<128x128xf32, #tpu.memory_space<vmem>>, vector<1x16xf32>,
      %broadcast_in_dim3A_250 = arith.constant 0.000000e+00 : f32
      %broadcast_in_dim3A_251 = vector.broadcast %broadcast_in_dim3A_250 : f32 to vector<16xf32>
      %swap3A_252 = arith.index_cast %scan3A_230 : i32 to index
      %swap3A_253 = arith.constant 48 : index
      %swap3A_254 = tpu.vector_load %arg8[%swap3A_252, %swap3A_253] {strides = array<i32>} : memref<128x128xf32, #tpu.memory_space<vmem>>, vector<1x16xf32>,
      %swap3A_255 = vector.shape_cast %swap3A_254 : vector<1x16xf32> to vector<16xf32>
      %swap3A_256 = vector.shape_cast %broadcast_in_dim3A_251 : vector<16xf32> to vector<1x16xf32>
      tpu.vector_store %arg8[%swap3A_252, %swap3A_253], %swap3A_256 {strides = array<i32>} : memref<128x128xf32, #tpu.memory_space<vmem>>, vector<1x16xf32>,
      %broadcast_in_dim3A_257 = arith.constant 0.000000e+00 : f32
      %broadcast_in_dim3A_258 = vector.broadcast %broadcast_in_dim3A_257 : f32 to vector<16xf32>
      %swap3A_259 = arith.index_cast %scan3A_230 : i32 to index
      %swap3A_260 = arith.constant 64 : index
      %swap3A_261 = tpu.vector_load %arg8[%swap3A_259, %swap3A_260] {strides = array<i32>} : memref<128x128xf32, #tpu.memory_space<vmem>>, vector<1x16xf32>,
      %swap3A_262 = vector.shape_cast %swap3A_261 : vector<1x16xf32> to vector<16xf32>
      %swap3A_263 = vector.shape_cast %broadcast_in_dim3A_258 : vector<16xf32> to vector<1x16xf32>
      tpu.vector_store %arg8[%swap3A_259, %swap3A_260], %swap3A_263 {strides = array<i32>} : memref<128x128xf32, #tpu.memory_space<vmem>>, vector<1x16xf32>,
      %broadcast_in_dim3A_264 = arith.constant 0.000000e+00 : f32
      %broadcast_in_dim3A_265 = vector.broadcast %broadcast_in_dim3A_264 : f32 to vector<16xf32>
      %swap3A_266 = arith.index_cast %scan3A_230 : i32 to index
      %swap3A_267 = arith.constant 80 : index
      %swap3A_268 = tpu.vector_load %arg8[%swap3A_266, %swap3A_267] {strides = array<i32>} : memref<128x128xf32, #tpu.memory_space<vmem>>, vector<1x16xf32>,
      %swap3A_269 = vector.shape_cast %swap3A_268 : vector<1x16xf32> to vector<16xf32>
      %swap3A_270 = vector.shape_cast %broadcast_in_dim3A_265 : vector<16xf32> to vector<1x16xf32>
      tpu.vector_store %arg8[%swap3A_266, %swap3A_267], %swap3A_270 {strides = array<i32>} : memref<128x128xf32, #tpu.memory_space<vmem>>, vector<1x16xf32>,
      %broadcast_in_dim3A_271 = arith.constant 0.000000e+00 : f32
      %broadcast_in_dim3A_272 = vector.broadcast %broadcast_in_dim3A_271 : f32 to vector<16xf32>
      %swap3A_273 = arith.index_cast %scan3A_230 : i32 to index
      %swap3A_274 = arith.constant 96 : index
      %swap3A_275 = tpu.vector_load %arg8[%swap3A_273, %swap3A_274] {strides = array<i32>} : memref<128x128xf32, #tpu.memory_space<vmem>>, vector<1x16xf32>,
      %swap3A_276 = vector.shape_cast %swap3A_275 : vector<1x16xf32> to vector<16xf32>
      %swap3A_277 = vector.shape_cast %broadcast_in_dim3A_272 : vector<16xf32> to vector<1x16xf32>
      tpu.vector_store %arg8[%swap3A_273, %swap3A_274], %swap3A_277 {strides = array<i32>} : memref<128x128xf32, #tpu.memory_space<vmem>>, vector<1x16xf32>,
      %broadcast_in_dim3A_278 = arith.constant 0.000000e+00 : f32
      %broadcast_in_dim3A_279 = vector.broadcast %broadcast_in_dim3A_278 : f32 to vector<16xf32>
      %swap3A_280 = arith.index_cast %scan3A_230 : i32 to index
      %swap3A_281 = arith.constant 112 : index
      %swap3A_282 = tpu.vector_load %arg8[%swap3A_280, %swap3A_281] {strides = array<i32>} : memref<128x128xf32, #tpu.memory_space<vmem>>, vector<1x16xf32>,
      %swap3A_283 = vector.shape_cast %swap3A_282 : vector<1x16xf32> to vector<16xf32>
      %swap3A_284 = vector.shape_cast %broadcast_in_dim3A_279 : vector<16xf32> to vector<1x16xf32>
      tpu.vector_store %arg8[%swap3A_280, %swap3A_281], %swap3A_284 {strides = array<i32>} : memref<128x128xf32, #tpu.memory_space<vmem>>, vector<1x16xf32>,
    }
    %scan3A_5 = arith.constant 128 : i32
    %mul3A_6 = arith.constant 640 : i32
    %mul3A_7 = arith.muli %arg1, %mul3A_6 : i32
    %add3A_8 = arith.constant 0 : i32
    %add3A_9 = arith.addi %mul3A_7, %add3A_8 : i32
    %lt3A = arith.constant 10080 : i32
    %lt3A_10 = arith.cmpi slt, %add3A_9, %lt3A : i32
    %convert_element_type3A = arith.extui %lt3A_10 : i1 to i32
    %cond3A = arith.constant 0 : i32
    %cond3A_11 = arith.cmpi ne, %convert_element_type3A, %cond3A : i32
    scf.if %cond3A_11 {
      "tpu.region"() ({
        %run_scoped3A = tpu.sem_alloc : memref<!tpu.dma_semaphore, #tpu.memory_space<semaphore_mem>>
        %dma_start3A_230 = arith.constant 0 : i32
        %dma_start3A_231 = arith.constant 0 : i32
        %dma_start3A_232 = tpu.memref_slice %arg8[%dma_start3A_230, %dma_start3A_231] : memref<128x128xf32, #tpu.memory_space<vmem>> -> memref<80x128xf32, #tpu.memory_space<vmem>>
        %dma_start3A_233 = arith.constant 0 : i32
        %dma_start3A_234 = tpu.memref_slice %arg10[%add3A_9, %dma_start3A_233] : memref<10080x128xf32, #tpu.memory_space<vmem_shared>> -> memref<80x128xf32, #tpu.memory_space<vmem_shared>>
        %dma_start3A_235 = arith.constant 0 : i32
        %dma_start3A_236 = tpu.memref_slice %arg10[%add3A_9, %dma_start3A_235] : memref<10080x128xf32, #tpu.memory_space<vmem_shared>> -> memref<80x128xf32, #tpu.memory_space<vmem_shared>>
        %dma_start3A_237 = arith.constant 0 : i32
        %dma_start3A_238 = arith.constant 0 : i32
        %dma_start3A_239 = tpu.memref_slice %arg8[%dma_start3A_237, %dma_start3A_238] : memref<128x128xf32, #tpu.memory_space<vmem>> -> memref<80x128xf32, #tpu.memory_space<vmem>>
        tpu.enqueue_dma source(%dma_start3A_239 : memref<80x128xf32, #tpu.memory_space<vmem>>) target(%dma_start3A_236 : memref<80x128xf32, #tpu.memory_space<vmem_shared>>) target_semaphore(%run_scoped3A : memref<!tpu.dma_semaphore, #tpu.memory_space<semaphore_mem>>)
        %dma_wait3A_240 = arith.constant 0 : i32
        %dma_wait3A_241 = arith.constant 0 : i32
        %dma_wait3A_242 = tpu.memref_slice %arg8[%dma_wait3A_240, %dma_wait3A_241] : memref<128x128xf32, #tpu.memory_space<vmem>> -> memref<80x128xf32, #tpu.memory_space<vmem>>
        %dma_wait3A_243 = arith.constant 0 : i32
        %dma_wait3A_244 = tpu.memref_slice %arg10[%add3A_9, %dma_wait3A_243] : memref<10080x128xf32, #tpu.memory_space<vmem_shared>> -> memref<80x128xf32, #tpu.memory_space<vmem_shared>>
        %dma_wait3A_245 = arith.constant 0 : i32
        %dma_wait3A_246 = tpu.memref_slice %arg10[%add3A_9, %dma_wait3A_245] : memref<10080x128xf32, #tpu.memory_space<vmem_shared>> -> memref<80x128xf32, #tpu.memory_space<vmem_shared>>
        %dma_wait3A_247 = arith.constant 0 : i32
        %dma_wait3A_248 = arith.constant 0 : i32
        %dma_wait3A_249 = tpu.memref_slice %arg8[%dma_wait3A_247, %dma_wait3A_248] : memref<128x128xf32, #tpu.memory_space<vmem>> -> memref<80x128xf32, #tpu.memory_space<vmem>>
        tpu.wait_dma2 semaphore(%run_scoped3A : memref<!tpu.dma_semaphore, #tpu.memory_space<semaphore_mem>>) src(%dma_wait3A_249 : memref<80x128xf32, #tpu.memory_space<vmem>>) dst(%dma_wait3A_246 : memref<80x128xf32, #tpu.memory_space<vmem_shared>>)
        tpu.yield
      }) : () -> ()
    } else {
    }
    %mul3A_12 = arith.constant 640 : i32
    %mul3A_13 = arith.muli %arg1, %mul3A_12 : i32
    %add3A_14 = arith.constant 80 : i32
    %add3A_15 = arith.addi %mul3A_13, %add3A_14 : i32
    %lt3A_16 = arith.constant 10080 : i32
    %lt3A_17 = arith.cmpi slt, %add3A_15, %lt3A_16 : i32
    %convert_element_type3A_18 = arith.extui %lt3A_17 : i1 to i32
    %cond3A_19 = arith.constant 0 : i32
    %cond3A_20 = arith.cmpi ne, %convert_element_type3A_18, %cond3A_19 : i32
    scf.if %cond3A_20 {
      "tpu.region"() ({
        %run_scoped3A = tpu.sem_alloc : memref<!tpu.dma_semaphore, #tpu.memory_space<semaphore_mem>>
        %dma_start3A_230 = arith.constant 0 : i32
        %dma_start3A_231 = arith.constant 0 : i32
        %dma_start3A_232 = tpu.memref_slice %arg8[%dma_start3A_230, %dma_start3A_231] : memref<128x128xf32, #tpu.memory_space<vmem>> -> memref<80x128xf32, #tpu.memory_space<vmem>>
        %dma_start3A_233 = arith.constant 0 : i32
        %dma_start3A_234 = tpu.memref_slice %arg10[%add3A_15, %dma_start3A_233] : memref<10080x128xf32, #tpu.memory_space<vmem_shared>> -> memref<80x128xf32, #tpu.memory_space<vmem_shared>>
        %dma_start3A_235 = arith.constant 0 : i32
        %dma_start3A_236 = tpu.memref_slice %arg10[%add3A_15, %dma_start3A_235] : memref<10080x128xf32, #tpu.memory_space<vmem_shared>> -> memref<80x128xf32, #tpu.memory_space<vmem_shared>>
        %dma_start3A_237 = arith.constant 0 : i32
        %dma_start3A_238 = arith.constant 0 : i32
        %dma_start3A_239 = tpu.memref_slice %arg8[%dma_start3A_237, %dma_start3A_238] : memref<128x128xf32, #tpu.memory_space<vmem>> -> memref<80x128xf32, #tpu.memory_space<vmem>>
        tpu.enqueue_dma source(%dma_start3A_239 : memref<80x128xf32, #tpu.memory_space<vmem>>) target(%dma_start3A_236 : memref<80x128xf32, #tpu.memory_space<vmem_shared>>) target_semaphore(%run_scoped3A : memref<!tpu.dma_semaphore, #tpu.memory_space<semaphore_mem>>)
        %dma_wait3A_240 = arith.constant 0 : i32
        %dma_wait3A_241 = arith.constant 0 : i32
        %dma_wait3A_242 = tpu.memref_slice %arg8[%dma_wait3A_240, %dma_wait3A_241] : memref<128x128xf32, #tpu.memory_space<vmem>> -> memref<80x128xf32, #tpu.memory_space<vmem>>
        %dma_wait3A_243 = arith.constant 0 : i32
        %dma_wait3A_244 = tpu.memref_slice %arg10[%add3A_15, %dma_wait3A_243] : memref<10080x128xf32, #tpu.memory_space<vmem_shared>> -> memref<80x128xf32, #tpu.memory_space<vmem_shared>>
        %dma_wait3A_245 = arith.constant 0 : i32
        %dma_wait3A_246 = tpu.memref_slice %arg10[%add3A_15, %dma_wait3A_245] : memref<10080x128xf32, #tpu.memory_space<vmem_shared>> -> memref<80x128xf32, #tpu.memory_space<vmem_shared>>
        %dma_wait3A_247 = arith.constant 0 : i32
        %dma_wait3A_248 = arith.constant 0 : i32
        %dma_wait3A_249 = tpu.memref_slice %arg8[%dma_wait3A_247, %dma_wait3A_248] : memref<128x128xf32, #tpu.memory_space<vmem>> -> memref<80x128xf32, #tpu.memory_space<vmem>>
        tpu.wait_dma2 semaphore(%run_scoped3A : memref<!tpu.dma_semaphore, #tpu.memory_space<semaphore_mem>>) src(%dma_wait3A_249 : memref<80x128xf32, #tpu.memory_space<vmem>>) dst(%dma_wait3A_246 : memref<80x128xf32, #tpu.memory_space<vmem_shared>>)
        tpu.yield
      }) : () -> ()
    } else {
    }
    %mul3A_21 = arith.constant 640 : i32
    %mul3A_22 = arith.muli %arg1, %mul3A_21 : i32
    %add3A_23 = arith.constant 160 : i32
    %add3A_24 = arith.addi %mul3A_22, %add3A_23 : i32
    %lt3A_25 = arith.constant 10080 : i32
    %lt3A_26 = arith.cmpi slt, %add3A_24, %lt3A_25 : i32
    %convert_element_type3A_27 = arith.extui %lt3A_26 : i1 to i32
    %cond3A_28 = arith.constant 0 : i32
    %cond3A_29 = arith.cmpi ne, %convert_element_type3A_27, %cond3A_28 : i32
    scf.if %cond3A_29 {
      "tpu.region"() ({
        %run_scoped3A = tpu.sem_alloc : memref<!tpu.dma_semaphore, #tpu.memory_space<semaphore_mem>>
        %dma_start3A_230 = arith.constant 0 : i32
        %dma_start3A_231 = arith.constant 0 : i32
        %dma_start3A_232 = tpu.memref_slice %arg8[%dma_start3A_230, %dma_start3A_231] : memref<128x128xf32, #tpu.memory_space<vmem>> -> memref<80x128xf32, #tpu.memory_space<vmem>>
        %dma_start3A_233 = arith.constant 0 : i32
        %dma_start3A_234 = tpu.memref_slice %arg10[%add3A_24, %dma_start3A_233] : memref<10080x128xf32, #tpu.memory_space<vmem_shared>> -> memref<80x128xf32, #tpu.memory_space<vmem_shared>>
        %dma_start3A_235 = arith.constant 0 : i32
        %dma_start3A_236 = tpu.memref_slice %arg10[%add3A_24, %dma_start3A_235] : memref<10080x128xf32, #tpu.memory_space<vmem_shared>> -> memref<80x128xf32, #tpu.memory_space<vmem_shared>>
        %dma_start3A_237 = arith.constant 0 : i32
        %dma_start3A_238 = arith.constant 0 : i32
        %dma_start3A_239 = tpu.memref_slice %arg8[%dma_start3A_237, %dma_start3A_238] : memref<128x128xf32, #tpu.memory_space<vmem>> -> memref<80x128xf32, #tpu.memory_space<vmem>>
        tpu.enqueue_dma source(%dma_start3A_239 : memref<80x128xf32, #tpu.memory_space<vmem>>) target(%dma_start3A_236 : memref<80x128xf32, #tpu.memory_space<vmem_shared>>) target_semaphore(%run_scoped3A : memref<!tpu.dma_semaphore, #tpu.memory_space<semaphore_mem>>)
        %dma_wait3A_240 = arith.constant 0 : i32
        %dma_wait3A_241 = arith.constant 0 : i32
        %dma_wait3A_242 = tpu.memref_slice %arg8[%dma_wait3A_240, %dma_wait3A_241] : memref<128x128xf32, #tpu.memory_space<vmem>> -> memref<80x128xf32, #tpu.memory_space<vmem>>
        %dma_wait3A_243 = arith.constant 0 : i32
        %dma_wait3A_244 = tpu.memref_slice %arg10[%add3A_24, %dma_wait3A_243] : memref<10080x128xf32, #tpu.memory_space<vmem_shared>> -> memref<80x128xf32, #tpu.memory_space<vmem_shared>>
        %dma_wait3A_245 = arith.constant 0 : i32
        %dma_wait3A_246 = tpu.memref_slice %arg10[%add3A_24, %dma_wait3A_245] : memref<10080x128xf32, #tpu.memory_space<vmem_shared>> -> memref<80x128xf32, #tpu.memory_space<vmem_shared>>
        %dma_wait3A_247 = arith.constant 0 : i32
        %dma_wait3A_248 = arith.constant 0 : i32
        %dma_wait3A_249 = tpu.memref_slice %arg8[%dma_wait3A_247, %dma_wait3A_248] : memref<128x128xf32, #tpu.memory_space<vmem>> -> memref<80x128xf32, #tpu.memory_space<vmem>>
        tpu.wait_dma2 semaphore(%run_scoped3A : memref<!tpu.dma_semaphore, #tpu.memory_space<semaphore_mem>>) src(%dma_wait3A_249 : memref<80x128xf32, #tpu.memory_space<vmem>>) dst(%dma_wait3A_246 : memref<80x128xf32, #tpu.memory_space<vmem_shared>>)
        tpu.yield
      }) : () -> ()
    } else {
    }
    %mul3A_30 = arith.constant 640 : i32
    %mul3A_31 = arith.muli %arg1, %mul3A_30 : i32
    %add3A_32 = arith.constant 240 : i32
    %add3A_33 = arith.addi %mul3A_31, %add3A_32 : i32
    %lt3A_34 = arith.constant 10080 : i32
    %lt3A_35 = arith.cmpi slt, %add3A_33, %lt3A_34 : i32
    %convert_element_type3A_36 = arith.extui %lt3A_35 : i1 to i32
    %cond3A_37 = arith.constant 0 : i32
    %cond3A_38 = arith.cmpi ne, %convert_element_type3A_36, %cond3A_37 : i32
    scf.if %cond3A_38 {
      "tpu.region"() ({
        %run_scoped3A = tpu.sem_alloc : memref<!tpu.dma_semaphore, #tpu.memory_space<semaphore_mem>>
        %dma_start3A_230 = arith.constant 0 : i32
        %dma_start3A_231 = arith.constant 0 : i32
        %dma_start3A_232 = tpu.memref_slice %arg8[%dma_start3A_230, %dma_start3A_231] : memref<128x128xf32, #tpu.memory_space<vmem>> -> memref<80x128xf32, #tpu.memory_space<vmem>>
        %dma_start3A_233 = arith.constant 0 : i32
        %dma_start3A_234 = tpu.memref_slice %arg10[%add3A_33, %dma_start3A_233] : memref<10080x128xf32, #tpu.memory_space<vmem_shared>> -> memref<80x128xf32, #tpu.memory_space<vmem_shared>>
        %dma_start3A_235 = arith.constant 0 : i32
        %dma_start3A_236 = tpu.memref_slice %arg10[%add3A_33, %dma_start3A_235] : memref<10080x128xf32, #tpu.memory_space<vmem_shared>> -> memref<80x128xf32, #tpu.memory_space<vmem_shared>>
        %dma_start3A_237 = arith.constant 0 : i32
        %dma_start3A_238 = arith.constant 0 : i32
        %dma_start3A_239 = tpu.memref_slice %arg8[%dma_start3A_237, %dma_start3A_238] : memref<128x128xf32, #tpu.memory_space<vmem>> -> memref<80x128xf32, #tpu.memory_space<vmem>>
        tpu.enqueue_dma source(%dma_start3A_239 : memref<80x128xf32, #tpu.memory_space<vmem>>) target(%dma_start3A_236 : memref<80x128xf32, #tpu.memory_space<vmem_shared>>) target_semaphore(%run_scoped3A : memref<!tpu.dma_semaphore, #tpu.memory_space<semaphore_mem>>)
        %dma_wait3A_240 = arith.constant 0 : i32
        %dma_wait3A_241 = arith.constant 0 : i32
        %dma_wait3A_242 = tpu.memref_slice %arg8[%dma_wait3A_240, %dma_wait3A_241] : memref<128x128xf32, #tpu.memory_space<vmem>> -> memref<80x128xf32, #tpu.memory_space<vmem>>
        %dma_wait3A_243 = arith.constant 0 : i32
        %dma_wait3A_244 = tpu.memref_slice %arg10[%add3A_33, %dma_wait3A_243] : memref<10080x128xf32, #tpu.memory_space<vmem_shared>> -> memref<80x128xf32, #tpu.memory_space<vmem_shared>>
        %dma_wait3A_245 = arith.constant 0 : i32
        %dma_wait3A_246 = tpu.memref_slice %arg10[%add3A_33, %dma_wait3A_245] : memref<10080x128xf32, #tpu.memory_space<vmem_shared>> -> memref<80x128xf32, #tpu.memory_space<vmem_shared>>
        %dma_wait3A_247 = arith.constant 0 : i32
        %dma_wait3A_248 = arith.constant 0 : i32
        %dma_wait3A_249 = tpu.memref_slice %arg8[%dma_wait3A_247, %dma_wait3A_248] : memref<128x128xf32, #tpu.memory_space<vmem>> -> memref<80x128xf32, #tpu.memory_space<vmem>>
        tpu.wait_dma2 semaphore(%run_scoped3A : memref<!tpu.dma_semaphore, #tpu.memory_space<semaphore_mem>>) src(%dma_wait3A_249 : memref<80x128xf32, #tpu.memory_space<vmem>>) dst(%dma_wait3A_246 : memref<80x128xf32, #tpu.memory_space<vmem_shared>>)
        tpu.yield
      }) : () -> ()
    } else {
    }
    %mul3A_39 = arith.constant 640 : i32
    %mul3A_40 = arith.muli %arg1, %mul3A_39 : i32
    %add3A_41 = arith.constant 320 : i32
    %add3A_42 = arith.addi %mul3A_40, %add3A_41 : i32
    %lt3A_43 = arith.constant 10080 : i32
    %lt3A_44 = arith.cmpi slt, %add3A_42, %lt3A_43 : i32
    %convert_element_type3A_45 = arith.extui %lt3A_44 : i1 to i32
    %cond3A_46 = arith.constant 0 : i32
    %cond3A_47 = arith.cmpi ne, %convert_element_type3A_45, %cond3A_46 : i32
    scf.if %cond3A_47 {
      "tpu.region"() ({
        %run_scoped3A = tpu.sem_alloc : memref<!tpu.dma_semaphore, #tpu.memory_space<semaphore_mem>>
        %dma_start3A_230 = arith.constant 0 : i32
        %dma_start3A_231 = arith.constant 0 : i32
        %dma_start3A_232 = tpu.memref_slice %arg8[%dma_start3A_230, %dma_start3A_231] : memref<128x128xf32, #tpu.memory_space<vmem>> -> memref<80x128xf32, #tpu.memory_space<vmem>>
        %dma_start3A_233 = arith.constant 0 : i32
        %dma_start3A_234 = tpu.memref_slice %arg10[%add3A_42, %dma_start3A_233] : memref<10080x128xf32, #tpu.memory_space<vmem_shared>> -> memref<80x128xf32, #tpu.memory_space<vmem_shared>>
        %dma_start3A_235 = arith.constant 0 : i32
        %dma_start3A_236 = tpu.memref_slice %arg10[%add3A_42, %dma_start3A_235] : memref<10080x128xf32, #tpu.memory_space<vmem_shared>> -> memref<80x128xf32, #tpu.memory_space<vmem_shared>>
        %dma_start3A_237 = arith.constant 0 : i32
        %dma_start3A_238 = arith.constant 0 : i32
        %dma_start3A_239 = tpu.memref_slice %arg8[%dma_start3A_237, %dma_start3A_238] : memref<128x128xf32, #tpu.memory_space<vmem>> -> memref<80x128xf32, #tpu.memory_space<vmem>>
        tpu.enqueue_dma source(%dma_start3A_239 : memref<80x128xf32, #tpu.memory_space<vmem>>) target(%dma_start3A_236 : memref<80x128xf32, #tpu.memory_space<vmem_shared>>) target_semaphore(%run_scoped3A : memref<!tpu.dma_semaphore, #tpu.memory_space<semaphore_mem>>)
        %dma_wait3A_240 = arith.constant 0 : i32
        %dma_wait3A_241 = arith.constant 0 : i32
        %dma_wait3A_242 = tpu.memref_slice %arg8[%dma_wait3A_240, %dma_wait3A_241] : memref<128x128xf32, #tpu.memory_space<vmem>> -> memref<80x128xf32, #tpu.memory_space<vmem>>
        %dma_wait3A_243 = arith.constant 0 : i32
        %dma_wait3A_244 = tpu.memref_slice %arg10[%add3A_42, %dma_wait3A_243] : memref<10080x128xf32, #tpu.memory_space<vmem_shared>> -> memref<80x128xf32, #tpu.memory_space<vmem_shared>>
        %dma_wait3A_245 = arith.constant 0 : i32
        %dma_wait3A_246 = tpu.memref_slice %arg10[%add3A_42, %dma_wait3A_245] : memref<10080x128xf32, #tpu.memory_space<vmem_shared>> -> memref<80x128xf32, #tpu.memory_space<vmem_shared>>
        %dma_wait3A_247 = arith.constant 0 : i32
        %dma_wait3A_248 = arith.constant 0 : i32
        %dma_wait3A_249 = tpu.memref_slice %arg8[%dma_wait3A_247, %dma_wait3A_248] : memref<128x128xf32, #tpu.memory_space<vmem>> -> memref<80x128xf32, #tpu.memory_space<vmem>>
        tpu.wait_dma2 semaphore(%run_scoped3A : memref<!tpu.dma_semaphore, #tpu.memory_space<semaphore_mem>>) src(%dma_wait3A_249 : memref<80x128xf32, #tpu.memory_space<vmem>>) dst(%dma_wait3A_246 : memref<80x128xf32, #tpu.memory_space<vmem_shared>>)
        tpu.yield
      }) : () -> ()
    } else {
    }
    %mul3A_48 = arith.constant 640 : i32
    %mul3A_49 = arith.muli %arg1, %mul3A_48 : i32
    %add3A_50 = arith.constant 400 : i32
    %add3A_51 = arith.addi %mul3A_49, %add3A_50 : i32
    %lt3A_52 = arith.constant 10080 : i32
    %lt3A_53 = arith.cmpi slt, %add3A_51, %lt3A_52 : i32
    %convert_element_type3A_54 = arith.extui %lt3A_53 : i1 to i32
    %cond3A_55 = arith.constant 0 : i32
    %cond3A_56 = arith.cmpi ne, %convert_element_type3A_54, %cond3A_55 : i32
    scf.if %cond3A_56 {
      "tpu.region"() ({
        %run_scoped3A = tpu.sem_alloc : memref<!tpu.dma_semaphore, #tpu.memory_space<semaphore_mem>>
        %dma_start3A_230 = arith.constant 0 : i32
        %dma_start3A_231 = arith.constant 0 : i32
        %dma_start3A_232 = tpu.memref_slice %arg8[%dma_start3A_230, %dma_start3A_231] : memref<128x128xf32, #tpu.memory_space<vmem>> -> memref<80x128xf32, #tpu.memory_space<vmem>>
        %dma_start3A_233 = arith.constant 0 : i32
        %dma_start3A_234 = tpu.memref_slice %arg10[%add3A_51, %dma_start3A_233] : memref<10080x128xf32, #tpu.memory_space<vmem_shared>> -> memref<80x128xf32, #tpu.memory_space<vmem_shared>>
        %dma_start3A_235 = arith.constant 0 : i32
        %dma_start3A_236 = tpu.memref_slice %arg10[%add3A_51, %dma_start3A_235] : memref<10080x128xf32, #tpu.memory_space<vmem_shared>> -> memref<80x128xf32, #tpu.memory_space<vmem_shared>>
        %dma_start3A_237 = arith.constant 0 : i32
        %dma_start3A_238 = arith.constant 0 : i32
        %dma_start3A_239 = tpu.memref_slice %arg8[%dma_start3A_237, %dma_start3A_238] : memref<128x128xf32, #tpu.memory_space<vmem>> -> memref<80x128xf32, #tpu.memory_space<vmem>>
        tpu.enqueue_dma source(%dma_start3A_239 : memref<80x128xf32, #tpu.memory_space<vmem>>) target(%dma_start3A_236 : memref<80x128xf32, #tpu.memory_space<vmem_shared>>) target_semaphore(%run_scoped3A : memref<!tpu.dma_semaphore, #tpu.memory_space<semaphore_mem>>)
        %dma_wait3A_240 = arith.constant 0 : i32
        %dma_wait3A_241 = arith.constant 0 : i32
        %dma_wait3A_242 = tpu.memref_slice %arg8[%dma_wait3A_240, %dma_wait3A_241] : memref<128x128xf32, #tpu.memory_space<vmem>> -> memref<80x128xf32, #tpu.memory_space<vmem>>
        %dma_wait3A_243 = arith.constant 0 : i32
        %dma_wait3A_244 = tpu.memref_slice %arg10[%add3A_51, %dma_wait3A_243] : memref<10080x128xf32, #tpu.memory_space<vmem_shared>> -> memref<80x128xf32, #tpu.memory_space<vmem_shared>>
        %dma_wait3A_245 = arith.constant 0 : i32
        %dma_wait3A_246 = tpu.memref_slice %arg10[%add3A_51, %dma_wait3A_245] : memref<10080x128xf32, #tpu.memory_space<vmem_shared>> -> memref<80x128xf32, #tpu.memory_space<vmem_shared>>
        %dma_wait3A_247 = arith.constant 0 : i32
        %dma_wait3A_248 = arith.constant 0 : i32
        %dma_wait3A_249 = tpu.memref_slice %arg8[%dma_wait3A_247, %dma_wait3A_248] : memref<128x128xf32, #tpu.memory_space<vmem>> -> memref<80x128xf32, #tpu.memory_space<vmem>>
        tpu.wait_dma2 semaphore(%run_scoped3A : memref<!tpu.dma_semaphore, #tpu.memory_space<semaphore_mem>>) src(%dma_wait3A_249 : memref<80x128xf32, #tpu.memory_space<vmem>>) dst(%dma_wait3A_246 : memref<80x128xf32, #tpu.memory_space<vmem_shared>>)
        tpu.yield
      }) : () -> ()
    } else {
    }
    %mul3A_57 = arith.constant 640 : i32
    %mul3A_58 = arith.muli %arg1, %mul3A_57 : i32
    %add3A_59 = arith.constant 480 : i32
    %add3A_60 = arith.addi %mul3A_58, %add3A_59 : i32
    %lt3A_61 = arith.constant 10080 : i32
    %lt3A_62 = arith.cmpi slt, %add3A_60, %lt3A_61 : i32
    %convert_element_type3A_63 = arith.extui %lt3A_62 : i1 to i32
    %cond3A_64 = arith.constant 0 : i32
    %cond3A_65 = arith.cmpi ne, %convert_element_type3A_63, %cond3A_64 : i32
    scf.if %cond3A_65 {
      "tpu.region"() ({
        %run_scoped3A = tpu.sem_alloc : memref<!tpu.dma_semaphore, #tpu.memory_space<semaphore_mem>>
        %dma_start3A_230 = arith.constant 0 : i32
        %dma_start3A_231 = arith.constant 0 : i32
        %dma_start3A_232 = tpu.memref_slice %arg8[%dma_start3A_230, %dma_start3A_231] : memref<128x128xf32, #tpu.memory_space<vmem>> -> memref<80x128xf32, #tpu.memory_space<vmem>>
        %dma_start3A_233 = arith.constant 0 : i32
        %dma_start3A_234 = tpu.memref_slice %arg10[%add3A_60, %dma_start3A_233] : memref<10080x128xf32, #tpu.memory_space<vmem_shared>> -> memref<80x128xf32, #tpu.memory_space<vmem_shared>>
        %dma_start3A_235 = arith.constant 0 : i32
        %dma_start3A_236 = tpu.memref_slice %arg10[%add3A_60, %dma_start3A_235] : memref<10080x128xf32, #tpu.memory_space<vmem_shared>> -> memref<80x128xf32, #tpu.memory_space<vmem_shared>>
        %dma_start3A_237 = arith.constant 0 : i32
        %dma_start3A_238 = arith.constant 0 : i32
        %dma_start3A_239 = tpu.memref_slice %arg8[%dma_start3A_237, %dma_start3A_238] : memref<128x128xf32, #tpu.memory_space<vmem>> -> memref<80x128xf32, #tpu.memory_space<vmem>>
        tpu.enqueue_dma source(%dma_start3A_239 : memref<80x128xf32, #tpu.memory_space<vmem>>) target(%dma_start3A_236 : memref<80x128xf32, #tpu.memory_space<vmem_shared>>) target_semaphore(%run_scoped3A : memref<!tpu.dma_semaphore, #tpu.memory_space<semaphore_mem>>)
        %dma_wait3A_240 = arith.constant 0 : i32
        %dma_wait3A_241 = arith.constant 0 : i32
        %dma_wait3A_242 = tpu.memref_slice %arg8[%dma_wait3A_240, %dma_wait3A_241] : memref<128x128xf32, #tpu.memory_space<vmem>> -> memref<80x128xf32, #tpu.memory_space<vmem>>
        %dma_wait3A_243 = arith.constant 0 : i32
        %dma_wait3A_244 = tpu.memref_slice %arg10[%add3A_60, %dma_wait3A_243] : memref<10080x128xf32, #tpu.memory_space<vmem_shared>> -> memref<80x128xf32, #tpu.memory_space<vmem_shared>>
        %dma_wait3A_245 = arith.constant 0 : i32
        %dma_wait3A_246 = tpu.memref_slice %arg10[%add3A_60, %dma_wait3A_245] : memref<10080x128xf32, #tpu.memory_space<vmem_shared>> -> memref<80x128xf32, #tpu.memory_space<vmem_shared>>
        %dma_wait3A_247 = arith.constant 0 : i32
        %dma_wait3A_248 = arith.constant 0 : i32
        %dma_wait3A_249 = tpu.memref_slice %arg8[%dma_wait3A_247, %dma_wait3A_248] : memref<128x128xf32, #tpu.memory_space<vmem>> -> memref<80x128xf32, #tpu.memory_space<vmem>>
        tpu.wait_dma2 semaphore(%run_scoped3A : memref<!tpu.dma_semaphore, #tpu.memory_space<semaphore_mem>>) src(%dma_wait3A_249 : memref<80x128xf32, #tpu.memory_space<vmem>>) dst(%dma_wait3A_246 : memref<80x128xf32, #tpu.memory_space<vmem_shared>>)
        tpu.yield
      }) : () -> ()
    } else {
    }
    %mul3A_66 = arith.constant 640 : i32
    %mul3A_67 = arith.muli %arg1, %mul3A_66 : i32
    %add3A_68 = arith.constant 560 : i32
    %add3A_69 = arith.addi %mul3A_67, %add3A_68 : i32
    %lt3A_70 = arith.constant 10080 : i32
    %lt3A_71 = arith.cmpi slt, %add3A_69, %lt3A_70 : i32
    %convert_element_type3A_72 = arith.extui %lt3A_71 : i1 to i32
    %cond3A_73 = arith.constant 0 : i32
    %cond3A_74 = arith.cmpi ne, %convert_element_type3A_72, %cond3A_73 : i32
    scf.if %cond3A_74 {
      "tpu.region"() ({
        %run_scoped3A = tpu.sem_alloc : memref<!tpu.dma_semaphore, #tpu.memory_space<semaphore_mem>>
        %dma_start3A_230 = arith.constant 0 : i32
        %dma_start3A_231 = arith.constant 0 : i32
        %dma_start3A_232 = tpu.memref_slice %arg8[%dma_start3A_230, %dma_start3A_231] : memref<128x128xf32, #tpu.memory_space<vmem>> -> memref<80x128xf32, #tpu.memory_space<vmem>>
        %dma_start3A_233 = arith.constant 0 : i32
        %dma_start3A_234 = tpu.memref_slice %arg10[%add3A_69, %dma_start3A_233] : memref<10080x128xf32, #tpu.memory_space<vmem_shared>> -> memref<80x128xf32, #tpu.memory_space<vmem_shared>>
        %dma_start3A_235 = arith.constant 0 : i32
        %dma_start3A_236 = tpu.memref_slice %arg10[%add3A_69, %dma_start3A_235] : memref<10080x128xf32, #tpu.memory_space<vmem_shared>> -> memref<80x128xf32, #tpu.memory_space<vmem_shared>>
        %dma_start3A_237 = arith.constant 0 : i32
        %dma_start3A_238 = arith.constant 0 : i32
        %dma_start3A_239 = tpu.memref_slice %arg8[%dma_start3A_237, %dma_start3A_238] : memref<128x128xf32, #tpu.memory_space<vmem>> -> memref<80x128xf32, #tpu.memory_space<vmem>>
        tpu.enqueue_dma source(%dma_start3A_239 : memref<80x128xf32, #tpu.memory_space<vmem>>) target(%dma_start3A_236 : memref<80x128xf32, #tpu.memory_space<vmem_shared>>) target_semaphore(%run_scoped3A : memref<!tpu.dma_semaphore, #tpu.memory_space<semaphore_mem>>)
        %dma_wait3A_240 = arith.constant 0 : i32
        %dma_wait3A_241 = arith.constant 0 : i32
        %dma_wait3A_242 = tpu.memref_slice %arg8[%dma_wait3A_240, %dma_wait3A_241] : memref<128x128xf32, #tpu.memory_space<vmem>> -> memref<80x128xf32, #tpu.memory_space<vmem>>
        %dma_wait3A_243 = arith.constant 0 : i32
        %dma_wait3A_244 = tpu.memref_slice %arg10[%add3A_69, %dma_wait3A_243] : memref<10080x128xf32, #tpu.memory_space<vmem_shared>> -> memref<80x128xf32, #tpu.memory_space<vmem_shared>>
        %dma_wait3A_245 = arith.constant 0 : i32
        %dma_wait3A_246 = tpu.memref_slice %arg10[%add3A_69, %dma_wait3A_245] : memref<10080x128xf32, #tpu.memory_space<vmem_shared>> -> memref<80x128xf32, #tpu.memory_space<vmem_shared>>
        %dma_wait3A_247 = arith.constant 0 : i32
        %dma_wait3A_248 = arith.constant 0 : i32
        %dma_wait3A_249 = tpu.memref_slice %arg8[%dma_wait3A_247, %dma_wait3A_248] : memref<128x128xf32, #tpu.memory_space<vmem>> -> memref<80x128xf32, #tpu.memory_space<vmem>>
        tpu.wait_dma2 semaphore(%run_scoped3A : memref<!tpu.dma_semaphore, #tpu.memory_space<semaphore_mem>>) src(%dma_wait3A_249 : memref<80x128xf32, #tpu.memory_space<vmem>>) dst(%dma_wait3A_246 : memref<80x128xf32, #tpu.memory_space<vmem_shared>>)
        tpu.yield
      }) : () -> ()
    } else {
    }
    %barrier3A = arith.constant 0 : index
    tpu.barrier barrier_id(%barrier3A)
    %mul3A_75 = arith.constant 80 : i32
    %mul3A_76 = arith.muli %add3A, %mul3A_75 : i32
    %add3A_77 = arith.constant 0 : i32
    %add3A_78 = arith.addi %mul3A_76, %add3A_77 : i32
    "tpu.region"() ({
      %run_scoped3A = tpu.sem_alloc : memref<!tpu.dma_semaphore, #tpu.memory_space<semaphore_mem>>
      %dma_start3A_230 = arith.constant 0 : i32
      %dma_start3A_231 = tpu.memref_slice %arg3[%add3A_78, %dma_start3A_230] : memref<2560x128xi32, #tpu.memory_space<hbm>> -> memref<40x128xi32, #tpu.memory_space<hbm>>
      %dma_start3A_232 = arith.constant 0 : i32
      %dma_start3A_233 = tpu.memref_slice %arg3[%add3A_78, %dma_start3A_232] : memref<2560x128xi32, #tpu.memory_space<hbm>> -> memref<40x128xi32, #tpu.memory_space<hbm>>
      tpu.enqueue_dma source(%dma_start3A_233 : memref<40x128xi32, #tpu.memory_space<hbm>>) target(%arg6 : memref<40x128xi32, #tpu.memory_space<vmem>>) target_semaphore(%run_scoped3A : memref<!tpu.dma_semaphore, #tpu.memory_space<semaphore_mem>>)
      %dma_wait3A_234 = arith.constant 0 : i32
      %dma_wait3A_235 = tpu.memref_slice %arg3[%add3A_78, %dma_wait3A_234] : memref<2560x128xi32, #tpu.memory_space<hbm>> -> memref<40x128xi32, #tpu.memory_space<hbm>>
      %dma_wait3A_236 = arith.constant 0 : i32
      %dma_wait3A_237 = tpu.memref_slice %arg3[%add3A_78, %dma_wait3A_236] : memref<2560x128xi32, #tpu.memory_space<hbm>> -> memref<40x128xi32, #tpu.memory_space<hbm>>
      tpu.wait_dma2 semaphore(%run_scoped3A : memref<!tpu.dma_semaphore, #tpu.memory_space<semaphore_mem>>) src(%dma_wait3A_237 : memref<40x128xi32, #tpu.memory_space<hbm>>) dst(%arg6 : memref<40x128xi32, #tpu.memory_space<vmem>>)
      tpu.yield
    }) : () -> ()
    "tpu.region"() ({
      %run_scoped3A = tpu.sem_alloc : memref<!tpu.dma_semaphore, #tpu.memory_space<semaphore_mem>>
      %dma_start3A_230 = arith.constant 0 : i32
      %dma_start3A_231 = tpu.memref_slice %arg4[%add3A_78, %dma_start3A_230] : memref<2560x128xi32, #tpu.memory_space<hbm>> -> memref<40x128xi32, #tpu.memory_space<hbm>>
      %dma_start3A_232 = arith.constant 0 : i32
      %dma_start3A_233 = tpu.memref_slice %arg4[%add3A_78, %dma_start3A_232] : memref<2560x128xi32, #tpu.memory_space<hbm>> -> memref<40x128xi32, #tpu.memory_space<hbm>>
      tpu.enqueue_dma source(%dma_start3A_233 : memref<40x128xi32, #tpu.memory_space<hbm>>) target(%arg7 : memref<40x128xi32, #tpu.memory_space<vmem>>) target_semaphore(%run_scoped3A : memref<!tpu.dma_semaphore, #tpu.memory_space<semaphore_mem>>)
      %dma_wait3A_234 = arith.constant 0 : i32
      %dma_wait3A_235 = tpu.memref_slice %arg4[%add3A_78, %dma_wait3A_234] : memref<2560x128xi32, #tpu.memory_space<hbm>> -> memref<40x128xi32, #tpu.memory_space<hbm>>
      %dma_wait3A_236 = arith.constant 0 : i32
      %dma_wait3A_237 = tpu.memref_slice %arg4[%add3A_78, %dma_wait3A_236] : memref<2560x128xi32, #tpu.memory_space<hbm>> -> memref<40x128xi32, #tpu.memory_space<hbm>>
      tpu.wait_dma2 semaphore(%run_scoped3A : memref<!tpu.dma_semaphore, #tpu.memory_space<semaphore_mem>>) src(%dma_wait3A_237 : memref<40x128xi32, #tpu.memory_space<hbm>>) dst(%arg7 : memref<40x128xi32, #tpu.memory_space<vmem>>)
      tpu.yield
    }) : () -> ()
    %dma_start3A = arith.constant 0 : i32
    %dma_start3A_79 = arith.constant 0 : i32
    %dma_start3A_80 = tpu.memref_slice %arg6[%dma_start3A, %dma_start3A_79] : memref<40x128xi32, #tpu.memory_space<vmem>> -> memref<1x128xi32, #tpu.memory_space<vmem>>
    %dma_start3A_81 = tpu.memref_squeeze %dma_start3A_80 : memref<1x128xi32, #tpu.memory_space<vmem>> -> memref<128xi32, #tpu.memory_space<vmem>>
    %dma_start3A_82 = arith.constant 0 : i32
    %dma_start3A_83 = arith.constant 0 : i32
    %dma_start3A_84 = tpu.memref_slice %arg2[%dma_start3A_82, %dma_start3A_83] : memref<10000x128xf32, #tpu.memory_space<hbm>> -> memref<10000x128xf32, #tpu.memory_space<hbm>>
    tpu.enqueue_indirect_dma source(%dma_start3A_84 : memref<10000x128xf32, #tpu.memory_space<hbm>>) target(%arg8 : memref<128x128xf32, #tpu.memory_space<vmem>>) offsets(%dma_start3A_81 : memref<128xi32, #tpu.memory_space<vmem>>) semaphore(%arg11 : memref<!tpu.dma_semaphore, #tpu.memory_space<semaphore_mem>>)
    %scan3A_85 = arith.constant 0 : i32
    %scan3A_86 = arith.constant 0 : i32
    %scan3A_87 = arith.constant 19 : i32
    %scan3A_88 = arith.addi %scan3A_86, %scan3A_87 : i32
    %scan3A_89 = arith.constant 1 : i32
    scf.for %scan3A_230 = %scan3A_86 to %scan3A_88 step %scan3A_89  : i32 {
      %mul3A_231 = arith.constant 2 : i32
      %mul3A_232 = arith.muli %mul3A_231, %scan3A_230 : i32
      %add3A_233 = arith.constant 1 : i32
      %add3A_234 = arith.addi %mul3A_232, %add3A_233 : i32
      %dma_start3A_235 = arith.constant 0 : i32
      %dma_start3A_236 = tpu.memref_slice %arg6[%add3A_234, %dma_start3A_235] : memref<40x128xi32, #tpu.memory_space<vmem>> -> memref<1x128xi32, #tpu.memory_space<vmem>>
      %dma_start3A_237 = tpu.memref_squeeze %dma_start3A_236 : memref<1x128xi32, #tpu.memory_space<vmem>> -> memref<128xi32, #tpu.memory_space<vmem>>
      %dma_start3A_238 = arith.constant 0 : i32
      %dma_start3A_239 = arith.constant 0 : i32
      %dma_start3A_240 = tpu.memref_slice %arg2[%dma_start3A_238, %dma_start3A_239] : memref<10000x128xf32, #tpu.memory_space<hbm>> -> memref<10000x128xf32, #tpu.memory_space<hbm>>
      tpu.enqueue_indirect_dma source(%dma_start3A_240 : memref<10000x128xf32, #tpu.memory_space<hbm>>) target(%arg9 : memref<128x128xf32, #tpu.memory_space<vmem>>) offsets(%dma_start3A_237 : memref<128xi32, #tpu.memory_space<vmem>>) semaphore(%arg12 : memref<!tpu.dma_semaphore, #tpu.memory_space<semaphore_mem>>)
      %dma_wait3A_241 = arith.constant 0 : i32
      %dma_wait3A_242 = arith.constant 0 : i32
      %dma_wait3A_243 = tpu.memref_slice %arg6[%dma_wait3A_241, %dma_wait3A_242] : memref<40x128xi32, #tpu.memory_space<vmem>> -> memref<1x128xi32, #tpu.memory_space<vmem>>
      %dma_wait3A_244 = tpu.memref_squeeze %dma_wait3A_243 : memref<1x128xi32, #tpu.memory_space<vmem>> -> memref<128xi32, #tpu.memory_space<vmem>>
      %dma_wait3A_245 = arith.constant 0 : i32
      %dma_wait3A_246 = arith.constant 0 : i32
      %dma_wait3A_247 = tpu.memref_slice %arg2[%dma_wait3A_245, %dma_wait3A_246] : memref<10000x128xf32, #tpu.memory_space<hbm>> -> memref<10000x128xf32, #tpu.memory_space<hbm>>
      tpu.wait_indirect_dma semaphore(%arg11 : memref<!tpu.dma_semaphore, #tpu.memory_space<semaphore_mem>>) src(%dma_wait3A_247 : memref<10000x128xf32, #tpu.memory_space<hbm>>) dst(%arg8 : memref<128x128xf32, #tpu.memory_space<vmem>>)
      %mul3A_248 = arith.constant 640 : i32
      %mul3A_249 = arith.muli %arg1, %mul3A_248 : i32
      "tpu.region"() ({
        %run_scoped3A = tpu.sem_alloc : memref<!tpu.dma_semaphore, #tpu.memory_space<semaphore_mem>>
        %dma_start3A_269 = arith.constant 0 : i32
        %dma_start3A_270 = tpu.memref_slice %arg10[%mul3A_249, %dma_start3A_269] : memref<10080x128xf32, #tpu.memory_space<vmem_shared>> -> memref<128x128xf32, #tpu.memory_space<vmem_shared>>
        %dma_start3A_271 = arith.constant 0 : i32
        %dma_start3A_272 = tpu.memref_slice %arg10[%mul3A_249, %dma_start3A_271] : memref<10080x128xf32, #tpu.memory_space<vmem_shared>> -> memref<128x128xf32, #tpu.memory_space<vmem_shared>>
        tpu.enqueue_dma source(%arg8 : memref<128x128xf32, #tpu.memory_space<vmem>>) target(%dma_start3A_272 : memref<128x128xf32, #tpu.memory_space<vmem_shared>>) target_semaphore(%run_scoped3A : memref<!tpu.dma_semaphore, #tpu.memory_space<semaphore_mem>>)
        %dma_wait3A_273 = arith.constant 0 : i32
        %dma_wait3A_274 = tpu.memref_slice %arg10[%mul3A_249, %dma_wait3A_273] : memref<10080x128xf32, #tpu.memory_space<vmem_shared>> -> memref<128x128xf32, #tpu.memory_space<vmem_shared>>
        %dma_wait3A_275 = arith.constant 0 : i32
        %dma_wait3A_276 = tpu.memref_slice %arg10[%mul3A_249, %dma_wait3A_275] : memref<10080x128xf32, #tpu.memory_space<vmem_shared>> -> memref<128x128xf32, #tpu.memory_space<vmem_shared>>
        tpu.wait_dma2 semaphore(%run_scoped3A : memref<!tpu.dma_semaphore, #tpu.memory_space<semaphore_mem>>) src(%arg8 : memref<128x128xf32, #tpu.memory_space<vmem>>) dst(%dma_wait3A_276 : memref<128x128xf32, #tpu.memory_space<vmem_shared>>)
        tpu.yield
      }) : () -> ()
      %add3A_250 = arith.constant 2 : i32
      %add3A_251 = arith.addi %mul3A_232, %add3A_250 : i32
      %dma_start3A_252 = arith.constant 0 : i32
      %dma_start3A_253 = tpu.memref_slice %arg6[%add3A_251, %dma_start3A_252] : memref<40x128xi32, #tpu.memory_space<vmem>> -> memref<1x128xi32, #tpu.memory_space<vmem>>
      %dma_start3A_254 = tpu.memref_squeeze %dma_start3A_253 : memref<1x128xi32, #tpu.memory_space<vmem>> -> memref<128xi32, #tpu.memory_space<vmem>>
      %dma_start3A_255 = arith.constant 0 : i32
      %dma_start3A_256 = arith.constant 0 : i32
      %dma_start3A_257 = tpu.memref_slice %arg2[%dma_start3A_255, %dma_start3A_256] : memref<10000x128xf32, #tpu.memory_space<hbm>> -> memref<10000x128xf32, #tpu.memory_space<hbm>>
      tpu.enqueue_indirect_dma source(%dma_start3A_257 : memref<10000x128xf32, #tpu.memory_space<hbm>>) target(%arg8 : memref<128x128xf32, #tpu.memory_space<vmem>>) offsets(%dma_start3A_254 : memref<128xi32, #tpu.memory_space<vmem>>) semaphore(%arg11 : memref<!tpu.dma_semaphore, #tpu.memory_space<semaphore_mem>>)
      %dma_wait3A_258 = arith.constant 0 : i32
      %dma_wait3A_259 = arith.constant 0 : i32
      %dma_wait3A_260 = tpu.memref_slice %arg6[%dma_wait3A_258, %dma_wait3A_259] : memref<40x128xi32, #tpu.memory_space<vmem>> -> memref<1x128xi32, #tpu.memory_space<vmem>>
      %dma_wait3A_261 = tpu.memref_squeeze %dma_wait3A_260 : memref<1x128xi32, #tpu.memory_space<vmem>> -> memref<128xi32, #tpu.memory_space<vmem>>
      %dma_wait3A_262 = arith.constant 0 : i32
      %dma_wait3A_263 = arith.constant 0 : i32
      %dma_wait3A_264 = tpu.memref_slice %arg2[%dma_wait3A_262, %dma_wait3A_263] : memref<10000x128xf32, #tpu.memory_space<hbm>> -> memref<10000x128xf32, #tpu.memory_space<hbm>>
      tpu.wait_indirect_dma semaphore(%arg12 : memref<!tpu.dma_semaphore, #tpu.memory_space<semaphore_mem>>) src(%dma_wait3A_264 : memref<10000x128xf32, #tpu.memory_space<hbm>>) dst(%arg9 : memref<128x128xf32, #tpu.memory_space<vmem>>)
      %add3A_265 = arith.constant 1 : i32
      %add3A_266 = arith.addi %mul3A_232, %add3A_265 : i32
      %mul3A_267 = arith.constant 640 : i32
      %mul3A_268 = arith.muli %arg1, %mul3A_267 : i32
      "tpu.region"() ({
        %run_scoped3A = tpu.sem_alloc : memref<!tpu.dma_semaphore, #tpu.memory_space<semaphore_mem>>
        %dma_start3A_269 = arith.constant 0 : i32
        %dma_start3A_270 = tpu.memref_slice %arg10[%mul3A_268, %dma_start3A_269] : memref<10080x128xf32, #tpu.memory_space<vmem_shared>> -> memref<128x128xf32, #tpu.memory_space<vmem_shared>>
        %dma_start3A_271 = arith.constant 0 : i32
        %dma_start3A_272 = tpu.memref_slice %arg10[%mul3A_268, %dma_start3A_271] : memref<10080x128xf32, #tpu.memory_space<vmem_shared>> -> memref<128x128xf32, #tpu.memory_space<vmem_shared>>
        tpu.enqueue_dma source(%arg9 : memref<128x128xf32, #tpu.memory_space<vmem>>) target(%dma_start3A_272 : memref<128x128xf32, #tpu.memory_space<vmem_shared>>) target_semaphore(%run_scoped3A : memref<!tpu.dma_semaphore, #tpu.memory_space<semaphore_mem>>)
        %dma_wait3A_273 = arith.constant 0 : i32
        %dma_wait3A_274 = tpu.memref_slice %arg10[%mul3A_268, %dma_wait3A_273] : memref<10080x128xf32, #tpu.memory_space<vmem_shared>> -> memref<128x128xf32, #tpu.memory_space<vmem_shared>>
        %dma_wait3A_275 = arith.constant 0 : i32
        %dma_wait3A_276 = tpu.memref_slice %arg10[%mul3A_268, %dma_wait3A_275] : memref<10080x128xf32, #tpu.memory_space<vmem_shared>> -> memref<128x128xf32, #tpu.memory_space<vmem_shared>>
        tpu.wait_dma2 semaphore(%run_scoped3A : memref<!tpu.dma_semaphore, #tpu.memory_space<semaphore_mem>>) src(%arg9 : memref<128x128xf32, #tpu.memory_space<vmem>>) dst(%dma_wait3A_276 : memref<128x128xf32, #tpu.memory_space<vmem_shared>>)
        tpu.yield
      }) : () -> ()
    }
    %scan3A_90 = arith.constant 19 : i32
    %dma_start3A_91 = arith.constant 39 : i32
    %dma_start3A_92 = arith.constant 0 : i32
    %dma_start3A_93 = tpu.memref_slice %arg6[%dma_start3A_91, %dma_start3A_92] : memref<40x128xi32, #tpu.memory_space<vmem>> -> memref<1x128xi32, #tpu.memory_space<vmem>>
    %dma_start3A_94 = tpu.memref_squeeze %dma_start3A_93 : memref<1x128xi32, #tpu.memory_space<vmem>> -> memref<128xi32, #tpu.memory_space<vmem>>
    %dma_start3A_95 = arith.constant 0 : i32
    %dma_start3A_96 = arith.constant 0 : i32
    %dma_start3A_97 = tpu.memref_slice %arg2[%dma_start3A_95, %dma_start3A_96] : memref<10000x128xf32, #tpu.memory_space<hbm>> -> memref<10000x128xf32, #tpu.memory_space<hbm>>
    tpu.enqueue_indirect_dma source(%dma_start3A_97 : memref<10000x128xf32, #tpu.memory_space<hbm>>) target(%arg9 : memref<128x128xf32, #tpu.memory_space<vmem>>) offsets(%dma_start3A_94 : memref<128xi32, #tpu.memory_space<vmem>>) semaphore(%arg12 : memref<!tpu.dma_semaphore, #tpu.memory_space<semaphore_mem>>)
    %dma_wait3A = arith.constant 0 : i32
    %dma_wait3A_98 = arith.constant 0 : i32
    %dma_wait3A_99 = tpu.memref_slice %arg6[%dma_wait3A, %dma_wait3A_98] : memref<40x128xi32, #tpu.memory_space<vmem>> -> memref<1x128xi32, #tpu.memory_space<vmem>>
    %dma_wait3A_100 = tpu.memref_squeeze %dma_wait3A_99 : memref<1x128xi32, #tpu.memory_space<vmem>> -> memref<128xi32, #tpu.memory_space<vmem>>
    %dma_wait3A_101 = arith.constant 0 : i32
    %dma_wait3A_102 = arith.constant 0 : i32
    %dma_wait3A_103 = tpu.memref_slice %arg2[%dma_wait3A_101, %dma_wait3A_102] : memref<10000x128xf32, #tpu.memory_space<hbm>> -> memref<10000x128xf32, #tpu.memory_space<hbm>>
    tpu.wait_indirect_dma semaphore(%arg11 : memref<!tpu.dma_semaphore, #tpu.memory_space<semaphore_mem>>) src(%dma_wait3A_103 : memref<10000x128xf32, #tpu.memory_space<hbm>>) dst(%arg8 : memref<128x128xf32, #tpu.memory_space<vmem>>)
    %mul3A_104 = arith.constant 640 : i32
    %mul3A_105 = arith.muli %arg1, %mul3A_104 : i32
    "tpu.region"() ({
      %run_scoped3A = tpu.sem_alloc : memref<!tpu.dma_semaphore, #tpu.memory_space<semaphore_mem>>
      %dma_start3A_230 = arith.constant 0 : i32
      %dma_start3A_231 = tpu.memref_slice %arg10[%mul3A_105, %dma_start3A_230] : memref<10080x128xf32, #tpu.memory_space<vmem_shared>> -> memref<128x128xf32, #tpu.memory_space<vmem_shared>>
      %dma_start3A_232 = arith.constant 0 : i32
      %dma_start3A_233 = tpu.memref_slice %arg10[%mul3A_105, %dma_start3A_232] : memref<10080x128xf32, #tpu.memory_space<vmem_shared>> -> memref<128x128xf32, #tpu.memory_space<vmem_shared>>
      tpu.enqueue_dma source(%arg8 : memref<128x128xf32, #tpu.memory_space<vmem>>) target(%dma_start3A_233 : memref<128x128xf32, #tpu.memory_space<vmem_shared>>) target_semaphore(%run_scoped3A : memref<!tpu.dma_semaphore, #tpu.memory_space<semaphore_mem>>)
      %dma_wait3A_234 = arith.constant 0 : i32
      %dma_wait3A_235 = tpu.memref_slice %arg10[%mul3A_105, %dma_wait3A_234] : memref<10080x128xf32, #tpu.memory_space<vmem_shared>> -> memref<128x128xf32, #tpu.memory_space<vmem_shared>>
      %dma_wait3A_236 = arith.constant 0 : i32
      %dma_wait3A_237 = tpu.memref_slice %arg10[%mul3A_105, %dma_wait3A_236] : memref<10080x128xf32, #tpu.memory_space<vmem_shared>> -> memref<128x128xf32, #tpu.memory_space<vmem_shared>>
      tpu.wait_dma2 semaphore(%run_scoped3A : memref<!tpu.dma_semaphore, #tpu.memory_space<semaphore_mem>>) src(%arg8 : memref<128x128xf32, #tpu.memory_space<vmem>>) dst(%dma_wait3A_237 : memref<128x128xf32, #tpu.memory_space<vmem_shared>>)
      tpu.yield
    }) : () -> ()
    %dma_wait3A_106 = arith.constant 0 : i32
    %dma_wait3A_107 = arith.constant 0 : i32
    %dma_wait3A_108 = tpu.memref_slice %arg6[%dma_wait3A_106, %dma_wait3A_107] : memref<40x128xi32, #tpu.memory_space<vmem>> -> memref<1x128xi32, #tpu.memory_space<vmem>>
    %dma_wait3A_109 = tpu.memref_squeeze %dma_wait3A_108 : memref<1x128xi32, #tpu.memory_space<vmem>> -> memref<128xi32, #tpu.memory_space<vmem>>
    %dma_wait3A_110 = arith.constant 0 : i32
    %dma_wait3A_111 = arith.constant 0 : i32
    %dma_wait3A_112 = tpu.memref_slice %arg2[%dma_wait3A_110, %dma_wait3A_111] : memref<10000x128xf32, #tpu.memory_space<hbm>> -> memref<10000x128xf32, #tpu.memory_space<hbm>>
    tpu.wait_indirect_dma semaphore(%arg12 : memref<!tpu.dma_semaphore, #tpu.memory_space<semaphore_mem>>) src(%dma_wait3A_112 : memref<10000x128xf32, #tpu.memory_space<hbm>>) dst(%arg9 : memref<128x128xf32, #tpu.memory_space<vmem>>)
    %mul3A_113 = arith.constant 640 : i32
    %mul3A_114 = arith.muli %arg1, %mul3A_113 : i32
    "tpu.region"() ({
      %run_scoped3A = tpu.sem_alloc : memref<!tpu.dma_semaphore, #tpu.memory_space<semaphore_mem>>
      %dma_start3A_230 = arith.constant 0 : i32
      %dma_start3A_231 = tpu.memref_slice %arg10[%mul3A_114, %dma_start3A_230] : memref<10080x128xf32, #tpu.memory_space<vmem_shared>> -> memref<128x128xf32, #tpu.memory_space<vmem_shared>>
      %dma_start3A_232 = arith.constant 0 : i32
      %dma_start3A_233 = tpu.memref_slice %arg10[%mul3A_114, %dma_start3A_232] : memref<10080x128xf32, #tpu.memory_space<vmem_shared>> -> memref<128x128xf32, #tpu.memory_space<vmem_shared>>
      tpu.enqueue_dma source(%arg9 : memref<128x128xf32, #tpu.memory_space<vmem>>) target(%dma_start3A_233 : memref<128x128xf32, #tpu.memory_space<vmem_shared>>) target_semaphore(%run_scoped3A : memref<!tpu.dma_semaphore, #tpu.memory_space<semaphore_mem>>)
      %dma_wait3A_234 = arith.constant 0 : i32
      %dma_wait3A_235 = tpu.memref_slice %arg10[%mul3A_114, %dma_wait3A_234] : memref<10080x128xf32, #tpu.memory_space<vmem_shared>> -> memref<128x128xf32, #tpu.memory_space<vmem_shared>>
      %dma_wait3A_236 = arith.constant 0 : i32
      %dma_wait3A_237 = tpu.memref_slice %arg10[%mul3A_114, %dma_wait3A_236] : memref<10080x128xf32, #tpu.memory_space<vmem_shared>> -> memref<128x128xf32, #tpu.memory_space<vmem_shared>>
      tpu.wait_dma2 semaphore(%run_scoped3A : memref<!tpu.dma_semaphore, #tpu.memory_space<semaphore_mem>>) src(%arg9 : memref<128x128xf32, #tpu.memory_space<vmem>>) dst(%dma_wait3A_237 : memref<128x128xf32, #tpu.memory_space<vmem_shared>>)
      tpu.yield
    }) : () -> ()
    %mul3A_115 = arith.constant 80 : i32
    %mul3A_116 = arith.muli %add3A, %mul3A_115 : i32
    %add3A_117 = arith.constant 40 : i32
    %add3A_118 = arith.addi %mul3A_116, %add3A_117 : i32
    "tpu.region"() ({
      %run_scoped3A = tpu.sem_alloc : memref<!tpu.dma_semaphore, #tpu.memory_space<semaphore_mem>>
      %dma_start3A_230 = arith.constant 0 : i32
      %dma_start3A_231 = tpu.memref_slice %arg3[%add3A_118, %dma_start3A_230] : memref<2560x128xi32, #tpu.memory_space<hbm>> -> memref<40x128xi32, #tpu.memory_space<hbm>>
      %dma_start3A_232 = arith.constant 0 : i32
      %dma_start3A_233 = tpu.memref_slice %arg3[%add3A_118, %dma_start3A_232] : memref<2560x128xi32, #tpu.memory_space<hbm>> -> memref<40x128xi32, #tpu.memory_space<hbm>>
      tpu.enqueue_dma source(%dma_start3A_233 : memref<40x128xi32, #tpu.memory_space<hbm>>) target(%arg6 : memref<40x128xi32, #tpu.memory_space<vmem>>) target_semaphore(%run_scoped3A : memref<!tpu.dma_semaphore, #tpu.memory_space<semaphore_mem>>)
      %dma_wait3A_234 = arith.constant 0 : i32
      %dma_wait3A_235 = tpu.memref_slice %arg3[%add3A_118, %dma_wait3A_234] : memref<2560x128xi32, #tpu.memory_space<hbm>> -> memref<40x128xi32, #tpu.memory_space<hbm>>
      %dma_wait3A_236 = arith.constant 0 : i32
      %dma_wait3A_237 = tpu.memref_slice %arg3[%add3A_118, %dma_wait3A_236] : memref<2560x128xi32, #tpu.memory_space<hbm>> -> memref<40x128xi32, #tpu.memory_space<hbm>>
      tpu.wait_dma2 semaphore(%run_scoped3A : memref<!tpu.dma_semaphore, #tpu.memory_space<semaphore_mem>>) src(%dma_wait3A_237 : memref<40x128xi32, #tpu.memory_space<hbm>>) dst(%arg6 : memref<40x128xi32, #tpu.memory_space<vmem>>)
      tpu.yield
    }) : () -> ()
    "tpu.region"() ({
      %run_scoped3A = tpu.sem_alloc : memref<!tpu.dma_semaphore, #tpu.memory_space<semaphore_mem>>
      %dma_start3A_230 = arith.constant 0 : i32
      %dma_start3A_231 = tpu.memref_slice %arg4[%add3A_118, %dma_start3A_230] : memref<2560x128xi32, #tpu.memory_space<hbm>> -> memref<40x128xi32, #tpu.memory_space<hbm>>
      %dma_start3A_232 = arith.constant 0 : i32
      %dma_start3A_233 = tpu.memref_slice %arg4[%add3A_118, %dma_start3A_232] : memref<2560x128xi32, #tpu.memory_space<hbm>> -> memref<40x128xi32, #tpu.memory_space<hbm>>
      tpu.enqueue_dma source(%dma_start3A_233 : memref<40x128xi32, #tpu.memory_space<hbm>>) target(%arg7 : memref<40x128xi32, #tpu.memory_space<vmem>>) target_semaphore(%run_scoped3A : memref<!tpu.dma_semaphore, #tpu.memory_space<semaphore_mem>>)
      %dma_wait3A_234 = arith.constant 0 : i32
      %dma_wait3A_235 = tpu.memref_slice %arg4[%add3A_118, %dma_wait3A_234] : memref<2560x128xi32, #tpu.memory_space<hbm>> -> memref<40x128xi32, #tpu.memory_space<hbm>>
      %dma_wait3A_236 = arith.constant 0 : i32
      %dma_wait3A_237 = tpu.memref_slice %arg4[%add3A_118, %dma_wait3A_236] : memref<2560x128xi32, #tpu.memory_space<hbm>> -> memref<40x128xi32, #tpu.memory_space<hbm>>
      tpu.wait_dma2 semaphore(%run_scoped3A : memref<!tpu.dma_semaphore, #tpu.memory_space<semaphore_mem>>) src(%dma_wait3A_237 : memref<40x128xi32, #tpu.memory_space<hbm>>) dst(%arg7 : memref<40x128xi32, #tpu.memory_space<vmem>>)
      tpu.yield
    }) : () -> ()
    %dma_start3A_119 = arith.constant 0 : i32
    %dma_start3A_120 = arith.constant 0 : i32
    %dma_start3A_121 = tpu.memref_slice %arg6[%dma_start3A_119, %dma_start3A_120] : memref<40x128xi32, #tpu.memory_space<vmem>> -> memref<1x128xi32, #tpu.memory_space<vmem>>
    %dma_start3A_122 = tpu.memref_squeeze %dma_start3A_121 : memref<1x128xi32, #tpu.memory_space<vmem>> -> memref<128xi32, #tpu.memory_space<vmem>>
    %dma_start3A_123 = arith.constant 0 : i32
    %dma_start3A_124 = arith.constant 0 : i32
    %dma_start3A_125 = tpu.memref_slice %arg2[%dma_start3A_123, %dma_start3A_124] : memref<10000x128xf32, #tpu.memory_space<hbm>> -> memref<10000x128xf32, #tpu.memory_space<hbm>>
    tpu.enqueue_indirect_dma source(%dma_start3A_125 : memref<10000x128xf32, #tpu.memory_space<hbm>>) target(%arg8 : memref<128x128xf32, #tpu.memory_space<vmem>>) offsets(%dma_start3A_122 : memref<128xi32, #tpu.memory_space<vmem>>) semaphore(%arg11 : memref<!tpu.dma_semaphore, #tpu.memory_space<semaphore_mem>>)
    %scan3A_126 = arith.constant 0 : i32
    %scan3A_127 = arith.constant 0 : i32
    %scan3A_128 = arith.constant 19 : i32
    %scan3A_129 = arith.addi %scan3A_127, %scan3A_128 : i32
    %scan3A_130 = arith.constant 1 : i32
    scf.for %scan3A_230 = %scan3A_127 to %scan3A_129 step %scan3A_130  : i32 {
      %mul3A_231 = arith.constant 2 : i32
      %mul3A_232 = arith.muli %mul3A_231, %scan3A_230 : i32
      %add3A_233 = arith.constant 1 : i32
      %add3A_234 = arith.addi %mul3A_232, %add3A_233 : i32
      %dma_start3A_235 = arith.constant 0 : i32
      %dma_start3A_236 = tpu.memref_slice %arg6[%add3A_234, %dma_start3A_235] : memref<40x128xi32, #tpu.memory_space<vmem>> -> memref<1x128xi32, #tpu.memory_space<vmem>>
      %dma_start3A_237 = tpu.memref_squeeze %dma_start3A_236 : memref<1x128xi32, #tpu.memory_space<vmem>> -> memref<128xi32, #tpu.memory_space<vmem>>
      %dma_start3A_238 = arith.constant 0 : i32
      %dma_start3A_239 = arith.constant 0 : i32
      %dma_start3A_240 = tpu.memref_slice %arg2[%dma_start3A_238, %dma_start3A_239] : memref<10000x128xf32, #tpu.memory_space<hbm>> -> memref<10000x128xf32, #tpu.memory_space<hbm>>
      tpu.enqueue_indirect_dma source(%dma_start3A_240 : memref<10000x128xf32, #tpu.memory_space<hbm>>) target(%arg9 : memref<128x128xf32, #tpu.memory_space<vmem>>) offsets(%dma_start3A_237 : memref<128xi32, #tpu.memory_space<vmem>>) semaphore(%arg12 : memref<!tpu.dma_semaphore, #tpu.memory_space<semaphore_mem>>)
      %dma_wait3A_241 = arith.constant 0 : i32
      %dma_wait3A_242 = arith.constant 0 : i32
      %dma_wait3A_243 = tpu.memref_slice %arg6[%dma_wait3A_241, %dma_wait3A_242] : memref<40x128xi32, #tpu.memory_space<vmem>> -> memref<1x128xi32, #tpu.memory_space<vmem>>
      %dma_wait3A_244 = tpu.memref_squeeze %dma_wait3A_243 : memref<1x128xi32, #tpu.memory_space<vmem>> -> memref<128xi32, #tpu.memory_space<vmem>>
      %dma_wait3A_245 = arith.constant 0 : i32
      %dma_wait3A_246 = arith.constant 0 : i32
      %dma_wait3A_247 = tpu.memref_slice %arg2[%dma_wait3A_245, %dma_wait3A_246] : memref<10000x128xf32, #tpu.memory_space<hbm>> -> memref<10000x128xf32, #tpu.memory_space<hbm>>
      tpu.wait_indirect_dma semaphore(%arg11 : memref<!tpu.dma_semaphore, #tpu.memory_space<semaphore_mem>>) src(%dma_wait3A_247 : memref<10000x128xf32, #tpu.memory_space<hbm>>) dst(%arg8 : memref<128x128xf32, #tpu.memory_space<vmem>>)
      %mul3A_248 = arith.constant 640 : i32
      %mul3A_249 = arith.muli %arg1, %mul3A_248 : i32
      "tpu.region"() ({
        %run_scoped3A = tpu.sem_alloc : memref<!tpu.dma_semaphore, #tpu.memory_space<semaphore_mem>>
        %dma_start3A_269 = arith.constant 0 : i32
        %dma_start3A_270 = tpu.memref_slice %arg10[%mul3A_249, %dma_start3A_269] : memref<10080x128xf32, #tpu.memory_space<vmem_shared>> -> memref<128x128xf32, #tpu.memory_space<vmem_shared>>
        %dma_start3A_271 = arith.constant 0 : i32
        %dma_start3A_272 = tpu.memref_slice %arg10[%mul3A_249, %dma_start3A_271] : memref<10080x128xf32, #tpu.memory_space<vmem_shared>> -> memref<128x128xf32, #tpu.memory_space<vmem_shared>>
        tpu.enqueue_dma source(%arg8 : memref<128x128xf32, #tpu.memory_space<vmem>>) target(%dma_start3A_272 : memref<128x128xf32, #tpu.memory_space<vmem_shared>>) target_semaphore(%run_scoped3A : memref<!tpu.dma_semaphore, #tpu.memory_space<semaphore_mem>>)
        %dma_wait3A_273 = arith.constant 0 : i32
        %dma_wait3A_274 = tpu.memref_slice %arg10[%mul3A_249, %dma_wait3A_273] : memref<10080x128xf32, #tpu.memory_space<vmem_shared>> -> memref<128x128xf32, #tpu.memory_space<vmem_shared>>
        %dma_wait3A_275 = arith.constant 0 : i32
        %dma_wait3A_276 = tpu.memref_slice %arg10[%mul3A_249, %dma_wait3A_275] : memref<10080x128xf32, #tpu.memory_space<vmem_shared>> -> memref<128x128xf32, #tpu.memory_space<vmem_shared>>
        tpu.wait_dma2 semaphore(%run_scoped3A : memref<!tpu.dma_semaphore, #tpu.memory_space<semaphore_mem>>) src(%arg8 : memref<128x128xf32, #tpu.memory_space<vmem>>) dst(%dma_wait3A_276 : memref<128x128xf32, #tpu.memory_space<vmem_shared>>)
        tpu.yield
      }) : () -> ()
      %add3A_250 = arith.constant 2 : i32
      %add3A_251 = arith.addi %mul3A_232, %add3A_250 : i32
      %dma_start3A_252 = arith.constant 0 : i32
      %dma_start3A_253 = tpu.memref_slice %arg6[%add3A_251, %dma_start3A_252] : memref<40x128xi32, #tpu.memory_space<vmem>> -> memref<1x128xi32, #tpu.memory_space<vmem>>
      %dma_start3A_254 = tpu.memref_squeeze %dma_start3A_253 : memref<1x128xi32, #tpu.memory_space<vmem>> -> memref<128xi32, #tpu.memory_space<vmem>>
      %dma_start3A_255 = arith.constant 0 : i32
      %dma_start3A_256 = arith.constant 0 : i32
      %dma_start3A_257 = tpu.memref_slice %arg2[%dma_start3A_255, %dma_start3A_256] : memref<10000x128xf32, #tpu.memory_space<hbm>> -> memref<10000x128xf32, #tpu.memory_space<hbm>>
      tpu.enqueue_indirect_dma source(%dma_start3A_257 : memref<10000x128xf32, #tpu.memory_space<hbm>>) target(%arg8 : memref<128x128xf32, #tpu.memory_space<vmem>>) offsets(%dma_start3A_254 : memref<128xi32, #tpu.memory_space<vmem>>) semaphore(%arg11 : memref<!tpu.dma_semaphore, #tpu.memory_space<semaphore_mem>>)
      %dma_wait3A_258 = arith.constant 0 : i32
      %dma_wait3A_259 = arith.constant 0 : i32
      %dma_wait3A_260 = tpu.memref_slice %arg6[%dma_wait3A_258, %dma_wait3A_259] : memref<40x128xi32, #tpu.memory_space<vmem>> -> memref<1x128xi32, #tpu.memory_space<vmem>>
      %dma_wait3A_261 = tpu.memref_squeeze %dma_wait3A_260 : memref<1x128xi32, #tpu.memory_space<vmem>> -> memref<128xi32, #tpu.memory_space<vmem>>
      %dma_wait3A_262 = arith.constant 0 : i32
      %dma_wait3A_263 = arith.constant 0 : i32
      %dma_wait3A_264 = tpu.memref_slice %arg2[%dma_wait3A_262, %dma_wait3A_263] : memref<10000x128xf32, #tpu.memory_space<hbm>> -> memref<10000x128xf32, #tpu.memory_space<hbm>>
      tpu.wait_indirect_dma semaphore(%arg12 : memref<!tpu.dma_semaphore, #tpu.memory_space<semaphore_mem>>) src(%dma_wait3A_264 : memref<10000x128xf32, #tpu.memory_space<hbm>>) dst(%arg9 : memref<128x128xf32, #tpu.memory_space<vmem>>)
      %add3A_265 = arith.constant 1 : i32
      %add3A_266 = arith.addi %mul3A_232, %add3A_265 : i32
      %mul3A_267 = arith.constant 640 : i32
      %mul3A_268 = arith.muli %arg1, %mul3A_267 : i32
      "tpu.region"() ({
        %run_scoped3A = tpu.sem_alloc : memref<!tpu.dma_semaphore, #tpu.memory_space<semaphore_mem>>
        %dma_start3A_269 = arith.constant 0 : i32
        %dma_start3A_270 = tpu.memref_slice %arg10[%mul3A_268, %dma_start3A_269] : memref<10080x128xf32, #tpu.memory_space<vmem_shared>> -> memref<128x128xf32, #tpu.memory_space<vmem_shared>>
        %dma_start3A_271 = arith.constant 0 : i32
        %dma_start3A_272 = tpu.memref_slice %arg10[%mul3A_268, %dma_start3A_271] : memref<10080x128xf32, #tpu.memory_space<vmem_shared>> -> memref<128x128xf32, #tpu.memory_space<vmem_shared>>
        tpu.enqueue_dma source(%arg9 : memref<128x128xf32, #tpu.memory_space<vmem>>) target(%dma_start3A_272 : memref<128x128xf32, #tpu.memory_space<vmem_shared>>) target_semaphore(%run_scoped3A : memref<!tpu.dma_semaphore, #tpu.memory_space<semaphore_mem>>)
        %dma_wait3A_273 = arith.constant 0 : i32
        %dma_wait3A_274 = tpu.memref_slice %arg10[%mul3A_268, %dma_wait3A_273] : memref<10080x128xf32, #tpu.memory_space<vmem_shared>> -> memref<128x128xf32, #tpu.memory_space<vmem_shared>>
        %dma_wait3A_275 = arith.constant 0 : i32
        %dma_wait3A_276 = tpu.memref_slice %arg10[%mul3A_268, %dma_wait3A_275] : memref<10080x128xf32, #tpu.memory_space<vmem_shared>> -> memref<128x128xf32, #tpu.memory_space<vmem_shared>>
        tpu.wait_dma2 semaphore(%run_scoped3A : memref<!tpu.dma_semaphore, #tpu.memory_space<semaphore_mem>>) src(%arg9 : memref<128x128xf32, #tpu.memory_space<vmem>>) dst(%dma_wait3A_276 : memref<128x128xf32, #tpu.memory_space<vmem_shared>>)
        tpu.yield
      }) : () -> ()
    }
    %scan3A_131 = arith.constant 19 : i32
    %dma_start3A_132 = arith.constant 39 : i32
    %dma_start3A_133 = arith.constant 0 : i32
    %dma_start3A_134 = tpu.memref_slice %arg6[%dma_start3A_132, %dma_start3A_133] : memref<40x128xi32, #tpu.memory_space<vmem>> -> memref<1x128xi32, #tpu.memory_space<vmem>>
    %dma_start3A_135 = tpu.memref_squeeze %dma_start3A_134 : memref<1x128xi32, #tpu.memory_space<vmem>> -> memref<128xi32, #tpu.memory_space<vmem>>
    %dma_start3A_136 = arith.constant 0 : i32
    %dma_start3A_137 = arith.constant 0 : i32
    %dma_start3A_138 = tpu.memref_slice %arg2[%dma_start3A_136, %dma_start3A_137] : memref<10000x128xf32, #tpu.memory_space<hbm>> -> memref<10000x128xf32, #tpu.memory_space<hbm>>
    tpu.enqueue_indirect_dma source(%dma_start3A_138 : memref<10000x128xf32, #tpu.memory_space<hbm>>) target(%arg9 : memref<128x128xf32, #tpu.memory_space<vmem>>) offsets(%dma_start3A_135 : memref<128xi32, #tpu.memory_space<vmem>>) semaphore(%arg12 : memref<!tpu.dma_semaphore, #tpu.memory_space<semaphore_mem>>)
    %dma_wait3A_139 = arith.constant 0 : i32
    %dma_wait3A_140 = arith.constant 0 : i32
    %dma_wait3A_141 = tpu.memref_slice %arg6[%dma_wait3A_139, %dma_wait3A_140] : memref<40x128xi32, #tpu.memory_space<vmem>> -> memref<1x128xi32, #tpu.memory_space<vmem>>
    %dma_wait3A_142 = tpu.memref_squeeze %dma_wait3A_141 : memref<1x128xi32, #tpu.memory_space<vmem>> -> memref<128xi32, #tpu.memory_space<vmem>>
    %dma_wait3A_143 = arith.constant 0 : i32
    %dma_wait3A_144 = arith.constant 0 : i32
    %dma_wait3A_145 = tpu.memref_slice %arg2[%dma_wait3A_143, %dma_wait3A_144] : memref<10000x128xf32, #tpu.memory_space<hbm>> -> memref<10000x128xf32, #tpu.memory_space<hbm>>
    tpu.wait_indirect_dma semaphore(%arg11 : memref<!tpu.dma_semaphore, #tpu.memory_space<semaphore_mem>>) src(%dma_wait3A_145 : memref<10000x128xf32, #tpu.memory_space<hbm>>) dst(%arg8 : memref<128x128xf32, #tpu.memory_space<vmem>>)
    %mul3A_146 = arith.constant 640 : i32
    %mul3A_147 = arith.muli %arg1, %mul3A_146 : i32
    "tpu.region"() ({
      %run_scoped3A = tpu.sem_alloc : memref<!tpu.dma_semaphore, #tpu.memory_space<semaphore_mem>>
      %dma_start3A_230 = arith.constant 0 : i32
      %dma_start3A_231 = tpu.memref_slice %arg10[%mul3A_147, %dma_start3A_230] : memref<10080x128xf32, #tpu.memory_space<vmem_shared>> -> memref<128x128xf32, #tpu.memory_space<vmem_shared>>
      %dma_start3A_232 = arith.constant 0 : i32
      %dma_start3A_233 = tpu.memref_slice %arg10[%mul3A_147, %dma_start3A_232] : memref<10080x128xf32, #tpu.memory_space<vmem_shared>> -> memref<128x128xf32, #tpu.memory_space<vmem_shared>>
      tpu.enqueue_dma source(%arg8 : memref<128x128xf32, #tpu.memory_space<vmem>>) target(%dma_start3A_233 : memref<128x128xf32, #tpu.memory_space<vmem_shared>>) target_semaphore(%run_scoped3A : memref<!tpu.dma_semaphore, #tpu.memory_space<semaphore_mem>>)
      %dma_wait3A_234 = arith.constant 0 : i32
      %dma_wait3A_235 = tpu.memref_slice %arg10[%mul3A_147, %dma_wait3A_234] : memref<10080x128xf32, #tpu.memory_space<vmem_shared>> -> memref<128x128xf32, #tpu.memory_space<vmem_shared>>
      %dma_wait3A_236 = arith.constant 0 : i32
      %dma_wait3A_237 = tpu.memref_slice %arg10[%mul3A_147, %dma_wait3A_236] : memref<10080x128xf32, #tpu.memory_space<vmem_shared>> -> memref<128x128xf32, #tpu.memory_space<vmem_shared>>
      tpu.wait_dma2 semaphore(%run_scoped3A : memref<!tpu.dma_semaphore, #tpu.memory_space<semaphore_mem>>) src(%arg8 : memref<128x128xf32, #tpu.memory_space<vmem>>) dst(%dma_wait3A_237 : memref<128x128xf32, #tpu.memory_space<vmem_shared>>)
      tpu.yield
    }) : () -> ()
    %dma_wait3A_148 = arith.constant 0 : i32
    %dma_wait3A_149 = arith.constant 0 : i32
    %dma_wait3A_150 = tpu.memref_slice %arg6[%dma_wait3A_148, %dma_wait3A_149] : memref<40x128xi32, #tpu.memory_space<vmem>> -> memref<1x128xi32, #tpu.memory_space<vmem>>
    %dma_wait3A_151 = tpu.memref_squeeze %dma_wait3A_150 : memref<1x128xi32, #tpu.memory_space<vmem>> -> memref<128xi32, #tpu.memory_space<vmem>>
    %dma_wait3A_152 = arith.constant 0 : i32
    %dma_wait3A_153 = arith.constant 0 : i32
    %dma_wait3A_154 = tpu.memref_slice %arg2[%dma_wait3A_152, %dma_wait3A_153] : memref<10000x128xf32, #tpu.memory_space<hbm>> -> memref<10000x128xf32, #tpu.memory_space<hbm>>
    tpu.wait_indirect_dma semaphore(%arg12 : memref<!tpu.dma_semaphore, #tpu.memory_space<semaphore_mem>>) src(%dma_wait3A_154 : memref<10000x128xf32, #tpu.memory_space<hbm>>) dst(%arg9 : memref<128x128xf32, #tpu.memory_space<vmem>>)
    %mul3A_155 = arith.constant 640 : i32
    %mul3A_156 = arith.muli %arg1, %mul3A_155 : i32
    "tpu.region"() ({
      %run_scoped3A = tpu.sem_alloc : memref<!tpu.dma_semaphore, #tpu.memory_space<semaphore_mem>>
      %dma_start3A_230 = arith.constant 0 : i32
      %dma_start3A_231 = tpu.memref_slice %arg10[%mul3A_156, %dma_start3A_230] : memref<10080x128xf32, #tpu.memory_space<vmem_shared>> -> memref<128x128xf32, #tpu.memory_space<vmem_shared>>
      %dma_start3A_232 = arith.constant 0 : i32
      %dma_start3A_233 = tpu.memref_slice %arg10[%mul3A_156, %dma_start3A_232] : memref<10080x128xf32, #tpu.memory_space<vmem_shared>> -> memref<128x128xf32, #tpu.memory_space<vmem_shared>>
      tpu.enqueue_dma source(%arg9 : memref<128x128xf32, #tpu.memory_space<vmem>>) target(%dma_start3A_233 : memref<128x128xf32, #tpu.memory_space<vmem_shared>>) target_semaphore(%run_scoped3A : memref<!tpu.dma_semaphore, #tpu.memory_space<semaphore_mem>>)
      %dma_wait3A_234 = arith.constant 0 : i32
      %dma_wait3A_235 = tpu.memref_slice %arg10[%mul3A_156, %dma_wait3A_234] : memref<10080x128xf32, #tpu.memory_space<vmem_shared>> -> memref<128x128xf32, #tpu.memory_space<vmem_shared>>
      %dma_wait3A_236 = arith.constant 0 : i32
      %dma_wait3A_237 = tpu.memref_slice %arg10[%mul3A_156, %dma_wait3A_236] : memref<10080x128xf32, #tpu.memory_space<vmem_shared>> -> memref<128x128xf32, #tpu.memory_space<vmem_shared>>
      tpu.wait_dma2 semaphore(%run_scoped3A : memref<!tpu.dma_semaphore, #tpu.memory_space<semaphore_mem>>) src(%arg9 : memref<128x128xf32, #tpu.memory_space<vmem>>) dst(%dma_wait3A_237 : memref<128x128xf32, #tpu.memory_space<vmem_shared>>)
      tpu.yield
    }) : () -> ()
    %barrier3A_157 = arith.constant 0 : index
    tpu.barrier barrier_id(%barrier3A_157)
    %mul3A_158 = arith.constant 640 : i32
    %mul3A_159 = arith.muli %arg1, %mul3A_158 : i32
    %add3A_160 = arith.constant 0 : i32
    %add3A_161 = arith.addi %mul3A_159, %add3A_160 : i32
    %lt3A_162 = arith.constant 10000 : i32
    %lt3A_163 = arith.cmpi slt, %add3A_161, %lt3A_162 : i32
    %convert_element_type3A_164 = arith.extui %lt3A_163 : i1 to i32
    %cond3A_165 = arith.constant 0 : i32
    %cond3A_166 = arith.cmpi ne, %convert_element_type3A_164, %cond3A_165 : i32
    scf.if %cond3A_166 {
      "tpu.region"() ({
        %run_scoped3A = tpu.sem_alloc : memref<!tpu.dma_semaphore, #tpu.memory_space<semaphore_mem>>
        %dma_start3A_230 = arith.constant 0 : i32
        %dma_start3A_231 = arith.constant 0 : i32
        %dma_start3A_232 = tpu.memref_slice %arg8[%dma_start3A_230, %dma_start3A_231] : memref<128x128xf32, #tpu.memory_space<vmem>> -> memref<80x128xf32, #tpu.memory_space<vmem>>
        %dma_start3A_233 = arith.constant 0 : i32
        %dma_start3A_234 = tpu.memref_slice %arg10[%add3A_161, %dma_start3A_233] : memref<10080x128xf32, #tpu.memory_space<vmem_shared>> -> memref<80x128xf32, #tpu.memory_space<vmem_shared>>
        %dma_start3A_235 = arith.constant 0 : i32
        %dma_start3A_236 = arith.constant 0 : i32
        %dma_start3A_237 = tpu.memref_slice %arg8[%dma_start3A_235, %dma_start3A_236] : memref<128x128xf32, #tpu.memory_space<vmem>> -> memref<80x128xf32, #tpu.memory_space<vmem>>
        %dma_start3A_238 = arith.constant 0 : i32
        %dma_start3A_239 = tpu.memref_slice %arg10[%add3A_161, %dma_start3A_238] : memref<10080x128xf32, #tpu.memory_space<vmem_shared>> -> memref<80x128xf32, #tpu.memory_space<vmem_shared>>
        tpu.enqueue_dma source(%dma_start3A_239 : memref<80x128xf32, #tpu.memory_space<vmem_shared>>) target(%dma_start3A_237 : memref<80x128xf32, #tpu.memory_space<vmem>>) target_semaphore(%run_scoped3A : memref<!tpu.dma_semaphore, #tpu.memory_space<semaphore_mem>>)
        %dma_wait3A_240 = arith.constant 0 : i32
        %dma_wait3A_241 = arith.constant 0 : i32
        %dma_wait3A_242 = tpu.memref_slice %arg8[%dma_wait3A_240, %dma_wait3A_241] : memref<128x128xf32, #tpu.memory_space<vmem>> -> memref<80x128xf32, #tpu.memory_space<vmem>>
        %dma_wait3A_243 = arith.constant 0 : i32
        %dma_wait3A_244 = tpu.memref_slice %arg10[%add3A_161, %dma_wait3A_243] : memref<10080x128xf32, #tpu.memory_space<vmem_shared>> -> memref<80x128xf32, #tpu.memory_space<vmem_shared>>
        %dma_wait3A_245 = arith.constant 0 : i32
        %dma_wait3A_246 = arith.constant 0 : i32
        %dma_wait3A_247 = tpu.memref_slice %arg8[%dma_wait3A_245, %dma_wait3A_246] : memref<128x128xf32, #tpu.memory_space<vmem>> -> memref<80x128xf32, #tpu.memory_space<vmem>>
        %dma_wait3A_248 = arith.constant 0 : i32
        %dma_wait3A_249 = tpu.memref_slice %arg10[%add3A_161, %dma_wait3A_248] : memref<10080x128xf32, #tpu.memory_space<vmem_shared>> -> memref<80x128xf32, #tpu.memory_space<vmem_shared>>
        tpu.wait_dma2 semaphore(%run_scoped3A : memref<!tpu.dma_semaphore, #tpu.memory_space<semaphore_mem>>) src(%dma_wait3A_249 : memref<80x128xf32, #tpu.memory_space<vmem_shared>>) dst(%dma_wait3A_247 : memref<80x128xf32, #tpu.memory_space<vmem>>)
        tpu.yield
      }) : () -> ()
      "tpu.region"() ({
        %run_scoped3A = tpu.sem_alloc : memref<!tpu.dma_semaphore, #tpu.memory_space<semaphore_mem>>
        %dma_start3A_230 = arith.constant 0 : i32
        %dma_start3A_231 = arith.constant 0 : i32
        %dma_start3A_232 = tpu.memref_slice %arg8[%dma_start3A_230, %dma_start3A_231] : memref<128x128xf32, #tpu.memory_space<vmem>> -> memref<80x128xf32, #tpu.memory_space<vmem>>
        %dma_start3A_233 = arith.constant 0 : i32
        %dma_start3A_234 = tpu.memref_slice %arg5[%arg0, %add3A_161, %dma_start3A_233] : memref<2x10000x128xf32, #tpu.memory_space<hbm>> -> memref<1x80x128xf32, #tpu.memory_space<hbm>>
        %dma_start3A_235 = tpu.memref_squeeze %dma_start3A_234 : memref<1x80x128xf32, #tpu.memory_space<hbm>> -> memref<80x128xf32, #tpu.memory_space<hbm>>
        %dma_start3A_236 = arith.constant 0 : i32
        %dma_start3A_237 = tpu.memref_slice %arg5[%arg0, %add3A_161, %dma_start3A_236] : memref<2x10000x128xf32, #tpu.memory_space<hbm>> -> memref<1x80x128xf32, #tpu.memory_space<hbm>>
        %dma_start3A_238 = tpu.memref_squeeze %dma_start3A_237 : memref<1x80x128xf32, #tpu.memory_space<hbm>> -> memref<80x128xf32, #tpu.memory_space<hbm>>
        %dma_start3A_239 = arith.constant 0 : i32
        %dma_start3A_240 = arith.constant 0 : i32
        %dma_start3A_241 = tpu.memref_slice %arg8[%dma_start3A_239, %dma_start3A_240] : memref<128x128xf32, #tpu.memory_space<vmem>> -> memref<80x128xf32, #tpu.memory_space<vmem>>
        tpu.enqueue_dma source(%dma_start3A_241 : memref<80x128xf32, #tpu.memory_space<vmem>>) target(%dma_start3A_238 : memref<80x128xf32, #tpu.memory_space<hbm>>) target_semaphore(%run_scoped3A : memref<!tpu.dma_semaphore, #tpu.memory_space<semaphore_mem>>)
        %dma_wait3A_242 = arith.constant 0 : i32
        %dma_wait3A_243 = arith.constant 0 : i32
        %dma_wait3A_244 = tpu.memref_slice %arg8[%dma_wait3A_242, %dma_wait3A_243] : memref<128x128xf32, #tpu.memory_space<vmem>> -> memref<80x128xf32, #tpu.memory_space<vmem>>
        %dma_wait3A_245 = arith.constant 0 : i32
        %dma_wait3A_246 = tpu.memref_slice %arg5[%arg0, %add3A_161, %dma_wait3A_245] : memref<2x10000x128xf32, #tpu.memory_space<hbm>> -> memref<1x80x128xf32, #tpu.memory_space<hbm>>
        %dma_wait3A_247 = tpu.memref_squeeze %dma_wait3A_246 : memref<1x80x128xf32, #tpu.memory_space<hbm>> -> memref<80x128xf32, #tpu.memory_space<hbm>>
        %dma_wait3A_248 = arith.constant 0 : i32
        %dma_wait3A_249 = tpu.memref_slice %arg5[%arg0, %add3A_161, %dma_wait3A_248] : memref<2x10000x128xf32, #tpu.memory_space<hbm>> -> memref<1x80x128xf32, #tpu.memory_space<hbm>>
        %dma_wait3A_250 = tpu.memref_squeeze %dma_wait3A_249 : memref<1x80x128xf32, #tpu.memory_space<hbm>> -> memref<80x128xf32, #tpu.memory_space<hbm>>
        %dma_wait3A_251 = arith.constant 0 : i32
        %dma_wait3A_252 = arith.constant 0 : i32
        %dma_wait3A_253 = tpu.memref_slice %arg8[%dma_wait3A_251, %dma_wait3A_252] : memref<128x128xf32, #tpu.memory_space<vmem>> -> memref<80x128xf32, #tpu.memory_space<vmem>>
        tpu.wait_dma2 semaphore(%run_scoped3A : memref<!tpu.dma_semaphore, #tpu.memory_space<semaphore_mem>>) src(%dma_wait3A_253 : memref<80x128xf32, #tpu.memory_space<vmem>>) dst(%dma_wait3A_250 : memref<80x128xf32, #tpu.memory_space<hbm>>)
        tpu.yield
      }) : () -> ()
    } else {
    }
    %mul3A_167 = arith.constant 640 : i32
    %mul3A_168 = arith.muli %arg1, %mul3A_167 : i32
    %add3A_169 = arith.constant 80 : i32
    %add3A_170 = arith.addi %mul3A_168, %add3A_169 : i32
    %lt3A_171 = arith.constant 10000 : i32
    %lt3A_172 = arith.cmpi slt, %add3A_170, %lt3A_171 : i32
    %convert_element_type3A_173 = arith.extui %lt3A_172 : i1 to i32
    %cond3A_174 = arith.constant 0 : i32
    %cond3A_175 = arith.cmpi ne, %convert_element_type3A_173, %cond3A_174 : i32
    scf.if %cond3A_175 {
      "tpu.region"() ({
        %run_scoped3A = tpu.sem_alloc : memref<!tpu.dma_semaphore, #tpu.memory_space<semaphore_mem>>
        %dma_start3A_230 = arith.constant 0 : i32
        %dma_start3A_231 = arith.constant 0 : i32
        %dma_start3A_232 = tpu.memref_slice %arg8[%dma_start3A_230, %dma_start3A_231] : memref<128x128xf32, #tpu.memory_space<vmem>> -> memref<80x128xf32, #tpu.memory_space<vmem>>
        %dma_start3A_233 = arith.constant 0 : i32
        %dma_start3A_234 = tpu.memref_slice %arg10[%add3A_170, %dma_start3A_233] : memref<10080x128xf32, #tpu.memory_space<vmem_shared>> -> memref<80x128xf32, #tpu.memory_space<vmem_shared>>
        %dma_start3A_235 = arith.constant 0 : i32
        %dma_start3A_236 = arith.constant 0 : i32
        %dma_start3A_237 = tpu.memref_slice %arg8[%dma_start3A_235, %dma_start3A_236] : memref<128x128xf32, #tpu.memory_space<vmem>> -> memref<80x128xf32, #tpu.memory_space<vmem>>
        %dma_start3A_238 = arith.constant 0 : i32
        %dma_start3A_239 = tpu.memref_slice %arg10[%add3A_170, %dma_start3A_238] : memref<10080x128xf32, #tpu.memory_space<vmem_shared>> -> memref<80x128xf32, #tpu.memory_space<vmem_shared>>
        tpu.enqueue_dma source(%dma_start3A_239 : memref<80x128xf32, #tpu.memory_space<vmem_shared>>) target(%dma_start3A_237 : memref<80x128xf32, #tpu.memory_space<vmem>>) target_semaphore(%run_scoped3A : memref<!tpu.dma_semaphore, #tpu.memory_space<semaphore_mem>>)
        %dma_wait3A_240 = arith.constant 0 : i32
        %dma_wait3A_241 = arith.constant 0 : i32
        %dma_wait3A_242 = tpu.memref_slice %arg8[%dma_wait3A_240, %dma_wait3A_241] : memref<128x128xf32, #tpu.memory_space<vmem>> -> memref<80x128xf32, #tpu.memory_space<vmem>>
        %dma_wait3A_243 = arith.constant 0 : i32
        %dma_wait3A_244 = tpu.memref_slice %arg10[%add3A_170, %dma_wait3A_243] : memref<10080x128xf32, #tpu.memory_space<vmem_shared>> -> memref<80x128xf32, #tpu.memory_space<vmem_shared>>
        %dma_wait3A_245 = arith.constant 0 : i32
        %dma_wait3A_246 = arith.constant 0 : i32
        %dma_wait3A_247 = tpu.memref_slice %arg8[%dma_wait3A_245, %dma_wait3A_246] : memref<128x128xf32, #tpu.memory_space<vmem>> -> memref<80x128xf32, #tpu.memory_space<vmem>>
        %dma_wait3A_248 = arith.constant 0 : i32
        %dma_wait3A_249 = tpu.memref_slice %arg10[%add3A_170, %dma_wait3A_248] : memref<10080x128xf32, #tpu.memory_space<vmem_shared>> -> memref<80x128xf32, #tpu.memory_space<vmem_shared>>
        tpu.wait_dma2 semaphore(%run_scoped3A : memref<!tpu.dma_semaphore, #tpu.memory_space<semaphore_mem>>) src(%dma_wait3A_249 : memref<80x128xf32, #tpu.memory_space<vmem_shared>>) dst(%dma_wait3A_247 : memref<80x128xf32, #tpu.memory_space<vmem>>)
        tpu.yield
      }) : () -> ()
      "tpu.region"() ({
        %run_scoped3A = tpu.sem_alloc : memref<!tpu.dma_semaphore, #tpu.memory_space<semaphore_mem>>
        %dma_start3A_230 = arith.constant 0 : i32
        %dma_start3A_231 = arith.constant 0 : i32
        %dma_start3A_232 = tpu.memref_slice %arg8[%dma_start3A_230, %dma_start3A_231] : memref<128x128xf32, #tpu.memory_space<vmem>> -> memref<80x128xf32, #tpu.memory_space<vmem>>
        %dma_start3A_233 = arith.constant 0 : i32
        %dma_start3A_234 = tpu.memref_slice %arg5[%arg0, %add3A_170, %dma_start3A_233] : memref<2x10000x128xf32, #tpu.memory_space<hbm>> -> memref<1x80x128xf32, #tpu.memory_space<hbm>>
        %dma_start3A_235 = tpu.memref_squeeze %dma_start3A_234 : memref<1x80x128xf32, #tpu.memory_space<hbm>> -> memref<80x128xf32, #tpu.memory_space<hbm>>
        %dma_start3A_236 = arith.constant 0 : i32
        %dma_start3A_237 = tpu.memref_slice %arg5[%arg0, %add3A_170, %dma_start3A_236] : memref<2x10000x128xf32, #tpu.memory_space<hbm>> -> memref<1x80x128xf32, #tpu.memory_space<hbm>>
        %dma_start3A_238 = tpu.memref_squeeze %dma_start3A_237 : memref<1x80x128xf32, #tpu.memory_space<hbm>> -> memref<80x128xf32, #tpu.memory_space<hbm>>
        %dma_start3A_239 = arith.constant 0 : i32
        %dma_start3A_240 = arith.constant 0 : i32
        %dma_start3A_241 = tpu.memref_slice %arg8[%dma_start3A_239, %dma_start3A_240] : memref<128x128xf32, #tpu.memory_space<vmem>> -> memref<80x128xf32, #tpu.memory_space<vmem>>
        tpu.enqueue_dma source(%dma_start3A_241 : memref<80x128xf32, #tpu.memory_space<vmem>>) target(%dma_start3A_238 : memref<80x128xf32, #tpu.memory_space<hbm>>) target_semaphore(%run_scoped3A : memref<!tpu.dma_semaphore, #tpu.memory_space<semaphore_mem>>)
        %dma_wait3A_242 = arith.constant 0 : i32
        %dma_wait3A_243 = arith.constant 0 : i32
        %dma_wait3A_244 = tpu.memref_slice %arg8[%dma_wait3A_242, %dma_wait3A_243] : memref<128x128xf32, #tpu.memory_space<vmem>> -> memref<80x128xf32, #tpu.memory_space<vmem>>
        %dma_wait3A_245 = arith.constant 0 : i32
        %dma_wait3A_246 = tpu.memref_slice %arg5[%arg0, %add3A_170, %dma_wait3A_245] : memref<2x10000x128xf32, #tpu.memory_space<hbm>> -> memref<1x80x128xf32, #tpu.memory_space<hbm>>
        %dma_wait3A_247 = tpu.memref_squeeze %dma_wait3A_246 : memref<1x80x128xf32, #tpu.memory_space<hbm>> -> memref<80x128xf32, #tpu.memory_space<hbm>>
        %dma_wait3A_248 = arith.constant 0 : i32
        %dma_wait3A_249 = tpu.memref_slice %arg5[%arg0, %add3A_170, %dma_wait3A_248] : memref<2x10000x128xf32, #tpu.memory_space<hbm>> -> memref<1x80x128xf32, #tpu.memory_space<hbm>>
        %dma_wait3A_250 = tpu.memref_squeeze %dma_wait3A_249 : memref<1x80x128xf32, #tpu.memory_space<hbm>> -> memref<80x128xf32, #tpu.memory_space<hbm>>
        %dma_wait3A_251 = arith.constant 0 : i32
        %dma_wait3A_252 = arith.constant 0 : i32
        %dma_wait3A_253 = tpu.memref_slice %arg8[%dma_wait3A_251, %dma_wait3A_252] : memref<128x128xf32, #tpu.memory_space<vmem>> -> memref<80x128xf32, #tpu.memory_space<vmem>>
        tpu.wait_dma2 semaphore(%run_scoped3A : memref<!tpu.dma_semaphore, #tpu.memory_space<semaphore_mem>>) src(%dma_wait3A_253 : memref<80x128xf32, #tpu.memory_space<vmem>>) dst(%dma_wait3A_250 : memref<80x128xf32, #tpu.memory_space<hbm>>)
        tpu.yield
      }) : () -> ()
    } else {
    }
    %mul3A_176 = arith.constant 640 : i32
    %mul3A_177 = arith.muli %arg1, %mul3A_176 : i32
    %add3A_178 = arith.constant 160 : i32
    %add3A_179 = arith.addi %mul3A_177, %add3A_178 : i32
    %lt3A_180 = arith.constant 10000 : i32
    %lt3A_181 = arith.cmpi slt, %add3A_179, %lt3A_180 : i32
    %convert_element_type3A_182 = arith.extui %lt3A_181 : i1 to i32
    %cond3A_183 = arith.constant 0 : i32
    %cond3A_184 = arith.cmpi ne, %convert_element_type3A_182, %cond3A_183 : i32
    scf.if %cond3A_184 {
      "tpu.region"() ({
        %run_scoped3A = tpu.sem_alloc : memref<!tpu.dma_semaphore, #tpu.memory_space<semaphore_mem>>
        %dma_start3A_230 = arith.constant 0 : i32
        %dma_start3A_231 = arith.constant 0 : i32
        %dma_start3A_232 = tpu.memref_slice %arg8[%dma_start3A_230, %dma_start3A_231] : memref<128x128xf32, #tpu.memory_space<vmem>> -> memref<80x128xf32, #tpu.memory_space<vmem>>
        %dma_start3A_233 = arith.constant 0 : i32
        %dma_start3A_234 = tpu.memref_slice %arg10[%add3A_179, %dma_start3A_233] : memref<10080x128xf32, #tpu.memory_space<vmem_shared>> -> memref<80x128xf32, #tpu.memory_space<vmem_shared>>
        %dma_start3A_235 = arith.constant 0 : i32
        %dma_start3A_236 = arith.constant 0 : i32
        %dma_start3A_237 = tpu.memref_slice %arg8[%dma_start3A_235, %dma_start3A_236] : memref<128x128xf32, #tpu.memory_space<vmem>> -> memref<80x128xf32, #tpu.memory_space<vmem>>
        %dma_start3A_238 = arith.constant 0 : i32
        %dma_start3A_239 = tpu.memref_slice %arg10[%add3A_179, %dma_start3A_238] : memref<10080x128xf32, #tpu.memory_space<vmem_shared>> -> memref<80x128xf32, #tpu.memory_space<vmem_shared>>
        tpu.enqueue_dma source(%dma_start3A_239 : memref<80x128xf32, #tpu.memory_space<vmem_shared>>) target(%dma_start3A_237 : memref<80x128xf32, #tpu.memory_space<vmem>>) target_semaphore(%run_scoped3A : memref<!tpu.dma_semaphore, #tpu.memory_space<semaphore_mem>>)
        %dma_wait3A_240 = arith.constant 0 : i32
        %dma_wait3A_241 = arith.constant 0 : i32
        %dma_wait3A_242 = tpu.memref_slice %arg8[%dma_wait3A_240, %dma_wait3A_241] : memref<128x128xf32, #tpu.memory_space<vmem>> -> memref<80x128xf32, #tpu.memory_space<vmem>>
        %dma_wait3A_243 = arith.constant 0 : i32
        %dma_wait3A_244 = tpu.memref_slice %arg10[%add3A_179, %dma_wait3A_243] : memref<10080x128xf32, #tpu.memory_space<vmem_shared>> -> memref<80x128xf32, #tpu.memory_space<vmem_shared>>
        %dma_wait3A_245 = arith.constant 0 : i32
        %dma_wait3A_246 = arith.constant 0 : i32
        %dma_wait3A_247 = tpu.memref_slice %arg8[%dma_wait3A_245, %dma_wait3A_246] : memref<128x128xf32, #tpu.memory_space<vmem>> -> memref<80x128xf32, #tpu.memory_space<vmem>>
        %dma_wait3A_248 = arith.constant 0 : i32
        %dma_wait3A_249 = tpu.memref_slice %arg10[%add3A_179, %dma_wait3A_248] : memref<10080x128xf32, #tpu.memory_space<vmem_shared>> -> memref<80x128xf32, #tpu.memory_space<vmem_shared>>
        tpu.wait_dma2 semaphore(%run_scoped3A : memref<!tpu.dma_semaphore, #tpu.memory_space<semaphore_mem>>) src(%dma_wait3A_249 : memref<80x128xf32, #tpu.memory_space<vmem_shared>>) dst(%dma_wait3A_247 : memref<80x128xf32, #tpu.memory_space<vmem>>)
        tpu.yield
      }) : () -> ()
      "tpu.region"() ({
        %run_scoped3A = tpu.sem_alloc : memref<!tpu.dma_semaphore, #tpu.memory_space<semaphore_mem>>
        %dma_start3A_230 = arith.constant 0 : i32
        %dma_start3A_231 = arith.constant 0 : i32
        %dma_start3A_232 = tpu.memref_slice %arg8[%dma_start3A_230, %dma_start3A_231] : memref<128x128xf32, #tpu.memory_space<vmem>> -> memref<80x128xf32, #tpu.memory_space<vmem>>
        %dma_start3A_233 = arith.constant 0 : i32
        %dma_start3A_234 = tpu.memref_slice %arg5[%arg0, %add3A_179, %dma_start3A_233] : memref<2x10000x128xf32, #tpu.memory_space<hbm>> -> memref<1x80x128xf32, #tpu.memory_space<hbm>>
        %dma_start3A_235 = tpu.memref_squeeze %dma_start3A_234 : memref<1x80x128xf32, #tpu.memory_space<hbm>> -> memref<80x128xf32, #tpu.memory_space<hbm>>
        %dma_start3A_236 = arith.constant 0 : i32
        %dma_start3A_237 = tpu.memref_slice %arg5[%arg0, %add3A_179, %dma_start3A_236] : memref<2x10000x128xf32, #tpu.memory_space<hbm>> -> memref<1x80x128xf32, #tpu.memory_space<hbm>>
        %dma_start3A_238 = tpu.memref_squeeze %dma_start3A_237 : memref<1x80x128xf32, #tpu.memory_space<hbm>> -> memref<80x128xf32, #tpu.memory_space<hbm>>
        %dma_start3A_239 = arith.constant 0 : i32
        %dma_start3A_240 = arith.constant 0 : i32
        %dma_start3A_241 = tpu.memref_slice %arg8[%dma_start3A_239, %dma_start3A_240] : memref<128x128xf32, #tpu.memory_space<vmem>> -> memref<80x128xf32, #tpu.memory_space<vmem>>
        tpu.enqueue_dma source(%dma_start3A_241 : memref<80x128xf32, #tpu.memory_space<vmem>>) target(%dma_start3A_238 : memref<80x128xf32, #tpu.memory_space<hbm>>) target_semaphore(%run_scoped3A : memref<!tpu.dma_semaphore, #tpu.memory_space<semaphore_mem>>)
        %dma_wait3A_242 = arith.constant 0 : i32
        %dma_wait3A_243 = arith.constant 0 : i32
        %dma_wait3A_244 = tpu.memref_slice %arg8[%dma_wait3A_242, %dma_wait3A_243] : memref<128x128xf32, #tpu.memory_space<vmem>> -> memref<80x128xf32, #tpu.memory_space<vmem>>
        %dma_wait3A_245 = arith.constant 0 : i32
        %dma_wait3A_246 = tpu.memref_slice %arg5[%arg0, %add3A_179, %dma_wait3A_245] : memref<2x10000x128xf32, #tpu.memory_space<hbm>> -> memref<1x80x128xf32, #tpu.memory_space<hbm>>
        %dma_wait3A_247 = tpu.memref_squeeze %dma_wait3A_246 : memref<1x80x128xf32, #tpu.memory_space<hbm>> -> memref<80x128xf32, #tpu.memory_space<hbm>>
        %dma_wait3A_248 = arith.constant 0 : i32
        %dma_wait3A_249 = tpu.memref_slice %arg5[%arg0, %add3A_179, %dma_wait3A_248] : memref<2x10000x128xf32, #tpu.memory_space<hbm>> -> memref<1x80x128xf32, #tpu.memory_space<hbm>>
        %dma_wait3A_250 = tpu.memref_squeeze %dma_wait3A_249 : memref<1x80x128xf32, #tpu.memory_space<hbm>> -> memref<80x128xf32, #tpu.memory_space<hbm>>
        %dma_wait3A_251 = arith.constant 0 : i32
        %dma_wait3A_252 = arith.constant 0 : i32
        %dma_wait3A_253 = tpu.memref_slice %arg8[%dma_wait3A_251, %dma_wait3A_252] : memref<128x128xf32, #tpu.memory_space<vmem>> -> memref<80x128xf32, #tpu.memory_space<vmem>>
        tpu.wait_dma2 semaphore(%run_scoped3A : memref<!tpu.dma_semaphore, #tpu.memory_space<semaphore_mem>>) src(%dma_wait3A_253 : memref<80x128xf32, #tpu.memory_space<vmem>>) dst(%dma_wait3A_250 : memref<80x128xf32, #tpu.memory_space<hbm>>)
        tpu.yield
      }) : () -> ()
    } else {
    }
    %mul3A_185 = arith.constant 640 : i32
    %mul3A_186 = arith.muli %arg1, %mul3A_185 : i32
    %add3A_187 = arith.constant 240 : i32
    %add3A_188 = arith.addi %mul3A_186, %add3A_187 : i32
    %lt3A_189 = arith.constant 10000 : i32
    %lt3A_190 = arith.cmpi slt, %add3A_188, %lt3A_189 : i32
    %convert_element_type3A_191 = arith.extui %lt3A_190 : i1 to i32
    %cond3A_192 = arith.constant 0 : i32
    %cond3A_193 = arith.cmpi ne, %convert_element_type3A_191, %cond3A_192 : i32
    scf.if %cond3A_193 {
      "tpu.region"() ({
        %run_scoped3A = tpu.sem_alloc : memref<!tpu.dma_semaphore, #tpu.memory_space<semaphore_mem>>
        %dma_start3A_230 = arith.constant 0 : i32
        %dma_start3A_231 = arith.constant 0 : i32
        %dma_start3A_232 = tpu.memref_slice %arg8[%dma_start3A_230, %dma_start3A_231] : memref<128x128xf32, #tpu.memory_space<vmem>> -> memref<80x128xf32, #tpu.memory_space<vmem>>
        %dma_start3A_233 = arith.constant 0 : i32
        %dma_start3A_234 = tpu.memref_slice %arg10[%add3A_188, %dma_start3A_233] : memref<10080x128xf32, #tpu.memory_space<vmem_shared>> -> memref<80x128xf32, #tpu.memory_space<vmem_shared>>
        %dma_start3A_235 = arith.constant 0 : i32
        %dma_start3A_236 = arith.constant 0 : i32
        %dma_start3A_237 = tpu.memref_slice %arg8[%dma_start3A_235, %dma_start3A_236] : memref<128x128xf32, #tpu.memory_space<vmem>> -> memref<80x128xf32, #tpu.memory_space<vmem>>
        %dma_start3A_238 = arith.constant 0 : i32
        %dma_start3A_239 = tpu.memref_slice %arg10[%add3A_188, %dma_start3A_238] : memref<10080x128xf32, #tpu.memory_space<vmem_shared>> -> memref<80x128xf32, #tpu.memory_space<vmem_shared>>
        tpu.enqueue_dma source(%dma_start3A_239 : memref<80x128xf32, #tpu.memory_space<vmem_shared>>) target(%dma_start3A_237 : memref<80x128xf32, #tpu.memory_space<vmem>>) target_semaphore(%run_scoped3A : memref<!tpu.dma_semaphore, #tpu.memory_space<semaphore_mem>>)
        %dma_wait3A_240 = arith.constant 0 : i32
        %dma_wait3A_241 = arith.constant 0 : i32
        %dma_wait3A_242 = tpu.memref_slice %arg8[%dma_wait3A_240, %dma_wait3A_241] : memref<128x128xf32, #tpu.memory_space<vmem>> -> memref<80x128xf32, #tpu.memory_space<vmem>>
        %dma_wait3A_243 = arith.constant 0 : i32
        %dma_wait3A_244 = tpu.memref_slice %arg10[%add3A_188, %dma_wait3A_243] : memref<10080x128xf32, #tpu.memory_space<vmem_shared>> -> memref<80x128xf32, #tpu.memory_space<vmem_shared>>
        %dma_wait3A_245 = arith.constant 0 : i32
        %dma_wait3A_246 = arith.constant 0 : i32
        %dma_wait3A_247 = tpu.memref_slice %arg8[%dma_wait3A_245, %dma_wait3A_246] : memref<128x128xf32, #tpu.memory_space<vmem>> -> memref<80x128xf32, #tpu.memory_space<vmem>>
        %dma_wait3A_248 = arith.constant 0 : i32
        %dma_wait3A_249 = tpu.memref_slice %arg10[%add3A_188, %dma_wait3A_248] : memref<10080x128xf32, #tpu.memory_space<vmem_shared>> -> memref<80x128xf32, #tpu.memory_space<vmem_shared>>
        tpu.wait_dma2 semaphore(%run_scoped3A : memref<!tpu.dma_semaphore, #tpu.memory_space<semaphore_mem>>) src(%dma_wait3A_249 : memref<80x128xf32, #tpu.memory_space<vmem_shared>>) dst(%dma_wait3A_247 : memref<80x128xf32, #tpu.memory_space<vmem>>)
        tpu.yield
      }) : () -> ()
      "tpu.region"() ({
        %run_scoped3A = tpu.sem_alloc : memref<!tpu.dma_semaphore, #tpu.memory_space<semaphore_mem>>
        %dma_start3A_230 = arith.constant 0 : i32
        %dma_start3A_231 = arith.constant 0 : i32
        %dma_start3A_232 = tpu.memref_slice %arg8[%dma_start3A_230, %dma_start3A_231] : memref<128x128xf32, #tpu.memory_space<vmem>> -> memref<80x128xf32, #tpu.memory_space<vmem>>
        %dma_start3A_233 = arith.constant 0 : i32
        %dma_start3A_234 = tpu.memref_slice %arg5[%arg0, %add3A_188, %dma_start3A_233] : memref<2x10000x128xf32, #tpu.memory_space<hbm>> -> memref<1x80x128xf32, #tpu.memory_space<hbm>>
        %dma_start3A_235 = tpu.memref_squeeze %dma_start3A_234 : memref<1x80x128xf32, #tpu.memory_space<hbm>> -> memref<80x128xf32, #tpu.memory_space<hbm>>
        %dma_start3A_236 = arith.constant 0 : i32
        %dma_start3A_237 = tpu.memref_slice %arg5[%arg0, %add3A_188, %dma_start3A_236] : memref<2x10000x128xf32, #tpu.memory_space<hbm>> -> memref<1x80x128xf32, #tpu.memory_space<hbm>>
        %dma_start3A_238 = tpu.memref_squeeze %dma_start3A_237 : memref<1x80x128xf32, #tpu.memory_space<hbm>> -> memref<80x128xf32, #tpu.memory_space<hbm>>
        %dma_start3A_239 = arith.constant 0 : i32
        %dma_start3A_240 = arith.constant 0 : i32
        %dma_start3A_241 = tpu.memref_slice %arg8[%dma_start3A_239, %dma_start3A_240] : memref<128x128xf32, #tpu.memory_space<vmem>> -> memref<80x128xf32, #tpu.memory_space<vmem>>
        tpu.enqueue_dma source(%dma_start3A_241 : memref<80x128xf32, #tpu.memory_space<vmem>>) target(%dma_start3A_238 : memref<80x128xf32, #tpu.memory_space<hbm>>) target_semaphore(%run_scoped3A : memref<!tpu.dma_semaphore, #tpu.memory_space<semaphore_mem>>)
        %dma_wait3A_242 = arith.constant 0 : i32
        %dma_wait3A_243 = arith.constant 0 : i32
        %dma_wait3A_244 = tpu.memref_slice %arg8[%dma_wait3A_242, %dma_wait3A_243] : memref<128x128xf32, #tpu.memory_space<vmem>> -> memref<80x128xf32, #tpu.memory_space<vmem>>
        %dma_wait3A_245 = arith.constant 0 : i32
        %dma_wait3A_246 = tpu.memref_slice %arg5[%arg0, %add3A_188, %dma_wait3A_245] : memref<2x10000x128xf32, #tpu.memory_space<hbm>> -> memref<1x80x128xf32, #tpu.memory_space<hbm>>
        %dma_wait3A_247 = tpu.memref_squeeze %dma_wait3A_246 : memref<1x80x128xf32, #tpu.memory_space<hbm>> -> memref<80x128xf32, #tpu.memory_space<hbm>>
        %dma_wait3A_248 = arith.constant 0 : i32
        %dma_wait3A_249 = tpu.memref_slice %arg5[%arg0, %add3A_188, %dma_wait3A_248] : memref<2x10000x128xf32, #tpu.memory_space<hbm>> -> memref<1x80x128xf32, #tpu.memory_space<hbm>>
        %dma_wait3A_250 = tpu.memref_squeeze %dma_wait3A_249 : memref<1x80x128xf32, #tpu.memory_space<hbm>> -> memref<80x128xf32, #tpu.memory_space<hbm>>
        %dma_wait3A_251 = arith.constant 0 : i32
        %dma_wait3A_252 = arith.constant 0 : i32
        %dma_wait3A_253 = tpu.memref_slice %arg8[%dma_wait3A_251, %dma_wait3A_252] : memref<128x128xf32, #tpu.memory_space<vmem>> -> memref<80x128xf32, #tpu.memory_space<vmem>>
        tpu.wait_dma2 semaphore(%run_scoped3A : memref<!tpu.dma_semaphore, #tpu.memory_space<semaphore_mem>>) src(%dma_wait3A_253 : memref<80x128xf32, #tpu.memory_space<vmem>>) dst(%dma_wait3A_250 : memref<80x128xf32, #tpu.memory_space<hbm>>)
        tpu.yield
      }) : () -> ()
    } else {
    }
    %mul3A_194 = arith.constant 640 : i32
    %mul3A_195 = arith.muli %arg1, %mul3A_194 : i32
    %add3A_196 = arith.constant 320 : i32
    %add3A_197 = arith.addi %mul3A_195, %add3A_196 : i32
    %lt3A_198 = arith.constant 10000 : i32
    %lt3A_199 = arith.cmpi slt, %add3A_197, %lt3A_198 : i32
    %convert_element_type3A_200 = arith.extui %lt3A_199 : i1 to i32
    %cond3A_201 = arith.constant 0 : i32
    %cond3A_202 = arith.cmpi ne, %convert_element_type3A_200, %cond3A_201 : i32
    scf.if %cond3A_202 {
      "tpu.region"() ({
        %run_scoped3A = tpu.sem_alloc : memref<!tpu.dma_semaphore, #tpu.memory_space<semaphore_mem>>
        %dma_start3A_230 = arith.constant 0 : i32
        %dma_start3A_231 = arith.constant 0 : i32
        %dma_start3A_232 = tpu.memref_slice %arg8[%dma_start3A_230, %dma_start3A_231] : memref<128x128xf32, #tpu.memory_space<vmem>> -> memref<80x128xf32, #tpu.memory_space<vmem>>
        %dma_start3A_233 = arith.constant 0 : i32
        %dma_start3A_234 = tpu.memref_slice %arg10[%add3A_197, %dma_start3A_233] : memref<10080x128xf32, #tpu.memory_space<vmem_shared>> -> memref<80x128xf32, #tpu.memory_space<vmem_shared>>
        %dma_start3A_235 = arith.constant 0 : i32
        %dma_start3A_236 = arith.constant 0 : i32
        %dma_start3A_237 = tpu.memref_slice %arg8[%dma_start3A_235, %dma_start3A_236] : memref<128x128xf32, #tpu.memory_space<vmem>> -> memref<80x128xf32, #tpu.memory_space<vmem>>
        %dma_start3A_238 = arith.constant 0 : i32
        %dma_start3A_239 = tpu.memref_slice %arg10[%add3A_197, %dma_start3A_238] : memref<10080x128xf32, #tpu.memory_space<vmem_shared>> -> memref<80x128xf32, #tpu.memory_space<vmem_shared>>
        tpu.enqueue_dma source(%dma_start3A_239 : memref<80x128xf32, #tpu.memory_space<vmem_shared>>) target(%dma_start3A_237 : memref<80x128xf32, #tpu.memory_space<vmem>>) target_semaphore(%run_scoped3A : memref<!tpu.dma_semaphore, #tpu.memory_space<semaphore_mem>>)
        %dma_wait3A_240 = arith.constant 0 : i32
        %dma_wait3A_241 = arith.constant 0 : i32
        %dma_wait3A_242 = tpu.memref_slice %arg8[%dma_wait3A_240, %dma_wait3A_241] : memref<128x128xf32, #tpu.memory_space<vmem>> -> memref<80x128xf32, #tpu.memory_space<vmem>>
        %dma_wait3A_243 = arith.constant 0 : i32
        %dma_wait3A_244 = tpu.memref_slice %arg10[%add3A_197, %dma_wait3A_243] : memref<10080x128xf32, #tpu.memory_space<vmem_shared>> -> memref<80x128xf32, #tpu.memory_space<vmem_shared>>
        %dma_wait3A_245 = arith.constant 0 : i32
        %dma_wait3A_246 = arith.constant 0 : i32
        %dma_wait3A_247 = tpu.memref_slice %arg8[%dma_wait3A_245, %dma_wait3A_246] : memref<128x128xf32, #tpu.memory_space<vmem>> -> memref<80x128xf32, #tpu.memory_space<vmem>>
        %dma_wait3A_248 = arith.constant 0 : i32
        %dma_wait3A_249 = tpu.memref_slice %arg10[%add3A_197, %dma_wait3A_248] : memref<10080x128xf32, #tpu.memory_space<vmem_shared>> -> memref<80x128xf32, #tpu.memory_space<vmem_shared>>
        tpu.wait_dma2 semaphore(%run_scoped3A : memref<!tpu.dma_semaphore, #tpu.memory_space<semaphore_mem>>) src(%dma_wait3A_249 : memref<80x128xf32, #tpu.memory_space<vmem_shared>>) dst(%dma_wait3A_247 : memref<80x128xf32, #tpu.memory_space<vmem>>)
        tpu.yield
      }) : () -> ()
      "tpu.region"() ({
        %run_scoped3A = tpu.sem_alloc : memref<!tpu.dma_semaphore, #tpu.memory_space<semaphore_mem>>
        %dma_start3A_230 = arith.constant 0 : i32
        %dma_start3A_231 = arith.constant 0 : i32
        %dma_start3A_232 = tpu.memref_slice %arg8[%dma_start3A_230, %dma_start3A_231] : memref<128x128xf32, #tpu.memory_space<vmem>> -> memref<80x128xf32, #tpu.memory_space<vmem>>
        %dma_start3A_233 = arith.constant 0 : i32
        %dma_start3A_234 = tpu.memref_slice %arg5[%arg0, %add3A_197, %dma_start3A_233] : memref<2x10000x128xf32, #tpu.memory_space<hbm>> -> memref<1x80x128xf32, #tpu.memory_space<hbm>>
        %dma_start3A_235 = tpu.memref_squeeze %dma_start3A_234 : memref<1x80x128xf32, #tpu.memory_space<hbm>> -> memref<80x128xf32, #tpu.memory_space<hbm>>
        %dma_start3A_236 = arith.constant 0 : i32
        %dma_start3A_237 = tpu.memref_slice %arg5[%arg0, %add3A_197, %dma_start3A_236] : memref<2x10000x128xf32, #tpu.memory_space<hbm>> -> memref<1x80x128xf32, #tpu.memory_space<hbm>>
        %dma_start3A_238 = tpu.memref_squeeze %dma_start3A_237 : memref<1x80x128xf32, #tpu.memory_space<hbm>> -> memref<80x128xf32, #tpu.memory_space<hbm>>
        %dma_start3A_239 = arith.constant 0 : i32
        %dma_start3A_240 = arith.constant 0 : i32
        %dma_start3A_241 = tpu.memref_slice %arg8[%dma_start3A_239, %dma_start3A_240] : memref<128x128xf32, #tpu.memory_space<vmem>> -> memref<80x128xf32, #tpu.memory_space<vmem>>
        tpu.enqueue_dma source(%dma_start3A_241 : memref<80x128xf32, #tpu.memory_space<vmem>>) target(%dma_start3A_238 : memref<80x128xf32, #tpu.memory_space<hbm>>) target_semaphore(%run_scoped3A : memref<!tpu.dma_semaphore, #tpu.memory_space<semaphore_mem>>)
        %dma_wait3A_242 = arith.constant 0 : i32
        %dma_wait3A_243 = arith.constant 0 : i32
        %dma_wait3A_244 = tpu.memref_slice %arg8[%dma_wait3A_242, %dma_wait3A_243] : memref<128x128xf32, #tpu.memory_space<vmem>> -> memref<80x128xf32, #tpu.memory_space<vmem>>
        %dma_wait3A_245 = arith.constant 0 : i32
        %dma_wait3A_246 = tpu.memref_slice %arg5[%arg0, %add3A_197, %dma_wait3A_245] : memref<2x10000x128xf32, #tpu.memory_space<hbm>> -> memref<1x80x128xf32, #tpu.memory_space<hbm>>
        %dma_wait3A_247 = tpu.memref_squeeze %dma_wait3A_246 : memref<1x80x128xf32, #tpu.memory_space<hbm>> -> memref<80x128xf32, #tpu.memory_space<hbm>>
        %dma_wait3A_248 = arith.constant 0 : i32
        %dma_wait3A_249 = tpu.memref_slice %arg5[%arg0, %add3A_197, %dma_wait3A_248] : memref<2x10000x128xf32, #tpu.memory_space<hbm>> -> memref<1x80x128xf32, #tpu.memory_space<hbm>>
        %dma_wait3A_250 = tpu.memref_squeeze %dma_wait3A_249 : memref<1x80x128xf32, #tpu.memory_space<hbm>> -> memref<80x128xf32, #tpu.memory_space<hbm>>
        %dma_wait3A_251 = arith.constant 0 : i32
        %dma_wait3A_252 = arith.constant 0 : i32
        %dma_wait3A_253 = tpu.memref_slice %arg8[%dma_wait3A_251, %dma_wait3A_252] : memref<128x128xf32, #tpu.memory_space<vmem>> -> memref<80x128xf32, #tpu.memory_space<vmem>>
        tpu.wait_dma2 semaphore(%run_scoped3A : memref<!tpu.dma_semaphore, #tpu.memory_space<semaphore_mem>>) src(%dma_wait3A_253 : memref<80x128xf32, #tpu.memory_space<vmem>>) dst(%dma_wait3A_250 : memref<80x128xf32, #tpu.memory_space<hbm>>)
        tpu.yield
      }) : () -> ()
    } else {
    }
    %mul3A_203 = arith.constant 640 : i32
    %mul3A_204 = arith.muli %arg1, %mul3A_203 : i32
    %add3A_205 = arith.constant 400 : i32
    %add3A_206 = arith.addi %mul3A_204, %add3A_205 : i32
    %lt3A_207 = arith.constant 10000 : i32
    %lt3A_208 = arith.cmpi slt, %add3A_206, %lt3A_207 : i32
    %convert_element_type3A_209 = arith.extui %lt3A_208 : i1 to i32
    %cond3A_210 = arith.constant 0 : i32
    %cond3A_211 = arith.cmpi ne, %convert_element_type3A_209, %cond3A_210 : i32
    scf.if %cond3A_211 {
      "tpu.region"() ({
        %run_scoped3A = tpu.sem_alloc : memref<!tpu.dma_semaphore, #tpu.memory_space<semaphore_mem>>
        %dma_start3A_230 = arith.constant 0 : i32
        %dma_start3A_231 = arith.constant 0 : i32
        %dma_start3A_232 = tpu.memref_slice %arg8[%dma_start3A_230, %dma_start3A_231] : memref<128x128xf32, #tpu.memory_space<vmem>> -> memref<80x128xf32, #tpu.memory_space<vmem>>
        %dma_start3A_233 = arith.constant 0 : i32
        %dma_start3A_234 = tpu.memref_slice %arg10[%add3A_206, %dma_start3A_233] : memref<10080x128xf32, #tpu.memory_space<vmem_shared>> -> memref<80x128xf32, #tpu.memory_space<vmem_shared>>
        %dma_start3A_235 = arith.constant 0 : i32
        %dma_start3A_236 = arith.constant 0 : i32
        %dma_start3A_237 = tpu.memref_slice %arg8[%dma_start3A_235, %dma_start3A_236] : memref<128x128xf32, #tpu.memory_space<vmem>> -> memref<80x128xf32, #tpu.memory_space<vmem>>
        %dma_start3A_238 = arith.constant 0 : i32
        %dma_start3A_239 = tpu.memref_slice %arg10[%add3A_206, %dma_start3A_238] : memref<10080x128xf32, #tpu.memory_space<vmem_shared>> -> memref<80x128xf32, #tpu.memory_space<vmem_shared>>
        tpu.enqueue_dma source(%dma_start3A_239 : memref<80x128xf32, #tpu.memory_space<vmem_shared>>) target(%dma_start3A_237 : memref<80x128xf32, #tpu.memory_space<vmem>>) target_semaphore(%run_scoped3A : memref<!tpu.dma_semaphore, #tpu.memory_space<semaphore_mem>>)
        %dma_wait3A_240 = arith.constant 0 : i32
        %dma_wait3A_241 = arith.constant 0 : i32
        %dma_wait3A_242 = tpu.memref_slice %arg8[%dma_wait3A_240, %dma_wait3A_241] : memref<128x128xf32, #tpu.memory_space<vmem>> -> memref<80x128xf32, #tpu.memory_space<vmem>>
        %dma_wait3A_243 = arith.constant 0 : i32
        %dma_wait3A_244 = tpu.memref_slice %arg10[%add3A_206, %dma_wait3A_243] : memref<10080x128xf32, #tpu.memory_space<vmem_shared>> -> memref<80x128xf32, #tpu.memory_space<vmem_shared>>
        %dma_wait3A_245 = arith.constant 0 : i32
        %dma_wait3A_246 = arith.constant 0 : i32
        %dma_wait3A_247 = tpu.memref_slice %arg8[%dma_wait3A_245, %dma_wait3A_246] : memref<128x128xf32, #tpu.memory_space<vmem>> -> memref<80x128xf32, #tpu.memory_space<vmem>>
        %dma_wait3A_248 = arith.constant 0 : i32
        %dma_wait3A_249 = tpu.memref_slice %arg10[%add3A_206, %dma_wait3A_248] : memref<10080x128xf32, #tpu.memory_space<vmem_shared>> -> memref<80x128xf32, #tpu.memory_space<vmem_shared>>
        tpu.wait_dma2 semaphore(%run_scoped3A : memref<!tpu.dma_semaphore, #tpu.memory_space<semaphore_mem>>) src(%dma_wait3A_249 : memref<80x128xf32, #tpu.memory_space<vmem_shared>>) dst(%dma_wait3A_247 : memref<80x128xf32, #tpu.memory_space<vmem>>)
        tpu.yield
      }) : () -> ()
      "tpu.region"() ({
        %run_scoped3A = tpu.sem_alloc : memref<!tpu.dma_semaphore, #tpu.memory_space<semaphore_mem>>
        %dma_start3A_230 = arith.constant 0 : i32
        %dma_start3A_231 = arith.constant 0 : i32
        %dma_start3A_232 = tpu.memref_slice %arg8[%dma_start3A_230, %dma_start3A_231] : memref<128x128xf32, #tpu.memory_space<vmem>> -> memref<80x128xf32, #tpu.memory_space<vmem>>
        %dma_start3A_233 = arith.constant 0 : i32
        %dma_start3A_234 = tpu.memref_slice %arg5[%arg0, %add3A_206, %dma_start3A_233] : memref<2x10000x128xf32, #tpu.memory_space<hbm>> -> memref<1x80x128xf32, #tpu.memory_space<hbm>>
        %dma_start3A_235 = tpu.memref_squeeze %dma_start3A_234 : memref<1x80x128xf32, #tpu.memory_space<hbm>> -> memref<80x128xf32, #tpu.memory_space<hbm>>
        %dma_start3A_236 = arith.constant 0 : i32
        %dma_start3A_237 = tpu.memref_slice %arg5[%arg0, %add3A_206, %dma_start3A_236] : memref<2x10000x128xf32, #tpu.memory_space<hbm>> -> memref<1x80x128xf32, #tpu.memory_space<hbm>>
        %dma_start3A_238 = tpu.memref_squeeze %dma_start3A_237 : memref<1x80x128xf32, #tpu.memory_space<hbm>> -> memref<80x128xf32, #tpu.memory_space<hbm>>
        %dma_start3A_239 = arith.constant 0 : i32
        %dma_start3A_240 = arith.constant 0 : i32
        %dma_start3A_241 = tpu.memref_slice %arg8[%dma_start3A_239, %dma_start3A_240] : memref<128x128xf32, #tpu.memory_space<vmem>> -> memref<80x128xf32, #tpu.memory_space<vmem>>
        tpu.enqueue_dma source(%dma_start3A_241 : memref<80x128xf32, #tpu.memory_space<vmem>>) target(%dma_start3A_238 : memref<80x128xf32, #tpu.memory_space<hbm>>) target_semaphore(%run_scoped3A : memref<!tpu.dma_semaphore, #tpu.memory_space<semaphore_mem>>)
        %dma_wait3A_242 = arith.constant 0 : i32
        %dma_wait3A_243 = arith.constant 0 : i32
        %dma_wait3A_244 = tpu.memref_slice %arg8[%dma_wait3A_242, %dma_wait3A_243] : memref<128x128xf32, #tpu.memory_space<vmem>> -> memref<80x128xf32, #tpu.memory_space<vmem>>
        %dma_wait3A_245 = arith.constant 0 : i32
        %dma_wait3A_246 = tpu.memref_slice %arg5[%arg0, %add3A_206, %dma_wait3A_245] : memref<2x10000x128xf32, #tpu.memory_space<hbm>> -> memref<1x80x128xf32, #tpu.memory_space<hbm>>
        %dma_wait3A_247 = tpu.memref_squeeze %dma_wait3A_246 : memref<1x80x128xf32, #tpu.memory_space<hbm>> -> memref<80x128xf32, #tpu.memory_space<hbm>>
        %dma_wait3A_248 = arith.constant 0 : i32
        %dma_wait3A_249 = tpu.memref_slice %arg5[%arg0, %add3A_206, %dma_wait3A_248] : memref<2x10000x128xf32, #tpu.memory_space<hbm>> -> memref<1x80x128xf32, #tpu.memory_space<hbm>>
        %dma_wait3A_250 = tpu.memref_squeeze %dma_wait3A_249 : memref<1x80x128xf32, #tpu.memory_space<hbm>> -> memref<80x128xf32, #tpu.memory_space<hbm>>
        %dma_wait3A_251 = arith.constant 0 : i32
        %dma_wait3A_252 = arith.constant 0 : i32
        %dma_wait3A_253 = tpu.memref_slice %arg8[%dma_wait3A_251, %dma_wait3A_252] : memref<128x128xf32, #tpu.memory_space<vmem>> -> memref<80x128xf32, #tpu.memory_space<vmem>>
        tpu.wait_dma2 semaphore(%run_scoped3A : memref<!tpu.dma_semaphore, #tpu.memory_space<semaphore_mem>>) src(%dma_wait3A_253 : memref<80x128xf32, #tpu.memory_space<vmem>>) dst(%dma_wait3A_250 : memref<80x128xf32, #tpu.memory_space<hbm>>)
        tpu.yield
      }) : () -> ()
    } else {
    }
    %mul3A_212 = arith.constant 640 : i32
    %mul3A_213 = arith.muli %arg1, %mul3A_212 : i32
    %add3A_214 = arith.constant 480 : i32
    %add3A_215 = arith.addi %mul3A_213, %add3A_214 : i32
    %lt3A_216 = arith.constant 10000 : i32
    %lt3A_217 = arith.cmpi slt, %add3A_215, %lt3A_216 : i32
    %convert_element_type3A_218 = arith.extui %lt3A_217 : i1 to i32
    %cond3A_219 = arith.constant 0 : i32
    %cond3A_220 = arith.cmpi ne, %convert_element_type3A_218, %cond3A_219 : i32
    scf.if %cond3A_220 {
      "tpu.region"() ({
        %run_scoped3A = tpu.sem_alloc : memref<!tpu.dma_semaphore, #tpu.memory_space<semaphore_mem>>
        %dma_start3A_230 = arith.constant 0 : i32
        %dma_start3A_231 = arith.constant 0 : i32
        %dma_start3A_232 = tpu.memref_slice %arg8[%dma_start3A_230, %dma_start3A_231] : memref<128x128xf32, #tpu.memory_space<vmem>> -> memref<80x128xf32, #tpu.memory_space<vmem>>
        %dma_start3A_233 = arith.constant 0 : i32
        %dma_start3A_234 = tpu.memref_slice %arg10[%add3A_215, %dma_start3A_233] : memref<10080x128xf32, #tpu.memory_space<vmem_shared>> -> memref<80x128xf32, #tpu.memory_space<vmem_shared>>
        %dma_start3A_235 = arith.constant 0 : i32
        %dma_start3A_236 = arith.constant 0 : i32
        %dma_start3A_237 = tpu.memref_slice %arg8[%dma_start3A_235, %dma_start3A_236] : memref<128x128xf32, #tpu.memory_space<vmem>> -> memref<80x128xf32, #tpu.memory_space<vmem>>
        %dma_start3A_238 = arith.constant 0 : i32
        %dma_start3A_239 = tpu.memref_slice %arg10[%add3A_215, %dma_start3A_238] : memref<10080x128xf32, #tpu.memory_space<vmem_shared>> -> memref<80x128xf32, #tpu.memory_space<vmem_shared>>
        tpu.enqueue_dma source(%dma_start3A_239 : memref<80x128xf32, #tpu.memory_space<vmem_shared>>) target(%dma_start3A_237 : memref<80x128xf32, #tpu.memory_space<vmem>>) target_semaphore(%run_scoped3A : memref<!tpu.dma_semaphore, #tpu.memory_space<semaphore_mem>>)
        %dma_wait3A_240 = arith.constant 0 : i32
        %dma_wait3A_241 = arith.constant 0 : i32
        %dma_wait3A_242 = tpu.memref_slice %arg8[%dma_wait3A_240, %dma_wait3A_241] : memref<128x128xf32, #tpu.memory_space<vmem>> -> memref<80x128xf32, #tpu.memory_space<vmem>>
        %dma_wait3A_243 = arith.constant 0 : i32
        %dma_wait3A_244 = tpu.memref_slice %arg10[%add3A_215, %dma_wait3A_243] : memref<10080x128xf32, #tpu.memory_space<vmem_shared>> -> memref<80x128xf32, #tpu.memory_space<vmem_shared>>
        %dma_wait3A_245 = arith.constant 0 : i32
        %dma_wait3A_246 = arith.constant 0 : i32
        %dma_wait3A_247 = tpu.memref_slice %arg8[%dma_wait3A_245, %dma_wait3A_246] : memref<128x128xf32, #tpu.memory_space<vmem>> -> memref<80x128xf32, #tpu.memory_space<vmem>>
        %dma_wait3A_248 = arith.constant 0 : i32
        %dma_wait3A_249 = tpu.memref_slice %arg10[%add3A_215, %dma_wait3A_248] : memref<10080x128xf32, #tpu.memory_space<vmem_shared>> -> memref<80x128xf32, #tpu.memory_space<vmem_shared>>
        tpu.wait_dma2 semaphore(%run_scoped3A : memref<!tpu.dma_semaphore, #tpu.memory_space<semaphore_mem>>) src(%dma_wait3A_249 : memref<80x128xf32, #tpu.memory_space<vmem_shared>>) dst(%dma_wait3A_247 : memref<80x128xf32, #tpu.memory_space<vmem>>)
        tpu.yield
      }) : () -> ()
      "tpu.region"() ({
        %run_scoped3A = tpu.sem_alloc : memref<!tpu.dma_semaphore, #tpu.memory_space<semaphore_mem>>
        %dma_start3A_230 = arith.constant 0 : i32
        %dma_start3A_231 = arith.constant 0 : i32
        %dma_start3A_232 = tpu.memref_slice %arg8[%dma_start3A_230, %dma_start3A_231] : memref<128x128xf32, #tpu.memory_space<vmem>> -> memref<80x128xf32, #tpu.memory_space<vmem>>
        %dma_start3A_233 = arith.constant 0 : i32
        %dma_start3A_234 = tpu.memref_slice %arg5[%arg0, %add3A_215, %dma_start3A_233] : memref<2x10000x128xf32, #tpu.memory_space<hbm>> -> memref<1x80x128xf32, #tpu.memory_space<hbm>>
        %dma_start3A_235 = tpu.memref_squeeze %dma_start3A_234 : memref<1x80x128xf32, #tpu.memory_space<hbm>> -> memref<80x128xf32, #tpu.memory_space<hbm>>
        %dma_start3A_236 = arith.constant 0 : i32
        %dma_start3A_237 = tpu.memref_slice %arg5[%arg0, %add3A_215, %dma_start3A_236] : memref<2x10000x128xf32, #tpu.memory_space<hbm>> -> memref<1x80x128xf32, #tpu.memory_space<hbm>>
        %dma_start3A_238 = tpu.memref_squeeze %dma_start3A_237 : memref<1x80x128xf32, #tpu.memory_space<hbm>> -> memref<80x128xf32, #tpu.memory_space<hbm>>
        %dma_start3A_239 = arith.constant 0 : i32
        %dma_start3A_240 = arith.constant 0 : i32
        %dma_start3A_241 = tpu.memref_slice %arg8[%dma_start3A_239, %dma_start3A_240] : memref<128x128xf32, #tpu.memory_space<vmem>> -> memref<80x128xf32, #tpu.memory_space<vmem>>
        tpu.enqueue_dma source(%dma_start3A_241 : memref<80x128xf32, #tpu.memory_space<vmem>>) target(%dma_start3A_238 : memref<80x128xf32, #tpu.memory_space<hbm>>) target_semaphore(%run_scoped3A : memref<!tpu.dma_semaphore, #tpu.memory_space<semaphore_mem>>)
        %dma_wait3A_242 = arith.constant 0 : i32
        %dma_wait3A_243 = arith.constant 0 : i32
        %dma_wait3A_244 = tpu.memref_slice %arg8[%dma_wait3A_242, %dma_wait3A_243] : memref<128x128xf32, #tpu.memory_space<vmem>> -> memref<80x128xf32, #tpu.memory_space<vmem>>
        %dma_wait3A_245 = arith.constant 0 : i32
        %dma_wait3A_246 = tpu.memref_slice %arg5[%arg0, %add3A_215, %dma_wait3A_245] : memref<2x10000x128xf32, #tpu.memory_space<hbm>> -> memref<1x80x128xf32, #tpu.memory_space<hbm>>
        %dma_wait3A_247 = tpu.memref_squeeze %dma_wait3A_246 : memref<1x80x128xf32, #tpu.memory_space<hbm>> -> memref<80x128xf32, #tpu.memory_space<hbm>>
        %dma_wait3A_248 = arith.constant 0 : i32
        %dma_wait3A_249 = tpu.memref_slice %arg5[%arg0, %add3A_215, %dma_wait3A_248] : memref<2x10000x128xf32, #tpu.memory_space<hbm>> -> memref<1x80x128xf32, #tpu.memory_space<hbm>>
        %dma_wait3A_250 = tpu.memref_squeeze %dma_wait3A_249 : memref<1x80x128xf32, #tpu.memory_space<hbm>> -> memref<80x128xf32, #tpu.memory_space<hbm>>
        %dma_wait3A_251 = arith.constant 0 : i32
        %dma_wait3A_252 = arith.constant 0 : i32
        %dma_wait3A_253 = tpu.memref_slice %arg8[%dma_wait3A_251, %dma_wait3A_252] : memref<128x128xf32, #tpu.memory_space<vmem>> -> memref<80x128xf32, #tpu.memory_space<vmem>>
        tpu.wait_dma2 semaphore(%run_scoped3A : memref<!tpu.dma_semaphore, #tpu.memory_space<semaphore_mem>>) src(%dma_wait3A_253 : memref<80x128xf32, #tpu.memory_space<vmem>>) dst(%dma_wait3A_250 : memref<80x128xf32, #tpu.memory_space<hbm>>)
        tpu.yield
      }) : () -> ()
    } else {
    }
    %mul3A_221 = arith.constant 640 : i32
    %mul3A_222 = arith.muli %arg1, %mul3A_221 : i32
    %add3A_223 = arith.constant 560 : i32
    %add3A_224 = arith.addi %mul3A_222, %add3A_223 : i32
    %lt3A_225 = arith.constant 10000 : i32
    %lt3A_226 = arith.cmpi slt, %add3A_224, %lt3A_225 : i32
    %convert_element_type3A_227 = arith.extui %lt3A_226 : i1 to i32
    %cond3A_228 = arith.constant 0 : i32
    %cond3A_229 = arith.cmpi ne, %convert_element_type3A_227, %cond3A_228 : i32
    scf.if %cond3A_229 {
      "tpu.region"() ({
        %run_scoped3A = tpu.sem_alloc : memref<!tpu.dma_semaphore, #tpu.memory_space<semaphore_mem>>
        %dma_start3A_230 = arith.constant 0 : i32
        %dma_start3A_231 = arith.constant 0 : i32
        %dma_start3A_232 = tpu.memref_slice %arg8[%dma_start3A_230, %dma_start3A_231] : memref<128x128xf32, #tpu.memory_space<vmem>> -> memref<80x128xf32, #tpu.memory_space<vmem>>
        %dma_start3A_233 = arith.constant 0 : i32
        %dma_start3A_234 = tpu.memref_slice %arg10[%add3A_224, %dma_start3A_233] : memref<10080x128xf32, #tpu.memory_space<vmem_shared>> -> memref<80x128xf32, #tpu.memory_space<vmem_shared>>
        %dma_start3A_235 = arith.constant 0 : i32
        %dma_start3A_236 = arith.constant 0 : i32
        %dma_start3A_237 = tpu.memref_slice %arg8[%dma_start3A_235, %dma_start3A_236] : memref<128x128xf32, #tpu.memory_space<vmem>> -> memref<80x128xf32, #tpu.memory_space<vmem>>
        %dma_start3A_238 = arith.constant 0 : i32
        %dma_start3A_239 = tpu.memref_slice %arg10[%add3A_224, %dma_start3A_238] : memref<10080x128xf32, #tpu.memory_space<vmem_shared>> -> memref<80x128xf32, #tpu.memory_space<vmem_shared>>
        tpu.enqueue_dma source(%dma_start3A_239 : memref<80x128xf32, #tpu.memory_space<vmem_shared>>) target(%dma_start3A_237 : memref<80x128xf32, #tpu.memory_space<vmem>>) target_semaphore(%run_scoped3A : memref<!tpu.dma_semaphore, #tpu.memory_space<semaphore_mem>>)
        %dma_wait3A_240 = arith.constant 0 : i32
        %dma_wait3A_241 = arith.constant 0 : i32
        %dma_wait3A_242 = tpu.memref_slice %arg8[%dma_wait3A_240, %dma_wait3A_241] : memref<128x128xf32, #tpu.memory_space<vmem>> -> memref<80x128xf32, #tpu.memory_space<vmem>>
        %dma_wait3A_243 = arith.constant 0 : i32
        %dma_wait3A_244 = tpu.memref_slice %arg10[%add3A_224, %dma_wait3A_243] : memref<10080x128xf32, #tpu.memory_space<vmem_shared>> -> memref<80x128xf32, #tpu.memory_space<vmem_shared>>
        %dma_wait3A_245 = arith.constant 0 : i32
        %dma_wait3A_246 = arith.constant 0 : i32
        %dma_wait3A_247 = tpu.memref_slice %arg8[%dma_wait3A_245, %dma_wait3A_246] : memref<128x128xf32, #tpu.memory_space<vmem>> -> memref<80x128xf32, #tpu.memory_space<vmem>>
        %dma_wait3A_248 = arith.constant 0 : i32
        %dma_wait3A_249 = tpu.memref_slice %arg10[%add3A_224, %dma_wait3A_248] : memref<10080x128xf32, #tpu.memory_space<vmem_shared>> -> memref<80x128xf32, #tpu.memory_space<vmem_shared>>
        tpu.wait_dma2 semaphore(%run_scoped3A : memref<!tpu.dma_semaphore, #tpu.memory_space<semaphore_mem>>) src(%dma_wait3A_249 : memref<80x128xf32, #tpu.memory_space<vmem_shared>>) dst(%dma_wait3A_247 : memref<80x128xf32, #tpu.memory_space<vmem>>)
        tpu.yield
      }) : () -> ()
      "tpu.region"() ({
        %run_scoped3A = tpu.sem_alloc : memref<!tpu.dma_semaphore, #tpu.memory_space<semaphore_mem>>
        %dma_start3A_230 = arith.constant 0 : i32
        %dma_start3A_231 = arith.constant 0 : i32
        %dma_start3A_232 = tpu.memref_slice %arg8[%dma_start3A_230, %dma_start3A_231] : memref<128x128xf32, #tpu.memory_space<vmem>> -> memref<80x128xf32, #tpu.memory_space<vmem>>
        %dma_start3A_233 = arith.constant 0 : i32
        %dma_start3A_234 = tpu.memref_slice %arg5[%arg0, %add3A_224, %dma_start3A_233] : memref<2x10000x128xf32, #tpu.memory_space<hbm>> -> memref<1x80x128xf32, #tpu.memory_space<hbm>>
        %dma_start3A_235 = tpu.memref_squeeze %dma_start3A_234 : memref<1x80x128xf32, #tpu.memory_space<hbm>> -> memref<80x128xf32, #tpu.memory_space<hbm>>
        %dma_start3A_236 = arith.constant 0 : i32
        %dma_start3A_237 = tpu.memref_slice %arg5[%arg0, %add3A_224, %dma_start3A_236] : memref<2x10000x128xf32, #tpu.memory_space<hbm>> -> memref<1x80x128xf32, #tpu.memory_space<hbm>>
        %dma_start3A_238 = tpu.memref_squeeze %dma_start3A_237 : memref<1x80x128xf32, #tpu.memory_space<hbm>> -> memref<80x128xf32, #tpu.memory_space<hbm>>
        %dma_start3A_239 = arith.constant 0 : i32
        %dma_start3A_240 = arith.constant 0 : i32
        %dma_start3A_241 = tpu.memref_slice %arg8[%dma_start3A_239, %dma_start3A_240] : memref<128x128xf32, #tpu.memory_space<vmem>> -> memref<80x128xf32, #tpu.memory_space<vmem>>
        tpu.enqueue_dma source(%dma_start3A_241 : memref<80x128xf32, #tpu.memory_space<vmem>>) target(%dma_start3A_238 : memref<80x128xf32, #tpu.memory_space<hbm>>) target_semaphore(%run_scoped3A : memref<!tpu.dma_semaphore, #tpu.memory_space<semaphore_mem>>)
        %dma_wait3A_242 = arith.constant 0 : i32
        %dma_wait3A_243 = arith.constant 0 : i32
        %dma_wait3A_244 = tpu.memref_slice %arg8[%dma_wait3A_242, %dma_wait3A_243] : memref<128x128xf32, #tpu.memory_space<vmem>> -> memref<80x128xf32, #tpu.memory_space<vmem>>
        %dma_wait3A_245 = arith.constant 0 : i32
        %dma_wait3A_246 = tpu.memref_slice %arg5[%arg0, %add3A_224, %dma_wait3A_245] : memref<2x10000x128xf32, #tpu.memory_space<hbm>> -> memref<1x80x128xf32, #tpu.memory_space<hbm>>
        %dma_wait3A_247 = tpu.memref_squeeze %dma_wait3A_246 : memref<1x80x128xf32, #tpu.memory_space<hbm>> -> memref<80x128xf32, #tpu.memory_space<hbm>>
        %dma_wait3A_248 = arith.constant 0 : i32
        %dma_wait3A_249 = tpu.memref_slice %arg5[%arg0, %add3A_224, %dma_wait3A_248] : memref<2x10000x128xf32, #tpu.memory_space<hbm>> -> memref<1x80x128xf32, #tpu.memory_space<hbm>>
        %dma_wait3A_250 = tpu.memref_squeeze %dma_wait3A_249 : memref<1x80x128xf32, #tpu.memory_space<hbm>> -> memref<80x128xf32, #tpu.memory_space<hbm>>
        %dma_wait3A_251 = arith.constant 0 : i32
        %dma_wait3A_252 = arith.constant 0 : i32
        %dma_wait3A_253 = tpu.memref_slice %arg8[%dma_wait3A_251, %dma_wait3A_252] : memref<128x128xf32, #tpu.memory_space<vmem>> -> memref<80x128xf32, #tpu.memory_space<vmem>>
        tpu.wait_dma2 semaphore(%run_scoped3A : memref<!tpu.dma_semaphore, #tpu.memory_space<semaphore_mem>>) src(%dma_wait3A_253 : memref<80x128xf32, #tpu.memory_space<vmem>>) dst(%dma_wait3A_250 : memref<80x128xf32, #tpu.memory_space<hbm>>)
        tpu.yield
      }) : () -> ()
    } else {
    }
    return
  }
}

module attributes {stable_mosaic.version = 14 : i64} {
  func.func @_tc_scale_body(%arg0: i32, %arg1: memref<1000x128xf32, #tpu.memory_space<vmem>>, %arg2: memref<128x128xf32, #tpu.memory_space<vmem>>, %arg3: memref<2x1000x1xf32, #tpu.memory_space<vmem>>, %arg4: memref<1000x128xf32, #tpu.memory_space<vmem>>, %arg5: memref<1000x1xf32, #tpu.memory_space<vmem>>) attributes {dimension_semantics = [#tpu.dimension_semantics<arbitrary>], iteration_bounds = array<i64: 10>, scalar_prefetch = 0 : i64, scratch_operands = 0 : i64, tpu.core_type = #tpu.core_type<tc>, window_params = [{transform_indices = @transform_0, window_bounds = array<i64: 1000, 128>}, {pipeline_mode = #tpu.pipeline_mode<synchronous>, transform_indices = @transform_1, window_bounds = array<i64: 128, 128>}, {transform_indices = @transform_2, window_bounds = array<i64: 2, 1000, 1>}, {transform_indices = @transform_3, window_bounds = array<i64: 1000, 128>}, {transform_indices = @transform_4, window_bounds = array<i64: 1000, 1>}]} {
    %get3A = arith.constant 0 : index
    %get3A_0 = arith.constant 0 : index
    %get3A_1 = arith.constant 0 : index
    %get3A_2 = vector.load %arg3[%get3A, %get3A_0, %get3A_1] : memref<2x1000x1xf32, #tpu.memory_space<vmem>>, vector<1x1000x1xf32>
    %get3A_3 = vector.shape_cast %get3A_2 : vector<1x1000x1xf32> to vector<1000x1xf32>
    %get3A_4 = arith.constant 1 : index
    %get3A_5 = arith.constant 0 : index
    %get3A_6 = arith.constant 0 : index
    %get3A_7 = vector.load %arg3[%get3A_4, %get3A_5, %get3A_6] : memref<2x1000x1xf32, #tpu.memory_space<vmem>>, vector<1x1000x1xf32>
    %get3A_8 = vector.shape_cast %get3A_7 : vector<1x1000x1xf32> to vector<1000x1xf32>
    %add3A = arith.addf %get3A_3, %get3A_8 : vector<1000x1xf32>
    %add3A_9 = arith.constant 1.000000e+00 : f32
    %add3A_10 = vector.broadcast %add3A_9 : f32 to vector<1000x1xf32>
    %add3A_11 = arith.addf %add3A, %add3A_10 : vector<1000x1xf32>
    %max3A = arith.constant 1.000000e+00 : f32
    %max3A_12 = vector.broadcast %max3A : f32 to vector<1000x1xf32>
    %max3A_13 = arith.maximumf %add3A_11, %max3A_12 : vector<1000x1xf32>
    %rsqrt3A = math.rsqrt %max3A_13 : vector<1000x1xf32>
    %get3A_14 = arith.constant 0 : index
    %get3A_15 = arith.constant 0 : index
    %get3A_16 = vector.load %arg1[%get3A_14, %get3A_15] : memref<1000x128xf32, #tpu.memory_space<vmem>>, vector<1000x128xf32>
    %get3A_17 = arith.constant 0 : index
    %get3A_18 = arith.constant 0 : index
    %get3A_19 = vector.load %arg2[%get3A_17, %get3A_18] : memref<128x128xf32, #tpu.memory_space<vmem>>, vector<128x128xf32>
    %dot_general3A = arith.constant dense<0.000000e+00> : vector<1000x128xf32>
    %dot_general3A_20 = tpu.matmul %get3A_16, %get3A_19, %dot_general3A {dimension_numbers = #tpu.dot_dimension_numbers<[1], [0], [0], [1], [0, 0, 1, 1], [], []>, transpose_lhs_hint = false} : vector<1000x128xf32>, vector<128x128xf32>, vector<1000x128xf32> -> vector<1000x128xf32>
    %mul3A = vector.broadcast %rsqrt3A : vector<1000x1xf32> to vector<1000x128xf32>
    %mul3A_21 = arith.mulf %dot_general3A_20, %mul3A : vector<1000x128xf32>
    %swap3A = arith.constant 0 : index
    %swap3A_22 = arith.constant 0 : index
    %swap3A_23 = vector.load %arg4[%swap3A, %swap3A_22] : memref<1000x128xf32, #tpu.memory_space<vmem>>, vector<1000x128xf32>
    tpu.vector_store %arg4[%swap3A, %swap3A_22], %mul3A_21 {strides = array<i32>} : memref<1000x128xf32, #tpu.memory_space<vmem>>, vector<1000x128xf32>,
    %swap3A_24 = arith.constant 0 : index
    %swap3A_25 = arith.constant 0 : index
    %swap3A_26 = vector.load %arg5[%swap3A_24, %swap3A_25] : memref<1000x1xf32, #tpu.memory_space<vmem>>, vector<1000x1xf32>
    tpu.vector_store %arg5[%swap3A_24, %swap3A_25], %rsqrt3A {strides = array<i32>} : memref<1000x1xf32, #tpu.memory_space<vmem>>, vector<1000x1xf32>,
    return
  }
  func.func @transform_0(%arg0: i32) -> (i32, i32) {
    %c0_i32 = arith.constant 0 : i32
    %c0_i32_0 = arith.constant 0 : i32
    return %arg0, %c0_i32 : i32, i32
  }
  func.func @transform_1(%arg0: i32) -> (i32, i32) {
    %c0_i32 = arith.constant 0 : i32
    %c0_i32_0 = arith.constant 0 : i32
    %c0_i32_1 = arith.constant 0 : i32
    return %c0_i32, %c0_i32_0 : i32, i32
  }
  func.func @transform_2(%arg0: i32) -> (i32, i32, i32) {
    %c0_i32 = arith.constant 0 : i32
    %c0_i32_0 = arith.constant 0 : i32
    %c0_i32_1 = arith.constant 0 : i32
    return %c0_i32, %arg0, %c0_i32_0 : i32, i32, i32
  }
  func.func @transform_3(%arg0: i32) -> (i32, i32) {
    %c0_i32 = arith.constant 0 : i32
    %c0_i32_0 = arith.constant 0 : i32
    return %arg0, %c0_i32 : i32, i32
  }
  func.func @transform_4(%arg0: i32) -> (i32, i32) {
    %c0_i32 = arith.constant 0 : i32
    %c0_i32_0 = arith.constant 0 : i32
    return %arg0, %c0_i32 : i32, i32
  }
}

module attributes {stable_mosaic.version = 14 : i64} {
  func.func @_tc_mid_body(%arg0: i32, %arg1: memref<2x1000x128xf32, #tpu.memory_space<vmem>>, %arg2: memref<1000x128xf32, #tpu.memory_space<vmem>>, %arg3: memref<1000x1xf32, #tpu.memory_space<vmem>>, %arg4: memref<1x128xf32, #tpu.memory_space<vmem>>, %arg5: memref<128x128xf32, #tpu.memory_space<vmem>>, %arg6: memref<1000x128xf32, #tpu.memory_space<vmem>>) attributes {dimension_semantics = [#tpu.dimension_semantics<arbitrary>], iteration_bounds = array<i64: 10>, scalar_prefetch = 0 : i64, scratch_operands = 0 : i64, tpu.core_type = #tpu.core_type<tc>, window_params = [{transform_indices = @transform_0, window_bounds = array<i64: 2, 1000, 128>}, {transform_indices = @transform_1, window_bounds = array<i64: 1000, 128>}, {transform_indices = @transform_2, window_bounds = array<i64: 1000, 1>}, {pipeline_mode = #tpu.pipeline_mode<synchronous>, transform_indices = @transform_3, window_bounds = array<i64: 1, 128>}, {pipeline_mode = #tpu.pipeline_mode<synchronous>, transform_indices = @transform_4, window_bounds = array<i64: 128, 128>}, {transform_indices = @transform_5, window_bounds = array<i64: 1000, 128>}]} {
    %get3A = arith.constant 0 : index
    %get3A_0 = arith.constant 0 : index
    %get3A_1 = vector.load %arg3[%get3A, %get3A_0] : memref<1000x1xf32, #tpu.memory_space<vmem>>, vector<1000x1xf32>
    %get3A_2 = arith.constant 0 : index
    %get3A_3 = arith.constant 0 : index
    %get3A_4 = arith.constant 0 : index
    %get3A_5 = vector.load %arg1[%get3A_2, %get3A_3, %get3A_4] : memref<2x1000x128xf32, #tpu.memory_space<vmem>>, vector<1x1000x128xf32>
    %get3A_6 = vector.shape_cast %get3A_5 : vector<1x1000x128xf32> to vector<1000x128xf32>
    %get3A_7 = arith.constant 1 : index
    %get3A_8 = arith.constant 0 : index
    %get3A_9 = arith.constant 0 : index
    %get3A_10 = vector.load %arg1[%get3A_7, %get3A_8, %get3A_9] : memref<2x1000x128xf32, #tpu.memory_space<vmem>>, vector<1x1000x128xf32>
    %get3A_11 = vector.shape_cast %get3A_10 : vector<1x1000x128xf32> to vector<1000x128xf32>
    %add3A = arith.addf %get3A_6, %get3A_11 : vector<1000x128xf32>
    %get3A_12 = arith.constant 0 : index
    %get3A_13 = arith.constant 0 : index
    %get3A_14 = vector.load %arg2[%get3A_12, %get3A_13] : memref<1000x128xf32, #tpu.memory_space<vmem>>, vector<1000x128xf32>
    %add3A_15 = arith.addf %add3A, %get3A_14 : vector<1000x128xf32>
    %mul3A = vector.broadcast %get3A_1 : vector<1000x1xf32> to vector<1000x128xf32>
    %mul3A_16 = arith.mulf %mul3A, %add3A_15 : vector<1000x128xf32>
    %get3A_17 = arith.constant 0 : index
    %get3A_18 = arith.constant 0 : index
    %get3A_19 = vector.load %arg4[%get3A_17, %get3A_18] : memref<1x128xf32, #tpu.memory_space<vmem>>, vector<1x128xf32>
    %add3A_20 = vector.broadcast %get3A_19 : vector<1x128xf32> to vector<1000x128xf32>
    %add3A_21 = arith.addf %mul3A_16, %add3A_20 : vector<1000x128xf32>
    %max3A = arith.constant 0.000000e+00 : f32
    %max3A_22 = vector.broadcast %max3A : f32 to vector<1000x128xf32>
    %max3A_23 = arith.maximumf %add3A_21, %max3A_22 : vector<1000x128xf32>
    %get3A_24 = arith.constant 0 : index
    %get3A_25 = arith.constant 0 : index
    %get3A_26 = vector.load %arg5[%get3A_24, %get3A_25] : memref<128x128xf32, #tpu.memory_space<vmem>>, vector<128x128xf32>
    %dot_general3A = arith.constant dense<0.000000e+00> : vector<1000x128xf32>
    %dot_general3A_27 = tpu.matmul %max3A_23, %get3A_26, %dot_general3A {dimension_numbers = #tpu.dot_dimension_numbers<[1], [0], [0], [1], [0, 0, 1, 1], [], []>, transpose_lhs_hint = false} : vector<1000x128xf32>, vector<128x128xf32>, vector<1000x128xf32> -> vector<1000x128xf32>
    %mul3A_28 = vector.broadcast %get3A_1 : vector<1000x1xf32> to vector<1000x128xf32>
    %mul3A_29 = arith.mulf %dot_general3A_27, %mul3A_28 : vector<1000x128xf32>
    %swap3A = arith.constant 0 : index
    %swap3A_30 = arith.constant 0 : index
    %swap3A_31 = vector.load %arg6[%swap3A, %swap3A_30] : memref<1000x128xf32, #tpu.memory_space<vmem>>, vector<1000x128xf32>
    tpu.vector_store %arg6[%swap3A, %swap3A_30], %mul3A_29 {strides = array<i32>} : memref<1000x128xf32, #tpu.memory_space<vmem>>, vector<1000x128xf32>,
    return
  }
  func.func @transform_0(%arg0: i32) -> (i32, i32, i32) {
    %c0_i32 = arith.constant 0 : i32
    %c0_i32_0 = arith.constant 0 : i32
    %c0_i32_1 = arith.constant 0 : i32
    return %c0_i32, %arg0, %c0_i32_0 : i32, i32, i32
  }
  func.func @transform_1(%arg0: i32) -> (i32, i32) {
    %c0_i32 = arith.constant 0 : i32
    %c0_i32_0 = arith.constant 0 : i32
    return %arg0, %c0_i32 : i32, i32
  }
  func.func @transform_2(%arg0: i32) -> (i32, i32) {
    %c0_i32 = arith.constant 0 : i32
    %c0_i32_0 = arith.constant 0 : i32
    return %arg0, %c0_i32 : i32, i32
  }
  func.func @transform_3(%arg0: i32) -> (i32, i32) {
    %c0_i32 = arith.constant 0 : i32
    %c0_i32_0 = arith.constant 0 : i32
    %c0_i32_1 = arith.constant 0 : i32
    return %c0_i32, %c0_i32_0 : i32, i32
  }
  func.func @transform_4(%arg0: i32) -> (i32, i32) {
    %c0_i32 = arith.constant 0 : i32
    %c0_i32_0 = arith.constant 0 : i32
    %c0_i32_1 = arith.constant 0 : i32
    return %c0_i32, %c0_i32_0 : i32, i32
  }
  func.func @transform_5(%arg0: i32) -> (i32, i32) {
    %c0_i32 = arith.constant 0 : i32
    %c0_i32_0 = arith.constant 0 : i32
    return %arg0, %c0_i32 : i32, i32
  }
}

module attributes {stable_mosaic.version = 14 : i64} {
  func.func @_tc_pool_body(%arg0: i32, %arg1: memref<2x1000x128xf32, #tpu.memory_space<vmem>>, %arg2: memref<1000x128xf32, #tpu.memory_space<vmem>>, %arg3: memref<1000x1xf32, #tpu.memory_space<vmem>>, %arg4: memref<1x128xf32, #tpu.memory_space<vmem>>, %arg5: memref<1000x1xi32, #tpu.memory_space<vmem>>, %arg6: memref<64x128xf32, #tpu.memory_space<vmem>>, %arg7: memref<64x128xf32, #tpu.memory_space<vmem>>, %arg8: memref<64x1xf32, #tpu.memory_space<vmem>>) attributes {dimension_semantics = [#tpu.dimension_semantics<arbitrary>], iteration_bounds = array<i64: 10>, scalar_prefetch = 0 : i64, scratch_operands = 2 : i64, tpu.core_type = #tpu.core_type<tc>, window_params = [{transform_indices = @transform_0, window_bounds = array<i64: 2, 1000, 128>}, {transform_indices = @transform_1, window_bounds = array<i64: 1000, 128>}, {transform_indices = @transform_2, window_bounds = array<i64: 1000, 1>}, {pipeline_mode = #tpu.pipeline_mode<synchronous>, transform_indices = @transform_3, window_bounds = array<i64: 1, 128>}, {transform_indices = @transform_4, window_bounds = array<i64: 1000, 1>}, {pipeline_mode = #tpu.pipeline_mode<synchronous>, transform_indices = @transform_5, window_bounds = array<i64: 64, 128>}]} {
    %eq3A = arith.constant 0 : i32
    %eq3A_0 = arith.cmpi eq, %arg0, %eq3A : i32
    %convert_element_type3A = arith.extui %eq3A_0 : i1 to i32
    %cond3A = arith.constant 0 : i32
    %cond3A_1 = arith.cmpi ne, %convert_element_type3A, %cond3A : i32
    scf.if %cond3A_1 {
      %broadcast_in_dim3A_56 = arith.constant 0.000000e+00 : f32
      %broadcast_in_dim3A_57 = vector.broadcast %broadcast_in_dim3A_56 : f32 to vector<64x128xf32>
      %swap3A_58 = arith.constant 0 : index
      %swap3A_59 = arith.constant 0 : index
      %swap3A_60 = vector.load %arg7[%swap3A_58, %swap3A_59] : memref<64x128xf32, #tpu.memory_space<vmem>>, vector<64x128xf32>
      tpu.vector_store %arg7[%swap3A_58, %swap3A_59], %broadcast_in_dim3A_57 {strides = array<i32>} : memref<64x128xf32, #tpu.memory_space<vmem>>, vector<64x128xf32>,
      %broadcast_in_dim3A_61 = arith.constant 0.000000e+00 : f32
      %broadcast_in_dim3A_62 = vector.broadcast %broadcast_in_dim3A_61 : f32 to vector<64x1xf32>
      %swap3A_63 = arith.constant 0 : index
      %swap3A_64 = arith.constant 0 : index
      %swap3A_65 = vector.load %arg8[%swap3A_63, %swap3A_64] : memref<64x1xf32, #tpu.memory_space<vmem>>, vector<64x1xf32>
      tpu.vector_store %arg8[%swap3A_63, %swap3A_64], %broadcast_in_dim3A_62 {strides = array<i32>} : memref<64x1xf32, #tpu.memory_space<vmem>>, vector<64x1xf32>,
    } else {
    }
    %get3A = arith.constant 0 : index
    %get3A_2 = arith.constant 0 : index
    %get3A_3 = vector.load %arg3[%get3A, %get3A_2] : memref<1000x1xf32, #tpu.memory_space<vmem>>, vector<1000x1xf32>
    %get3A_4 = arith.constant 0 : index
    %get3A_5 = arith.constant 0 : index
    %get3A_6 = arith.constant 0 : index
    %get3A_7 = vector.load %arg1[%get3A_4, %get3A_5, %get3A_6] : memref<2x1000x128xf32, #tpu.memory_space<vmem>>, vector<1x1000x128xf32>
    %get3A_8 = vector.shape_cast %get3A_7 : vector<1x1000x128xf32> to vector<1000x128xf32>
    %get3A_9 = arith.constant 1 : index
    %get3A_10 = arith.constant 0 : index
    %get3A_11 = arith.constant 0 : index
    %get3A_12 = vector.load %arg1[%get3A_9, %get3A_10, %get3A_11] : memref<2x1000x128xf32, #tpu.memory_space<vmem>>, vector<1x1000x128xf32>
    %get3A_13 = vector.shape_cast %get3A_12 : vector<1x1000x128xf32> to vector<1000x128xf32>
    %add3A = arith.addf %get3A_8, %get3A_13 : vector<1000x128xf32>
    %get3A_14 = arith.constant 0 : index
    %get3A_15 = arith.constant 0 : index
    %get3A_16 = vector.load %arg2[%get3A_14, %get3A_15] : memref<1000x128xf32, #tpu.memory_space<vmem>>, vector<1000x128xf32>
    %add3A_17 = arith.addf %add3A, %get3A_16 : vector<1000x128xf32>
    %mul3A = vector.broadcast %get3A_3 : vector<1000x1xf32> to vector<1000x128xf32>
    %mul3A_18 = arith.mulf %mul3A, %add3A_17 : vector<1000x128xf32>
    %get3A_19 = arith.constant 0 : index
    %get3A_20 = arith.constant 0 : index
    %get3A_21 = vector.load %arg4[%get3A_19, %get3A_20] : memref<1x128xf32, #tpu.memory_space<vmem>>, vector<1x128xf32>
    %add3A_22 = vector.broadcast %get3A_21 : vector<1x128xf32> to vector<1000x128xf32>
    %add3A_23 = arith.addf %mul3A_18, %add3A_22 : vector<1000x128xf32>
    %max3A = arith.constant 0.000000e+00 : f32
    %max3A_24 = vector.broadcast %max3A : f32 to vector<1000x128xf32>
    %max3A_25 = arith.maximumf %add3A_23, %max3A_24 : vector<1000x128xf32>
    %iota3A = tpu.iota {dimensions = array<i32: 1>} : vector<1000x64xi32>
    %get3A_26 = arith.constant 0 : index
    %get3A_27 = arith.constant 0 : index
    %get3A_28 = vector.load %arg5[%get3A_26, %get3A_27] : memref<1000x1xi32, #tpu.memory_space<vmem>>, vector<1000x1xi32>
    %eq3A_29 = vector.broadcast %get3A_28 : vector<1000x1xi32> to vector<1000x64xi32>
    %eq3A_30 = arith.cmpi eq, %iota3A, %eq3A_29 : vector<1000x64xi32>
    %jit3A = arith.constant 1.000000e+00 : f32
    %jit3A_31 = arith.constant 0.000000e+00 : f32
    %broadcast_in_dim3A = vector.broadcast %jit3A : f32 to vector<1000x64xf32>
    %broadcast_in_dim3A_32 = vector.broadcast %jit3A_31 : f32 to vector<1000x64xf32>
    %select_n3A = arith.select %eq3A_30, %broadcast_in_dim3A, %broadcast_in_dim3A_32 : vector<1000x64xi1>, vector<1000x64xf32>
    %get3A_33 = arith.constant 0 : index
    %get3A_34 = arith.constant 0 : index
    %get3A_35 = vector.load %arg7[%get3A_33, %get3A_34] : memref<64x128xf32, #tpu.memory_space<vmem>>, vector<64x128xf32>
    %dot_general3A = arith.constant dense<0.000000e+00> : vector<64x128xf32>
    %dot_general3A_36 = tpu.matmul %select_n3A, %max3A_25, %dot_general3A {dimension_numbers = #tpu.dot_dimension_numbers<[0], [0], [1], [1], [0, 1, 1, 1], [], []>, transpose_lhs_hint = false} : vector<1000x64xf32>, vector<1000x128xf32>, vector<64x128xf32> -> vector<64x128xf32>
    %add3A_37 = arith.addf %get3A_35, %dot_general3A_36 : vector<64x128xf32>
    %swap3A = arith.constant 0 : index
    %swap3A_38 = arith.constant 0 : index
    %swap3A_39 = vector.load %arg7[%swap3A, %swap3A_38] : memref<64x128xf32, #tpu.memory_space<vmem>>, vector<64x128xf32>
    tpu.vector_store %arg7[%swap3A, %swap3A_38], %add3A_37 {strides = array<i32>} : memref<64x128xf32, #tpu.memory_space<vmem>>, vector<64x128xf32>,
    %get3A_40 = arith.constant 0 : index
    %get3A_41 = arith.constant 0 : index
    %get3A_42 = vector.load %arg8[%get3A_40, %get3A_41] : memref<64x1xf32, #tpu.memory_space<vmem>>, vector<64x1xf32>
    %broadcast_in_dim3A_43 = arith.constant 1.000000e+00 : f32
    %broadcast_in_dim3A_44 = vector.broadcast %broadcast_in_dim3A_43 : f32 to vector<1000x1xf32>
    %dot_general3A_45 = arith.constant dense<0.000000e+00> : vector<64x1xf32>
    %dot_general3A_46 = tpu.matmul %select_n3A, %broadcast_in_dim3A_44, %dot_general3A_45 {dimension_numbers = #tpu.dot_dimension_numbers<[0], [0], [1], [1], [0, 1, 1, 1], [], []>, transpose_lhs_hint = false} : vector<1000x64xf32>, vector<1000x1xf32>, vector<64x1xf32> -> vector<64x1xf32>
    %add3A_47 = arith.addf %get3A_42, %dot_general3A_46 : vector<64x1xf32>
    %swap3A_48 = arith.constant 0 : index
    %swap3A_49 = arith.constant 0 : index
    %swap3A_50 = vector.load %arg8[%swap3A_48, %swap3A_49] : memref<64x1xf32, #tpu.memory_space<vmem>>, vector<64x1xf32>
    tpu.vector_store %arg8[%swap3A_48, %swap3A_49], %add3A_47 {strides = array<i32>} : memref<64x1xf32, #tpu.memory_space<vmem>>, vector<64x1xf32>,
    %eq3A_51 = arith.constant 9 : i32
    %eq3A_52 = arith.cmpi eq, %arg0, %eq3A_51 : i32
    %convert_element_type3A_53 = arith.extui %eq3A_52 : i1 to i32
    %cond3A_54 = arith.constant 0 : i32
    %cond3A_55 = arith.cmpi ne, %convert_element_type3A_53, %cond3A_54 : i32
    scf.if %cond3A_55 {
      %get3A_56 = arith.constant 0 : index
      %get3A_57 = arith.constant 0 : index
      %get3A_58 = vector.load %arg7[%get3A_56, %get3A_57] : memref<64x128xf32, #tpu.memory_space<vmem>>, vector<64x128xf32>
      %get3A_59 = arith.constant 0 : index
      %get3A_60 = arith.constant 0 : index
      %get3A_61 = vector.load %arg8[%get3A_59, %get3A_60] : memref<64x1xf32, #tpu.memory_space<vmem>>, vector<64x1xf32>
      %max3A_62 = arith.constant 1.000000e+00 : f32
      %max3A_63 = vector.broadcast %max3A_62 : f32 to vector<64x1xf32>
      %max3A_64 = arith.maximumf %get3A_61, %max3A_63 : vector<64x1xf32>
      %div3A = vector.broadcast %max3A_64 : vector<64x1xf32> to vector<64x128xf32>
      %div3A_65 = arith.divf %get3A_58, %div3A : vector<64x128xf32>
      %swap3A_66 = arith.constant 0 : index
      %swap3A_67 = arith.constant 0 : index
      %swap3A_68 = vector.load %arg6[%swap3A_66, %swap3A_67] : memref<64x128xf32, #tpu.memory_space<vmem>>, vector<64x128xf32>
      tpu.vector_store %arg6[%swap3A_66, %swap3A_67], %div3A_65 {strides = array<i32>} : memref<64x128xf32, #tpu.memory_space<vmem>>, vector<64x128xf32>,
    } else {
    }
    return
  }
  func.func @transform_0(%arg0: i32) -> (i32, i32, i32) {
    %c0_i32 = arith.constant 0 : i32
    %c0_i32_0 = arith.constant 0 : i32
    %c0_i32_1 = arith.constant 0 : i32
    return %c0_i32, %arg0, %c0_i32_0 : i32, i32, i32
  }
  func.func @transform_1(%arg0: i32) -> (i32, i32) {
    %c0_i32 = arith.constant 0 : i32
    %c0_i32_0 = arith.constant 0 : i32
    return %arg0, %c0_i32 : i32, i32
  }
  func.func @transform_2(%arg0: i32) -> (i32, i32) {
    %c0_i32 = arith.constant 0 : i32
    %c0_i32_0 = arith.constant 0 : i32
    return %arg0, %c0_i32 : i32, i32
  }
  func.func @transform_3(%arg0: i32) -> (i32, i32) {
    %c0_i32 = arith.constant 0 : i32
    %c0_i32_0 = arith.constant 0 : i32
    %c0_i32_1 = arith.constant 0 : i32
    return %c0_i32, %c0_i32_0 : i32, i32
  }
  func.func @transform_4(%arg0: i32) -> (i32, i32) {
    %c0_i32 = arith.constant 0 : i32
    %c0_i32_0 = arith.constant 0 : i32
    return %arg0, %c0_i32 : i32, i32
  }
  func.func @transform_5(%arg0: i32) -> (i32, i32) {
    %c0_i32 = arith.constant 0 : i32
    %c0_i32_0 = arith.constant 0 : i32
    %c0_i32_1 = arith.constant 0 : i32
    return %c0_i32, %c0_i32_0 : i32, i32
  }
}

module attributes {stable_mosaic.version = 14 : i64} {
  func.func @_tc_decoder_body(%arg0: memref<64x128xf32, #tpu.memory_space<vmem>>, %arg1: memref<128x64xf32, #tpu.memory_space<vmem>>, %arg2: memref<1x64xf32, #tpu.memory_space<vmem>>, %arg3: memref<128x64xf32, #tpu.memory_space<vmem>>, %arg4: memref<1x64xf32, #tpu.memory_space<vmem>>, %arg5: memref<64x64xf32, #tpu.memory_space<vmem>>, %arg6: memref<64x128xf32, #tpu.memory_space<vmem>>, %arg7: memref<1x128xf32, #tpu.memory_space<vmem>>, %arg8: memref<128x128xf32, #tpu.memory_space<vmem>>, %arg9: memref<1x128xf32, #tpu.memory_space<vmem>>, %arg10: memref<128x2016xf32, #tpu.memory_space<vmem>>, %arg11: memref<1x2016xf32, #tpu.memory_space<vmem>>, %arg12: memref<64x64x64xf32, #tpu.memory_space<vmem>>, %arg13: memref<64x64xf32, #tpu.memory_space<vmem>>, %arg14: memref<64x64xf32, #tpu.memory_space<vmem>>) attributes {dimension_semantics = [], scalar_prefetch = 0 : i64, scratch_operands = 0 : i64, tpu.core_type = #tpu.core_type<tc>} {
    %get3A = arith.constant 0 : index
    %get3A_0 = arith.constant 0 : index
    %get3A_1 = vector.load %arg0[%get3A, %get3A_0] : memref<64x128xf32, #tpu.memory_space<vmem>>, vector<64x128xf32>
    %get3A_2 = arith.constant 0 : index
    %get3A_3 = arith.constant 0 : index
    %get3A_4 = vector.load %arg1[%get3A_2, %get3A_3] : memref<128x64xf32, #tpu.memory_space<vmem>>, vector<128x64xf32>
    %dot_general3A = arith.constant dense<0.000000e+00> : vector<64x64xf32>
    %dot_general3A_5 = tpu.matmul %get3A_1, %get3A_4, %dot_general3A {dimension_numbers = #tpu.dot_dimension_numbers<[1], [0], [0], [1], [0, 0, 1, 1], [], []>, transpose_lhs_hint = false} : vector<64x128xf32>, vector<128x64xf32>, vector<64x64xf32> -> vector<64x64xf32>
    %get3A_6 = arith.constant 0 : index
    %get3A_7 = arith.constant 0 : index
    %get3A_8 = vector.load %arg2[%get3A_6, %get3A_7] : memref<1x64xf32, #tpu.memory_space<vmem>>, vector<1x64xf32>
    %add3A = vector.broadcast %get3A_8 : vector<1x64xf32> to vector<64x64xf32>
    %add3A_9 = arith.addf %dot_general3A_5, %add3A : vector<64x64xf32>
    %get3A_10 = arith.constant 0 : index
    %get3A_11 = arith.constant 0 : index
    %get3A_12 = vector.load %arg3[%get3A_10, %get3A_11] : memref<128x64xf32, #tpu.memory_space<vmem>>, vector<128x64xf32>
    %dot_general3A_13 = arith.constant dense<0.000000e+00> : vector<64x64xf32>
    %dot_general3A_14 = tpu.matmul %get3A_1, %get3A_12, %dot_general3A_13 {dimension_numbers = #tpu.dot_dimension_numbers<[1], [0], [0], [1], [0, 0, 1, 1], [], []>, transpose_lhs_hint = false} : vector<64x128xf32>, vector<128x64xf32>, vector<64x64xf32> -> vector<64x64xf32>
    %get3A_15 = arith.constant 0 : index
    %get3A_16 = arith.constant 0 : index
    %get3A_17 = vector.load %arg4[%get3A_15, %get3A_16] : memref<1x64xf32, #tpu.memory_space<vmem>>, vector<1x64xf32>
    %add3A_18 = vector.broadcast %get3A_17 : vector<1x64xf32> to vector<64x64xf32>
    %add3A_19 = arith.addf %dot_general3A_14, %add3A_18 : vector<64x64xf32>
    %swap3A = arith.constant 0 : index
    %swap3A_20 = arith.constant 0 : index
    %swap3A_21 = vector.load %arg13[%swap3A, %swap3A_20] : memref<64x64xf32, #tpu.memory_space<vmem>>, vector<64x64xf32>
    tpu.vector_store %arg13[%swap3A, %swap3A_20], %add3A_9 {strides = array<i32>} : memref<64x64xf32, #tpu.memory_space<vmem>>, vector<64x64xf32>,
    %swap3A_22 = arith.constant 0 : index
    %swap3A_23 = arith.constant 0 : index
    %swap3A_24 = vector.load %arg14[%swap3A_22, %swap3A_23] : memref<64x64xf32, #tpu.memory_space<vmem>>, vector<64x64xf32>
    tpu.vector_store %arg14[%swap3A_22, %swap3A_23], %add3A_19 {strides = array<i32>} : memref<64x64xf32, #tpu.memory_space<vmem>>, vector<64x64xf32>,
    %get3A_25 = arith.constant 0 : index
    %get3A_26 = arith.constant 0 : index
    %get3A_27 = vector.load %arg5[%get3A_25, %get3A_26] : memref<64x64xf32, #tpu.memory_space<vmem>>, vector<64x64xf32>
    %mul3A = arith.constant 5.000000e-01 : f32
    %mul3A_28 = vector.broadcast %mul3A : f32 to vector<64x64xf32>
    %mul3A_29 = arith.mulf %mul3A_28, %add3A_19 : vector<64x64xf32>
    %exp3A = math.exp %mul3A_29 : vector<64x64xf32>
    %mul3A_30 = arith.mulf %get3A_27, %exp3A : vector<64x64xf32>
    %add3A_31 = arith.addf %add3A_9, %mul3A_30 : vector<64x64xf32>
    %get3A_32 = arith.constant 0 : index
    %get3A_33 = arith.constant 0 : index
    %get3A_34 = vector.load %arg6[%get3A_32, %get3A_33] : memref<64x128xf32, #tpu.memory_space<vmem>>, vector<64x128xf32>
    %dot_general3A_35 = arith.constant dense<0.000000e+00> : vector<64x128xf32>
    %dot_general3A_36 = tpu.matmul %add3A_31, %get3A_34, %dot_general3A_35 {dimension_numbers = #tpu.dot_dimension_numbers<[1], [0], [0], [1], [0, 0, 1, 1], [], []>, transpose_lhs_hint = false} : vector<64x64xf32>, vector<64x128xf32>, vector<64x128xf32> -> vector<64x128xf32>
    %get3A_37 = arith.constant 0 : index
    %get3A_38 = arith.constant 0 : index
    %get3A_39 = vector.load %arg7[%get3A_37, %get3A_38] : memref<1x128xf32, #tpu.memory_space<vmem>>, vector<1x128xf32>
    %add3A_40 = vector.broadcast %get3A_39 : vector<1x128xf32> to vector<64x128xf32>
    %add3A_41 = arith.addf %dot_general3A_36, %add3A_40 : vector<64x128xf32>
    %max3A = arith.constant 0.000000e+00 : f32
    %max3A_42 = vector.broadcast %max3A : f32 to vector<64x128xf32>
    %max3A_43 = arith.maximumf %add3A_41, %max3A_42 : vector<64x128xf32>
    %get3A_44 = arith.constant 0 : index
    %get3A_45 = arith.constant 0 : index
    %get3A_46 = vector.load %arg8[%get3A_44, %get3A_45] : memref<128x128xf32, #tpu.memory_space<vmem>>, vector<128x128xf32>
    %dot_general3A_47 = arith.constant dense<0.000000e+00> : vector<64x128xf32>
    %dot_general3A_48 = tpu.matmul %max3A_43, %get3A_46, %dot_general3A_47 {dimension_numbers = #tpu.dot_dimension_numbers<[1], [0], [0], [1], [0, 0, 1, 1], [], []>, transpose_lhs_hint = false} : vector<64x128xf32>, vector<128x128xf32>, vector<64x128xf32> -> vector<64x128xf32>
    %get3A_49 = arith.constant 0 : index
    %get3A_50 = arith.constant 0 : index
    %get3A_51 = vector.load %arg9[%get3A_49, %get3A_50] : memref<1x128xf32, #tpu.memory_space<vmem>>, vector<1x128xf32>
    %add3A_52 = vector.broadcast %get3A_51 : vector<1x128xf32> to vector<64x128xf32>
    %add3A_53 = arith.addf %dot_general3A_48, %add3A_52 : vector<64x128xf32>
    %max3A_54 = arith.constant 0.000000e+00 : f32
    %max3A_55 = vector.broadcast %max3A_54 : f32 to vector<64x128xf32>
    %max3A_56 = arith.maximumf %add3A_53, %max3A_55 : vector<64x128xf32>
    %get3A_57 = arith.constant 0 : index
    %get3A_58 = arith.constant 0 : index
    %get3A_59 = vector.load %arg10[%get3A_57, %get3A_58] : memref<128x2016xf32, #tpu.memory_space<vmem>>, vector<128x2016xf32>
    %dot_general3A_60 = arith.constant dense<0.000000e+00> : vector<64x2016xf32>
    %dot_general3A_61 = tpu.matmul %max3A_56, %get3A_59, %dot_general3A_60 {dimension_numbers = #tpu.dot_dimension_numbers<[1], [0], [0], [1], [0, 0, 1, 1], [], []>, transpose_lhs_hint = false} : vector<64x128xf32>, vector<128x2016xf32>, vector<64x2016xf32> -> vector<64x2016xf32>
    %get3A_62 = arith.constant 0 : index
    %get3A_63 = arith.constant 0 : index
    %get3A_64 = vector.load %arg11[%get3A_62, %get3A_63] : memref<1x2016xf32, #tpu.memory_space<vmem>>, vector<1x2016xf32>
    %add3A_65 = vector.broadcast %get3A_64 : vector<1x2016xf32> to vector<64x2016xf32>
    %add3A_66 = arith.addf %dot_general3A_61, %add3A_65 : vector<64x2016xf32>
    %logistic3A = arith.negf %add3A_66 : vector<64x2016xf32>
    %logistic3A_67 = math.exp %logistic3A : vector<64x2016xf32>
    %logistic3A_68 = arith.constant 1.000000e+00 : f32
    %logistic3A_69 = vector.broadcast %logistic3A_68 : f32 to vector<64x2016xf32>
    %logistic3A_70 = arith.addf %logistic3A_69, %logistic3A_67 : vector<64x2016xf32>
    %logistic3A_71 = arith.divf %logistic3A_69, %logistic3A_70 : vector<64x2016xf32>
    %broadcast_in_dim3A = arith.constant 0.000000e+00 : f32
    %broadcast_in_dim3A_72 = vector.broadcast %broadcast_in_dim3A : f32 to vector<64x64x64xf32>
    %swap3A_73 = arith.constant 0 : index
    %swap3A_74 = arith.constant 0 : index
    %swap3A_75 = arith.constant 0 : index
    %swap3A_76 = vector.load %arg12[%swap3A_73, %swap3A_74, %swap3A_75] : memref<64x64x64xf32, #tpu.memory_space<vmem>>, vector<64x64x64xf32>
    tpu.vector_store %arg12[%swap3A_73, %swap3A_74, %swap3A_75], %broadcast_in_dim3A_72 {strides = array<i32>} : memref<64x64x64xf32, #tpu.memory_space<vmem>>, vector<64x64x64xf32>,
    %slice3A = vector.extract_strided_slice %logistic3A_71 {offsets = [0, 0], sizes = [64, 63], strides = [1, 1]} : vector<64x2016xf32> to vector<64x63xf32>
    %swap3A_77 = arith.constant 0 : index
    %swap3A_78 = arith.constant 0 : index
    %swap3A_79 = arith.constant 1 : index
    %swap3A_80 = vector.load %arg12[%swap3A_77, %swap3A_78, %swap3A_79] : memref<64x64x64xf32, #tpu.memory_space<vmem>>, vector<64x1x63xf32>
    %swap3A_81 = vector.shape_cast %swap3A_80 : vector<64x1x63xf32> to vector<64x63xf32>
    %swap3A_82 = vector.shape_cast %slice3A : vector<64x63xf32> to vector<64x1x63xf32>
    tpu.vector_store %arg12[%swap3A_77, %swap3A_78, %swap3A_79], %swap3A_82 {strides = array<i32>} : memref<64x64x64xf32, #tpu.memory_space<vmem>>, vector<64x1x63xf32>,
    %slice3A_83 = vector.extract_strided_slice %logistic3A_71 {offsets = [0, 63], sizes = [64, 62], strides = [1, 1]} : vector<64x2016xf32> to vector<64x62xf32>
    %swap3A_84 = arith.constant 0 : index
    %swap3A_85 = arith.constant 1 : index
    %swap3A_86 = arith.constant 2 : index
    %swap3A_87 = vector.load %arg12[%swap3A_84, %swap3A_85, %swap3A_86] : memref<64x64x64xf32, #tpu.memory_space<vmem>>, vector<64x1x62xf32>
    %swap3A_88 = vector.shape_cast %swap3A_87 : vector<64x1x62xf32> to vector<64x62xf32>
    %swap3A_89 = vector.shape_cast %slice3A_83 : vector<64x62xf32> to vector<64x1x62xf32>
    tpu.vector_store %arg12[%swap3A_84, %swap3A_85, %swap3A_86], %swap3A_89 {strides = array<i32>} : memref<64x64x64xf32, #tpu.memory_space<vmem>>, vector<64x1x62xf32>,
    %slice3A_90 = vector.extract_strided_slice %logistic3A_71 {offsets = [0, 125], sizes = [64, 61], strides = [1, 1]} : vector<64x2016xf32> to vector<64x61xf32>
    %swap3A_91 = arith.constant 0 : index
    %swap3A_92 = arith.constant 2 : index
    %swap3A_93 = arith.constant 3 : index
    %swap3A_94 = vector.load %arg12[%swap3A_91, %swap3A_92, %swap3A_93] : memref<64x64x64xf32, #tpu.memory_space<vmem>>, vector<64x1x61xf32>
    %swap3A_95 = vector.shape_cast %swap3A_94 : vector<64x1x61xf32> to vector<64x61xf32>
    %swap3A_96 = vector.shape_cast %slice3A_90 : vector<64x61xf32> to vector<64x1x61xf32>
    tpu.vector_store %arg12[%swap3A_91, %swap3A_92, %swap3A_93], %swap3A_96 {strides = array<i32>} : memref<64x64x64xf32, #tpu.memory_space<vmem>>, vector<64x1x61xf32>,
    %slice3A_97 = vector.extract_strided_slice %logistic3A_71 {offsets = [0, 186], sizes = [64, 60], strides = [1, 1]} : vector<64x2016xf32> to vector<64x60xf32>
    %swap3A_98 = arith.constant 0 : index
    %swap3A_99 = arith.constant 3 : index
    %swap3A_100 = arith.constant 4 : index
    %swap3A_101 = vector.load %arg12[%swap3A_98, %swap3A_99, %swap3A_100] : memref<64x64x64xf32, #tpu.memory_space<vmem>>, vector<64x1x60xf32>
    %swap3A_102 = vector.shape_cast %swap3A_101 : vector<64x1x60xf32> to vector<64x60xf32>
    %swap3A_103 = vector.shape_cast %slice3A_97 : vector<64x60xf32> to vector<64x1x60xf32>
    tpu.vector_store %arg12[%swap3A_98, %swap3A_99, %swap3A_100], %swap3A_103 {strides = array<i32>} : memref<64x64x64xf32, #tpu.memory_space<vmem>>, vector<64x1x60xf32>,
    %slice3A_104 = vector.extract_strided_slice %logistic3A_71 {offsets = [0, 246], sizes = [64, 59], strides = [1, 1]} : vector<64x2016xf32> to vector<64x59xf32>
    %swap3A_105 = arith.constant 0 : index
    %swap3A_106 = arith.constant 4 : index
    %swap3A_107 = arith.constant 5 : index
    %swap3A_108 = vector.load %arg12[%swap3A_105, %swap3A_106, %swap3A_107] : memref<64x64x64xf32, #tpu.memory_space<vmem>>, vector<64x1x59xf32>
    %swap3A_109 = vector.shape_cast %swap3A_108 : vector<64x1x59xf32> to vector<64x59xf32>
    %swap3A_110 = vector.shape_cast %slice3A_104 : vector<64x59xf32> to vector<64x1x59xf32>
    tpu.vector_store %arg12[%swap3A_105, %swap3A_106, %swap3A_107], %swap3A_110 {strides = array<i32>} : memref<64x64x64xf32, #tpu.memory_space<vmem>>, vector<64x1x59xf32>,
    %slice3A_111 = vector.extract_strided_slice %logistic3A_71 {offsets = [0, 305], sizes = [64, 58], strides = [1, 1]} : vector<64x2016xf32> to vector<64x58xf32>
    %swap3A_112 = arith.constant 0 : index
    %swap3A_113 = arith.constant 5 : index
    %swap3A_114 = arith.constant 6 : index
    %swap3A_115 = vector.load %arg12[%swap3A_112, %swap3A_113, %swap3A_114] : memref<64x64x64xf32, #tpu.memory_space<vmem>>, vector<64x1x58xf32>
    %swap3A_116 = vector.shape_cast %swap3A_115 : vector<64x1x58xf32> to vector<64x58xf32>
    %swap3A_117 = vector.shape_cast %slice3A_111 : vector<64x58xf32> to vector<64x1x58xf32>
    tpu.vector_store %arg12[%swap3A_112, %swap3A_113, %swap3A_114], %swap3A_117 {strides = array<i32>} : memref<64x64x64xf32, #tpu.memory_space<vmem>>, vector<64x1x58xf32>,
    %slice3A_118 = vector.extract_strided_slice %logistic3A_71 {offsets = [0, 363], sizes = [64, 57], strides = [1, 1]} : vector<64x2016xf32> to vector<64x57xf32>
    %swap3A_119 = arith.constant 0 : index
    %swap3A_120 = arith.constant 6 : index
    %swap3A_121 = arith.constant 7 : index
    %swap3A_122 = vector.load %arg12[%swap3A_119, %swap3A_120, %swap3A_121] : memref<64x64x64xf32, #tpu.memory_space<vmem>>, vector<64x1x57xf32>
    %swap3A_123 = vector.shape_cast %swap3A_122 : vector<64x1x57xf32> to vector<64x57xf32>
    %swap3A_124 = vector.shape_cast %slice3A_118 : vector<64x57xf32> to vector<64x1x57xf32>
    tpu.vector_store %arg12[%swap3A_119, %swap3A_120, %swap3A_121], %swap3A_124 {strides = array<i32>} : memref<64x64x64xf32, #tpu.memory_space<vmem>>, vector<64x1x57xf32>,
    %slice3A_125 = vector.extract_strided_slice %logistic3A_71 {offsets = [0, 420], sizes = [64, 56], strides = [1, 1]} : vector<64x2016xf32> to vector<64x56xf32>
    %swap3A_126 = arith.constant 0 : index
    %swap3A_127 = arith.constant 7 : index
    %swap3A_128 = arith.constant 8 : index
    %swap3A_129 = vector.load %arg12[%swap3A_126, %swap3A_127, %swap3A_128] : memref<64x64x64xf32, #tpu.memory_space<vmem>>, vector<64x1x56xf32>
    %swap3A_130 = vector.shape_cast %swap3A_129 : vector<64x1x56xf32> to vector<64x56xf32>
    %swap3A_131 = vector.shape_cast %slice3A_125 : vector<64x56xf32> to vector<64x1x56xf32>
    tpu.vector_store %arg12[%swap3A_126, %swap3A_127, %swap3A_128], %swap3A_131 {strides = array<i32>} : memref<64x64x64xf32, #tpu.memory_space<vmem>>, vector<64x1x56xf32>,
    %slice3A_132 = vector.extract_strided_slice %logistic3A_71 {offsets = [0, 476], sizes = [64, 55], strides = [1, 1]} : vector<64x2016xf32> to vector<64x55xf32>
    %swap3A_133 = arith.constant 0 : index
    %swap3A_134 = arith.constant 8 : index
    %swap3A_135 = arith.constant 9 : index
    %swap3A_136 = vector.load %arg12[%swap3A_133, %swap3A_134, %swap3A_135] : memref<64x64x64xf32, #tpu.memory_space<vmem>>, vector<64x1x55xf32>
    %swap3A_137 = vector.shape_cast %swap3A_136 : vector<64x1x55xf32> to vector<64x55xf32>
    %swap3A_138 = vector.shape_cast %slice3A_132 : vector<64x55xf32> to vector<64x1x55xf32>
    tpu.vector_store %arg12[%swap3A_133, %swap3A_134, %swap3A_135], %swap3A_138 {strides = array<i32>} : memref<64x64x64xf32, #tpu.memory_space<vmem>>, vector<64x1x55xf32>,
    %slice3A_139 = vector.extract_strided_slice %logistic3A_71 {offsets = [0, 531], sizes = [64, 54], strides = [1, 1]} : vector<64x2016xf32> to vector<64x54xf32>
    %swap3A_140 = arith.constant 0 : index
    %swap3A_141 = arith.constant 9 : index
    %swap3A_142 = arith.constant 10 : index
    %swap3A_143 = vector.load %arg12[%swap3A_140, %swap3A_141, %swap3A_142] : memref<64x64x64xf32, #tpu.memory_space<vmem>>, vector<64x1x54xf32>
    %swap3A_144 = vector.shape_cast %swap3A_143 : vector<64x1x54xf32> to vector<64x54xf32>
    %swap3A_145 = vector.shape_cast %slice3A_139 : vector<64x54xf32> to vector<64x1x54xf32>
    tpu.vector_store %arg12[%swap3A_140, %swap3A_141, %swap3A_142], %swap3A_145 {strides = array<i32>} : memref<64x64x64xf32, #tpu.memory_space<vmem>>, vector<64x1x54xf32>,
    %slice3A_146 = vector.extract_strided_slice %logistic3A_71 {offsets = [0, 585], sizes = [64, 53], strides = [1, 1]} : vector<64x2016xf32> to vector<64x53xf32>
    %swap3A_147 = arith.constant 0 : index
    %swap3A_148 = arith.constant 10 : index
    %swap3A_149 = arith.constant 11 : index
    %swap3A_150 = vector.load %arg12[%swap3A_147, %swap3A_148, %swap3A_149] : memref<64x64x64xf32, #tpu.memory_space<vmem>>, vector<64x1x53xf32>
    %swap3A_151 = vector.shape_cast %swap3A_150 : vector<64x1x53xf32> to vector<64x53xf32>
    %swap3A_152 = vector.shape_cast %slice3A_146 : vector<64x53xf32> to vector<64x1x53xf32>
    tpu.vector_store %arg12[%swap3A_147, %swap3A_148, %swap3A_149], %swap3A_152 {strides = array<i32>} : memref<64x64x64xf32, #tpu.memory_space<vmem>>, vector<64x1x53xf32>,
    %slice3A_153 = vector.extract_strided_slice %logistic3A_71 {offsets = [0, 638], sizes = [64, 52], strides = [1, 1]} : vector<64x2016xf32> to vector<64x52xf32>
    %swap3A_154 = arith.constant 0 : index
    %swap3A_155 = arith.constant 11 : index
    %swap3A_156 = arith.constant 12 : index
    %swap3A_157 = vector.load %arg12[%swap3A_154, %swap3A_155, %swap3A_156] : memref<64x64x64xf32, #tpu.memory_space<vmem>>, vector<64x1x52xf32>
    %swap3A_158 = vector.shape_cast %swap3A_157 : vector<64x1x52xf32> to vector<64x52xf32>
    %swap3A_159 = vector.shape_cast %slice3A_153 : vector<64x52xf32> to vector<64x1x52xf32>
    tpu.vector_store %arg12[%swap3A_154, %swap3A_155, %swap3A_156], %swap3A_159 {strides = array<i32>} : memref<64x64x64xf32, #tpu.memory_space<vmem>>, vector<64x1x52xf32>,
    %slice3A_160 = vector.extract_strided_slice %logistic3A_71 {offsets = [0, 690], sizes = [64, 51], strides = [1, 1]} : vector<64x2016xf32> to vector<64x51xf32>
    %swap3A_161 = arith.constant 0 : index
    %swap3A_162 = arith.constant 12 : index
    %swap3A_163 = arith.constant 13 : index
    %swap3A_164 = vector.load %arg12[%swap3A_161, %swap3A_162, %swap3A_163] : memref<64x64x64xf32, #tpu.memory_space<vmem>>, vector<64x1x51xf32>
    %swap3A_165 = vector.shape_cast %swap3A_164 : vector<64x1x51xf32> to vector<64x51xf32>
    %swap3A_166 = vector.shape_cast %slice3A_160 : vector<64x51xf32> to vector<64x1x51xf32>
    tpu.vector_store %arg12[%swap3A_161, %swap3A_162, %swap3A_163], %swap3A_166 {strides = array<i32>} : memref<64x64x64xf32, #tpu.memory_space<vmem>>, vector<64x1x51xf32>,
    %slice3A_167 = vector.extract_strided_slice %logistic3A_71 {offsets = [0, 741], sizes = [64, 50], strides = [1, 1]} : vector<64x2016xf32> to vector<64x50xf32>
    %swap3A_168 = arith.constant 0 : index
    %swap3A_169 = arith.constant 13 : index
    %swap3A_170 = arith.constant 14 : index
    %swap3A_171 = vector.load %arg12[%swap3A_168, %swap3A_169, %swap3A_170] : memref<64x64x64xf32, #tpu.memory_space<vmem>>, vector<64x1x50xf32>
    %swap3A_172 = vector.shape_cast %swap3A_171 : vector<64x1x50xf32> to vector<64x50xf32>
    %swap3A_173 = vector.shape_cast %slice3A_167 : vector<64x50xf32> to vector<64x1x50xf32>
    tpu.vector_store %arg12[%swap3A_168, %swap3A_169, %swap3A_170], %swap3A_173 {strides = array<i32>} : memref<64x64x64xf32, #tpu.memory_space<vmem>>, vector<64x1x50xf32>,
    %slice3A_174 = vector.extract_strided_slice %logistic3A_71 {offsets = [0, 791], sizes = [64, 49], strides = [1, 1]} : vector<64x2016xf32> to vector<64x49xf32>
    %swap3A_175 = arith.constant 0 : index
    %swap3A_176 = arith.constant 14 : index
    %swap3A_177 = arith.constant 15 : index
    %swap3A_178 = vector.load %arg12[%swap3A_175, %swap3A_176, %swap3A_177] : memref<64x64x64xf32, #tpu.memory_space<vmem>>, vector<64x1x49xf32>
    %swap3A_179 = vector.shape_cast %swap3A_178 : vector<64x1x49xf32> to vector<64x49xf32>
    %swap3A_180 = vector.shape_cast %slice3A_174 : vector<64x49xf32> to vector<64x1x49xf32>
    tpu.vector_store %arg12[%swap3A_175, %swap3A_176, %swap3A_177], %swap3A_180 {strides = array<i32>} : memref<64x64x64xf32, #tpu.memory_space<vmem>>, vector<64x1x49xf32>,
    %slice3A_181 = vector.extract_strided_slice %logistic3A_71 {offsets = [0, 840], sizes = [64, 48], strides = [1, 1]} : vector<64x2016xf32> to vector<64x48xf32>
    %swap3A_182 = arith.constant 0 : index
    %swap3A_183 = arith.constant 15 : index
    %swap3A_184 = arith.constant 16 : index
    %swap3A_185 = vector.load %arg12[%swap3A_182, %swap3A_183, %swap3A_184] : memref<64x64x64xf32, #tpu.memory_space<vmem>>, vector<64x1x48xf32>
    %swap3A_186 = vector.shape_cast %swap3A_185 : vector<64x1x48xf32> to vector<64x48xf32>
    %swap3A_187 = vector.shape_cast %slice3A_181 : vector<64x48xf32> to vector<64x1x48xf32>
    tpu.vector_store %arg12[%swap3A_182, %swap3A_183, %swap3A_184], %swap3A_187 {strides = array<i32>} : memref<64x64x64xf32, #tpu.memory_space<vmem>>, vector<64x1x48xf32>,
    %slice3A_188 = vector.extract_strided_slice %logistic3A_71 {offsets = [0, 888], sizes = [64, 47], strides = [1, 1]} : vector<64x2016xf32> to vector<64x47xf32>
    %swap3A_189 = arith.constant 0 : index
    %swap3A_190 = arith.constant 16 : index
    %swap3A_191 = arith.constant 17 : index
    %swap3A_192 = vector.load %arg12[%swap3A_189, %swap3A_190, %swap3A_191] : memref<64x64x64xf32, #tpu.memory_space<vmem>>, vector<64x1x47xf32>
    %swap3A_193 = vector.shape_cast %swap3A_192 : vector<64x1x47xf32> to vector<64x47xf32>
    %swap3A_194 = vector.shape_cast %slice3A_188 : vector<64x47xf32> to vector<64x1x47xf32>
    tpu.vector_store %arg12[%swap3A_189, %swap3A_190, %swap3A_191], %swap3A_194 {strides = array<i32>} : memref<64x64x64xf32, #tpu.memory_space<vmem>>, vector<64x1x47xf32>,
    %slice3A_195 = vector.extract_strided_slice %logistic3A_71 {offsets = [0, 935], sizes = [64, 46], strides = [1, 1]} : vector<64x2016xf32> to vector<64x46xf32>
    %swap3A_196 = arith.constant 0 : index
    %swap3A_197 = arith.constant 17 : index
    %swap3A_198 = arith.constant 18 : index
    %swap3A_199 = vector.load %arg12[%swap3A_196, %swap3A_197, %swap3A_198] : memref<64x64x64xf32, #tpu.memory_space<vmem>>, vector<64x1x46xf32>
    %swap3A_200 = vector.shape_cast %swap3A_199 : vector<64x1x46xf32> to vector<64x46xf32>
    %swap3A_201 = vector.shape_cast %slice3A_195 : vector<64x46xf32> to vector<64x1x46xf32>
    tpu.vector_store %arg12[%swap3A_196, %swap3A_197, %swap3A_198], %swap3A_201 {strides = array<i32>} : memref<64x64x64xf32, #tpu.memory_space<vmem>>, vector<64x1x46xf32>,
    %slice3A_202 = vector.extract_strided_slice %logistic3A_71 {offsets = [0, 981], sizes = [64, 45], strides = [1, 1]} : vector<64x2016xf32> to vector<64x45xf32>
    %swap3A_203 = arith.constant 0 : index
    %swap3A_204 = arith.constant 18 : index
    %swap3A_205 = arith.constant 19 : index
    %swap3A_206 = vector.load %arg12[%swap3A_203, %swap3A_204, %swap3A_205] : memref<64x64x64xf32, #tpu.memory_space<vmem>>, vector<64x1x45xf32>
    %swap3A_207 = vector.shape_cast %swap3A_206 : vector<64x1x45xf32> to vector<64x45xf32>
    %swap3A_208 = vector.shape_cast %slice3A_202 : vector<64x45xf32> to vector<64x1x45xf32>
    tpu.vector_store %arg12[%swap3A_203, %swap3A_204, %swap3A_205], %swap3A_208 {strides = array<i32>} : memref<64x64x64xf32, #tpu.memory_space<vmem>>, vector<64x1x45xf32>,
    %slice3A_209 = vector.extract_strided_slice %logistic3A_71 {offsets = [0, 1026], sizes = [64, 44], strides = [1, 1]} : vector<64x2016xf32> to vector<64x44xf32>
    %swap3A_210 = arith.constant 0 : index
    %swap3A_211 = arith.constant 19 : index
    %swap3A_212 = arith.constant 20 : index
    %swap3A_213 = vector.load %arg12[%swap3A_210, %swap3A_211, %swap3A_212] : memref<64x64x64xf32, #tpu.memory_space<vmem>>, vector<64x1x44xf32>
    %swap3A_214 = vector.shape_cast %swap3A_213 : vector<64x1x44xf32> to vector<64x44xf32>
    %swap3A_215 = vector.shape_cast %slice3A_209 : vector<64x44xf32> to vector<64x1x44xf32>
    tpu.vector_store %arg12[%swap3A_210, %swap3A_211, %swap3A_212], %swap3A_215 {strides = array<i32>} : memref<64x64x64xf32, #tpu.memory_space<vmem>>, vector<64x1x44xf32>,
    %slice3A_216 = vector.extract_strided_slice %logistic3A_71 {offsets = [0, 1070], sizes = [64, 43], strides = [1, 1]} : vector<64x2016xf32> to vector<64x43xf32>
    %swap3A_217 = arith.constant 0 : index
    %swap3A_218 = arith.constant 20 : index
    %swap3A_219 = arith.constant 21 : index
    %swap3A_220 = vector.load %arg12[%swap3A_217, %swap3A_218, %swap3A_219] : memref<64x64x64xf32, #tpu.memory_space<vmem>>, vector<64x1x43xf32>
    %swap3A_221 = vector.shape_cast %swap3A_220 : vector<64x1x43xf32> to vector<64x43xf32>
    %swap3A_222 = vector.shape_cast %slice3A_216 : vector<64x43xf32> to vector<64x1x43xf32>
    tpu.vector_store %arg12[%swap3A_217, %swap3A_218, %swap3A_219], %swap3A_222 {strides = array<i32>} : memref<64x64x64xf32, #tpu.memory_space<vmem>>, vector<64x1x43xf32>,
    %slice3A_223 = vector.extract_strided_slice %logistic3A_71 {offsets = [0, 1113], sizes = [64, 42], strides = [1, 1]} : vector<64x2016xf32> to vector<64x42xf32>
    %swap3A_224 = arith.constant 0 : index
    %swap3A_225 = arith.constant 21 : index
    %swap3A_226 = arith.constant 22 : index
    %swap3A_227 = vector.load %arg12[%swap3A_224, %swap3A_225, %swap3A_226] : memref<64x64x64xf32, #tpu.memory_space<vmem>>, vector<64x1x42xf32>
    %swap3A_228 = vector.shape_cast %swap3A_227 : vector<64x1x42xf32> to vector<64x42xf32>
    %swap3A_229 = vector.shape_cast %slice3A_223 : vector<64x42xf32> to vector<64x1x42xf32>
    tpu.vector_store %arg12[%swap3A_224, %swap3A_225, %swap3A_226], %swap3A_229 {strides = array<i32>} : memref<64x64x64xf32, #tpu.memory_space<vmem>>, vector<64x1x42xf32>,
    %slice3A_230 = vector.extract_strided_slice %logistic3A_71 {offsets = [0, 1155], sizes = [64, 41], strides = [1, 1]} : vector<64x2016xf32> to vector<64x41xf32>
    %swap3A_231 = arith.constant 0 : index
    %swap3A_232 = arith.constant 22 : index
    %swap3A_233 = arith.constant 23 : index
    %swap3A_234 = vector.load %arg12[%swap3A_231, %swap3A_232, %swap3A_233] : memref<64x64x64xf32, #tpu.memory_space<vmem>>, vector<64x1x41xf32>
    %swap3A_235 = vector.shape_cast %swap3A_234 : vector<64x1x41xf32> to vector<64x41xf32>
    %swap3A_236 = vector.shape_cast %slice3A_230 : vector<64x41xf32> to vector<64x1x41xf32>
    tpu.vector_store %arg12[%swap3A_231, %swap3A_232, %swap3A_233], %swap3A_236 {strides = array<i32>} : memref<64x64x64xf32, #tpu.memory_space<vmem>>, vector<64x1x41xf32>,
    %slice3A_237 = vector.extract_strided_slice %logistic3A_71 {offsets = [0, 1196], sizes = [64, 40], strides = [1, 1]} : vector<64x2016xf32> to vector<64x40xf32>
    %swap3A_238 = arith.constant 0 : index
    %swap3A_239 = arith.constant 23 : index
    %swap3A_240 = arith.constant 24 : index
    %swap3A_241 = vector.load %arg12[%swap3A_238, %swap3A_239, %swap3A_240] : memref<64x64x64xf32, #tpu.memory_space<vmem>>, vector<64x1x40xf32>
    %swap3A_242 = vector.shape_cast %swap3A_241 : vector<64x1x40xf32> to vector<64x40xf32>
    %swap3A_243 = vector.shape_cast %slice3A_237 : vector<64x40xf32> to vector<64x1x40xf32>
    tpu.vector_store %arg12[%swap3A_238, %swap3A_239, %swap3A_240], %swap3A_243 {strides = array<i32>} : memref<64x64x64xf32, #tpu.memory_space<vmem>>, vector<64x1x40xf32>,
    %slice3A_244 = vector.extract_strided_slice %logistic3A_71 {offsets = [0, 1236], sizes = [64, 39], strides = [1, 1]} : vector<64x2016xf32> to vector<64x39xf32>
    %swap3A_245 = arith.constant 0 : index
    %swap3A_246 = arith.constant 24 : index
    %swap3A_247 = arith.constant 25 : index
    %swap3A_248 = vector.load %arg12[%swap3A_245, %swap3A_246, %swap3A_247] : memref<64x64x64xf32, #tpu.memory_space<vmem>>, vector<64x1x39xf32>
    %swap3A_249 = vector.shape_cast %swap3A_248 : vector<64x1x39xf32> to vector<64x39xf32>
    %swap3A_250 = vector.shape_cast %slice3A_244 : vector<64x39xf32> to vector<64x1x39xf32>
    tpu.vector_store %arg12[%swap3A_245, %swap3A_246, %swap3A_247], %swap3A_250 {strides = array<i32>} : memref<64x64x64xf32, #tpu.memory_space<vmem>>, vector<64x1x39xf32>,
    %slice3A_251 = vector.extract_strided_slice %logistic3A_71 {offsets = [0, 1275], sizes = [64, 38], strides = [1, 1]} : vector<64x2016xf32> to vector<64x38xf32>
    %swap3A_252 = arith.constant 0 : index
    %swap3A_253 = arith.constant 25 : index
    %swap3A_254 = arith.constant 26 : index
    %swap3A_255 = vector.load %arg12[%swap3A_252, %swap3A_253, %swap3A_254] : memref<64x64x64xf32, #tpu.memory_space<vmem>>, vector<64x1x38xf32>
    %swap3A_256 = vector.shape_cast %swap3A_255 : vector<64x1x38xf32> to vector<64x38xf32>
    %swap3A_257 = vector.shape_cast %slice3A_251 : vector<64x38xf32> to vector<64x1x38xf32>
    tpu.vector_store %arg12[%swap3A_252, %swap3A_253, %swap3A_254], %swap3A_257 {strides = array<i32>} : memref<64x64x64xf32, #tpu.memory_space<vmem>>, vector<64x1x38xf32>,
    %slice3A_258 = vector.extract_strided_slice %logistic3A_71 {offsets = [0, 1313], sizes = [64, 37], strides = [1, 1]} : vector<64x2016xf32> to vector<64x37xf32>
    %swap3A_259 = arith.constant 0 : index
    %swap3A_260 = arith.constant 26 : index
    %swap3A_261 = arith.constant 27 : index
    %swap3A_262 = vector.load %arg12[%swap3A_259, %swap3A_260, %swap3A_261] : memref<64x64x64xf32, #tpu.memory_space<vmem>>, vector<64x1x37xf32>
    %swap3A_263 = vector.shape_cast %swap3A_262 : vector<64x1x37xf32> to vector<64x37xf32>
    %swap3A_264 = vector.shape_cast %slice3A_258 : vector<64x37xf32> to vector<64x1x37xf32>
    tpu.vector_store %arg12[%swap3A_259, %swap3A_260, %swap3A_261], %swap3A_264 {strides = array<i32>} : memref<64x64x64xf32, #tpu.memory_space<vmem>>, vector<64x1x37xf32>,
    %slice3A_265 = vector.extract_strided_slice %logistic3A_71 {offsets = [0, 1350], sizes = [64, 36], strides = [1, 1]} : vector<64x2016xf32> to vector<64x36xf32>
    %swap3A_266 = arith.constant 0 : index
    %swap3A_267 = arith.constant 27 : index
    %swap3A_268 = arith.constant 28 : index
    %swap3A_269 = vector.load %arg12[%swap3A_266, %swap3A_267, %swap3A_268] : memref<64x64x64xf32, #tpu.memory_space<vmem>>, vector<64x1x36xf32>
    %swap3A_270 = vector.shape_cast %swap3A_269 : vector<64x1x36xf32> to vector<64x36xf32>
    %swap3A_271 = vector.shape_cast %slice3A_265 : vector<64x36xf32> to vector<64x1x36xf32>
    tpu.vector_store %arg12[%swap3A_266, %swap3A_267, %swap3A_268], %swap3A_271 {strides = array<i32>} : memref<64x64x64xf32, #tpu.memory_space<vmem>>, vector<64x1x36xf32>,
    %slice3A_272 = vector.extract_strided_slice %logistic3A_71 {offsets = [0, 1386], sizes = [64, 35], strides = [1, 1]} : vector<64x2016xf32> to vector<64x35xf32>
    %swap3A_273 = arith.constant 0 : index
    %swap3A_274 = arith.constant 28 : index
    %swap3A_275 = arith.constant 29 : index
    %swap3A_276 = vector.load %arg12[%swap3A_273, %swap3A_274, %swap3A_275] : memref<64x64x64xf32, #tpu.memory_space<vmem>>, vector<64x1x35xf32>
    %swap3A_277 = vector.shape_cast %swap3A_276 : vector<64x1x35xf32> to vector<64x35xf32>
    %swap3A_278 = vector.shape_cast %slice3A_272 : vector<64x35xf32> to vector<64x1x35xf32>
    tpu.vector_store %arg12[%swap3A_273, %swap3A_274, %swap3A_275], %swap3A_278 {strides = array<i32>} : memref<64x64x64xf32, #tpu.memory_space<vmem>>, vector<64x1x35xf32>,
    %slice3A_279 = vector.extract_strided_slice %logistic3A_71 {offsets = [0, 1421], sizes = [64, 34], strides = [1, 1]} : vector<64x2016xf32> to vector<64x34xf32>
    %swap3A_280 = arith.constant 0 : index
    %swap3A_281 = arith.constant 29 : index
    %swap3A_282 = arith.constant 30 : index
    %swap3A_283 = vector.load %arg12[%swap3A_280, %swap3A_281, %swap3A_282] : memref<64x64x64xf32, #tpu.memory_space<vmem>>, vector<64x1x34xf32>
    %swap3A_284 = vector.shape_cast %swap3A_283 : vector<64x1x34xf32> to vector<64x34xf32>
    %swap3A_285 = vector.shape_cast %slice3A_279 : vector<64x34xf32> to vector<64x1x34xf32>
    tpu.vector_store %arg12[%swap3A_280, %swap3A_281, %swap3A_282], %swap3A_285 {strides = array<i32>} : memref<64x64x64xf32, #tpu.memory_space<vmem>>, vector<64x1x34xf32>,
    %slice3A_286 = vector.extract_strided_slice %logistic3A_71 {offsets = [0, 1455], sizes = [64, 33], strides = [1, 1]} : vector<64x2016xf32> to vector<64x33xf32>
    %swap3A_287 = arith.constant 0 : index
    %swap3A_288 = arith.constant 30 : index
    %swap3A_289 = arith.constant 31 : index
    %swap3A_290 = vector.load %arg12[%swap3A_287, %swap3A_288, %swap3A_289] : memref<64x64x64xf32, #tpu.memory_space<vmem>>, vector<64x1x33xf32>
    %swap3A_291 = vector.shape_cast %swap3A_290 : vector<64x1x33xf32> to vector<64x33xf32>
    %swap3A_292 = vector.shape_cast %slice3A_286 : vector<64x33xf32> to vector<64x1x33xf32>
    tpu.vector_store %arg12[%swap3A_287, %swap3A_288, %swap3A_289], %swap3A_292 {strides = array<i32>} : memref<64x64x64xf32, #tpu.memory_space<vmem>>, vector<64x1x33xf32>,
    %slice3A_293 = vector.extract_strided_slice %logistic3A_71 {offsets = [0, 1488], sizes = [64, 32], strides = [1, 1]} : vector<64x2016xf32> to vector<64x32xf32>
    %swap3A_294 = arith.constant 0 : index
    %swap3A_295 = arith.constant 31 : index
    %swap3A_296 = arith.constant 32 : index
    %swap3A_297 = vector.load %arg12[%swap3A_294, %swap3A_295, %swap3A_296] : memref<64x64x64xf32, #tpu.memory_space<vmem>>, vector<64x1x32xf32>
    %swap3A_298 = vector.shape_cast %swap3A_297 : vector<64x1x32xf32> to vector<64x32xf32>
    %swap3A_299 = vector.shape_cast %slice3A_293 : vector<64x32xf32> to vector<64x1x32xf32>
    tpu.vector_store %arg12[%swap3A_294, %swap3A_295, %swap3A_296], %swap3A_299 {strides = array<i32>} : memref<64x64x64xf32, #tpu.memory_space<vmem>>, vector<64x1x32xf32>,
    %slice3A_300 = vector.extract_strided_slice %logistic3A_71 {offsets = [0, 1520], sizes = [64, 31], strides = [1, 1]} : vector<64x2016xf32> to vector<64x31xf32>
    %swap3A_301 = arith.constant 0 : index
    %swap3A_302 = arith.constant 32 : index
    %swap3A_303 = arith.constant 33 : index
    %swap3A_304 = vector.load %arg12[%swap3A_301, %swap3A_302, %swap3A_303] : memref<64x64x64xf32, #tpu.memory_space<vmem>>, vector<64x1x31xf32>
    %swap3A_305 = vector.shape_cast %swap3A_304 : vector<64x1x31xf32> to vector<64x31xf32>
    %swap3A_306 = vector.shape_cast %slice3A_300 : vector<64x31xf32> to vector<64x1x31xf32>
    tpu.vector_store %arg12[%swap3A_301, %swap3A_302, %swap3A_303], %swap3A_306 {strides = array<i32>} : memref<64x64x64xf32, #tpu.memory_space<vmem>>, vector<64x1x31xf32>,
    %slice3A_307 = vector.extract_strided_slice %logistic3A_71 {offsets = [0, 1551], sizes = [64, 30], strides = [1, 1]} : vector<64x2016xf32> to vector<64x30xf32>
    %swap3A_308 = arith.constant 0 : index
    %swap3A_309 = arith.constant 33 : index
    %swap3A_310 = arith.constant 34 : index
    %swap3A_311 = vector.load %arg12[%swap3A_308, %swap3A_309, %swap3A_310] : memref<64x64x64xf32, #tpu.memory_space<vmem>>, vector<64x1x30xf32>
    %swap3A_312 = vector.shape_cast %swap3A_311 : vector<64x1x30xf32> to vector<64x30xf32>
    %swap3A_313 = vector.shape_cast %slice3A_307 : vector<64x30xf32> to vector<64x1x30xf32>
    tpu.vector_store %arg12[%swap3A_308, %swap3A_309, %swap3A_310], %swap3A_313 {strides = array<i32>} : memref<64x64x64xf32, #tpu.memory_space<vmem>>, vector<64x1x30xf32>,
    %slice3A_314 = vector.extract_strided_slice %logistic3A_71 {offsets = [0, 1581], sizes = [64, 29], strides = [1, 1]} : vector<64x2016xf32> to vector<64x29xf32>
    %swap3A_315 = arith.constant 0 : index
    %swap3A_316 = arith.constant 34 : index
    %swap3A_317 = arith.constant 35 : index
    %swap3A_318 = vector.load %arg12[%swap3A_315, %swap3A_316, %swap3A_317] : memref<64x64x64xf32, #tpu.memory_space<vmem>>, vector<64x1x29xf32>
    %swap3A_319 = vector.shape_cast %swap3A_318 : vector<64x1x29xf32> to vector<64x29xf32>
    %swap3A_320 = vector.shape_cast %slice3A_314 : vector<64x29xf32> to vector<64x1x29xf32>
    tpu.vector_store %arg12[%swap3A_315, %swap3A_316, %swap3A_317], %swap3A_320 {strides = array<i32>} : memref<64x64x64xf32, #tpu.memory_space<vmem>>, vector<64x1x29xf32>,
    %slice3A_321 = vector.extract_strided_slice %logistic3A_71 {offsets = [0, 1610], sizes = [64, 28], strides = [1, 1]} : vector<64x2016xf32> to vector<64x28xf32>
    %swap3A_322 = arith.constant 0 : index
    %swap3A_323 = arith.constant 35 : index
    %swap3A_324 = arith.constant 36 : index
    %swap3A_325 = vector.load %arg12[%swap3A_322, %swap3A_323, %swap3A_324] : memref<64x64x64xf32, #tpu.memory_space<vmem>>, vector<64x1x28xf32>
    %swap3A_326 = vector.shape_cast %swap3A_325 : vector<64x1x28xf32> to vector<64x28xf32>
    %swap3A_327 = vector.shape_cast %slice3A_321 : vector<64x28xf32> to vector<64x1x28xf32>
    tpu.vector_store %arg12[%swap3A_322, %swap3A_323, %swap3A_324], %swap3A_327 {strides = array<i32>} : memref<64x64x64xf32, #tpu.memory_space<vmem>>, vector<64x1x28xf32>,
    %slice3A_328 = vector.extract_strided_slice %logistic3A_71 {offsets = [0, 1638], sizes = [64, 27], strides = [1, 1]} : vector<64x2016xf32> to vector<64x27xf32>
    %swap3A_329 = arith.constant 0 : index
    %swap3A_330 = arith.constant 36 : index
    %swap3A_331 = arith.constant 37 : index
    %swap3A_332 = vector.load %arg12[%swap3A_329, %swap3A_330, %swap3A_331] : memref<64x64x64xf32, #tpu.memory_space<vmem>>, vector<64x1x27xf32>
    %swap3A_333 = vector.shape_cast %swap3A_332 : vector<64x1x27xf32> to vector<64x27xf32>
    %swap3A_334 = vector.shape_cast %slice3A_328 : vector<64x27xf32> to vector<64x1x27xf32>
    tpu.vector_store %arg12[%swap3A_329, %swap3A_330, %swap3A_331], %swap3A_334 {strides = array<i32>} : memref<64x64x64xf32, #tpu.memory_space<vmem>>, vector<64x1x27xf32>,
    %slice3A_335 = vector.extract_strided_slice %logistic3A_71 {offsets = [0, 1665], sizes = [64, 26], strides = [1, 1]} : vector<64x2016xf32> to vector<64x26xf32>
    %swap3A_336 = arith.constant 0 : index
    %swap3A_337 = arith.constant 37 : index
    %swap3A_338 = arith.constant 38 : index
    %swap3A_339 = vector.load %arg12[%swap3A_336, %swap3A_337, %swap3A_338] : memref<64x64x64xf32, #tpu.memory_space<vmem>>, vector<64x1x26xf32>
    %swap3A_340 = vector.shape_cast %swap3A_339 : vector<64x1x26xf32> to vector<64x26xf32>
    %swap3A_341 = vector.shape_cast %slice3A_335 : vector<64x26xf32> to vector<64x1x26xf32>
    tpu.vector_store %arg12[%swap3A_336, %swap3A_337, %swap3A_338], %swap3A_341 {strides = array<i32>} : memref<64x64x64xf32, #tpu.memory_space<vmem>>, vector<64x1x26xf32>,
    %slice3A_342 = vector.extract_strided_slice %logistic3A_71 {offsets = [0, 1691], sizes = [64, 25], strides = [1, 1]} : vector<64x2016xf32> to vector<64x25xf32>
    %swap3A_343 = arith.constant 0 : index
    %swap3A_344 = arith.constant 38 : index
    %swap3A_345 = arith.constant 39 : index
    %swap3A_346 = vector.load %arg12[%swap3A_343, %swap3A_344, %swap3A_345] : memref<64x64x64xf32, #tpu.memory_space<vmem>>, vector<64x1x25xf32>
    %swap3A_347 = vector.shape_cast %swap3A_346 : vector<64x1x25xf32> to vector<64x25xf32>
    %swap3A_348 = vector.shape_cast %slice3A_342 : vector<64x25xf32> to vector<64x1x25xf32>
    tpu.vector_store %arg12[%swap3A_343, %swap3A_344, %swap3A_345], %swap3A_348 {strides = array<i32>} : memref<64x64x64xf32, #tpu.memory_space<vmem>>, vector<64x1x25xf32>,
    %slice3A_349 = vector.extract_strided_slice %logistic3A_71 {offsets = [0, 1716], sizes = [64, 24], strides = [1, 1]} : vector<64x2016xf32> to vector<64x24xf32>
    %swap3A_350 = arith.constant 0 : index
    %swap3A_351 = arith.constant 39 : index
    %swap3A_352 = arith.constant 40 : index
    %swap3A_353 = vector.load %arg12[%swap3A_350, %swap3A_351, %swap3A_352] : memref<64x64x64xf32, #tpu.memory_space<vmem>>, vector<64x1x24xf32>
    %swap3A_354 = vector.shape_cast %swap3A_353 : vector<64x1x24xf32> to vector<64x24xf32>
    %swap3A_355 = vector.shape_cast %slice3A_349 : vector<64x24xf32> to vector<64x1x24xf32>
    tpu.vector_store %arg12[%swap3A_350, %swap3A_351, %swap3A_352], %swap3A_355 {strides = array<i32>} : memref<64x64x64xf32, #tpu.memory_space<vmem>>, vector<64x1x24xf32>,
    %slice3A_356 = vector.extract_strided_slice %logistic3A_71 {offsets = [0, 1740], sizes = [64, 23], strides = [1, 1]} : vector<64x2016xf32> to vector<64x23xf32>
    %swap3A_357 = arith.constant 0 : index
    %swap3A_358 = arith.constant 40 : index
    %swap3A_359 = arith.constant 41 : index
    %swap3A_360 = vector.load %arg12[%swap3A_357, %swap3A_358, %swap3A_359] : memref<64x64x64xf32, #tpu.memory_space<vmem>>, vector<64x1x23xf32>
    %swap3A_361 = vector.shape_cast %swap3A_360 : vector<64x1x23xf32> to vector<64x23xf32>
    %swap3A_362 = vector.shape_cast %slice3A_356 : vector<64x23xf32> to vector<64x1x23xf32>
    tpu.vector_store %arg12[%swap3A_357, %swap3A_358, %swap3A_359], %swap3A_362 {strides = array<i32>} : memref<64x64x64xf32, #tpu.memory_space<vmem>>, vector<64x1x23xf32>,
    %slice3A_363 = vector.extract_strided_slice %logistic3A_71 {offsets = [0, 1763], sizes = [64, 22], strides = [1, 1]} : vector<64x2016xf32> to vector<64x22xf32>
    %swap3A_364 = arith.constant 0 : index
    %swap3A_365 = arith.constant 41 : index
    %swap3A_366 = arith.constant 42 : index
    %swap3A_367 = vector.load %arg12[%swap3A_364, %swap3A_365, %swap3A_366] : memref<64x64x64xf32, #tpu.memory_space<vmem>>, vector<64x1x22xf32>
    %swap3A_368 = vector.shape_cast %swap3A_367 : vector<64x1x22xf32> to vector<64x22xf32>
    %swap3A_369 = vector.shape_cast %slice3A_363 : vector<64x22xf32> to vector<64x1x22xf32>
    tpu.vector_store %arg12[%swap3A_364, %swap3A_365, %swap3A_366], %swap3A_369 {strides = array<i32>} : memref<64x64x64xf32, #tpu.memory_space<vmem>>, vector<64x1x22xf32>,
    %slice3A_370 = vector.extract_strided_slice %logistic3A_71 {offsets = [0, 1785], sizes = [64, 21], strides = [1, 1]} : vector<64x2016xf32> to vector<64x21xf32>
    %swap3A_371 = arith.constant 0 : index
    %swap3A_372 = arith.constant 42 : index
    %swap3A_373 = arith.constant 43 : index
    %swap3A_374 = vector.load %arg12[%swap3A_371, %swap3A_372, %swap3A_373] : memref<64x64x64xf32, #tpu.memory_space<vmem>>, vector<64x1x21xf32>
    %swap3A_375 = vector.shape_cast %swap3A_374 : vector<64x1x21xf32> to vector<64x21xf32>
    %swap3A_376 = vector.shape_cast %slice3A_370 : vector<64x21xf32> to vector<64x1x21xf32>
    tpu.vector_store %arg12[%swap3A_371, %swap3A_372, %swap3A_373], %swap3A_376 {strides = array<i32>} : memref<64x64x64xf32, #tpu.memory_space<vmem>>, vector<64x1x21xf32>,
    %slice3A_377 = vector.extract_strided_slice %logistic3A_71 {offsets = [0, 1806], sizes = [64, 20], strides = [1, 1]} : vector<64x2016xf32> to vector<64x20xf32>
    %swap3A_378 = arith.constant 0 : index
    %swap3A_379 = arith.constant 43 : index
    %swap3A_380 = arith.constant 44 : index
    %swap3A_381 = vector.load %arg12[%swap3A_378, %swap3A_379, %swap3A_380] : memref<64x64x64xf32, #tpu.memory_space<vmem>>, vector<64x1x20xf32>
    %swap3A_382 = vector.shape_cast %swap3A_381 : vector<64x1x20xf32> to vector<64x20xf32>
    %swap3A_383 = vector.shape_cast %slice3A_377 : vector<64x20xf32> to vector<64x1x20xf32>
    tpu.vector_store %arg12[%swap3A_378, %swap3A_379, %swap3A_380], %swap3A_383 {strides = array<i32>} : memref<64x64x64xf32, #tpu.memory_space<vmem>>, vector<64x1x20xf32>,
    %slice3A_384 = vector.extract_strided_slice %logistic3A_71 {offsets = [0, 1826], sizes = [64, 19], strides = [1, 1]} : vector<64x2016xf32> to vector<64x19xf32>
    %swap3A_385 = arith.constant 0 : index
    %swap3A_386 = arith.constant 44 : index
    %swap3A_387 = arith.constant 45 : index
    %swap3A_388 = vector.load %arg12[%swap3A_385, %swap3A_386, %swap3A_387] : memref<64x64x64xf32, #tpu.memory_space<vmem>>, vector<64x1x19xf32>
    %swap3A_389 = vector.shape_cast %swap3A_388 : vector<64x1x19xf32> to vector<64x19xf32>
    %swap3A_390 = vector.shape_cast %slice3A_384 : vector<64x19xf32> to vector<64x1x19xf32>
    tpu.vector_store %arg12[%swap3A_385, %swap3A_386, %swap3A_387], %swap3A_390 {strides = array<i32>} : memref<64x64x64xf32, #tpu.memory_space<vmem>>, vector<64x1x19xf32>,
    %slice3A_391 = vector.extract_strided_slice %logistic3A_71 {offsets = [0, 1845], sizes = [64, 18], strides = [1, 1]} : vector<64x2016xf32> to vector<64x18xf32>
    %swap3A_392 = arith.constant 0 : index
    %swap3A_393 = arith.constant 45 : index
    %swap3A_394 = arith.constant 46 : index
    %swap3A_395 = vector.load %arg12[%swap3A_392, %swap3A_393, %swap3A_394] : memref<64x64x64xf32, #tpu.memory_space<vmem>>, vector<64x1x18xf32>
    %swap3A_396 = vector.shape_cast %swap3A_395 : vector<64x1x18xf32> to vector<64x18xf32>
    %swap3A_397 = vector.shape_cast %slice3A_391 : vector<64x18xf32> to vector<64x1x18xf32>
    tpu.vector_store %arg12[%swap3A_392, %swap3A_393, %swap3A_394], %swap3A_397 {strides = array<i32>} : memref<64x64x64xf32, #tpu.memory_space<vmem>>, vector<64x1x18xf32>,
    %slice3A_398 = vector.extract_strided_slice %logistic3A_71 {offsets = [0, 1863], sizes = [64, 17], strides = [1, 1]} : vector<64x2016xf32> to vector<64x17xf32>
    %swap3A_399 = arith.constant 0 : index
    %swap3A_400 = arith.constant 46 : index
    %swap3A_401 = arith.constant 47 : index
    %swap3A_402 = vector.load %arg12[%swap3A_399, %swap3A_400, %swap3A_401] : memref<64x64x64xf32, #tpu.memory_space<vmem>>, vector<64x1x17xf32>
    %swap3A_403 = vector.shape_cast %swap3A_402 : vector<64x1x17xf32> to vector<64x17xf32>
    %swap3A_404 = vector.shape_cast %slice3A_398 : vector<64x17xf32> to vector<64x1x17xf32>
    tpu.vector_store %arg12[%swap3A_399, %swap3A_400, %swap3A_401], %swap3A_404 {strides = array<i32>} : memref<64x64x64xf32, #tpu.memory_space<vmem>>, vector<64x1x17xf32>,
    %slice3A_405 = vector.extract_strided_slice %logistic3A_71 {offsets = [0, 1880], sizes = [64, 16], strides = [1, 1]} : vector<64x2016xf32> to vector<64x16xf32>
    %swap3A_406 = arith.constant 0 : index
    %swap3A_407 = arith.constant 47 : index
    %swap3A_408 = arith.constant 48 : index
    %swap3A_409 = vector.load %arg12[%swap3A_406, %swap3A_407, %swap3A_408] : memref<64x64x64xf32, #tpu.memory_space<vmem>>, vector<64x1x16xf32>
    %swap3A_410 = vector.shape_cast %swap3A_409 : vector<64x1x16xf32> to vector<64x16xf32>
    %swap3A_411 = vector.shape_cast %slice3A_405 : vector<64x16xf32> to vector<64x1x16xf32>
    tpu.vector_store %arg12[%swap3A_406, %swap3A_407, %swap3A_408], %swap3A_411 {strides = array<i32>} : memref<64x64x64xf32, #tpu.memory_space<vmem>>, vector<64x1x16xf32>,
    %slice3A_412 = vector.extract_strided_slice %logistic3A_71 {offsets = [0, 1896], sizes = [64, 15], strides = [1, 1]} : vector<64x2016xf32> to vector<64x15xf32>
    %swap3A_413 = arith.constant 0 : index
    %swap3A_414 = arith.constant 48 : index
    %swap3A_415 = arith.constant 49 : index
    %swap3A_416 = vector.load %arg12[%swap3A_413, %swap3A_414, %swap3A_415] : memref<64x64x64xf32, #tpu.memory_space<vmem>>, vector<64x1x15xf32>
    %swap3A_417 = vector.shape_cast %swap3A_416 : vector<64x1x15xf32> to vector<64x15xf32>
    %swap3A_418 = vector.shape_cast %slice3A_412 : vector<64x15xf32> to vector<64x1x15xf32>
    tpu.vector_store %arg12[%swap3A_413, %swap3A_414, %swap3A_415], %swap3A_418 {strides = array<i32>} : memref<64x64x64xf32, #tpu.memory_space<vmem>>, vector<64x1x15xf32>,
    %slice3A_419 = vector.extract_strided_slice %logistic3A_71 {offsets = [0, 1911], sizes = [64, 14], strides = [1, 1]} : vector<64x2016xf32> to vector<64x14xf32>
    %swap3A_420 = arith.constant 0 : index
    %swap3A_421 = arith.constant 49 : index
    %swap3A_422 = arith.constant 50 : index
    %swap3A_423 = vector.load %arg12[%swap3A_420, %swap3A_421, %swap3A_422] : memref<64x64x64xf32, #tpu.memory_space<vmem>>, vector<64x1x14xf32>
    %swap3A_424 = vector.shape_cast %swap3A_423 : vector<64x1x14xf32> to vector<64x14xf32>
    %swap3A_425 = vector.shape_cast %slice3A_419 : vector<64x14xf32> to vector<64x1x14xf32>
    tpu.vector_store %arg12[%swap3A_420, %swap3A_421, %swap3A_422], %swap3A_425 {strides = array<i32>} : memref<64x64x64xf32, #tpu.memory_space<vmem>>, vector<64x1x14xf32>,
    %slice3A_426 = vector.extract_strided_slice %logistic3A_71 {offsets = [0, 1925], sizes = [64, 13], strides = [1, 1]} : vector<64x2016xf32> to vector<64x13xf32>
    %swap3A_427 = arith.constant 0 : index
    %swap3A_428 = arith.constant 50 : index
    %swap3A_429 = arith.constant 51 : index
    %swap3A_430 = vector.load %arg12[%swap3A_427, %swap3A_428, %swap3A_429] : memref<64x64x64xf32, #tpu.memory_space<vmem>>, vector<64x1x13xf32>
    %swap3A_431 = vector.shape_cast %swap3A_430 : vector<64x1x13xf32> to vector<64x13xf32>
    %swap3A_432 = vector.shape_cast %slice3A_426 : vector<64x13xf32> to vector<64x1x13xf32>
    tpu.vector_store %arg12[%swap3A_427, %swap3A_428, %swap3A_429], %swap3A_432 {strides = array<i32>} : memref<64x64x64xf32, #tpu.memory_space<vmem>>, vector<64x1x13xf32>,
    %slice3A_433 = vector.extract_strided_slice %logistic3A_71 {offsets = [0, 1938], sizes = [64, 12], strides = [1, 1]} : vector<64x2016xf32> to vector<64x12xf32>
    %swap3A_434 = arith.constant 0 : index
    %swap3A_435 = arith.constant 51 : index
    %swap3A_436 = arith.constant 52 : index
    %swap3A_437 = vector.load %arg12[%swap3A_434, %swap3A_435, %swap3A_436] : memref<64x64x64xf32, #tpu.memory_space<vmem>>, vector<64x1x12xf32>
    %swap3A_438 = vector.shape_cast %swap3A_437 : vector<64x1x12xf32> to vector<64x12xf32>
    %swap3A_439 = vector.shape_cast %slice3A_433 : vector<64x12xf32> to vector<64x1x12xf32>
    tpu.vector_store %arg12[%swap3A_434, %swap3A_435, %swap3A_436], %swap3A_439 {strides = array<i32>} : memref<64x64x64xf32, #tpu.memory_space<vmem>>, vector<64x1x12xf32>,
    %slice3A_440 = vector.extract_strided_slice %logistic3A_71 {offsets = [0, 1950], sizes = [64, 11], strides = [1, 1]} : vector<64x2016xf32> to vector<64x11xf32>
    %swap3A_441 = arith.constant 0 : index
    %swap3A_442 = arith.constant 52 : index
    %swap3A_443 = arith.constant 53 : index
    %swap3A_444 = vector.load %arg12[%swap3A_441, %swap3A_442, %swap3A_443] : memref<64x64x64xf32, #tpu.memory_space<vmem>>, vector<64x1x11xf32>
    %swap3A_445 = vector.shape_cast %swap3A_444 : vector<64x1x11xf32> to vector<64x11xf32>
    %swap3A_446 = vector.shape_cast %slice3A_440 : vector<64x11xf32> to vector<64x1x11xf32>
    tpu.vector_store %arg12[%swap3A_441, %swap3A_442, %swap3A_443], %swap3A_446 {strides = array<i32>} : memref<64x64x64xf32, #tpu.memory_space<vmem>>, vector<64x1x11xf32>,
    %slice3A_447 = vector.extract_strided_slice %logistic3A_71 {offsets = [0, 1961], sizes = [64, 10], strides = [1, 1]} : vector<64x2016xf32> to vector<64x10xf32>
    %swap3A_448 = arith.constant 0 : index
    %swap3A_449 = arith.constant 53 : index
    %swap3A_450 = arith.constant 54 : index
    %swap3A_451 = vector.load %arg12[%swap3A_448, %swap3A_449, %swap3A_450] : memref<64x64x64xf32, #tpu.memory_space<vmem>>, vector<64x1x10xf32>
    %swap3A_452 = vector.shape_cast %swap3A_451 : vector<64x1x10xf32> to vector<64x10xf32>
    %swap3A_453 = vector.shape_cast %slice3A_447 : vector<64x10xf32> to vector<64x1x10xf32>
    tpu.vector_store %arg12[%swap3A_448, %swap3A_449, %swap3A_450], %swap3A_453 {strides = array<i32>} : memref<64x64x64xf32, #tpu.memory_space<vmem>>, vector<64x1x10xf32>,
    %slice3A_454 = vector.extract_strided_slice %logistic3A_71 {offsets = [0, 1971], sizes = [64, 9], strides = [1, 1]} : vector<64x2016xf32> to vector<64x9xf32>
    %swap3A_455 = arith.constant 0 : index
    %swap3A_456 = arith.constant 54 : index
    %swap3A_457 = arith.constant 55 : index
    %swap3A_458 = vector.load %arg12[%swap3A_455, %swap3A_456, %swap3A_457] : memref<64x64x64xf32, #tpu.memory_space<vmem>>, vector<64x1x9xf32>
    %swap3A_459 = vector.shape_cast %swap3A_458 : vector<64x1x9xf32> to vector<64x9xf32>
    %swap3A_460 = vector.shape_cast %slice3A_454 : vector<64x9xf32> to vector<64x1x9xf32>
    tpu.vector_store %arg12[%swap3A_455, %swap3A_456, %swap3A_457], %swap3A_460 {strides = array<i32>} : memref<64x64x64xf32, #tpu.memory_space<vmem>>, vector<64x1x9xf32>,
    %slice3A_461 = vector.extract_strided_slice %logistic3A_71 {offsets = [0, 1980], sizes = [64, 8], strides = [1, 1]} : vector<64x2016xf32> to vector<64x8xf32>
    %swap3A_462 = arith.constant 0 : index
    %swap3A_463 = arith.constant 55 : index
    %swap3A_464 = arith.constant 56 : index
    %swap3A_465 = vector.load %arg12[%swap3A_462, %swap3A_463, %swap3A_464] : memref<64x64x64xf32, #tpu.memory_space<vmem>>, vector<64x1x8xf32>
    %swap3A_466 = vector.shape_cast %swap3A_465 : vector<64x1x8xf32> to vector<64x8xf32>
    %swap3A_467 = vector.shape_cast %slice3A_461 : vector<64x8xf32> to vector<64x1x8xf32>
    tpu.vector_store %arg12[%swap3A_462, %swap3A_463, %swap3A_464], %swap3A_467 {strides = array<i32>} : memref<64x64x64xf32, #tpu.memory_space<vmem>>, vector<64x1x8xf32>,
    %slice3A_468 = vector.extract_strided_slice %logistic3A_71 {offsets = [0, 1988], sizes = [64, 7], strides = [1, 1]} : vector<64x2016xf32> to vector<64x7xf32>
    %swap3A_469 = arith.constant 0 : index
    %swap3A_470 = arith.constant 56 : index
    %swap3A_471 = arith.constant 57 : index
    %swap3A_472 = vector.load %arg12[%swap3A_469, %swap3A_470, %swap3A_471] : memref<64x64x64xf32, #tpu.memory_space<vmem>>, vector<64x1x7xf32>
    %swap3A_473 = vector.shape_cast %swap3A_472 : vector<64x1x7xf32> to vector<64x7xf32>
    %swap3A_474 = vector.shape_cast %slice3A_468 : vector<64x7xf32> to vector<64x1x7xf32>
    tpu.vector_store %arg12[%swap3A_469, %swap3A_470, %swap3A_471], %swap3A_474 {strides = array<i32>} : memref<64x64x64xf32, #tpu.memory_space<vmem>>, vector<64x1x7xf32>,
    %slice3A_475 = vector.extract_strided_slice %logistic3A_71 {offsets = [0, 1995], sizes = [64, 6], strides = [1, 1]} : vector<64x2016xf32> to vector<64x6xf32>
    %swap3A_476 = arith.constant 0 : index
    %swap3A_477 = arith.constant 57 : index
    %swap3A_478 = arith.constant 58 : index
    %swap3A_479 = vector.load %arg12[%swap3A_476, %swap3A_477, %swap3A_478] : memref<64x64x64xf32, #tpu.memory_space<vmem>>, vector<64x1x6xf32>
    %swap3A_480 = vector.shape_cast %swap3A_479 : vector<64x1x6xf32> to vector<64x6xf32>
    %swap3A_481 = vector.shape_cast %slice3A_475 : vector<64x6xf32> to vector<64x1x6xf32>
    tpu.vector_store %arg12[%swap3A_476, %swap3A_477, %swap3A_478], %swap3A_481 {strides = array<i32>} : memref<64x64x64xf32, #tpu.memory_space<vmem>>, vector<64x1x6xf32>,
    %slice3A_482 = vector.extract_strided_slice %logistic3A_71 {offsets = [0, 2001], sizes = [64, 5], strides = [1, 1]} : vector<64x2016xf32> to vector<64x5xf32>
    %swap3A_483 = arith.constant 0 : index
    %swap3A_484 = arith.constant 58 : index
    %swap3A_485 = arith.constant 59 : index
    %swap3A_486 = vector.load %arg12[%swap3A_483, %swap3A_484, %swap3A_485] : memref<64x64x64xf32, #tpu.memory_space<vmem>>, vector<64x1x5xf32>
    %swap3A_487 = vector.shape_cast %swap3A_486 : vector<64x1x5xf32> to vector<64x5xf32>
    %swap3A_488 = vector.shape_cast %slice3A_482 : vector<64x5xf32> to vector<64x1x5xf32>
    tpu.vector_store %arg12[%swap3A_483, %swap3A_484, %swap3A_485], %swap3A_488 {strides = array<i32>} : memref<64x64x64xf32, #tpu.memory_space<vmem>>, vector<64x1x5xf32>,
    %slice3A_489 = vector.extract_strided_slice %logistic3A_71 {offsets = [0, 2006], sizes = [64, 4], strides = [1, 1]} : vector<64x2016xf32> to vector<64x4xf32>
    %swap3A_490 = arith.constant 0 : index
    %swap3A_491 = arith.constant 59 : index
    %swap3A_492 = arith.constant 60 : index
    %swap3A_493 = vector.load %arg12[%swap3A_490, %swap3A_491, %swap3A_492] : memref<64x64x64xf32, #tpu.memory_space<vmem>>, vector<64x1x4xf32>
    %swap3A_494 = vector.shape_cast %swap3A_493 : vector<64x1x4xf32> to vector<64x4xf32>
    %swap3A_495 = vector.shape_cast %slice3A_489 : vector<64x4xf32> to vector<64x1x4xf32>
    tpu.vector_store %arg12[%swap3A_490, %swap3A_491, %swap3A_492], %swap3A_495 {strides = array<i32>} : memref<64x64x64xf32, #tpu.memory_space<vmem>>, vector<64x1x4xf32>,
    %slice3A_496 = vector.extract_strided_slice %logistic3A_71 {offsets = [0, 2010], sizes = [64, 3], strides = [1, 1]} : vector<64x2016xf32> to vector<64x3xf32>
    %swap3A_497 = arith.constant 0 : index
    %swap3A_498 = arith.constant 60 : index
    %swap3A_499 = arith.constant 61 : index
    %swap3A_500 = vector.load %arg12[%swap3A_497, %swap3A_498, %swap3A_499] : memref<64x64x64xf32, #tpu.memory_space<vmem>>, vector<64x1x3xf32>
    %swap3A_501 = vector.shape_cast %swap3A_500 : vector<64x1x3xf32> to vector<64x3xf32>
    %swap3A_502 = vector.shape_cast %slice3A_496 : vector<64x3xf32> to vector<64x1x3xf32>
    tpu.vector_store %arg12[%swap3A_497, %swap3A_498, %swap3A_499], %swap3A_502 {strides = array<i32>} : memref<64x64x64xf32, #tpu.memory_space<vmem>>, vector<64x1x3xf32>,
    %slice3A_503 = vector.extract_strided_slice %logistic3A_71 {offsets = [0, 2013], sizes = [64, 2], strides = [1, 1]} : vector<64x2016xf32> to vector<64x2xf32>
    %swap3A_504 = arith.constant 0 : index
    %swap3A_505 = arith.constant 61 : index
    %swap3A_506 = arith.constant 62 : index
    %swap3A_507 = vector.load %arg12[%swap3A_504, %swap3A_505, %swap3A_506] : memref<64x64x64xf32, #tpu.memory_space<vmem>>, vector<64x1x2xf32>
    %swap3A_508 = vector.shape_cast %swap3A_507 : vector<64x1x2xf32> to vector<64x2xf32>
    %swap3A_509 = vector.shape_cast %slice3A_503 : vector<64x2xf32> to vector<64x1x2xf32>
    tpu.vector_store %arg12[%swap3A_504, %swap3A_505, %swap3A_506], %swap3A_509 {strides = array<i32>} : memref<64x64x64xf32, #tpu.memory_space<vmem>>, vector<64x1x2xf32>,
    %slice3A_510 = vector.extract_strided_slice %logistic3A_71 {offsets = [0, 2015], sizes = [64, 1], strides = [1, 1]} : vector<64x2016xf32> to vector<64x1xf32>
    %swap3A_511 = arith.constant 0 : index
    %swap3A_512 = arith.constant 62 : index
    %swap3A_513 = arith.constant 63 : index
    %swap3A_514 = vector.load %arg12[%swap3A_511, %swap3A_512, %swap3A_513] : memref<64x64x64xf32, #tpu.memory_space<vmem>>, vector<64x1x1xf32>
    %swap3A_515 = vector.shape_cast %swap3A_514 : vector<64x1x1xf32> to vector<64x1xf32>
    %swap3A_516 = vector.shape_cast %slice3A_510 : vector<64x1xf32> to vector<64x1x1xf32>
    tpu.vector_store %arg12[%swap3A_511, %swap3A_512, %swap3A_513], %swap3A_516 {strides = array<i32>} : memref<64x64x64xf32, #tpu.memory_space<vmem>>, vector<64x1x1xf32>,
    %get3A_517 = arith.constant 0 : index
    %get3A_518 = arith.constant 0 : index
    %get3A_519 = arith.constant 0 : index
    %get3A_520 = vector.load %arg12[%get3A_517, %get3A_518, %get3A_519] : memref<64x64x64xf32, #tpu.memory_space<vmem>>, vector<64x64x64xf32>
    %transpose3A = tpu.transpose %get3A_520, [0, 2, 1] : vector<64x64x64xf32> -> vector<64x64x64xf32>
    %add3A_521 = arith.addf %get3A_520, %transpose3A : vector<64x64x64xf32>
    %swap3A_522 = arith.constant 0 : index
    %swap3A_523 = arith.constant 0 : index
    %swap3A_524 = arith.constant 0 : index
    %swap3A_525 = vector.load %arg12[%swap3A_522, %swap3A_523, %swap3A_524] : memref<64x64x64xf32, #tpu.memory_space<vmem>>, vector<64x64x64xf32>
    tpu.vector_store %arg12[%swap3A_522, %swap3A_523, %swap3A_524], %add3A_521 {strides = array<i32>} : memref<64x64x64xf32, #tpu.memory_space<vmem>>, vector<64x64x64xf32>,
    return
  }
}

</mosaic_0001>

<sc_bundles>
// kernel: kernel.12.cloned.1.call-start
scs
__scs_entry_jumppad:
0x0: {  	(pc) =	sbr.rel $0x88, $3  }
0x1: {  	(tag) =	ssettag $0x0;
	lr =	simm.s32 $0x1  }
0x2: {  	[smem:$0x3F90] =	sst lr;
	_ =	strace $0xD0000000  }
0x3: {  	_ = 	snop  }
0x4: {  	_ = 	snop  }
0x5: {  	_ = 	snop  }
0x6: {  	_ = 	snop  }
0x7: {  	_ = 	snop  }
__scs_overlays_trampoline_lowered:
0x8: {  	[smem:$0x3F9F] =	sst s0  }
0x9: {  	[smem:$0x3FA0] =	sst s1  }
0xa: {  	[smem:$0x3FA1] =	sst s2  }
0xb: {  	[smem:$0x3FA2] =	sst s3  }
0xc: {  	[smem:$0x3FA3] =	sst s4  }
0xd: {  	[smem:$0x3FA4] =	sst s5  }
0xe: {  	[smem:$0x3FA5] =	sst s6  }
0xf: {  	[smem:$0x3FA6] =	sst s7  }
0x10: {  	[smem:$0x3FA7] =	sst s8  }
0x11: {  	[smem:$0x3FA8] =	sst s9;
	s0 =	simm.s32 @!p0 $0x0  }
0x12: {  	s1 =	sld [smem:$0x3F8E];
	s0 =	simm.s32 @p0 $0x1  }
0x13: {  	[smem:$0x3FA9] =	sst s0;
	s0 =	simm.s32 @!p1 $0x0  }
0x14: {  	s2 =	sld [smem:$0x3F8D];
	s0 =	simm.s32 @p1 $0x1  }
0x15: {  	[smem:$0x3FAA] =	sst s0;
	s0 =	simm.s32 @!p2 $0x0  }
0x16: {  	s3 =	sld [smem:$0x3FDB];
	s0 =	simm.s32 @p2 $0x1  }
0x17: {  	s4 =	simm.s32 $0x1BF5;
	[smem:$0x3FAC] =	sst s0  }
0x18: {  	s0 =	sld [smem:$0x3F8F];
	_ =	swait.ge [sflag:s4], $0x0  }
0x19: {  	s7 =	sld [smem:$0x3F90]  }
0x1a: {  	s8 =	sadd.s32 $0xFFFFE003, lr  }
0x1b: {  	s9 =	sadd.s32 $0xFFFFFEF7, lr;
	s5 =	simm.s32 $0xFFFFFFFF;
	p2 =	slt.u32 s8, $0xFFFFF086  }
0x1c: {  	p1 =	slt.u32 s9, $0xF7A;
	s5 =	simm.s32 @!p2 $0x0  }
0x1d: {  	s5 =	simm.s32 @p1 $0x1;
	p0 =	seq.s32 s7, s2  }
0x1e: {  	s7 =	smul.u32 @!p0 $0xF7A, s2;
	p2 =	seq.s32 @!p0 s5, $0x0  }
0x1f: {  	s9 =	smul.u32 $0xF7A, s1;
	s8 =	simm.s32 @!p0 $0x1BF5;
	p2 =	por !p2, p0  }
0x20: {  	[sflag:s8] =	ssyncset.s32 @!p0 $0xFFFFF086;
	s6 =	sadd.s32 @!p0 s3, s7;
	s7 =	simm.s32 @!p0 $0x108  }
0x21: {  	s3 =	sadd.s32 s3, s9;
	s6 =	sadd.s32 @!p0 $0x88, s6;
	s7 =	simm.s32 @p2 $0x1082  }
0x22: {  	[simem:s7], [sflag:s8] =	dma.local @!p0 [hbm:s6], $0xF7A  }
0x23: {  	s9 =	sor.u32 $0xD0000000, s2;
	s6 =	simm.s32 $0x108;
	_ =	swait.ge @!p0 [sflag:s8], $0x0  }
0x24: {  	s3 =	sadd.s32 $0x88, s3;
	s6 =	simm.s32 @!p1 $0x1082;
	[sflag:s4] =	ssyncset.s32 $0xFFFFF086  }
0x25: {  	[simem:s6], [sflag:s4] =	dma.local [hbm:s3], $0xF7A  }
0x26: {  	[smem:$0x3F90] =	sst s1;
	(tag) =	ssettag s2;
	_ =	strace s9  }
0x27: {  	s1 =	sld [smem:$0x3FA0]  }
0x28: {  	s2 =	sld [smem:$0x3FA1]  }
0x29: {  	s4 =	sld [smem:$0x3FA3]  }
0x2a: {  	p0 =	seq.s32 s5, $0x0;
	s5 =	sld [smem:$0x3FA4]  }
0x2b: {  	s6 =	sld [smem:$0x3FA5]  }
0x2c: {  	s7 =	sld [smem:$0x3FA6]  }
0x2d: {  	s3 =	simm.s32 $0x108;
	s8 =	sld [smem:$0x3FA7]  }
0x2e: {  	s3 =	simm.s32 @!p0 $0x1082;
	s9 =	sld [smem:$0x3FA8]  }
0x2f: {  	lr =	sadd.s32 s0, s3;
	s0 =	sld [smem:$0x3F9F]  }
0x30: {  	s3 =	sld [smem:$0x3FA2]  }
0x31: {  	[smem:$0x3FAB] =	sst s10  }
0x32: {  	s10 =	sld [smem:$0x3FA9];
	_ =	sdelay $0x3  }
0x33: {  	p0 =	seq.s32 s10, $0x1;
	s10 =	sld [smem:$0x3FAB];
	_ =	sdelay $0x3  }
0x34: {  	[smem:$0x3FAB] =	sst s10  }
0x35: {  	s10 =	sld [smem:$0x3FAA];
	_ =	sdelay $0x3  }
0x36: {  	p1 =	seq.s32 s10, $0x1;
	s10 =	sld [smem:$0x3FAB];
	_ =	sdelay $0x3  }
0x37: {  	[smem:$0x3FAB] =	sst s10  }
0x38: {  	s10 =	sld [smem:$0x3FAC]  }
0x39: {  	_ = 	snop;
	(pc) =	sbr.ind lr, $3  }
0x3a: {  	_ = 	snop  }
0x3b: {  	_ = 	snop  }
0x3c: {  	p2 =	seq.s32 s10, $0x1;
	s10 =	sld [smem:$0x3FAB]  }
0x3d: {  	_ =	shalt  }
0x3e: {  	_ =	shalt  }
0x3f: {  	_ =	shalt  }
0x40: {  	_ =	shalt  }
0x41: {  	_ =	shalt  }
0x42: {  	_ =	shalt  }
0x43: {  	_ =	shalt  }
0x44: {  	_ =	shalt  }
0x45: {  	_ =	shalt  }
0x46: {  	_ =	shalt  }
0x47: {  	_ =	shalt  }
0x48: {  	_ =	shalt  }
0x49: {  	_ =	shalt  }
0x4a: {  	_ =	shalt  }
0x4b: {  	_ =	shalt  }
0x4c: {  	_ =	shalt  }
0x4d: {  	_ =	shalt  }
0x4e: {  	_ =	shalt  }
0x4f: {  	_ =	shalt  }
0x50: {  	_ =	shalt  }
0x51: {  	_ =	shalt  }
0x52: {  	_ =	shalt  }
0x53: {  	_ =	shalt  }
0x54: {  	_ =	shalt  }
0x55: {  	_ =	shalt  }
0x56: {  	_ =	shalt  }
0x57: {  	_ =	shalt  }
0x58: {  	_ =	shalt  }
0x59: {  	_ =	shalt  }
0x5a: {  	_ =	shalt  }
0x5b: {  	_ =	shalt  }
0x5c: {  	_ =	shalt  }
0x5d: {  	_ =	shalt  }
0x5e: {  	_ =	shalt  }
0x5f: {  	_ =	shalt  }
0x60: {  	_ =	shalt  }
0x61: {  	_ =	shalt  }
0x62: {  	_ =	shalt  }
0x63: {  	_ =	shalt  }
0x64: {  	_ =	shalt  }
0x65: {  	_ =	shalt  }
0x66: {  	_ =	shalt  }
0x67: {  	_ =	shalt  }
0x68: {  	_ =	shalt  }
0x69: {  	_ =	shalt  }
0x6a: {  	_ =	shalt  }
0x6b: {  	_ =	shalt  }
0x6c: {  	_ =	shalt  }
0x6d: {  	_ =	shalt  }
0x6e: {  	_ =	shalt  }
0x6f: {  	_ =	shalt  }
0x70: {  	_ =	shalt  }
0x71: {  	_ =	shalt  }
0x72: {  	_ =	shalt  }
0x73: {  	_ =	shalt  }
0x74: {  	_ =	shalt  }
0x75: {  	_ =	shalt  }
0x76: {  	_ =	shalt  }
0x77: {  	_ =	shalt  }
0x78: {  	_ =	shalt  }
0x79: {  	_ =	shalt  }
0x7a: {  	_ =	shalt  }
0x7b: {  	_ =	shalt  }
0x7c: {  	_ =	shalt  }
0x7d: {  	_ =	shalt  }
0x7e: {  	_ =	shalt  }
0x7f: {  	_ =	shalt  }
0x80: {  	_ =	shalt  }
0x81: {  	_ =	shalt  }
0x82: {  	_ =	shalt  }
0x83: {  	_ =	shalt  }
0x84: {  	_ =	shalt  }
0x85: {  	_ =	shalt  }
0x86: {  	_ =	shalt  }
0x87: {  	_ =	shalt  }
.Lfunc_end0:
.L_simem_size_0:
called_computation.1_lowered:
.L_overlay_start_0:
0x88: {  	s2 =	sld [smem:$0x3FD9]  }
0x89: {  	s3 =	sld [smem:$0x3FFE];
	_ =	sdelay $0x1  }
0x8a: {  	s1 =	srdreg.scid  }
0x8b: {  	s0 =	sand.u32 $0x1, s1  }
0x8c: {  	s14 =	sshll.u32 s0, $0xA;
	s2 =	sadd.s32 s3, s2  }
0x8d: {  	s2 =	sadd.s32 s2, s14  }
0x8e: {  	[smem:$0x3FB7] =	sst s2  }
0x8f: {  	_ = 	snop  }
0x90: {  	s2 =	sld [smem:$0x3FD0];
	_ =	sdelay $0x2  }
0x91: {  	s15 =	simm.s32 $0xA;
	s4 =	simm.s32 $0x10  }
0x92: {  	[smem:s4], [sflag:s15] =	dma.local [hbm:s2], $0x1  }
0x93: {  	_ =	swait.eq [sflag:s15], $0x1  }
0x94: {  	[sflag:s15] =	ssyncset.done $0x0  }
0x95: {  	[sflag:s15] =	ssyncadd.s32 $0xFFFFFFFF  }
0x96: {  	s16 =	sld [smem:$0x10];
	(tm) =	ssettm $0x1  }
0x97: {  	s17 =	sld [smem:$0x3FFB];
	_ =	sdelay $0x3  }
0x98: {  	_ =	strace s17  }
0x99: {  	s3 =	sld [smem:$0x3FFC];
	_ =	sdelay $0x3  }
0x9a: {  	_ =	strace s3  }
0x9b: {  	s3 =	sld [smem:$0x3FFD];
	_ =	sdelay $0x3  }
0x9c: {  	_ =	strace s3  }
0x9d: {  	_ =	strace $0x8FFFFFFF  }
0x9e: {  	s18 =	sld [smem:$0x3FDB];
	_ =	sdelay $0x1  }
0x9f: {  	s19 =	simm.s32 $_scs_section_size  }
0xa0: {  	s5 =	simm.s32 $_size__tile_overlayer_lowered;
	s6 =	simm.s32 $_tile_overlayer_lowered  }
0xa1: {  	s22 =	simm.s32 $0x1BFF;
	s21 =	sshll.u32 s6, $0x1;
	s3 =	sadd.s32 s19, s18  }
0xa2: {  	s7 =	simm.s32 $0x0;
	s20 =	sshll.u32 s5, $0x1;
	s5 =	sadd.s32 s21, s3  }
0xa3: {  	[timem:s7], [sflag:s22] =	dma.local [hbm:s5], s20  }
0xa4: {  	_ =	swait.ge [sflag:s22], s20  }
0xa5: {  	s4 =	ssub.s32 $0x0, s20;
	[sflag:s22] =	ssyncset.done $0x0  }
0xa6: {  	[sflag:s22] =	ssyncadd.s32 s4;
	_ =	sdelay $0x1  }
0xa7: {  	s23 =	simm.s32 $0x1B8B  }
0xa8: {  	_ =	swait.ge [sflag:s23], $0x1  }
0xa9: {  	[sflag:s23] =	ssyncset.done $0x0  }
0xaa: {  	s25 =	simm.s32 $0x1B8E;
	s24 =	sld [smem:$0x3FFE];
	[sflag:s23] =	ssyncadd.s32 $0xFFFFFFFF  }
0xab: {  	s26 =	simm.s32 $execute0_lowered;
	[smem:$0x3FD2] =	sst s25  }
0xac: {  	s5 =	sshll.u32 s26, $0x1;
	_ =	strace $0x80000049;
	[dreg:$0x1] =	wrdreg $0xFFFFFFFF  }
0xad: {  	s28 =	simm.s32 $_size_execute0_lowered;
	s3 =	sadd.s32 s3, s5;
	[dreg:$0x0] =	wrdreg $0x0  }
0xae: {  	s5 =	sshll.u32 s28, $0x1;
	[dreg:$0x2] =	wrdreg s3  }
0xaf: {  	[dreg:$0x3] =	wrdreg s5  }
0xb0: {  	[dreg:$0x4] =	wrdreg $0xC0  }
0xb1: {  	_ =	task [dreg:s7], $0x5FFFF  }
0xb2: {  	[dreg:$0x1] =	wrdreg $0xFFFFFFFF  }
0xb3: {  	[dreg:$0x0] =	wrdreg $0x60  }
0xb4: {  	[dreg:$0x2] =	wrdreg s24  }
0xb5: {  	[dreg:$0x3] =	wrdreg s16  }
0xb6: {  	[dreg:$0x4] =	wrdreg $0xA8000  }
0xb7: {  	[dreg:$0x5] =	wrdreg $0x9  }
0xb8: {  	_ =	task.clear_ibuf [dreg:s7], $0x6FFFF;
	_ =	strace $0x90000049  }
0xb9: {  	s29 =	simm.s32 $0x9;
	_ =	strace $0x8000004B  }
0xba: {  	_ =	swait.ge [sflag:s29], $0x1  }
0xbb: {  	[sflag:s29] =	ssyncadd.s32 $0xFFFFFFFF  }
0xbc: {  	_ =	strace $0x9000004B  }
0xbd: {  	_ =	sfence  }
0xbe: {  	s30 =	sld [smem:$0x0];
	_ =	sdelay $0x2  }
0xbf: {  	s31 =	sshll.u32 s1, $0xD;
	s1 =	sshrl.u32 s1, $0x2  }
0xc0: {  	s3 =	sand.u32 $0x4000, s31;
	s1 =	sadd.s32 s1, s30  }
0xc1: {  	s0 =	sor.u32 s3, s0;
	s1 =	sshll.u32 s1, $0x11  }
0xc2: {  	s0 =	sor.u32 s1, s0  }
0xc3: {  	s0 =	sadd.s32 $0x8F2B, s0  }
0xc4: {  	[sflag:s0] =	ssyncadd.remote.s32 $0x1  }
0xc5: {  	_ =	sfence.sel $0xFFFF  }
0xc6: {  	[dreg:$0x0] =	wrdreg $0xFFFFFFFF;
	(pc) =	sbr.abs _section_cstart, $3  }
0xc7: {  	[dreg:$0x1] =	wrdreg $0xFFFFFFFF  }
0xc8: {  	_ =	task.clear_ibuf [dreg:s7], $0x2FFFF;
	_ =	strace $0x9FFFFFFF  }
0xc9: {  	(tm) =	ssettm $0x7FFFFFFF  }
tec
execute0_lowered:
.L_overlay_start_1:
0x0: {  	(tag) =	ssettag $0x1  }
0x1: {  	s0 =	rddreg [dreg:$0x0]  }
0x2: {  	s1 =	rddreg [dreg:$0x1]  }
0x3: {  	s23 =	rddreg [dreg:$0x2];
	s3 =	simm.s32 $0x0;
	s2 =	srdreg.scid  }
0x4: {  	s24 =	stileid.u32;
	s29 =	simm.s32 $0x2800;
	s30 =	simm.s32 $0x3  }
0x5: {  	s31 =	simm.s32 $0x1400;
	[smem:$0x7FF] =	sst s3;
	s12 =	smul.u32 $0x280, s24  }
0x6: {  	s2 =	sand.u32 $0x1, s2;
	s4 =	sadd.s32 $0xE600, s0;
	s8 =	smul.u32 $0x50000, s24  }
0x7: {  	s13 =	sadd.s32 $0x4600, s0;
	s5 =	sadd.s32 $0x35800, s0;
	s26 =	smul.u32 $0x14000, s24  }
0x8: {  	p0 =	seq.s32 s24, $0xF;
	s6 =	ssub.s32 $0x2, s2;
	s21 =	sshll.u32 s2, $0x4  }
0x9: {  	_ =	strace $0x8000004A;
	s7 =	sshrl.u32 s6, $0x1;
	s11 =	sor.u32 s24, s21  }
0xa: {  	s22 =	sshrl.u32 s8, $0x2;
	s14 =	sshll.u32 s12, $0x7;
	s0 =	ssub.s32 s6, s7  }
0xb: {  	s6 =	sadd.s32 s22, s23;
	s15 =	sor.u32 $0x2800, s14;
	s16 =	sadd.s32 $0x5000, s14  }
0xc: {  	s19 =	sadd.s32 $0x7800, s14;
	s20 =	sadd.s32 $0xA000, s14;
	s17 =	smul.u32 $0x2800, s11  }
0xd: {  	s21 =	sadd.s32 $0xC800, s14;
	s18 =	smul.u32 $0x500, s11;
	s14 =	sadd.s32 $0xF000, s14  }
0xe: {  	s11 =	smul.u32 $0x138800, s2;
	s2 =	sadd.s32 $0x230, s12;
	s7 =	sadd.s32 s15, s23  }
0xf: {  	s8 =	sadd.s32 s16, s23;
	s9 =	sadd.s32 s19, s23;
	s22 =	sadd.s32 s13, s18  }
0x10: {  	s17 =	sshrl.u32 s17, $0x3;
	s18 =	sadd.s32 s1, s18;
	[dreg:$0x4] =	wrdreg s22  }
0x11: {  	s10 =	sadd.s32 s20, s23;
	s25 =	sadd.s32 $0x280, s17;
	[dreg:$0x5] =	wrdreg s18  }
0x12: {  	s17 =	sadd.s32 s26, s11;
	s22 =	sadd.s32 s11, s15;
	s26 =	sadd.s32 s11, s16  }
0x13: {  	s15 =	sadd.s32 s11, s19;
	s13 =	sadd.s32 s13, s25;
	s1 =	sadd.s32 s1, s25  }
0x14: {  	s18 =	sshrl.u32 s17, $0x3;
	s25 =	sshrl.u32 s22, $0x3;
	s16 =	sshrl.u32 s15, $0x3  }
0x15: {  	s17 =	sadd.s32 s11, s20;
	s20 =	sadd.s32 s21, s23;
	[dreg:$0x6] =	wrdreg s13  }
0x16: {  	[dreg:$0x7] =	wrdreg s1;
	s13 =	sshll.u32 s2, $0x7;
	s12 =	sshrl.u32 s17, $0x3  }
0x17: {  	s2 =	simm.s32 @p0 $0x27B0;
	s1 =	sadd.s32 s13, s23;
	s13 =	sshrl.u32 s26, $0x3  }
0x18: {  	s22 =	sadd.s32 s5, s12;
	s23 =	sadd.s32 s14, s23;
	s28 =	sshll.u32 @!p0 s2, $0x7  }
0x19: {  	s2 =	simm.s32 $0x6800;
	s12 =	simm.s32 $0x2;
	[dreg:$0x8] =	wrdreg s1  }
0x1a: {  	s1 =	sadd.s32 s5, s18;
	s18 =	sadd.s32 s11, s21;
	s21 =	sadd.s32 s5, s16  }
0x1b: {  	[dreg:$0x9] =	wrdreg s1;
	s1 =	sadd.s32 s5, s25;
	s19 =	sshrl.u32 s18, $0x3  }
0x1c: {  	s25 =	sadd.s32 s11, s14;
	s14 =	simm.s32 $0x0;
	[dreg:$0xa] =	wrdreg s1  }
0x1d: {  	s1 =	sadd.s32 s5, s13;
	s24 =	sadd.s32 s5, s19;
	s26 =	sshrl.u32 s25, $0x3  }
0x1e: {  	s13 =	simm.s32 $0x1380;
	[dreg:$0xb] =	wrdreg s1;
	s25 =	sadd.s32 s5, s26  }
0x1f: {  	v0 =	vimm.f32 $0.0e+00;
	s26 =	smax.u32 s0, $0x1;
	s0 =	simm.s32 $0x80;
	s1 =	simm.s32 $0x1  }
.LBB2_1:
0x20: {  	s15 =	simm.s32 $0x0;
	s16 =	simm.s32 $0x200  }
.LBB2_2:
0x21: {  	p1 =	sne.s32 s16, $0xFE00;
	[tilespmem:s15+$0x2870] =	vst v0  }
0x22: {  	[tilespmem:s15+$0x2800] =	vst v0  }
0x23: {  	[tilespmem:s15+$0x2810] =	vst v0  }
.Ltmp0:
0x24: {  	[tilespmem:s15+$0x2820] =	vst v0;
	(pc) =	sbr.rel @p1 .LBB2_2-.Ltmp0, $4  }
0x25: {  	[tilespmem:s15+$0x2830] =	vst v0  }
0x26: {  	[tilespmem:s15+$0x2840] =	vst v0  }
0x27: {  	[tilespmem:s15+$0x2850] =	vst v0  }
0x28: {  	[tilespmem:s15+$0x2860] =	vst v0;
	s15 =	sshra.s32 s16, $0x2;
	s16 =	sadd.s32 $0x200, s16  }
0x29: {  	[tilespmem:s15+$0x2870] =	vst v0  }
0x2a: {  	[tilespmem:s15+$0x2800] =	vst v0  }
0x2b: {  	[tilespmem:s15+$0x2810] =	vst v0  }
0x2c: {  	[tilespmem:s15+$0x2820] =	vst v0  }
0x2d: {  	[tilespmem:s15+$0x2830] =	vst v0  }
0x2e: {  	[tilespmem:s15+$0x2840] =	vst v0  }
0x2f: {  	[tilespmem:s15+$0x2850] =	vst v0  }
0x30: {  	[tilespmem:s15+$0x2860] =	vst v0  }
0x31: {  	[spmem:s6] =	stream.linear.scatter [tilespmem:s29], [sflag:$0x3], $0x2800, $0x38;
	[tilespmem:$0x1E300] =	vst v63  }
0x32: {  	_ =	swait.ge [sflag:s30], $0x2800  }
0x33: {  	[sflag:s30] =	ssyncset.done $0x0  }
0x34: {  	[sflag:s30] =	ssyncadd.s32 $0xFFFFD800  }
0x35: {  	[spmem:s7] =	stream.linear.scatter [tilespmem:s29], [sflag:$0x3], $0x2800, $0x38;
	[tilespmem:$0x1E300] =	vst v63  }
0x36: {  	_ =	swait.ge [sflag:s30], $0x2800  }
0x37: {  	[sflag:s30] =	ssyncset.done $0x0  }
0x38: {  	[sflag:s30] =	ssyncadd.s32 $0xFFFFD800  }
0x39: {  	[spmem:s8] =	stream.linear.scatter [tilespmem:s29], [sflag:$0x3], $0x2800, $0x38;
	[tilespmem:$0x1E300] =	vst v63  }
0x3a: {  	_ =	swait.ge [sflag:s30], $0x2800  }
0x3b: {  	[sflag:s30] =	ssyncset.done $0x0  }
0x3c: {  	[sflag:s30] =	ssyncadd.s32 $0xFFFFD800  }
0x3d: {  	[spmem:s9] =	stream.linear.scatter [tilespmem:s29], [sflag:$0x3], $0x2800, $0x38;
	[tilespmem:$0x1E300] =	vst v63  }
0x3e: {  	_ =	swait.ge [sflag:s30], $0x2800  }
0x3f: {  	[sflag:s30] =	ssyncset.done $0x0  }
0x40: {  	[sflag:s30] =	ssyncadd.s32 $0xFFFFD800  }
0x41: {  	[spmem:s10] =	stream.linear.scatter [tilespmem:s29], [sflag:$0x3], $0x2800, $0x38;
	[tilespmem:$0x1E300] =	vst v63  }
0x42: {  	_ =	swait.ge [sflag:s30], $0x2800  }
0x43: {  	[sflag:s30] =	ssyncset.done $0x0  }
0x44: {  	[sflag:s30] =	ssyncadd.s32 $0xFFFFD800  }
0x45: {  	[spmem:s20] =	stream.linear.scatter [tilespmem:s29], [sflag:$0x3], $0x2800, $0x38;
	[tilespmem:$0x1E300] =	vst v63  }
0x46: {  	_ =	swait.ge [sflag:s30], $0x2800  }
0x47: {  	[sflag:s30] =	ssyncset.done $0x0  }
0x48: {  	s15 =	simm.s32 @!p0 $0x2800;
	s16 =	simm.s32 @!p0 $0x3;
	[sflag:s30] =	ssyncadd.s32 $0xFFFFD800  }
0x49: {  	[spmem:s23] =	stream.linear.scatter @!p0 [tilespmem:s15], [sflag:$0x3], $0x2800, $0x38;
	[tilespmem:$0x1E300] =	vst v63  }
0x4a: {  	_ =	swait.ge @!p0 [sflag:s16], $0x2800  }
0x4b: {  	[sflag:s16] =	ssyncset.done @!p0 $0x0  }
0x4c: {  	s17 =	rddreg [dreg:$0x8];
	[sflag:s16] =	ssyncadd.s32 @!p0 $0xFFFFD800  }
0x4d: {  	[spmem:s17] =	stream.linear.scatter @!p0 [tilespmem:s15], [sflag:$0x3], $0x2800, $0x38;
	[tilespmem:$0x1E300] =	vst v63  }
0x4e: {  	_ =	swait.ge @!p0 [sflag:s16], $0x2800  }
0x4f: {  	[sflag:s16] =	ssyncset.done @!p0 $0x0  }
0x50: {  	[sflag:s16] =	ssyncadd.s32 @!p0 $0xFFFFD800  }
0x51: {  	[bflag:$0x0] =	sbarrier.arrive $0xFFFF  }
0x52: {  	s16 =	rddreg [dreg:$0x4]  }
0x53: {  	[tilespmem:s3], [sflag:$0x3] =	stream.linear.gather [hbm4b:s16+s3], $0x1400, $0x38;
	[tilespmem:$0x1E300] =	vst v63  }
0x54: {  	_ =	swait.ge [sflag:s30], $0x1400  }
0x55: {  	[sflag:s30] =	ssyncset.done $0x0  }
0x56: {  	s17 =	rddreg [dreg:$0x5];
	[sflag:s30] =	ssyncadd.s32 $0xFFFFEC00  }
0x57: {  	[tilespmem:s31], [sflag:$0x3] =	stream.linear.gather [hbm4b:s17+s3], $0x1400, $0x38;
	[tilespmem:$0x1E300] =	vst v63  }
0x58: {  	_ =	swait.ge [sflag:s30], $0x1400  }
0x59: {  	[sflag:s30] =	ssyncset.done $0x0  }
0x5a: {  	[sflag:s30] =	ssyncadd.s32 $0xFFFFEC00  }
0x5b: {  	[tilespmem:s29], [sflag:$0x1] =	stream.indirect.gather [hbm4b:s4+s0], $0x80, s3, s0, $0xb8;
	[tilespmem:$0x1E300] =	vst v63  }
0x5c: {  	s18 =	simm.s32 $0x80  }
0x5d: {  	[tilespmem:s2], [sflag:$0x2] =	stream.indirect.gather [hbm4b:s4+s0], $0x80, s18, s0, $0xb8;
	[tilespmem:$0x1E300] =	vst v63  }
0x5e: {  	_ =	swait.ge [sflag:s1], $0x4000  }
0x5f: {  	[sflag:s1] =	ssyncset.done $0x0  }
0x60: {  	[sflag:s1] =	ssyncadd.s32 $0xFFFFC000  }
0x61: {  	[spmem:s6] =	stream.linear.scatter [tilespmem:s29], [sflag:$0x3], $0x4000, $0x38;
	[tilespmem:$0x1E300] =	vst v63  }
0x62: {  	_ =	swait.ge [sflag:s30], $0x4000  }
0x63: {  	[sflag:s30] =	ssyncset.done $0x0  }
0x64: {  	s19 =	simm.s32 $0x100;
	[sflag:s30] =	ssyncadd.s32 $0xFFFFC000  }
0x65: {  	[tilespmem:s29], [sflag:$0x1] =	stream.indirect.gather [hbm4b:s4+s0], $0x80, s19, s0, $0xb8;
	[tilespmem:$0x1E300] =	vst v63  }
0x66: {  	_ =	swait.ge [sflag:s12], $0x4000  }
0x67: {  	[sflag:s12] =	ssyncset.done $0x0  }
0x68: {  	[sflag:s12] =	ssyncadd.s32 $0xFFFFC000  }
0x69: {  	[spmem:s6] =	stream.linear.scatter [tilespmem:s2], [sflag:$0x3], $0x4000, $0x38;
	[tilespmem:$0x1E300] =	vst v63  }
0x6a: {  	_ =	swait.ge [sflag:s30], $0x4000  }
0x6b: {  	s15 =	simm.s32 $0xFFFFEE00;
	s16 =	simm.s32 $0xFFFFBC00;
	[sflag:s30] =	ssyncset.done $0x0  }
.LBB2_4:
0x6c: {  	s17 =	sadd.s32 $0x1380, s15  }
0x6d: {  	[sflag:s30] =	ssyncadd.s32 $0xFFFFC000;
	s18 =	smov.u32 s16;
	s19 =	sadd.s32 $0x400, s16  }
0x6e: {  	[tilespmem:s2], [sflag:$0x2] =	stream.indirect.gather [hbm4b:s4+s0], $0x80, s17, s0, $0xb8;
	[tilespmem:$0x1E300] =	vst v63  }
0x6f: {  	p1 =	sne.s32 s16, $0xFFFFFC00;
	_ =	swait.ge [sflag:s1], $0x4000  }
0x70: {  	[sflag:s1] =	ssyncset.done $0x0  }
0x71: {  	[sflag:s1] =	ssyncadd.s32 $0xFFFFC000  }
0x72: {  	[spmem:s6] =	stream.linear.scatter [tilespmem:s29], [sflag:$0x3], $0x4000, $0x38;
	[tilespmem:$0x1E300] =	vst v63  }
0x73: {  	_ =	swait.ge [sflag:s30], $0x4000  }
0x74: {  	[sflag:s30] =	ssyncset.done $0x0  }
0x75: {  	s15 =	sadd.s32 $0x1400, s15;
	[sflag:s30] =	ssyncadd.s32 $0xFFFFC000  }
0x76: {  	[tilespmem:s29], [sflag:$0x1] =	stream.indirect.gather [hbm4b:s4+s0], $0x80, s15, s0, $0xb8;
	[tilespmem:$0x1E300] =	vst v63  }
0x77: {  	_ =	swait.ge [sflag:s12], $0x4000  }
.Ltmp1:
0x78: {  	[sflag:s12] =	ssyncset.done $0x0;
	(pc) =	sbr.rel @p1 .LBB2_4-.Ltmp1, $4  }
0x79: {  	[sflag:s12] =	ssyncadd.s32 $0xFFFFC000  }
0x7a: {  	[spmem:s6] =	stream.linear.scatter [tilespmem:s2], [sflag:$0x3], $0x4000, $0x38;
	[tilespmem:$0x1E300] =	vst v63  }
0x7b: {  	_ =	swait.ge [sflag:s30], $0x4000  }
0x7c: {  	s16 =	smov.u32 s19;
	s15 =	sshra.s32 s18, $0x2;
	[sflag:s30] =	ssyncset.done $0x0  }
0x7d: {  	s16 =	sadd.s32 $0x1380, s15;
	[sflag:s30] =	ssyncadd.s32 $0xFFFFC000  }
0x7e: {  	[tilespmem:s2], [sflag:$0x2] =	stream.indirect.gather [hbm4b:s4+s0], $0x80, s16, s0, $0xb8;
	[tilespmem:$0x1E300] =	vst v63  }
0x7f: {  	_ =	swait.ge [sflag:s1], $0x4000  }
0x80: {  	[sflag:s1] =	ssyncset.done $0x0  }
0x81: {  	[sflag:s1] =	ssyncadd.s32 $0xFFFFC000  }
0x82: {  	[spmem:s6] =	stream.linear.scatter [tilespmem:s29], [sflag:$0x3], $0x4000, $0x38;
	[tilespmem:$0x1E300] =	vst v63  }
0x83: {  	_ =	swait.ge [sflag:s30], $0x4000  }
0x84: {  	[sflag:s30] =	ssyncset.done $0x0  }
0x85: {  	s19 =	sadd.s32 $0x1400, s15;
	[sflag:s30] =	ssyncadd.s32 $0xFFFFC000  }
0x86: {  	[tilespmem:s29], [sflag:$0x1] =	stream.indirect.gather [hbm4b:s4+s0], $0x80, s19, s0, $0xb8;
	[tilespmem:$0x1E300] =	vst v63  }
0x87: {  	_ =	swait.ge [sflag:s12], $0x4000  }
0x88: {  	[sflag:s12] =	ssyncset.done $0x0  }
0x89: {  	[sflag:s12] =	ssyncadd.s32 $0xFFFFC000  }
0x8a: {  	[spmem:s6] =	stream.linear.scatter [tilespmem:s2], [sflag:$0x3], $0x4000, $0x38;
	[tilespmem:$0x1E300] =	vst v63  }
0x8b: {  	_ =	swait.ge [sflag:s30], $0x4000  }
0x8c: {  	[sflag:s30] =	ssyncset.done $0x0  }
0x8d: {  	[sflag:s30] =	ssyncadd.s32 $0xFFFFC000  }
0x8e: {  	[tilespmem:s2], [sflag:$0x2] =	stream.indirect.gather [hbm4b:s4+s0], $0x80, s13, s0, $0xb8;
	[tilespmem:$0x1E300] =	vst v63  }
0x8f: {  	_ =	swait.ge [sflag:s1], $0x4000  }
0x90: {  	[sflag:s1] =	ssyncset.done $0x0  }
0x91: {  	[sflag:s1] =	ssyncadd.s32 $0xFFFFC000  }
0x92: {  	[spmem:s6] =	stream.linear.scatter [tilespmem:s29], [sflag:$0x3], $0x4000, $0x38;
	[tilespmem:$0x1E300] =	vst v63  }
0x93: {  	_ =	swait.ge [sflag:s30], $0x4000  }
0x94: {  	[sflag:s30] =	ssyncset.done $0x0  }
0x95: {  	[sflag:s30] =	ssyncadd.s32 $0xFFFFC000  }
0x96: {  	_ =	swait.ge [sflag:s12], $0x4000  }
0x97: {  	[sflag:s12] =	ssyncset.done $0x0  }
0x98: {  	[sflag:s12] =	ssyncadd.s32 $0xFFFFC000  }
0x99: {  	[spmem:s6] =	stream.linear.scatter [tilespmem:s2], [sflag:$0x3], $0x4000, $0x38;
	[tilespmem:$0x1E300] =	vst v63  }
0x9a: {  	_ =	swait.ge [sflag:s30], $0x4000  }
0x9b: {  	[sflag:s30] =	ssyncset.done $0x0  }
0x9c: {  	s16 =	rddreg [dreg:$0x6];
	[sflag:s30] =	ssyncadd.s32 $0xFFFFC000  }
0x9d: {  	[tilespmem:s3], [sflag:$0x3] =	stream.linear.gather [hbm4b:s16+s3], $0x1400, $0x38;
	[tilespmem:$0x1E300] =	vst v63  }
0x9e: {  	_ =	swait.ge [sflag:s30], $0x1400  }
0x9f: {  	[sflag:s30] =	ssyncset.done $0x0  }
0xa0: {  	s17 =	rddreg [dreg:$0x7];
	[sflag:s30] =	ssyncadd.s32 $0xFFFFEC00  }
0xa1: {  	[tilespmem:s31], [sflag:$0x3] =	stream.linear.gather [hbm4b:s17+s3], $0x1400, $0x38;
	[tilespmem:$0x1E300] =	vst v63  }
0xa2: {  	_ =	swait.ge [sflag:s30], $0x1400  }
0xa3: {  	[sflag:s30] =	ssyncset.done $0x0  }
0xa4: {  	[sflag:s30] =	ssyncadd.s32 $0xFFFFEC00  }
0xa5: {  	[tilespmem:s29], [sflag:$0x1] =	stream.indirect.gather [hbm4b:s4+s0], $0x80, s3, s0, $0xb8;
	[tilespmem:$0x1E300] =	vst v63  }
0xa6: {  	s18 =	simm.s32 $0x80  }
0xa7: {  	[tilespmem:s2], [sflag:$0x2] =	stream.indirect.gather [hbm4b:s4+s0], $0x80, s18, s0, $0xb8;
	[tilespmem:$0x1E300] =	vst v63  }
0xa8: {  	_ =	swait.ge [sflag:s1], $0x4000  }
0xa9: {  	[sflag:s1] =	ssyncset.done $0x0  }
0xaa: {  	[sflag:s1] =	ssyncadd.s32 $0xFFFFC000  }
0xab: {  	[spmem:s6] =	stream.linear.scatter [tilespmem:s29], [sflag:$0x3], $0x4000, $0x38;
	[tilespmem:$0x1E300] =	vst v63  }
0xac: {  	_ =	swait.ge [sflag:s30], $0x4000  }
0xad: {  	[sflag:s30] =	ssyncset.done $0x0  }
0xae: {  	s19 =	simm.s32 $0x100;
	[sflag:s30] =	ssyncadd.s32 $0xFFFFC000  }
0xaf: {  	[tilespmem:s29], [sflag:$0x1] =	stream.indirect.gather [hbm4b:s4+s0], $0x80, s19, s0, $0xb8;
	[tilespmem:$0x1E300] =	vst v63  }
0xb0: {  	_ =	swait.ge [sflag:s12], $0x4000  }
0xb1: {  	[sflag:s12] =	ssyncset.done $0x0  }
0xb2: {  	[sflag:s12] =	ssyncadd.s32 $0xFFFFC000  }
0xb3: {  	[spmem:s6] =	stream.linear.scatter [tilespmem:s2], [sflag:$0x3], $0x4000, $0x38;
	[tilespmem:$0x1E300] =	vst v63  }
0xb4: {  	_ =	swait.ge [sflag:s30], $0x4000  }
0xb5: {  	s15 =	simm.s32 $0xFFFFEE00;
	s16 =	simm.s32 $0xFFFFBC00;
	[sflag:s30] =	ssyncset.done $0x0  }
.LBB2_6:
0xb6: {  	s17 =	sadd.s32 $0x1380, s15  }
0xb7: {  	[sflag:s30] =	ssyncadd.s32 $0xFFFFC000;
	s18 =	smov.u32 s16;
	s19 =	sadd.s32 $0x400, s16  }
0xb8: {  	[tilespmem:s2], [sflag:$0x2] =	stream.indirect.gather [hbm4b:s4+s0], $0x80, s17, s0, $0xb8;
	[tilespmem:$0x1E300] =	vst v63  }
0xb9: {  	p1 =	sne.s32 s16, $0xFFFFFC00;
	_ =	swait.ge [sflag:s1], $0x4000  }
0xba: {  	[sflag:s1] =	ssyncset.done $0x0  }
0xbb: {  	[sflag:s1] =	ssyncadd.s32 $0xFFFFC000  }
0xbc: {  	[spmem:s6] =	stream.linear.scatter [tilespmem:s29], [sflag:$0x3], $0x4000, $0x38;
	[tilespmem:$0x1E300] =	vst v63  }
0xbd: {  	_ =	swait.ge [sflag:s30], $0x4000  }
0xbe: {  	[sflag:s30] =	ssyncset.done $0x0  }
0xbf: {  	s15 =	sadd.s32 $0x1400, s15;
	[sflag:s30] =	ssyncadd.s32 $0xFFFFC000  }
0xc0: {  	[tilespmem:s29], [sflag:$0x1] =	stream.indirect.gather [hbm4b:s4+s0], $0x80, s15, s0, $0xb8;
	[tilespmem:$0x1E300] =	vst v63  }
0xc1: {  	_ =	swait.ge [sflag:s12], $0x4000  }
.Ltmp2:
0xc2: {  	[sflag:s12] =	ssyncset.done $0x0;
	(pc) =	sbr.rel @p1 .LBB2_6-.Ltmp2, $4  }
0xc3: {  	[sflag:s12] =	ssyncadd.s32 $0xFFFFC000  }
0xc4: {  	[spmem:s6] =	stream.linear.scatter [tilespmem:s2], [sflag:$0x3], $0x4000, $0x38;
	[tilespmem:$0x1E300] =	vst v63  }
0xc5: {  	_ =	swait.ge [sflag:s30], $0x4000  }
0xc6: {  	s16 =	smov.u32 s19;
	s15 =	sshra.s32 s18, $0x2;
	[sflag:s30] =	ssyncset.done $0x0  }
0xc7: {  	s16 =	sadd.s32 $0x1380, s15;
	[sflag:s30] =	ssyncadd.s32 $0xFFFFC000  }
0xc8: {  	[tilespmem:s2], [sflag:$0x2] =	stream.indirect.gather [hbm4b:s4+s0], $0x80, s16, s0, $0xb8;
	[tilespmem:$0x1E300] =	vst v63  }
0xc9: {  	_ =	swait.ge [sflag:s1], $0x4000  }
0xca: {  	[sflag:s1] =	ssyncset.done $0x0  }
0xcb: {  	[sflag:s1] =	ssyncadd.s32 $0xFFFFC000  }
0xcc: {  	[spmem:s6] =	stream.linear.scatter [tilespmem:s29], [sflag:$0x3], $0x4000, $0x38;
	[tilespmem:$0x1E300] =	vst v63  }
0xcd: {  	_ =	swait.ge [sflag:s30], $0x4000  }
0xce: {  	[sflag:s30] =	ssyncset.done $0x0  }
0xcf: {  	s16 =	sadd.s32 $0x1400, s15;
	[sflag:s30] =	ssyncadd.s32 $0xFFFFC000  }
0xd0: {  	[tilespmem:s29], [sflag:$0x1] =	stream.indirect.gather [hbm4b:s4+s0], $0x80, s16, s0, $0xb8;
	[tilespmem:$0x1E300] =	vst v63  }
0xd1: {  	_ =	swait.ge [sflag:s12], $0x4000  }
0xd2: {  	[sflag:s12] =	ssyncset.done $0x0  }
0xd3: {  	[sflag:s12] =	ssyncadd.s32 $0xFFFFC000  }
0xd4: {  	[spmem:s6] =	stream.linear.scatter [tilespmem:s2], [sflag:$0x3], $0x4000, $0x38;
	[tilespmem:$0x1E300] =	vst v63  }
0xd5: {  	_ =	swait.ge [sflag:s30], $0x4000  }
0xd6: {  	[sflag:s30] =	ssyncset.done $0x0  }
0xd7: {  	[sflag:s30] =	ssyncadd.s32 $0xFFFFC000  }
0xd8: {  	[tilespmem:s2], [sflag:$0x2] =	stream.indirect.gather [hbm4b:s4+s0], $0x80, s13, s0, $0xb8;
	[tilespmem:$0x1E300] =	vst v63  }
0xd9: {  	_ =	swait.ge [sflag:s1], $0x4000  }
0xda: {  	[sflag:s1] =	ssyncset.done $0x0  }
0xdb: {  	[sflag:s1] =	ssyncadd.s32 $0xFFFFC000  }
0xdc: {  	[spmem:s6] =	stream.linear.scatter [tilespmem:s29], [sflag:$0x3], $0x4000, $0x38;
	[tilespmem:$0x1E300] =	vst v63  }
0xdd: {  	_ =	swait.ge [sflag:s30], $0x4000  }
0xde: {  	[sflag:s30] =	ssyncset.done $0x0  }
0xdf: {  	[sflag:s30] =	ssyncadd.s32 $0xFFFFC000  }
0xe0: {  	_ =	swait.ge [sflag:s12], $0x4000  }
0xe1: {  	[sflag:s12] =	ssyncset.done $0x0  }
0xe2: {  	[sflag:s12] =	ssyncadd.s32 $0xFFFFC000  }
0xe3: {  	[spmem:s6] =	stream.linear.scatter [tilespmem:s2], [sflag:$0x3], $0x4000, $0x38;
	[tilespmem:$0x1E300] =	vst v63  }
0xe4: {  	_ =	swait.ge [sflag:s30], $0x4000  }
0xe5: {  	[sflag:s30] =	ssyncset.done $0x0  }
0xe6: {  	[sflag:s30] =	ssyncadd.s32 $0xFFFFC000  }
0xe7: {  	[bflag:$0x0] =	sbarrier.arrive $0xFFFF  }
0xe8: {  	[tilespmem:s29], [sflag:$0x3] =	stream.linear.gather [spmem:s6], $0x2800, $0x38;
	[tilespmem:$0x1E300] =	vst v63  }
0xe9: {  	_ =	swait.ge [sflag:s30], $0x2800  }
0xea: {  	[sflag:s30] =	ssyncset.done $0x0  }
0xeb: {  	s17 =	rddreg [dreg:$0x9];
	[sflag:s30] =	ssyncadd.s32 $0xFFFFD800  }
0xec: {  	[hbm4b:s17+s3] =	stream.linear.scatter [tilespmem:s29], [sflag:$0x3], $0x2800, $0x38;
	[tilespmem:$0x1E300] =	vst v63  }
0xed: {  	_ =	swait.ge [sflag:s30], $0x2800  }
0xee: {  	[sflag:s30] =	ssyncset.done $0x0  }
0xef: {  	[sflag:s30] =	ssyncadd.s32 $0xFFFFD800  }
0xf0: {  	[tilespmem:s29], [sflag:$0x3] =	stream.linear.gather [spmem:s7], $0x2800, $0x38;
	[tilespmem:$0x1E300] =	vst v63  }
0xf1: {  	_ =	swait.ge [sflag:s30], $0x2800  }
0xf2: {  	[sflag:s30] =	ssyncset.done $0x0  }
0xf3: {  	s18 =	rddreg [dreg:$0xa];
	[sflag:s30] =	ssyncadd.s32 $0xFFFFD800  }
0xf4: {  	[hbm4b:s18+s3] =	stream.linear.scatter [tilespmem:s29], [sflag:$0x3], $0x2800, $0x38;
	[tilespmem:$0x1E300] =	vst v63  }
0xf5: {  	_ =	swait.ge [sflag:s30], $0x2800  }
0xf6: {  	[sflag:s30] =	ssyncset.done $0x0  }
0xf7: {  	[sflag:s30] =	ssyncadd.s32 $0xFFFFD800  }
0xf8: {  	[tilespmem:s29], [sflag:$0x3] =	stream.linear.gather [spmem:s8], $0x2800, $0x38;
	[tilespmem:$0x1E300] =	vst v63  }
0xf9: {  	_ =	swait.ge [sflag:s30], $0x2800  }
0xfa: {  	[sflag:s30] =	ssyncset.done $0x0  }
0xfb: {  	s19 =	rddreg [dreg:$0xb];
	[sflag:s30] =	ssyncadd.s32 $0xFFFFD800  }
0xfc: {  	[hbm4b:s19+s3] =	stream.linear.scatter [tilespmem:s29], [sflag:$0x3], $0x2800, $0x38;
	[tilespmem:$0x1E300] =	vst v63  }
0xfd: {  	_ =	swait.ge [sflag:s30], $0x2800  }
0xfe: {  	[sflag:s30] =	ssyncset.done $0x0  }
0xff: {  	[sflag:s30] =	ssyncadd.s32 $0xFFFFD800  }
0x100: {  	[tilespmem:s29], [sflag:$0x3] =	stream.linear.gather [spmem:s9], $0x2800, $0x38;
	[tilespmem:$0x1E300] =	vst v63  }
0x101: {  	_ =	swait.ge [sflag:s30], $0x2800  }
0x102: {  	[sflag:s30] =	ssyncset.done $0x0  }
0x103: {  	[sflag:s30] =	ssyncadd.s32 $0xFFFFD800  }
0x104: {  	[hbm4b:s21+s3] =	stream.linear.scatter [tilespmem:s29], [sflag:$0x3], $0x2800, $0x38;
	[tilespmem:$0x1E300] =	vst v63  }
0x105: {  	_ =	swait.ge [sflag:s30], $0x2800  }
0x106: {  	[sflag:s30] =	ssyncset.done $0x0  }
0x107: {  	[sflag:s30] =	ssyncadd.s32 $0xFFFFD800  }
0x108: {  	[tilespmem:s29], [sflag:$0x3] =	stream.linear.gather [spmem:s10], $0x2800, $0x38;
	[tilespmem:$0x1E300] =	vst v63  }
0x109: {  	_ =	swait.ge [sflag:s30], $0x2800  }
0x10a: {  	[sflag:s30] =	ssyncset.done $0x0  }
0x10b: {  	[sflag:s30] =	ssyncadd.s32 $0xFFFFD800  }
0x10c: {  	[hbm4b:s22+s3] =	stream.linear.scatter [tilespmem:s29], [sflag:$0x3], $0x2800, $0x38;
	[tilespmem:$0x1E300] =	vst v63  }
0x10d: {  	_ =	swait.ge [sflag:s30], $0x2800  }
0x10e: {  	[sflag:s30] =	ssyncset.done $0x0  }
0x10f: {  	s15 =	simm.s32 @!p0 $0x2800;
	s16 =	simm.s32 @!p0 $0x3;
	[sflag:s30] =	ssyncadd.s32 $0xFFFFD800  }
0x110: {  	[tilespmem:s15], [sflag:$0x3] =	stream.linear.gather @!p0 [spmem:s20], $0x2800, $0x38;
	[tilespmem:$0x1E300] =	vst v63  }
0x111: {  	_ =	swait.ge @!p0 [sflag:s16], $0x2800  }
0x112: {  	[sflag:s16] =	ssyncset.done @!p0 $0x0  }
0x113: {  	s17 =	simm.s32 @!p0 $0x0;
	[sflag:s16] =	ssyncadd.s32 @!p0 $0xFFFFD800  }
0x114: {  	[hbm4b:s24+s17] =	stream.linear.scatter @!p0 [tilespmem:s15], [sflag:$0x3], $0x2800, $0x38;
	[tilespmem:$0x1E300] =	vst v63  }
0x115: {  	_ =	swait.ge @!p0 [sflag:s16], $0x2800  }
0x116: {  	[sflag:s16] =	ssyncset.done @!p0 $0x0  }
0x117: {  	[sflag:s16] =	ssyncadd.s32 @!p0 $0xFFFFD800  }
0x118: {  	[tilespmem:s15], [sflag:$0x3] =	stream.linear.gather @!p0 [spmem:s23], $0x2800, $0x38;
	[tilespmem:$0x1E300] =	vst v63  }
0x119: {  	_ =	swait.ge @!p0 [sflag:s16], $0x2800  }
0x11a: {  	[sflag:s16] =	ssyncset.done @!p0 $0x0  }
0x11b: {  	[sflag:s16] =	ssyncadd.s32 @!p0 $0xFFFFD800  }
0x11c: {  	[hbm4b:s25+s17] =	stream.linear.scatter @!p0 [tilespmem:s15], [sflag:$0x3], $0x2800, $0x38;
	[tilespmem:$0x1E300] =	vst v63  }
0x11d: {  	_ =	swait.ge @!p0 [sflag:s16], $0x2800  }
0x11e: {  	[sflag:s16] =	ssyncset.done @!p0 $0x0  }
0x11f: {  	[sflag:s16] =	ssyncadd.s32 @!p0 $0xFFFFD800  }
0x120: {  	s18 =	rddreg [dreg:$0x2]  }
0x121: {  	s18 =	sadd.s32 @!p0 s28, s18  }
0x122: {  	[tilespmem:s15], [sflag:$0x3] =	stream.linear.gather @!p0 [spmem:s18], $0x2800, $0x38;
	[tilespmem:$0x1E300] =	vst v63  }
0x123: {  	s14 =	sadd.s32 $0x1, s14;
	s18 =	sadd.s32 @!p0 s11, s28;
	_ =	swait.ge @!p0 [sflag:s16], $0x2800  }
0x124: {  	p1 =	sne.s32 s14, s26;
	s18 =	sshrl.u32 @!p0 s18, $0x3;
	[sflag:s16] =	ssyncset.done @!p0 $0x0  }
.Ltmp3:
0x125: {  	s18 =	sadd.s32 @!p0 s5, s18;
	[sflag:s16] =	ssyncadd.s32 @!p0 $0xFFFFD800;
	(pc) =	sbr.rel @p1 .LBB2_1-.Ltmp3, $4  }
0x126: {  	[hbm4b:s18+s17] =	stream.linear.scatter @!p0 [tilespmem:s15], [sflag:$0x3], $0x2800, $0x38;
	[tilespmem:$0x1E300] =	vst v63  }
0x127: {  	_ =	swait.ge @!p0 [sflag:s16], $0x2800  }
0x128: {  	[sflag:s16] =	ssyncset.done @!p0 $0x0  }
0x129: {  	[sflag:s16] =	ssyncadd.s32 @!p0 $0xFFFFD800  }
0x12a: {  	_ =	sfence.sel $0x180000  }
0x12b: {  	[bflag:$0x0] =	sbarrier.arrive $0xFFFF  }
0x12c: {  	_ =	strace $0x9000004A  }
0x12d: {  	s0 =	stileid.u32;
	[bflag:$0x2] =	sbarrier.arrive $0xFFFF  }
0x12e: {  	p0 =	sne.s32 s0, $0x0;
	s0 =	rddreg [dreg:$0x3]  }
0x12f: {  	s0 =	sadd.s32 @!p0 $0x100000, s0  }
0x130: {  	[sflag:s0] =	ssyncadd.tile.s32 @!p0 $0x1;
	_ =	shalt  }
.Lfunc_end2:
_tile_overlayer_lowered:
.L_overlay_start_2:
0x131: {  	(tag) =	ssettag $0x2  }
0x132: {  	s0 =	rddreg [dreg:$0x0];
	s2 =	stileid.u32  }
0x133: {  	s1 =	rddreg [dreg:$0x1];
	p0 =	sne.s32 s2, $0x0  }
0x134: {  	s3 =	rddreg [dreg:$0x2];
	[bflag:$0x3] =	sbarrier.arrive $0xFFFF;
	s2 =	simm.s32 @!p0 $0x1C03  }
0x135: {  	[timem:s3], [sflag:s2] =	dma.local @!p0 [hbm:s0], s1  }
0x136: {  	s0 =	simm.s32 @!p0 $0x3  }
0x137: {  	_ =	swait.ge @!p0 [sflag:s0], s1  }
0x138: {  	s1 =	ssub.s32 @!p0 $0x0, s1;
	[sflag:s0] =	ssyncset.done @!p0 $0x0  }
0x139: {  	[sflag:s0] =	ssyncadd.s32 @!p0 s1  }
0x13a: {  	[bflag:$0x3] =	sbarrier.arrive $0xFFFF  }
0x13b: {  	_ =	shalt  }

// kernel: kernel.15.cloned.1.call-start
scs
__scs_entry_jumppad:
0x0: {  	(pc) =	sbr.rel $0x88, $3  }
0x1: {  	(tag) =	ssettag $0x0;
	lr =	simm.s32 $0x1  }
0x2: {  	[smem:$0x3F90] =	sst lr;
	_ =	strace $0xD0000000  }
0x3: {  	_ = 	snop  }
0x4: {  	_ = 	snop  }
0x5: {  	_ = 	snop  }
0x6: {  	_ = 	snop  }
0x7: {  	_ = 	snop  }
__scs_overlays_trampoline_lowered:
0x8: {  	[smem:$0x3F9F] =	sst s0  }
0x9: {  	[smem:$0x3FA0] =	sst s1  }
0xa: {  	[smem:$0x3FA1] =	sst s2  }
0xb: {  	[smem:$0x3FA2] =	sst s3  }
0xc: {  	[smem:$0x3FA3] =	sst s4  }
0xd: {  	[smem:$0x3FA4] =	sst s5  }
0xe: {  	[smem:$0x3FA5] =	sst s6  }
0xf: {  	[smem:$0x3FA6] =	sst s7  }
0x10: {  	[smem:$0x3FA7] =	sst s8  }
0x11: {  	[smem:$0x3FA8] =	sst s9;
	s0 =	simm.s32 @!p0 $0x0  }
0x12: {  	s1 =	sld [smem:$0x3F8E];
	s0 =	simm.s32 @p0 $0x1  }
0x13: {  	[smem:$0x3FA9] =	sst s0;
	s0 =	simm.s32 @!p1 $0x0  }
0x14: {  	s2 =	sld [smem:$0x3F8D];
	s0 =	simm.s32 @p1 $0x1  }
0x15: {  	[smem:$0x3FAA] =	sst s0;
	s0 =	simm.s32 @!p2 $0x0  }
0x16: {  	s3 =	sld [smem:$0x3FDB];
	s0 =	simm.s32 @p2 $0x1  }
0x17: {  	s4 =	simm.s32 $0x1BF5;
	[smem:$0x3FAC] =	sst s0  }
0x18: {  	s0 =	sld [smem:$0x3F8F];
	_ =	swait.ge [sflag:s4], $0x0  }
0x19: {  	s7 =	sld [smem:$0x3F90]  }
0x1a: {  	s8 =	sadd.s32 $0xFFFFE003, lr  }
0x1b: {  	s9 =	sadd.s32 $0xFFFFFEF7, lr;
	s5 =	simm.s32 $0xFFFFFFFF;
	p2 =	slt.u32 s8, $0xFFFFF086  }
0x1c: {  	p1 =	slt.u32 s9, $0xF7A;
	s5 =	simm.s32 @!p2 $0x0  }
0x1d: {  	s5 =	simm.s32 @p1 $0x1;
	p0 =	seq.s32 s7, s2  }
0x1e: {  	s7 =	smul.u32 @!p0 $0xF7A, s2;
	p2 =	seq.s32 @!p0 s5, $0x0  }
0x1f: {  	s9 =	smul.u32 $0xF7A, s1;
	s8 =	simm.s32 @!p0 $0x1BF5;
	p2 =	por !p2, p0  }
0x20: {  	[sflag:s8] =	ssyncset.s32 @!p0 $0xFFFFF086;
	s6 =	sadd.s32 @!p0 s3, s7;
	s7 =	simm.s32 @!p0 $0x108  }
0x21: {  	s3 =	sadd.s32 s3, s9;
	s6 =	sadd.s32 @!p0 $0x88, s6;
	s7 =	simm.s32 @p2 $0x1082  }
0x22: {  	[simem:s7], [sflag:s8] =	dma.local @!p0 [hbm:s6], $0xF7A  }
0x23: {  	s9 =	sor.u32 $0xD0000000, s2;
	s6 =	simm.s32 $0x108;
	_ =	swait.ge @!p0 [sflag:s8], $0x0  }
0x24: {  	s3 =	sadd.s32 $0x88, s3;
	s6 =	simm.s32 @!p1 $0x1082;
	[sflag:s4] =	ssyncset.s32 $0xFFFFF086  }
0x25: {  	[simem:s6], [sflag:s4] =	dma.local [hbm:s3], $0xF7A  }
0x26: {  	[smem:$0x3F90] =	sst s1;
	(tag) =	ssettag s2;
	_ =	strace s9  }
0x27: {  	s1 =	sld [smem:$0x3FA0]  }
0x28: {  	s2 =	sld [smem:$0x3FA1]  }
0x29: {  	s4 =	sld [smem:$0x3FA3]  }
0x2a: {  	p0 =	seq.s32 s5, $0x0;
	s5 =	sld [smem:$0x3FA4]  }
0x2b: {  	s6 =	sld [smem:$0x3FA5]  }
0x2c: {  	s7 =	sld [smem:$0x3FA6]  }
0x2d: {  	s3 =	simm.s32 $0x108;
	s8 =	sld [smem:$0x3FA7]  }
0x2e: {  	s3 =	simm.s32 @!p0 $0x1082;
	s9 =	sld [smem:$0x3FA8]  }
0x2f: {  	lr =	sadd.s32 s0, s3;
	s0 =	sld [smem:$0x3F9F]  }
0x30: {  	s3 =	sld [smem:$0x3FA2]  }
0x31: {  	[smem:$0x3FAB] =	sst s10  }
0x32: {  	s10 =	sld [smem:$0x3FA9];
	_ =	sdelay $0x3  }
0x33: {  	p0 =	seq.s32 s10, $0x1;
	s10 =	sld [smem:$0x3FAB];
	_ =	sdelay $0x3  }
0x34: {  	[smem:$0x3FAB] =	sst s10  }
0x35: {  	s10 =	sld [smem:$0x3FAA];
	_ =	sdelay $0x3  }
0x36: {  	p1 =	seq.s32 s10, $0x1;
	s10 =	sld [smem:$0x3FAB];
	_ =	sdelay $0x3  }
0x37: {  	[smem:$0x3FAB] =	sst s10  }
0x38: {  	s10 =	sld [smem:$0x3FAC]  }
0x39: {  	_ = 	snop;
	(pc) =	sbr.ind lr, $3  }
0x3a: {  	_ = 	snop  }
0x3b: {  	_ = 	snop  }
0x3c: {  	p2 =	seq.s32 s10, $0x1;
	s10 =	sld [smem:$0x3FAB]  }
0x3d: {  	_ =	shalt  }
0x3e: {  	_ =	shalt  }
0x3f: {  	_ =	shalt  }
0x40: {  	_ =	shalt  }
0x41: {  	_ =	shalt  }
0x42: {  	_ =	shalt  }
0x43: {  	_ =	shalt  }
0x44: {  	_ =	shalt  }
0x45: {  	_ =	shalt  }
0x46: {  	_ =	shalt  }
0x47: {  	_ =	shalt  }
0x48: {  	_ =	shalt  }
0x49: {  	_ =	shalt  }
0x4a: {  	_ =	shalt  }
0x4b: {  	_ =	shalt  }
0x4c: {  	_ =	shalt  }
0x4d: {  	_ =	shalt  }
0x4e: {  	_ =	shalt  }
0x4f: {  	_ =	shalt  }
0x50: {  	_ =	shalt  }
0x51: {  	_ =	shalt  }
0x52: {  	_ =	shalt  }
0x53: {  	_ =	shalt  }
0x54: {  	_ =	shalt  }
0x55: {  	_ =	shalt  }
0x56: {  	_ =	shalt  }
0x57: {  	_ =	shalt  }
0x58: {  	_ =	shalt  }
0x59: {  	_ =	shalt  }
0x5a: {  	_ =	shalt  }
0x5b: {  	_ =	shalt  }
0x5c: {  	_ =	shalt  }
0x5d: {  	_ =	shalt  }
0x5e: {  	_ =	shalt  }
0x5f: {  	_ =	shalt  }
0x60: {  	_ =	shalt  }
0x61: {  	_ =	shalt  }
0x62: {  	_ =	shalt  }
0x63: {  	_ =	shalt  }
0x64: {  	_ =	shalt  }
0x65: {  	_ =	shalt  }
0x66: {  	_ =	shalt  }
0x67: {  	_ =	shalt  }
0x68: {  	_ =	shalt  }
0x69: {  	_ =	shalt  }
0x6a: {  	_ =	shalt  }
0x6b: {  	_ =	shalt  }
0x6c: {  	_ =	shalt  }
0x6d: {  	_ =	shalt  }
0x6e: {  	_ =	shalt  }
0x6f: {  	_ =	shalt  }
0x70: {  	_ =	shalt  }
0x71: {  	_ =	shalt  }
0x72: {  	_ =	shalt  }
0x73: {  	_ =	shalt  }
0x74: {  	_ =	shalt  }
0x75: {  	_ =	shalt  }
0x76: {  	_ =	shalt  }
0x77: {  	_ =	shalt  }
0x78: {  	_ =	shalt  }
0x79: {  	_ =	shalt  }
0x7a: {  	_ =	shalt  }
0x7b: {  	_ =	shalt  }
0x7c: {  	_ =	shalt  }
0x7d: {  	_ =	shalt  }
0x7e: {  	_ =	shalt  }
0x7f: {  	_ =	shalt  }
0x80: {  	_ =	shalt  }
0x81: {  	_ =	shalt  }
0x82: {  	_ =	shalt  }
0x83: {  	_ =	shalt  }
0x84: {  	_ =	shalt  }
0x85: {  	_ =	shalt  }
0x86: {  	_ =	shalt  }
0x87: {  	_ =	shalt  }
.Lfunc_end0:
.L_simem_size_0:
called_computation.2_lowered:
.L_overlay_start_0:
0x88: {  	s2 =	sld [smem:$0x3FD9]  }
0x89: {  	s3 =	sld [smem:$0x3FFE];
	_ =	sdelay $0x1  }
0x8a: {  	s1 =	srdreg.scid  }
0x8b: {  	s0 =	sand.u32 $0x1, s1  }
0x8c: {  	s14 =	sshll.u32 s0, $0xA;
	s2 =	sadd.s32 s3, s2  }
0x8d: {  	s2 =	sadd.s32 s2, s14  }
0x8e: {  	[smem:$0x3FB7] =	sst s2  }
0x8f: {  	_ = 	snop  }
0x90: {  	s2 =	sld [smem:$0x3FD0];
	_ =	sdelay $0x2  }
0x91: {  	s15 =	simm.s32 $0xA;
	s4 =	simm.s32 $0x10  }
0x92: {  	[smem:s4], [sflag:s15] =	dma.local [hbm:s2], $0x1  }
0x93: {  	_ =	swait.eq [sflag:s15], $0x1  }
0x94: {  	[sflag:s15] =	ssyncset.done $0x0  }
0x95: {  	[sflag:s15] =	ssyncadd.s32 $0xFFFFFFFF  }
0x96: {  	s16 =	sld [smem:$0x10];
	(tm) =	ssettm $0x1  }
0x97: {  	s17 =	sld [smem:$0x3FFB];
	_ =	sdelay $0x3  }
0x98: {  	_ =	strace s17  }
0x99: {  	s3 =	sld [smem:$0x3FFC];
	_ =	sdelay $0x3  }
0x9a: {  	_ =	strace s3  }
0x9b: {  	s3 =	sld [smem:$0x3FFD];
	_ =	sdelay $0x3  }
0x9c: {  	_ =	strace s3  }
0x9d: {  	_ =	strace $0x8FFFFFFF  }
0x9e: {  	s18 =	sld [smem:$0x3FDB];
	_ =	sdelay $0x1  }
0x9f: {  	s19 =	simm.s32 $_scs_section_size  }
0xa0: {  	s5 =	simm.s32 $_size__tile_overlayer_lowered;
	s6 =	simm.s32 $_tile_overlayer_lowered  }
0xa1: {  	s22 =	simm.s32 $0x1BFF;
	s21 =	sshll.u32 s6, $0x1;
	s3 =	sadd.s32 s19, s18  }
0xa2: {  	s7 =	simm.s32 $0x0;
	s20 =	sshll.u32 s5, $0x1;
	s5 =	sadd.s32 s21, s3  }
0xa3: {  	[timem:s7], [sflag:s22] =	dma.local [hbm:s5], s20  }
0xa4: {  	_ =	swait.ge [sflag:s22], s20  }
0xa5: {  	s4 =	ssub.s32 $0x0, s20;
	[sflag:s22] =	ssyncset.done $0x0  }
0xa6: {  	[sflag:s22] =	ssyncadd.s32 s4;
	_ =	sdelay $0x1  }
0xa7: {  	s23 =	simm.s32 $0x1B8B  }
0xa8: {  	_ =	swait.ge [sflag:s23], $0x1  }
0xa9: {  	[sflag:s23] =	ssyncset.done $0x0  }
0xaa: {  	s25 =	simm.s32 $0x1B8E;
	s24 =	sld [smem:$0x3FFE];
	[sflag:s23] =	ssyncadd.s32 $0xFFFFFFFF  }
0xab: {  	s26 =	simm.s32 $execute0_lowered;
	[smem:$0x3FD2] =	sst s25  }
0xac: {  	s5 =	sshll.u32 s26, $0x1;
	_ =	strace $0x8000004C;
	[dreg:$0x1] =	wrdreg $0xFFFFFFFF  }
0xad: {  	s28 =	simm.s32 $_size_execute0_lowered;
	s3 =	sadd.s32 s3, s5;
	[dreg:$0x0] =	wrdreg $0x0  }
0xae: {  	s5 =	sshll.u32 s28, $0x1;
	[dreg:$0x2] =	wrdreg s3  }
0xaf: {  	[dreg:$0x3] =	wrdreg s5  }
0xb0: {  	[dreg:$0x4] =	wrdreg $0xC0  }
0xb1: {  	_ =	task [dreg:s7], $0x5FFFF  }
0xb2: {  	[dreg:$0x1] =	wrdreg $0xFFFFFFFF  }
0xb3: {  	[dreg:$0x0] =	wrdreg $0x60  }
0xb4: {  	[dreg:$0x2] =	wrdreg s24  }
0xb5: {  	[dreg:$0x3] =	wrdreg s16  }
0xb6: {  	[dreg:$0x4] =	wrdreg $0xA8000  }
0xb7: {  	[dreg:$0x5] =	wrdreg $0x9  }
0xb8: {  	_ =	task.clear_ibuf [dreg:s7], $0x6FFFF;
	_ =	strace $0x9000004C  }
0xb9: {  	s29 =	simm.s32 $0x9;
	_ =	strace $0x8000004E  }
0xba: {  	_ =	swait.ge [sflag:s29], $0x1  }
0xbb: {  	[sflag:s29] =	ssyncadd.s32 $0xFFFFFFFF  }
0xbc: {  	_ =	strace $0x9000004E  }
0xbd: {  	_ =	sfence  }
0xbe: {  	s30 =	sld [smem:$0x0];
	_ =	sdelay $0x2  }
0xbf: {  	s31 =	sshll.u32 s1, $0xD;
	s1 =	sshrl.u32 s1, $0x2  }
0xc0: {  	s3 =	sand.u32 $0x4000, s31;
	s1 =	sadd.s32 s1, s30  }
0xc1: {  	s0 =	sor.u32 s3, s0;
	s1 =	sshll.u32 s1, $0x11  }
0xc2: {  	s0 =	sor.u32 s1, s0  }
0xc3: {  	s0 =	sadd.s32 $0x8F2B, s0  }
0xc4: {  	[sflag:s0] =	ssyncadd.remote.s32 $0x1  }
0xc5: {  	_ =	sfence.sel $0xFFFF  }
0xc6: {  	[dreg:$0x0] =	wrdreg $0xFFFFFFFF;
	(pc) =	sbr.abs _section_cstart, $3  }
0xc7: {  	[dreg:$0x1] =	wrdreg $0xFFFFFFFF  }
0xc8: {  	_ =	task.clear_ibuf [dreg:s7], $0x2FFFF;
	_ =	strace $0x9FFFFFFF  }
0xc9: {  	(tm) =	ssettm $0x7FFFFFFF  }
tec
execute0_lowered:
.L_overlay_start_1:
0x0: {  	(tag) =	ssettag $0x1  }
0x1: {  	s0 =	rddreg [dreg:$0x0]  }
0x2: {  	s1 =	rddreg [dreg:$0x1]  }
0x3: {  	s23 =	rddreg [dreg:$0x2];
	s3 =	simm.s32 $0x0;
	s2 =	srdreg.scid  }
0x4: {  	s24 =	stileid.u32;
	s29 =	simm.s32 $0x2800;
	s30 =	simm.s32 $0x3  }
0x5: {  	s31 =	simm.s32 $0x1400;
	[smem:$0x7FF] =	sst s3;
	s12 =	smul.u32 $0x280, s24  }
0x6: {  	s2 =	sand.u32 $0x1, s2;
	s4 =	sadd.s32 $0xE600, s0;
	s8 =	smul.u32 $0x50000, s24  }
0x7: {  	s13 =	sadd.s32 $0x4600, s0;
	s5 =	sadd.s32 $0x35800, s0;
	s26 =	smul.u32 $0x14000, s24  }
0x8: {  	p0 =	seq.s32 s24, $0xF;
	s6 =	ssub.s32 $0x2, s2;
	s21 =	sshll.u32 s2, $0x4  }
0x9: {  	_ =	strace $0x8000004D;
	s7 =	sshrl.u32 s6, $0x1;
	s11 =	sor.u32 s24, s21  }
0xa: {  	s22 =	sshrl.u32 s8, $0x2;
	s14 =	sshll.u32 s12, $0x7;
	s0 =	ssub.s32 s6, s7  }
0xb: {  	s6 =	sadd.s32 s22, s23;
	s15 =	sor.u32 $0x2800, s14;
	s16 =	sadd.s32 $0x5000, s14  }
0xc: {  	s19 =	sadd.s32 $0x7800, s14;
	s20 =	sadd.s32 $0xA000, s14;
	s17 =	smul.u32 $0x2800, s11  }
0xd: {  	s21 =	sadd.s32 $0xC800, s14;
	s18 =	smul.u32 $0x500, s11;
	s14 =	sadd.s32 $0xF000, s14  }
0xe: {  	s11 =	smul.u32 $0x138800, s2;
	s2 =	sadd.s32 $0x230, s12;
	s7 =	sadd.s32 s15, s23  }
0xf: {  	s8 =	sadd.s32 s16, s23;
	s9 =	sadd.s32 s19, s23;
	s22 =	sadd.s32 s13, s18  }
0x10: {  	s17 =	sshrl.u32 s17, $0x3;
	s18 =	sadd.s32 s1, s18;
	[dreg:$0x4] =	wrdreg s22  }
0x11: {  	s10 =	sadd.s32 s20, s23;
	s25 =	sadd.s32 $0x280, s17;
	[dreg:$0x5] =	wrdreg s18  }
0x12: {  	s17 =	sadd.s32 s26, s11;
	s22 =	sadd.s32 s11, s15;
	s26 =	sadd.s32 s11, s16  }
0x13: {  	s15 =	sadd.s32 s11, s19;
	s13 =	sadd.s32 s13, s25;
	s1 =	sadd.s32 s1, s25  }
0x14: {  	s18 =	sshrl.u32 s17, $0x3;
	s25 =	sshrl.u32 s22, $0x3;
	s16 =	sshrl.u32 s15, $0x3  }
0x15: {  	s17 =	sadd.s32 s11, s20;
	s20 =	sadd.s32 s21, s23;
	[dreg:$0x6] =	wrdreg s13  }
0x16: {  	[dreg:$0x7] =	wrdreg s1;
	s13 =	sshll.u32 s2, $0x7;
	s12 =	sshrl.u32 s17, $0x3  }
0x17: {  	s2 =	simm.s32 @p0 $0x27B0;
	s1 =	sadd.s32 s13, s23;
	s13 =	sshrl.u32 s26, $0x3  }
0x18: {  	s22 =	sadd.s32 s5, s12;
	s23 =	sadd.s32 s14, s23;
	s28 =	sshll.u32 @!p0 s2, $0x7  }
0x19: {  	s2 =	simm.s32 $0x6800;
	s12 =	simm.s32 $0x2;
	[dreg:$0x8] =	wrdreg s1  }
0x1a: {  	s1 =	sadd.s32 s5, s18;
	s18 =	sadd.s32 s11, s21;
	s21 =	sadd.s32 s5, s16  }
0x1b: {  	[dreg:$0x9] =	wrdreg s1;
	s1 =	sadd.s32 s5, s25;
	s19 =	sshrl.u32 s18, $0x3  }
0x1c: {  	s25 =	sadd.s32 s11, s14;
	s14 =	simm.s32 $0x0;
	[dreg:$0xa] =	wrdreg s1  }
0x1d: {  	s1 =	sadd.s32 s5, s13;
	s24 =	sadd.s32 s5, s19;
	s26 =	sshrl.u32 s25, $0x3  }
0x1e: {  	s13 =	simm.s32 $0x1380;
	[dreg:$0xb] =	wrdreg s1;
	s25 =	sadd.s32 s5, s26  }
0x1f: {  	v0 =	vimm.f32 $0.0e+00;
	s26 =	smax.u32 s0, $0x1;
	s0 =	simm.s32 $0x80;
	s1 =	simm.s32 $0x1  }
.LBB2_1:
0x20: {  	s15 =	simm.s32 $0x0;
	s16 =	simm.s32 $0x200  }
.LBB2_2:
0x21: {  	p1 =	sne.s32 s16, $0xFE00;
	[tilespmem:s15+$0x2870] =	vst v0  }
0x22: {  	[tilespmem:s15+$0x2800] =	vst v0  }
0x23: {  	[tilespmem:s15+$0x2810] =	vst v0  }
.Ltmp0:
0x24: {  	[tilespmem:s15+$0x2820] =	vst v0;
	(pc) =	sbr.rel @p1 .LBB2_2-.Ltmp0, $4  }
0x25: {  	[tilespmem:s15+$0x2830] =	vst v0  }
0x26: {  	[tilespmem:s15+$0x2840] =	vst v0  }
0x27: {  	[tilespmem:s15+$0x2850] =	vst v0  }
0x28: {  	[tilespmem:s15+$0x2860] =	vst v0;
	s15 =	sshra.s32 s16, $0x2;
	s16 =	sadd.s32 $0x200, s16  }
0x29: {  	[tilespmem:s15+$0x2870] =	vst v0  }
0x2a: {  	[tilespmem:s15+$0x2800] =	vst v0  }
0x2b: {  	[tilespmem:s15+$0x2810] =	vst v0  }
0x2c: {  	[tilespmem:s15+$0x2820] =	vst v0  }
0x2d: {  	[tilespmem:s15+$0x2830] =	vst v0  }
0x2e: {  	[tilespmem:s15+$0x2840] =	vst v0  }
0x2f: {  	[tilespmem:s15+$0x2850] =	vst v0  }
0x30: {  	[tilespmem:s15+$0x2860] =	vst v0  }
0x31: {  	[spmem:s6] =	stream.linear.scatter [tilespmem:s29], [sflag:$0x3], $0x2800, $0x38;
	[tilespmem:$0x1E300] =	vst v63  }
0x32: {  	_ =	swait.ge [sflag:s30], $0x2800  }
0x33: {  	[sflag:s30] =	ssyncset.done $0x0  }
0x34: {  	[sflag:s30] =	ssyncadd.s32 $0xFFFFD800  }
0x35: {  	[spmem:s7] =	stream.linear.scatter [tilespmem:s29], [sflag:$0x3], $0x2800, $0x38;
	[tilespmem:$0x1E300] =	vst v63  }
0x36: {  	_ =	swait.ge [sflag:s30], $0x2800  }
0x37: {  	[sflag:s30] =	ssyncset.done $0x0  }
0x38: {  	[sflag:s30] =	ssyncadd.s32 $0xFFFFD800  }
0x39: {  	[spmem:s8] =	stream.linear.scatter [tilespmem:s29], [sflag:$0x3], $0x2800, $0x38;
	[tilespmem:$0x1E300] =	vst v63  }
0x3a: {  	_ =	swait.ge [sflag:s30], $0x2800  }
0x3b: {  	[sflag:s30] =	ssyncset.done $0x0  }
0x3c: {  	[sflag:s30] =	ssyncadd.s32 $0xFFFFD800  }
0x3d: {  	[spmem:s9] =	stream.linear.scatter [tilespmem:s29], [sflag:$0x3], $0x2800, $0x38;
	[tilespmem:$0x1E300] =	vst v63  }
0x3e: {  	_ =	swait.ge [sflag:s30], $0x2800  }
0x3f: {  	[sflag:s30] =	ssyncset.done $0x0  }
0x40: {  	[sflag:s30] =	ssyncadd.s32 $0xFFFFD800  }
0x41: {  	[spmem:s10] =	stream.linear.scatter [tilespmem:s29], [sflag:$0x3], $0x2800, $0x38;
	[tilespmem:$0x1E300] =	vst v63  }
0x42: {  	_ =	swait.ge [sflag:s30], $0x2800  }
0x43: {  	[sflag:s30] =	ssyncset.done $0x0  }
0x44: {  	[sflag:s30] =	ssyncadd.s32 $0xFFFFD800  }
0x45: {  	[spmem:s20] =	stream.linear.scatter [tilespmem:s29], [sflag:$0x3], $0x2800, $0x38;
	[tilespmem:$0x1E300] =	vst v63  }
0x46: {  	_ =	swait.ge [sflag:s30], $0x2800  }
0x47: {  	[sflag:s30] =	ssyncset.done $0x0  }
0x48: {  	s15 =	simm.s32 @!p0 $0x2800;
	s16 =	simm.s32 @!p0 $0x3;
	[sflag:s30] =	ssyncadd.s32 $0xFFFFD800  }
0x49: {  	[spmem:s23] =	stream.linear.scatter @!p0 [tilespmem:s15], [sflag:$0x3], $0x2800, $0x38;
	[tilespmem:$0x1E300] =	vst v63  }
0x4a: {  	_ =	swait.ge @!p0 [sflag:s16], $0x2800  }
0x4b: {  	[sflag:s16] =	ssyncset.done @!p0 $0x0  }
0x4c: {  	s17 =	rddreg [dreg:$0x8];
	[sflag:s16] =	ssyncadd.s32 @!p0 $0xFFFFD800  }
0x4d: {  	[spmem:s17] =	stream.linear.scatter @!p0 [tilespmem:s15], [sflag:$0x3], $0x2800, $0x38;
	[tilespmem:$0x1E300] =	vst v63  }
0x4e: {  	_ =	swait.ge @!p0 [sflag:s16], $0x2800  }
0x4f: {  	[sflag:s16] =	ssyncset.done @!p0 $0x0  }
0x50: {  	[sflag:s16] =	ssyncadd.s32 @!p0 $0xFFFFD800  }
0x51: {  	[bflag:$0x0] =	sbarrier.arrive $0xFFFF  }
0x52: {  	s16 =	rddreg [dreg:$0x4]  }
0x53: {  	[tilespmem:s3], [sflag:$0x3] =	stream.linear.gather [hbm4b:s16+s3], $0x1400, $0x38;
	[tilespmem:$0x1E300] =	vst v63  }
0x54: {  	_ =	swait.ge [sflag:s30], $0x1400  }
0x55: {  	[sflag:s30] =	ssyncset.done $0x0  }
0x56: {  	s17 =	rddreg [dreg:$0x5];
	[sflag:s30] =	ssyncadd.s32 $0xFFFFEC00  }
0x57: {  	[tilespmem:s31], [sflag:$0x3] =	stream.linear.gather [hbm4b:s17+s3], $0x1400, $0x38;
	[tilespmem:$0x1E300] =	vst v63  }
0x58: {  	_ =	swait.ge [sflag:s30], $0x1400  }
0x59: {  	[sflag:s30] =	ssyncset.done $0x0  }
0x5a: {  	[sflag:s30] =	ssyncadd.s32 $0xFFFFEC00  }
0x5b: {  	[tilespmem:s29], [sflag:$0x1] =	stream.indirect.gather [hbm4b:s4+s0], $0x80, s3, s0, $0xb8;
	[tilespmem:$0x1E300] =	vst v63  }
0x5c: {  	s18 =	simm.s32 $0x80  }
0x5d: {  	[tilespmem:s2], [sflag:$0x2] =	stream.indirect.gather [hbm4b:s4+s0], $0x80, s18, s0, $0xb8;
	[tilespmem:$0x1E300] =	vst v63  }
0x5e: {  	_ =	swait.ge [sflag:s1], $0x4000  }
0x5f: {  	[sflag:s1] =	ssyncset.done $0x0  }
0x60: {  	[sflag:s1] =	ssyncadd.s32 $0xFFFFC000  }
0x61: {  	[spmem:s6] =	stream.linear.scatter [tilespmem:s29], [sflag:$0x3], $0x4000, $0x38;
	[tilespmem:$0x1E300] =	vst v63  }
0x62: {  	_ =	swait.ge [sflag:s30], $0x4000  }
0x63: {  	[sflag:s30] =	ssyncset.done $0x0  }
0x64: {  	s19 =	simm.s32 $0x100;
	[sflag:s30] =	ssyncadd.s32 $0xFFFFC000  }
0x65: {  	[tilespmem:s29], [sflag:$0x1] =	stream.indirect.gather [hbm4b:s4+s0], $0x80, s19, s0, $0xb8;
	[tilespmem:$0x1E300] =	vst v63  }
0x66: {  	_ =	swait.ge [sflag:s12], $0x4000  }
0x67: {  	[sflag:s12] =	ssyncset.done $0x0  }
0x68: {  	[sflag:s12] =	ssyncadd.s32 $0xFFFFC000  }
0x69: {  	[spmem:s6] =	stream.linear.scatter [tilespmem:s2], [sflag:$0x3], $0x4000, $0x38;
	[tilespmem:$0x1E300] =	vst v63  }
0x6a: {  	_ =	swait.ge [sflag:s30], $0x4000  }
0x6b: {  	s15 =	simm.s32 $0xFFFFEE00;
	s16 =	simm.s32 $0xFFFFBC00;
	[sflag:s30] =	ssyncset.done $0x0  }
.LBB2_4:
0x6c: {  	s17 =	sadd.s32 $0x1380, s15  }
0x6d: {  	[sflag:s30] =	ssyncadd.s32 $0xFFFFC000;
	s18 =	smov.u32 s16;
	s19 =	sadd.s32 $0x400, s16  }
0x6e: {  	[tilespmem:s2], [sflag:$0x2] =	stream.indirect.gather [hbm4b:s4+s0], $0x80, s17, s0, $0xb8;
	[tilespmem:$0x1E300] =	vst v63  }
0x6f: {  	p1 =	sne.s32 s16, $0xFFFFFC00;
	_ =	swait.ge [sflag:s1], $0x4000  }
0x70: {  	[sflag:s1] =	ssyncset.done $0x0  }
0x71: {  	[sflag:s1] =	ssyncadd.s32 $0xFFFFC000  }
0x72: {  	[spmem:s6] =	stream.linear.scatter [tilespmem:s29], [sflag:$0x3], $0x4000, $0x38;
	[tilespmem:$0x1E300] =	vst v63  }
0x73: {  	_ =	swait.ge [sflag:s30], $0x4000  }
0x74: {  	[sflag:s30] =	ssyncset.done $0x0  }
0x75: {  	s15 =	sadd.s32 $0x1400, s15;
	[sflag:s30] =	ssyncadd.s32 $0xFFFFC000  }
0x76: {  	[tilespmem:s29], [sflag:$0x1] =	stream.indirect.gather [hbm4b:s4+s0], $0x80, s15, s0, $0xb8;
	[tilespmem:$0x1E300] =	vst v63  }
0x77: {  	_ =	swait.ge [sflag:s12], $0x4000  }
.Ltmp1:
0x78: {  	[sflag:s12] =	ssyncset.done $0x0;
	(pc) =	sbr.rel @p1 .LBB2_4-.Ltmp1, $4  }
0x79: {  	[sflag:s12] =	ssyncadd.s32 $0xFFFFC000  }
0x7a: {  	[spmem:s6] =	stream.linear.scatter [tilespmem:s2], [sflag:$0x3], $0x4000, $0x38;
	[tilespmem:$0x1E300] =	vst v63  }
0x7b: {  	_ =	swait.ge [sflag:s30], $0x4000  }
0x7c: {  	s16 =	smov.u32 s19;
	s15 =	sshra.s32 s18, $0x2;
	[sflag:s30] =	ssyncset.done $0x0  }
0x7d: {  	s16 =	sadd.s32 $0x1380, s15;
	[sflag:s30] =	ssyncadd.s32 $0xFFFFC000  }
0x7e: {  	[tilespmem:s2], [sflag:$0x2] =	stream.indirect.gather [hbm4b:s4+s0], $0x80, s16, s0, $0xb8;
	[tilespmem:$0x1E300] =	vst v63  }
0x7f: {  	_ =	swait.ge [sflag:s1], $0x4000  }
0x80: {  	[sflag:s1] =	ssyncset.done $0x0  }
0x81: {  	[sflag:s1] =	ssyncadd.s32 $0xFFFFC000  }
0x82: {  	[spmem:s6] =	stream.linear.scatter [tilespmem:s29], [sflag:$0x3], $0x4000, $0x38;
	[tilespmem:$0x1E300] =	vst v63  }
0x83: {  	_ =	swait.ge [sflag:s30], $0x4000  }
0x84: {  	[sflag:s30] =	ssyncset.done $0x0  }
0x85: {  	s19 =	sadd.s32 $0x1400, s15;
	[sflag:s30] =	ssyncadd.s32 $0xFFFFC000  }
0x86: {  	[tilespmem:s29], [sflag:$0x1] =	stream.indirect.gather [hbm4b:s4+s0], $0x80, s19, s0, $0xb8;
	[tilespmem:$0x1E300] =	vst v63  }
0x87: {  	_ =	swait.ge [sflag:s12], $0x4000  }
0x88: {  	[sflag:s12] =	ssyncset.done $0x0  }
0x89: {  	[sflag:s12] =	ssyncadd.s32 $0xFFFFC000  }
0x8a: {  	[spmem:s6] =	stream.linear.scatter [tilespmem:s2], [sflag:$0x3], $0x4000, $0x38;
	[tilespmem:$0x1E300] =	vst v63  }
0x8b: {  	_ =	swait.ge [sflag:s30], $0x4000  }
0x8c: {  	[sflag:s30] =	ssyncset.done $0x0  }
0x8d: {  	[sflag:s30] =	ssyncadd.s32 $0xFFFFC000  }
0x8e: {  	[tilespmem:s2], [sflag:$0x2] =	stream.indirect.gather [hbm4b:s4+s0], $0x80, s13, s0, $0xb8;
	[tilespmem:$0x1E300] =	vst v63  }
0x8f: {  	_ =	swait.ge [sflag:s1], $0x4000  }
0x90: {  	[sflag:s1] =	ssyncset.done $0x0  }
0x91: {  	[sflag:s1] =	ssyncadd.s32 $0xFFFFC000  }
0x92: {  	[spmem:s6] =	stream.linear.scatter [tilespmem:s29], [sflag:$0x3], $0x4000, $0x38;
	[tilespmem:$0x1E300] =	vst v63  }
0x93: {  	_ =	swait.ge [sflag:s30], $0x4000  }
0x94: {  	[sflag:s30] =	ssyncset.done $0x0  }
0x95: {  	[sflag:s30] =	ssyncadd.s32 $0xFFFFC000  }
0x96: {  	_ =	swait.ge [sflag:s12], $0x4000  }
0x97: {  	[sflag:s12] =	ssyncset.done $0x0  }
0x98: {  	[sflag:s12] =	ssyncadd.s32 $0xFFFFC000  }
0x99: {  	[spmem:s6] =	stream.linear.scatter [tilespmem:s2], [sflag:$0x3], $0x4000, $0x38;
	[tilespmem:$0x1E300] =	vst v63  }
0x9a: {  	_ =	swait.ge [sflag:s30], $0x4000  }
0x9b: {  	[sflag:s30] =	ssyncset.done $0x0  }
0x9c: {  	s16 =	rddreg [dreg:$0x6];
	[sflag:s30] =	ssyncadd.s32 $0xFFFFC000  }
0x9d: {  	[tilespmem:s3], [sflag:$0x3] =	stream.linear.gather [hbm4b:s16+s3], $0x1400, $0x38;
	[tilespmem:$0x1E300] =	vst v63  }
0x9e: {  	_ =	swait.ge [sflag:s30], $0x1400  }
0x9f: {  	[sflag:s30] =	ssyncset.done $0x0  }
0xa0: {  	s17 =	rddreg [dreg:$0x7];
	[sflag:s30] =	ssyncadd.s32 $0xFFFFEC00  }
0xa1: {  	[tilespmem:s31], [sflag:$0x3] =	stream.linear.gather [hbm4b:s17+s3], $0x1400, $0x38;
	[tilespmem:$0x1E300] =	vst v63  }
0xa2: {  	_ =	swait.ge [sflag:s30], $0x1400  }
0xa3: {  	[sflag:s30] =	ssyncset.done $0x0  }
0xa4: {  	[sflag:s30] =	ssyncadd.s32 $0xFFFFEC00  }
0xa5: {  	[tilespmem:s29], [sflag:$0x1] =	stream.indirect.gather [hbm4b:s4+s0], $0x80, s3, s0, $0xb8;
	[tilespmem:$0x1E300] =	vst v63  }
0xa6: {  	s18 =	simm.s32 $0x80  }
0xa7: {  	[tilespmem:s2], [sflag:$0x2] =	stream.indirect.gather [hbm4b:s4+s0], $0x80, s18, s0, $0xb8;
	[tilespmem:$0x1E300] =	vst v63  }
0xa8: {  	_ =	swait.ge [sflag:s1], $0x4000  }
0xa9: {  	[sflag:s1] =	ssyncset.done $0x0  }
0xaa: {  	[sflag:s1] =	ssyncadd.s32 $0xFFFFC000  }
0xab: {  	[spmem:s6] =	stream.linear.scatter [tilespmem:s29], [sflag:$0x3], $0x4000, $0x38;
	[tilespmem:$0x1E300] =	vst v63  }
0xac: {  	_ =	swait.ge [sflag:s30], $0x4000  }
0xad: {  	[sflag:s30] =	ssyncset.done $0x0  }
0xae: {  	s19 =	simm.s32 $0x100;
	[sflag:s30] =	ssyncadd.s32 $0xFFFFC000  }
0xaf: {  	[tilespmem:s29], [sflag:$0x1] =	stream.indirect.gather [hbm4b:s4+s0], $0x80, s19, s0, $0xb8;
	[tilespmem:$0x1E300] =	vst v63  }
0xb0: {  	_ =	swait.ge [sflag:s12], $0x4000  }
0xb1: {  	[sflag:s12] =	ssyncset.done $0x0  }
0xb2: {  	[sflag:s12] =	ssyncadd.s32 $0xFFFFC000  }
0xb3: {  	[spmem:s6] =	stream.linear.scatter [tilespmem:s2], [sflag:$0x3], $0x4000, $0x38;
	[tilespmem:$0x1E300] =	vst v63  }
0xb4: {  	_ =	swait.ge [sflag:s30], $0x4000  }
0xb5: {  	s15 =	simm.s32 $0xFFFFEE00;
	s16 =	simm.s32 $0xFFFFBC00;
	[sflag:s30] =	ssyncset.done $0x0  }
.LBB2_6:
0xb6: {  	s17 =	sadd.s32 $0x1380, s15  }
0xb7: {  	[sflag:s30] =	ssyncadd.s32 $0xFFFFC000;
	s18 =	smov.u32 s16;
	s19 =	sadd.s32 $0x400, s16  }
0xb8: {  	[tilespmem:s2], [sflag:$0x2] =	stream.indirect.gather [hbm4b:s4+s0], $0x80, s17, s0, $0xb8;
	[tilespmem:$0x1E300] =	vst v63  }
0xb9: {  	p1 =	sne.s32 s16, $0xFFFFFC00;
	_ =	swait.ge [sflag:s1], $0x4000  }
0xba: {  	[sflag:s1] =	ssyncset.done $0x0  }
0xbb: {  	[sflag:s1] =	ssyncadd.s32 $0xFFFFC000  }
0xbc: {  	[spmem:s6] =	stream.linear.scatter [tilespmem:s29], [sflag:$0x3], $0x4000, $0x38;
	[tilespmem:$0x1E300] =	vst v63  }
0xbd: {  	_ =	swait.ge [sflag:s30], $0x4000  }
0xbe: {  	[sflag:s30] =	ssyncset.done $0x0  }
0xbf: {  	s15 =	sadd.s32 $0x1400, s15;
	[sflag:s30] =	ssyncadd.s32 $0xFFFFC000  }
0xc0: {  	[tilespmem:s29], [sflag:$0x1] =	stream.indirect.gather [hbm4b:s4+s0], $0x80, s15, s0, $0xb8;
	[tilespmem:$0x1E300] =	vst v63  }
0xc1: {  	_ =	swait.ge [sflag:s12], $0x4000  }
.Ltmp2:
0xc2: {  	[sflag:s12] =	ssyncset.done $0x0;
	(pc) =	sbr.rel @p1 .LBB2_6-.Ltmp2, $4  }
0xc3: {  	[sflag:s12] =	ssyncadd.s32 $0xFFFFC000  }
0xc4: {  	[spmem:s6] =	stream.linear.scatter [tilespmem:s2], [sflag:$0x3], $0x4000, $0x38;
	[tilespmem:$0x1E300] =	vst v63  }
0xc5: {  	_ =	swait.ge [sflag:s30], $0x4000  }
0xc6: {  	s16 =	smov.u32 s19;
	s15 =	sshra.s32 s18, $0x2;
	[sflag:s30] =	ssyncset.done $0x0  }
0xc7: {  	s16 =	sadd.s32 $0x1380, s15;
	[sflag:s30] =	ssyncadd.s32 $0xFFFFC000  }
0xc8: {  	[tilespmem:s2], [sflag:$0x2] =	stream.indirect.gather [hbm4b:s4+s0], $0x80, s16, s0, $0xb8;
	[tilespmem:$0x1E300] =	vst v63  }
0xc9: {  	_ =	swait.ge [sflag:s1], $0x4000  }
0xca: {  	[sflag:s1] =	ssyncset.done $0x0  }
0xcb: {  	[sflag:s1] =	ssyncadd.s32 $0xFFFFC000  }
0xcc: {  	[spmem:s6] =	stream.linear.scatter [tilespmem:s29], [sflag:$0x3], $0x4000, $0x38;
	[tilespmem:$0x1E300] =	vst v63  }
0xcd: {  	_ =	swait.ge [sflag:s30], $0x4000  }
0xce: {  	[sflag:s30] =	ssyncset.done $0x0  }
0xcf: {  	s16 =	sadd.s32 $0x1400, s15;
	[sflag:s30] =	ssyncadd.s32 $0xFFFFC000  }
0xd0: {  	[tilespmem:s29], [sflag:$0x1] =	stream.indirect.gather [hbm4b:s4+s0], $0x80, s16, s0, $0xb8;
	[tilespmem:$0x1E300] =	vst v63  }
0xd1: {  	_ =	swait.ge [sflag:s12], $0x4000  }
0xd2: {  	[sflag:s12] =	ssyncset.done $0x0  }
0xd3: {  	[sflag:s12] =	ssyncadd.s32 $0xFFFFC000  }
0xd4: {  	[spmem:s6] =	stream.linear.scatter [tilespmem:s2], [sflag:$0x3], $0x4000, $0x38;
	[tilespmem:$0x1E300] =	vst v63  }
0xd5: {  	_ =	swait.ge [sflag:s30], $0x4000  }
0xd6: {  	[sflag:s30] =	ssyncset.done $0x0  }
0xd7: {  	[sflag:s30] =	ssyncadd.s32 $0xFFFFC000  }
0xd8: {  	[tilespmem:s2], [sflag:$0x2] =	stream.indirect.gather [hbm4b:s4+s0], $0x80, s13, s0, $0xb8;
	[tilespmem:$0x1E300] =	vst v63  }
0xd9: {  	_ =	swait.ge [sflag:s1], $0x4000  }
0xda: {  	[sflag:s1] =	ssyncset.done $0x0  }
0xdb: {  	[sflag:s1] =	ssyncadd.s32 $0xFFFFC000  }
0xdc: {  	[spmem:s6] =	stream.linear.scatter [tilespmem:s29], [sflag:$0x3], $0x4000, $0x38;
	[tilespmem:$0x1E300] =	vst v63  }
0xdd: {  	_ =	swait.ge [sflag:s30], $0x4000  }
0xde: {  	[sflag:s30] =	ssyncset.done $0x0  }
0xdf: {  	[sflag:s30] =	ssyncadd.s32 $0xFFFFC000  }
0xe0: {  	_ =	swait.ge [sflag:s12], $0x4000  }
0xe1: {  	[sflag:s12] =	ssyncset.done $0x0  }
0xe2: {  	[sflag:s12] =	ssyncadd.s32 $0xFFFFC000  }
0xe3: {  	[spmem:s6] =	stream.linear.scatter [tilespmem:s2], [sflag:$0x3], $0x4000, $0x38;
	[tilespmem:$0x1E300] =	vst v63  }
0xe4: {  	_ =	swait.ge [sflag:s30], $0x4000  }
0xe5: {  	[sflag:s30] =	ssyncset.done $0x0  }
0xe6: {  	[sflag:s30] =	ssyncadd.s32 $0xFFFFC000  }
0xe7: {  	[bflag:$0x0] =	sbarrier.arrive $0xFFFF  }
0xe8: {  	[tilespmem:s29], [sflag:$0x3] =	stream.linear.gather [spmem:s6], $0x2800, $0x38;
	[tilespmem:$0x1E300] =	vst v63  }
0xe9: {  	_ =	swait.ge [sflag:s30], $0x2800  }
0xea: {  	[sflag:s30] =	ssyncset.done $0x0  }
0xeb: {  	s17 =	rddreg [dreg:$0x9];
	[sflag:s30] =	ssyncadd.s32 $0xFFFFD800  }
0xec: {  	[hbm4b:s17+s3] =	stream.linear.scatter [tilespmem:s29], [sflag:$0x3], $0x2800, $0x38;
	[tilespmem:$0x1E300] =	vst v63  }
0xed: {  	_ =	swait.ge [sflag:s30], $0x2800  }
0xee: {  	[sflag:s30] =	ssyncset.done $0x0  }
0xef: {  	[sflag:s30] =	ssyncadd.s32 $0xFFFFD800  }
0xf0: {  	[tilespmem:s29], [sflag:$0x3] =	stream.linear.gather [spmem:s7], $0x2800, $0x38;
	[tilespmem:$0x1E300] =	vst v63  }
0xf1: {  	_ =	swait.ge [sflag:s30], $0x2800  }
0xf2: {  	[sflag:s30] =	ssyncset.done $0x0  }
0xf3: {  	s18 =	rddreg [dreg:$0xa];
	[sflag:s30] =	ssyncadd.s32 $0xFFFFD800  }
0xf4: {  	[hbm4b:s18+s3] =	stream.linear.scatter [tilespmem:s29], [sflag:$0x3], $0x2800, $0x38;
	[tilespmem:$0x1E300] =	vst v63  }
0xf5: {  	_ =	swait.ge [sflag:s30], $0x2800  }
0xf6: {  	[sflag:s30] =	ssyncset.done $0x0  }
0xf7: {  	[sflag:s30] =	ssyncadd.s32 $0xFFFFD800  }
0xf8: {  	[tilespmem:s29], [sflag:$0x3] =	stream.linear.gather [spmem:s8], $0x2800, $0x38;
	[tilespmem:$0x1E300] =	vst v63  }
0xf9: {  	_ =	swait.ge [sflag:s30], $0x2800  }
0xfa: {  	[sflag:s30] =	ssyncset.done $0x0  }
0xfb: {  	s19 =	rddreg [dreg:$0xb];
	[sflag:s30] =	ssyncadd.s32 $0xFFFFD800  }
0xfc: {  	[hbm4b:s19+s3] =	stream.linear.scatter [tilespmem:s29], [sflag:$0x3], $0x2800, $0x38;
	[tilespmem:$0x1E300] =	vst v63  }
0xfd: {  	_ =	swait.ge [sflag:s30], $0x2800  }
0xfe: {  	[sflag:s30] =	ssyncset.done $0x0  }
0xff: {  	[sflag:s30] =	ssyncadd.s32 $0xFFFFD800  }
0x100: {  	[tilespmem:s29], [sflag:$0x3] =	stream.linear.gather [spmem:s9], $0x2800, $0x38;
	[tilespmem:$0x1E300] =	vst v63  }
0x101: {  	_ =	swait.ge [sflag:s30], $0x2800  }
0x102: {  	[sflag:s30] =	ssyncset.done $0x0  }
0x103: {  	[sflag:s30] =	ssyncadd.s32 $0xFFFFD800  }
0x104: {  	[hbm4b:s21+s3] =	stream.linear.scatter [tilespmem:s29], [sflag:$0x3], $0x2800, $0x38;
	[tilespmem:$0x1E300] =	vst v63  }
0x105: {  	_ =	swait.ge [sflag:s30], $0x2800  }
0x106: {  	[sflag:s30] =	ssyncset.done $0x0  }
0x107: {  	[sflag:s30] =	ssyncadd.s32 $0xFFFFD800  }
0x108: {  	[tilespmem:s29], [sflag:$0x3] =	stream.linear.gather [spmem:s10], $0x2800, $0x38;
	[tilespmem:$0x1E300] =	vst v63  }
0x109: {  	_ =	swait.ge [sflag:s30], $0x2800  }
0x10a: {  	[sflag:s30] =	ssyncset.done $0x0  }
0x10b: {  	[sflag:s30] =	ssyncadd.s32 $0xFFFFD800  }
0x10c: {  	[hbm4b:s22+s3] =	stream.linear.scatter [tilespmem:s29], [sflag:$0x3], $0x2800, $0x38;
	[tilespmem:$0x1E300] =	vst v63  }
0x10d: {  	_ =	swait.ge [sflag:s30], $0x2800  }
0x10e: {  	[sflag:s30] =	ssyncset.done $0x0  }
0x10f: {  	s15 =	simm.s32 @!p0 $0x2800;
	s16 =	simm.s32 @!p0 $0x3;
	[sflag:s30] =	ssyncadd.s32 $0xFFFFD800  }
0x110: {  	[tilespmem:s15], [sflag:$0x3] =	stream.linear.gather @!p0 [spmem:s20], $0x2800, $0x38;
	[tilespmem:$0x1E300] =	vst v63  }
0x111: {  	_ =	swait.ge @!p0 [sflag:s16], $0x2800  }
0x112: {  	[sflag:s16] =	ssyncset.done @!p0 $0x0  }
0x113: {  	s17 =	simm.s32 @!p0 $0x0;
	[sflag:s16] =	ssyncadd.s32 @!p0 $0xFFFFD800  }
0x114: {  	[hbm4b:s24+s17] =	stream.linear.scatter @!p0 [tilespmem:s15], [sflag:$0x3], $0x2800, $0x38;
	[tilespmem:$0x1E300] =	vst v63  }
0x115: {  	_ =	swait.ge @!p0 [sflag:s16], $0x2800  }
0x116: {  	[sflag:s16] =	ssyncset.done @!p0 $0x0  }
0x117: {  	[sflag:s16] =	ssyncadd.s32 @!p0 $0xFFFFD800  }
0x118: {  	[tilespmem:s15], [sflag:$0x3] =	stream.linear.gather @!p0 [spmem:s23], $0x2800, $0x38;
	[tilespmem:$0x1E300] =	vst v63  }
0x119: {  	_ =	swait.ge @!p0 [sflag:s16], $0x2800  }
0x11a: {  	[sflag:s16] =	ssyncset.done @!p0 $0x0  }
0x11b: {  	[sflag:s16] =	ssyncadd.s32 @!p0 $0xFFFFD800  }
0x11c: {  	[hbm4b:s25+s17] =	stream.linear.scatter @!p0 [tilespmem:s15], [sflag:$0x3], $0x2800, $0x38;
	[tilespmem:$0x1E300] =	vst v63  }
0x11d: {  	_ =	swait.ge @!p0 [sflag:s16], $0x2800  }
0x11e: {  	[sflag:s16] =	ssyncset.done @!p0 $0x0  }
0x11f: {  	[sflag:s16] =	ssyncadd.s32 @!p0 $0xFFFFD800  }
0x120: {  	s18 =	rddreg [dreg:$0x2]  }
0x121: {  	s18 =	sadd.s32 @!p0 s28, s18  }
0x122: {  	[tilespmem:s15], [sflag:$0x3] =	stream.linear.gather @!p0 [spmem:s18], $0x2800, $0x38;
	[tilespmem:$0x1E300] =	vst v63  }
0x123: {  	s14 =	sadd.s32 $0x1, s14;
	s18 =	sadd.s32 @!p0 s11, s28;
	_ =	swait.ge @!p0 [sflag:s16], $0x2800  }
0x124: {  	p1 =	sne.s32 s14, s26;
	s18 =	sshrl.u32 @!p0 s18, $0x3;
	[sflag:s16] =	ssyncset.done @!p0 $0x0  }
.Ltmp3:
0x125: {  	s18 =	sadd.s32 @!p0 s5, s18;
	[sflag:s16] =	ssyncadd.s32 @!p0 $0xFFFFD800;
	(pc) =	sbr.rel @p1 .LBB2_1-.Ltmp3, $4  }
0x126: {  	[hbm4b:s18+s17] =	stream.linear.scatter @!p0 [tilespmem:s15], [sflag:$0x3], $0x2800, $0x38;
	[tilespmem:$0x1E300] =	vst v63  }
0x127: {  	_ =	swait.ge @!p0 [sflag:s16], $0x2800  }
0x128: {  	[sflag:s16] =	ssyncset.done @!p0 $0x0  }
0x129: {  	[sflag:s16] =	ssyncadd.s32 @!p0 $0xFFFFD800  }
0x12a: {  	_ =	sfence.sel $0x180000  }
0x12b: {  	[bflag:$0x0] =	sbarrier.arrive $0xFFFF  }
0x12c: {  	_ =	strace $0x9000004D  }
0x12d: {  	s0 =	stileid.u32;
	[bflag:$0x2] =	sbarrier.arrive $0xFFFF  }
0x12e: {  	p0 =	sne.s32 s0, $0x0;
	s0 =	rddreg [dreg:$0x3]  }
0x12f: {  	s0 =	sadd.s32 @!p0 $0x100000, s0  }
0x130: {  	[sflag:s0] =	ssyncadd.tile.s32 @!p0 $0x1;
	_ =	shalt  }
.Lfunc_end2:
_tile_overlayer_lowered:
.L_overlay_start_2:
0x131: {  	(tag) =	ssettag $0x2  }
0x132: {  	s0 =	rddreg [dreg:$0x0];
	s2 =	stileid.u32  }
0x133: {  	s1 =	rddreg [dreg:$0x1];
	p0 =	sne.s32 s2, $0x0  }
0x134: {  	s3 =	rddreg [dreg:$0x2];
	[bflag:$0x3] =	sbarrier.arrive $0xFFFF;
	s2 =	simm.s32 @!p0 $0x1C03  }
0x135: {  	[timem:s3], [sflag:s2] =	dma.local @!p0 [hbm:s0], s1  }
0x136: {  	s0 =	simm.s32 @!p0 $0x3  }
0x137: {  	_ =	swait.ge @!p0 [sflag:s0], s1  }
0x138: {  	s1 =	ssub.s32 @!p0 $0x0, s1;
	[sflag:s0] =	ssyncset.done @!p0 $0x0  }
0x139: {  	[sflag:s0] =	ssyncadd.s32 @!p0 s1  }
0x13a: {  	[bflag:$0x3] =	sbarrier.arrive $0xFFFF  }
0x13b: {  	_ =	shalt  }

// kernel: kernel.9.cloned.1.call-start
scs
__scs_entry_jumppad:
0x0: {  	(pc) =	sbr.rel $0x88, $3  }
0x1: {  	(tag) =	ssettag $0x0;
	lr =	simm.s32 $0x1  }
0x2: {  	[smem:$0x3F90] =	sst lr;
	_ =	strace $0xD0000000  }
0x3: {  	_ = 	snop  }
0x4: {  	_ = 	snop  }
0x5: {  	_ = 	snop  }
0x6: {  	_ = 	snop  }
0x7: {  	_ = 	snop  }
__scs_overlays_trampoline_lowered:
0x8: {  	[smem:$0x3F9F] =	sst s0  }
0x9: {  	[smem:$0x3FA0] =	sst s1  }
0xa: {  	[smem:$0x3FA1] =	sst s2  }
0xb: {  	[smem:$0x3FA2] =	sst s3  }
0xc: {  	[smem:$0x3FA3] =	sst s4  }
0xd: {  	[smem:$0x3FA4] =	sst s5  }
0xe: {  	[smem:$0x3FA5] =	sst s6  }
0xf: {  	[smem:$0x3FA6] =	sst s7  }
0x10: {  	[smem:$0x3FA7] =	sst s8  }
0x11: {  	[smem:$0x3FA8] =	sst s9;
	s0 =	simm.s32 @!p0 $0x0  }
0x12: {  	s1 =	sld [smem:$0x3F8E];
	s0 =	simm.s32 @p0 $0x1  }
0x13: {  	[smem:$0x3FA9] =	sst s0;
	s0 =	simm.s32 @!p1 $0x0  }
0x14: {  	s2 =	sld [smem:$0x3F8D];
	s0 =	simm.s32 @p1 $0x1  }
0x15: {  	[smem:$0x3FAA] =	sst s0;
	s0 =	simm.s32 @!p2 $0x0  }
0x16: {  	s3 =	sld [smem:$0x3FDB];
	s0 =	simm.s32 @p2 $0x1  }
0x17: {  	s4 =	simm.s32 $0x1BF5;
	[smem:$0x3FAC] =	sst s0  }
0x18: {  	s0 =	sld [smem:$0x3F8F];
	_ =	swait.ge [sflag:s4], $0x0  }
0x19: {  	s7 =	sld [smem:$0x3F90]  }
0x1a: {  	s8 =	sadd.s32 $0xFFFFE003, lr  }
0x1b: {  	s9 =	sadd.s32 $0xFFFFFEF7, lr;
	s5 =	simm.s32 $0xFFFFFFFF;
	p2 =	slt.u32 s8, $0xFFFFF086  }
0x1c: {  	p1 =	slt.u32 s9, $0xF7A;
	s5 =	simm.s32 @!p2 $0x0  }
0x1d: {  	s5 =	simm.s32 @p1 $0x1;
	p0 =	seq.s32 s7, s2  }
0x1e: {  	s7 =	smul.u32 @!p0 $0xF7A, s2;
	p2 =	seq.s32 @!p0 s5, $0x0  }
0x1f: {  	s9 =	smul.u32 $0xF7A, s1;
	s8 =	simm.s32 @!p0 $0x1BF5;
	p2 =	por !p2, p0  }
0x20: {  	[sflag:s8] =	ssyncset.s32 @!p0 $0xFFFFF086;
	s6 =	sadd.s32 @!p0 s3, s7;
	s7 =	simm.s32 @!p0 $0x108  }
0x21: {  	s3 =	sadd.s32 s3, s9;
	s6 =	sadd.s32 @!p0 $0x88, s6;
	s7 =	simm.s32 @p2 $0x1082  }
0x22: {  	[simem:s7], [sflag:s8] =	dma.local @!p0 [hbm:s6], $0xF7A  }
0x23: {  	s9 =	sor.u32 $0xD0000000, s2;
	s6 =	simm.s32 $0x108;
	_ =	swait.ge @!p0 [sflag:s8], $0x0  }
0x24: {  	s3 =	sadd.s32 $0x88, s3;
	s6 =	simm.s32 @!p1 $0x1082;
	[sflag:s4] =	ssyncset.s32 $0xFFFFF086  }
0x25: {  	[simem:s6], [sflag:s4] =	dma.local [hbm:s3], $0xF7A  }
0x26: {  	[smem:$0x3F90] =	sst s1;
	(tag) =	ssettag s2;
	_ =	strace s9  }
0x27: {  	s1 =	sld [smem:$0x3FA0]  }
0x28: {  	s2 =	sld [smem:$0x3FA1]  }
0x29: {  	s4 =	sld [smem:$0x3FA3]  }
0x2a: {  	p0 =	seq.s32 s5, $0x0;
	s5 =	sld [smem:$0x3FA4]  }
0x2b: {  	s6 =	sld [smem:$0x3FA5]  }
0x2c: {  	s7 =	sld [smem:$0x3FA6]  }
0x2d: {  	s3 =	simm.s32 $0x108;
	s8 =	sld [smem:$0x3FA7]  }
0x2e: {  	s3 =	simm.s32 @!p0 $0x1082;
	s9 =	sld [smem:$0x3FA8]  }
0x2f: {  	lr =	sadd.s32 s0, s3;
	s0 =	sld [smem:$0x3F9F]  }
0x30: {  	s3 =	sld [smem:$0x3FA2]  }
0x31: {  	[smem:$0x3FAB] =	sst s10  }
0x32: {  	s10 =	sld [smem:$0x3FA9];
	_ =	sdelay $0x3  }
0x33: {  	p0 =	seq.s32 s10, $0x1;
	s10 =	sld [smem:$0x3FAB];
	_ =	sdelay $0x3  }
0x34: {  	[smem:$0x3FAB] =	sst s10  }
0x35: {  	s10 =	sld [smem:$0x3FAA];
	_ =	sdelay $0x3  }
0x36: {  	p1 =	seq.s32 s10, $0x1;
	s10 =	sld [smem:$0x3FAB];
	_ =	sdelay $0x3  }
0x37: {  	[smem:$0x3FAB] =	sst s10  }
0x38: {  	s10 =	sld [smem:$0x3FAC]  }
0x39: {  	_ = 	snop;
	(pc) =	sbr.ind lr, $3  }
0x3a: {  	_ = 	snop  }
0x3b: {  	_ = 	snop  }
0x3c: {  	p2 =	seq.s32 s10, $0x1;
	s10 =	sld [smem:$0x3FAB]  }
0x3d: {  	_ =	shalt  }
0x3e: {  	_ =	shalt  }
0x3f: {  	_ =	shalt  }
0x40: {  	_ =	shalt  }
0x41: {  	_ =	shalt  }
0x42: {  	_ =	shalt  }
0x43: {  	_ =	shalt  }
0x44: {  	_ =	shalt  }
0x45: {  	_ =	shalt  }
0x46: {  	_ =	shalt  }
0x47: {  	_ =	shalt  }
0x48: {  	_ =	shalt  }
0x49: {  	_ =	shalt  }
0x4a: {  	_ =	shalt  }
0x4b: {  	_ =	shalt  }
0x4c: {  	_ =	shalt  }
0x4d: {  	_ =	shalt  }
0x4e: {  	_ =	shalt  }
0x4f: {  	_ =	shalt  }
0x50: {  	_ =	shalt  }
0x51: {  	_ =	shalt  }
0x52: {  	_ =	shalt  }
0x53: {  	_ =	shalt  }
0x54: {  	_ =	shalt  }
0x55: {  	_ =	shalt  }
0x56: {  	_ =	shalt  }
0x57: {  	_ =	shalt  }
0x58: {  	_ =	shalt  }
0x59: {  	_ =	shalt  }
0x5a: {  	_ =	shalt  }
0x5b: {  	_ =	shalt  }
0x5c: {  	_ =	shalt  }
0x5d: {  	_ =	shalt  }
0x5e: {  	_ =	shalt  }
0x5f: {  	_ =	shalt  }
0x60: {  	_ =	shalt  }
0x61: {  	_ =	shalt  }
0x62: {  	_ =	shalt  }
0x63: {  	_ =	shalt  }
0x64: {  	_ =	shalt  }
0x65: {  	_ =	shalt  }
0x66: {  	_ =	shalt  }
0x67: {  	_ =	shalt  }
0x68: {  	_ =	shalt  }
0x69: {  	_ =	shalt  }
0x6a: {  	_ =	shalt  }
0x6b: {  	_ =	shalt  }
0x6c: {  	_ =	shalt  }
0x6d: {  	_ =	shalt  }
0x6e: {  	_ =	shalt  }
0x6f: {  	_ =	shalt  }
0x70: {  	_ =	shalt  }
0x71: {  	_ =	shalt  }
0x72: {  	_ =	shalt  }
0x73: {  	_ =	shalt  }
0x74: {  	_ =	shalt  }
0x75: {  	_ =	shalt  }
0x76: {  	_ =	shalt  }
0x77: {  	_ =	shalt  }
0x78: {  	_ =	shalt  }
0x79: {  	_ =	shalt  }
0x7a: {  	_ =	shalt  }
0x7b: {  	_ =	shalt  }
0x7c: {  	_ =	shalt  }
0x7d: {  	_ =	shalt  }
0x7e: {  	_ =	shalt  }
0x7f: {  	_ =	shalt  }
0x80: {  	_ =	shalt  }
0x81: {  	_ =	shalt  }
0x82: {  	_ =	shalt  }
0x83: {  	_ =	shalt  }
0x84: {  	_ =	shalt  }
0x85: {  	_ =	shalt  }
0x86: {  	_ =	shalt  }
0x87: {  	_ =	shalt  }
.Lfunc_end0:
.L_simem_size_0:
called_computation_lowered:
.L_overlay_start_0:
0x88: {  	s2 =	sld [smem:$0x3FD9]  }
0x89: {  	s3 =	sld [smem:$0x3FFE];
	_ =	sdelay $0x1  }
0x8a: {  	s1 =	srdreg.scid  }
0x8b: {  	s0 =	sand.u32 $0x1, s1  }
0x8c: {  	s14 =	sshll.u32 s0, $0xA;
	s2 =	sadd.s32 s3, s2  }
0x8d: {  	s2 =	sadd.s32 s2, s14  }
0x8e: {  	[smem:$0x3FB7] =	sst s2  }
0x8f: {  	_ = 	snop  }
0x90: {  	s2 =	sld [smem:$0x3FD0];
	_ =	sdelay $0x2  }
0x91: {  	s15 =	simm.s32 $0xA;
	s4 =	simm.s32 $0x10  }
0x92: {  	[smem:s4], [sflag:s15] =	dma.local [hbm:s2], $0x1  }
0x93: {  	_ =	swait.eq [sflag:s15], $0x1  }
0x94: {  	[sflag:s15] =	ssyncset.done $0x0  }
0x95: {  	[sflag:s15] =	ssyncadd.s32 $0xFFFFFFFF  }
0x96: {  	s16 =	sld [smem:$0x10];
	(tm) =	ssettm $0x1  }
0x97: {  	s17 =	sld [smem:$0x3FFB];
	_ =	sdelay $0x3  }
0x98: {  	_ =	strace s17  }
0x99: {  	s3 =	sld [smem:$0x3FFC];
	_ =	sdelay $0x3  }
0x9a: {  	_ =	strace s3  }
0x9b: {  	s3 =	sld [smem:$0x3FFD];
	_ =	sdelay $0x3  }
0x9c: {  	_ =	strace s3  }
0x9d: {  	_ =	strace $0x8FFFFFFF  }
0x9e: {  	s18 =	sld [smem:$0x3FDB];
	_ =	sdelay $0x1  }
0x9f: {  	s19 =	simm.s32 $_scs_section_size  }
0xa0: {  	s5 =	simm.s32 $_size__tile_overlayer_lowered;
	s6 =	simm.s32 $_tile_overlayer_lowered  }
0xa1: {  	s22 =	simm.s32 $0x1BFF;
	s21 =	sshll.u32 s6, $0x1;
	s3 =	sadd.s32 s19, s18  }
0xa2: {  	s7 =	simm.s32 $0x0;
	s20 =	sshll.u32 s5, $0x1;
	s5 =	sadd.s32 s21, s3  }
0xa3: {  	[timem:s7], [sflag:s22] =	dma.local [hbm:s5], s20  }
0xa4: {  	_ =	swait.ge [sflag:s22], s20  }
0xa5: {  	s4 =	ssub.s32 $0x0, s20;
	[sflag:s22] =	ssyncset.done $0x0  }
0xa6: {  	[sflag:s22] =	ssyncadd.s32 s4;
	_ =	sdelay $0x1  }
0xa7: {  	s23 =	simm.s32 $0x1B8B  }
0xa8: {  	_ =	swait.ge [sflag:s23], $0x1  }
0xa9: {  	[sflag:s23] =	ssyncset.done $0x0  }
0xaa: {  	s25 =	simm.s32 $0x1B8E;
	s24 =	sld [smem:$0x3FFE];
	[sflag:s23] =	ssyncadd.s32 $0xFFFFFFFF  }
0xab: {  	s26 =	simm.s32 $execute0_lowered;
	[smem:$0x3FD2] =	sst s25  }
0xac: {  	s5 =	sshll.u32 s26, $0x1;
	_ =	strace $0x80000046;
	[dreg:$0x1] =	wrdreg $0xFFFFFFFF  }
0xad: {  	s28 =	simm.s32 $_size_execute0_lowered;
	s3 =	sadd.s32 s3, s5;
	[dreg:$0x0] =	wrdreg $0x0  }
0xae: {  	s5 =	sshll.u32 s28, $0x1;
	[dreg:$0x2] =	wrdreg s3  }
0xaf: {  	[dreg:$0x3] =	wrdreg s5  }
0xb0: {  	[dreg:$0x4] =	wrdreg $0xC0  }
0xb1: {  	_ =	task [dreg:s7], $0x5FFFF  }
0xb2: {  	[dreg:$0x1] =	wrdreg $0xFFFFFFFF  }
0xb3: {  	[dreg:$0x0] =	wrdreg $0x60  }
0xb4: {  	[dreg:$0x2] =	wrdreg s16  }
0xb5: {  	[dreg:$0x3] =	wrdreg s24  }
0xb6: {  	[dreg:$0x4] =	wrdreg $0x29000  }
0xb7: {  	[dreg:$0x5] =	wrdreg $0x9  }
0xb8: {  	_ =	task.clear_ibuf [dreg:s7], $0x6FFFF;
	_ =	strace $0x90000046  }
0xb9: {  	s29 =	simm.s32 $0x9;
	_ =	strace $0x80000048  }
0xba: {  	_ =	swait.ge [sflag:s29], $0x1  }
0xbb: {  	[sflag:s29] =	ssyncadd.s32 $0xFFFFFFFF  }
0xbc: {  	_ =	strace $0x90000048  }
0xbd: {  	_ =	sfence  }
0xbe: {  	s30 =	sld [smem:$0x0];
	_ =	sdelay $0x2  }
0xbf: {  	s31 =	sshll.u32 s1, $0xD;
	s1 =	sshrl.u32 s1, $0x2  }
0xc0: {  	s3 =	sand.u32 $0x4000, s31;
	s1 =	sadd.s32 s1, s30  }
0xc1: {  	s0 =	sor.u32 s3, s0;
	s1 =	sshll.u32 s1, $0x11  }
0xc2: {  	s0 =	sor.u32 s1, s0  }
0xc3: {  	s0 =	sadd.s32 $0x8F2B, s0  }
0xc4: {  	[sflag:s0] =	ssyncadd.remote.s32 $0x1  }
0xc5: {  	_ =	sfence.sel $0xFFFF  }
0xc6: {  	[dreg:$0x0] =	wrdreg $0xFFFFFFFF;
	(pc) =	sbr.abs _section_cstart, $3  }
0xc7: {  	[dreg:$0x1] =	wrdreg $0xFFFFFFFF  }
0xc8: {  	_ =	task.clear_ibuf [dreg:s7], $0x2FFFF;
	_ =	strace $0x9FFFFFFF  }
0xc9: {  	(tm) =	ssettm $0x7FFFFFFF  }
tec
execute0_lowered:
.L_overlay_start_1:
0x0: {  	(tag) =	ssettag $0x1  }
0x1: {  	s4 =	rddreg [dreg:$0x0]  }
0x2: {  	s5 =	rddreg [dreg:$0x1]  }
0x3: {  	s0 =	srdreg.scid;
	s2 =	rddreg [dreg:$0x2];
	s3 =	simm.s32 $0x0  }
0x4: {  	s20 =	simm.s32 $0x1;
	s7 =	sand.u32 $0x1, s0;
	s0 =	stileid.u32  }
0x5: {  	[smem:$0x7FF] =	sst s3;
	s14 =	sadd.s32 $0x3C00, s5;
	s9 =	smul.u32 $0xA00, s0  }
0x6: {  	s1 =	sshll.u32 s7, $0x4;
	s8 =	ssub.s32 $0x2, s7;
	s11 =	smul.u32 $0x280, s0  }
0x7: {  	s13 =	smul.u32 $0x2800, s7;
	s6 =	sor.u32 s0, s1;
	s1 =	rddreg [dreg:$0x3]  }
0x8: {  	_ =	strace $0x80000047;
	s10 =	sshrl.u32 s8, $0x1;
	s6 =	smul.u32 $0x500, s6  }
0x9: {  	s15 =	ssub.s32 s8, s10;
	s21 =	sshrl.u32 s9, $0x2;
	s22 =	sadd.s32 $0x80, s11  }
0xa: {  	s12 =	sadd.s32 $0x100, s11;
	s16 =	sadd.s32 $0x180, s11;
	s23 =	sand.u32 $0x3C00, s11  }
0xb: {  	s18 =	sand.u32 $0x380, s11;
	s19 =	sadd.s32 $0x200, s11;
	s5 =	sadd.s32 s21, s2  }
0xc: {  	s7 =	sadd.s32 s12, s2;
	s8 =	sadd.s32 s16, s2;
	s10 =	sadd.s32 s13, s23  }
0xd: {  	s17 =	sand.u32 $0x7C00, s22;
	s9 =	sand.u32 $0x380, s22;
	s25 =	sand.u32 $0x7C00, s12  }
0xe: {  	s12 =	sand.u32 $0x380, s12;
	s26 =	sand.u32 $0x7C00, s16;
	s29 =	sand.u32 $0x7C00, s19  }
0xf: {  	s16 =	sand.u32 $0x380, s16;
	s30 =	sand.u32 $0x380, s19;
	s15 =	smax.u32 s15, $0x1  }
0x10: {  	s21 =	simm.s32 $0x0;
	s4 =	sadd.s32 s4, s6;
	s6 =	sadd.s32 s22, s2  }
0x11: {  	s17 =	sadd.s32 s13, s17;
	s10 =	sor.u32 s18, s10;
	s28 =	sadd.s32 s13, s26  }
0x12: {  	s18 =	simm.s32 $0x80;
	s24 =	sor.u32 s9, s17;
	s9 =	sadd.s32 s19, s2  }
0x13: {  	s10 =	sshrl.u32 s10, $0x3;
	s17 =	sadd.s32 s13, s25;
	s13 =	sadd.s32 s13, s29  }
0x14: {  	s16 =	sor.u32 s16, s28;
	s19 =	simm.s32 $0x2800;
	s11 =	sshrl.u32 s24, $0x3  }
0x15: {  	s10 =	sadd.s32 s14, s10;
	s12 =	sor.u32 s12, s17;
	s13 =	sor.u32 s30, s13  }
0x16: {  	s16 =	sshrl.u32 s16, $0x3;
	s17 =	simm.s32 $0x2880;
	s11 =	sadd.s32 s14, s11  }
0x17: {  	s12 =	sshrl.u32 s12, $0x3;
	s31 =	sshrl.u32 s13, $0x3;
	s13 =	sadd.s32 s14, s16  }
0x18: {  	v0 =	vimm.f32 $1.000000000e+00;
	v1 =	vimm.f32 $0.0e+00;
	s16 =	simm.s32 $0x2;
	s12 =	sadd.s32 s14, s12;
	s14 =	sadd.s32 s14, s31  }
.LBB2_1:
0x19: {  	[tilespmem:s3], [sflag:$0x2] =	stream.linear.gather [hbm4b:s4+s3], $0x2800, $0x38;
	[tilespmem:$0x2B80] =	vst v63  }
0x1a: {  	_ =	swait.ge [sflag:s16], $0x2800  }
0x1b: {  	[sflag:s16] =	ssyncset.done $0x0  }
0x1c: {  	[sflag:s16] =	ssyncadd.s32 $0xFFFFD800  }
0x1d: {  	[tilespmem:$0x2800] =	vst v0  }
0x1e: {  	[tilespmem:$0x2810] =	vst v0  }
0x1f: {  	[tilespmem:$0x2820] =	vst v0  }
0x20: {  	[tilespmem:$0x2830] =	vst v0  }
0x21: {  	[tilespmem:$0x2840] =	vst v0  }
0x22: {  	[tilespmem:$0x2850] =	vst v0  }
0x23: {  	[tilespmem:$0x2860] =	vst v0  }
0x24: {  	[tilespmem:$0x2870] =	vst v0  }
0x25: {  	[tilespmem:$0x2880] =	vst v1  }
0x26: {  	[tilespmem:$0x2890] =	vst v1  }
0x27: {  	[tilespmem:$0x28A0] =	vst v1  }
0x28: {  	[tilespmem:$0x28B0] =	vst v1  }
0x29: {  	[tilespmem:$0x28C0] =	vst v1  }
0x2a: {  	[tilespmem:$0x28D0] =	vst v1  }
0x2b: {  	[tilespmem:$0x28E0] =	vst v1  }
0x2c: {  	[tilespmem:$0x28F0] =	vst v1  }
0x2d: {  	[spmem:s5] =	stream.linear.scatter [tilespmem:s17], [sflag:$0x2], $0x80, $0x38;
	[tilespmem:$0x2B80] =	vst v63  }
0x2e: {  	_ =	swait.ge [sflag:s16], $0x80  }
0x2f: {  	[sflag:s16] =	ssyncset.done $0x0  }
0x30: {  	[sflag:s16] =	ssyncadd.s32 $0xFFFFFF80  }
0x31: {  	[spmem:s6] =	stream.linear.scatter [tilespmem:s17], [sflag:$0x2], $0x80, $0x38;
	[tilespmem:$0x2B80] =	vst v63  }
0x32: {  	_ =	swait.ge [sflag:s16], $0x80  }
0x33: {  	[sflag:s16] =	ssyncset.done $0x0  }
0x34: {  	[sflag:s16] =	ssyncadd.s32 $0xFFFFFF80  }
0x35: {  	[spmem:s7] =	stream.linear.scatter [tilespmem:s17], [sflag:$0x2], $0x80, $0x38;
	[tilespmem:$0x2B80] =	vst v63  }
0x36: {  	_ =	swait.ge [sflag:s16], $0x80  }
0x37: {  	[sflag:s16] =	ssyncset.done $0x0  }
0x38: {  	[sflag:s16] =	ssyncadd.s32 $0xFFFFFF80  }
0x39: {  	[spmem:s8] =	stream.linear.scatter [tilespmem:s17], [sflag:$0x2], $0x80, $0x38;
	[tilespmem:$0x2B80] =	vst v63  }
0x3a: {  	_ =	swait.ge [sflag:s16], $0x80  }
0x3b: {  	[sflag:s16] =	ssyncset.done $0x0  }
0x3c: {  	[sflag:s16] =	ssyncadd.s32 $0xFFFFFF80  }
0x3d: {  	[spmem:s9] =	stream.linear.scatter [tilespmem:s17], [sflag:$0x2], $0x80, $0x38;
	[tilespmem:$0x2B80] =	vst v63  }
0x3e: {  	_ =	swait.ge [sflag:s16], $0x80  }
0x3f: {  	[sflag:s16] =	ssyncset.done $0x0  }
0x40: {  	[sflag:s16] =	ssyncadd.s32 $0xFFFFFF80  }
0x41: {  	s22 =	simm.s32 $0x0;
	[bflag:$0x0] =	sbarrier.arrive $0xFFFF  }
0x42: {  	[spmem:s2] =	stream.indirect.scatter.add.f32 [tilespmem:s19], [sflag:$0x1], $0x1, s22, s18, $0xb8;
	[tilespmem:$0x2B80] =	vst v63  }
0x43: {  	s31 =	simm.s32 $0x80  }
0x44: {  	[spmem:s2] =	stream.indirect.scatter.add.f32 [tilespmem:s19], [sflag:$0x1], $0x1, s31, s18, $0xb8;
	[tilespmem:$0x2B80] =	vst v63  }
0x45: {  	s23 =	simm.s32 $0x100  }
0x46: {  	[spmem:s2] =	stream.indirect.scatter.add.f32 [tilespmem:s19], [sflag:$0x1], $0x1, s23, s18, $0xb8;
	[tilespmem:$0x2B80] =	vst v63  }
0x47: {  	s24 =	simm.s32 $0x180  }
0x48: {  	[spmem:s2] =	stream.indirect.scatter.add.f32 [tilespmem:s19], [sflag:$0x1], $0x1, s24, s18, $0xb8;
	[tilespmem:$0x2B80] =	vst v63  }
0x49: {  	s25 =	simm.s32 $0x200  }
0x4a: {  	[spmem:s2] =	stream.indirect.scatter.add.f32 [tilespmem:s19], [sflag:$0x1], $0x1, s25, s18, $0xb8;
	[tilespmem:$0x2B80] =	vst v63  }
0x4b: {  	s26 =	simm.s32 $0x280  }
0x4c: {  	[spmem:s2] =	stream.indirect.scatter.add.f32 [tilespmem:s19], [sflag:$0x1], $0x1, s26, s18, $0xb8;
	[tilespmem:$0x2B80] =	vst v63  }
0x4d: {  	s28 =	simm.s32 $0x300  }
0x4e: {  	[spmem:s2] =	stream.indirect.scatter.add.f32 [tilespmem:s19], [sflag:$0x1], $0x1, s28, s18, $0xb8;
	[tilespmem:$0x2B80] =	vst v63  }
0x4f: {  	s29 =	simm.s32 $0x380  }
0x50: {  	[spmem:s2] =	stream.indirect.scatter.add.f32 [tilespmem:s19], [sflag:$0x1], $0x1, s29, s18, $0xb8;
	[tilespmem:$0x2B80] =	vst v63  }
0x51: {  	s30 =	simm.s32 $0x400  }
0x52: {  	[spmem:s2] =	stream.indirect.scatter.add.f32 [tilespmem:s19], [sflag:$0x1], $0x1, s30, s18, $0xb8;
	[tilespmem:$0x2B80] =	vst v63  }
0x53: {  	s31 =	simm.s32 $0x480  }
0x54: {  	[spmem:s2] =	stream.indirect.scatter.add.f32 [tilespmem:s19], [sflag:$0x1], $0x1, s31, s18, $0xb8;
	[tilespmem:$0x2B80] =	vst v63  }
0x55: {  	_ =	swait.ge [sflag:s20], $0x80  }
0x56: {  	[sflag:s20] =	ssyncset.done $0x0  }
0x57: {  	[sflag:s20] =	ssyncadd.s32 $0xFFFFFF80  }
0x58: {  	_ =	swait.ge [sflag:s20], $0x80  }
0x59: {  	[sflag:s20] =	ssyncset.done $0x0  }
0x5a: {  	[sflag:s20] =	ssyncadd.s32 $0xFFFFFF80  }
0x5b: {  	_ =	swait.ge [sflag:s20], $0x80  }
0x5c: {  	[sflag:s20] =	ssyncset.done $0x0  }
0x5d: {  	[sflag:s20] =	ssyncadd.s32 $0xFFFFFF80  }
0x5e: {  	_ =	swait.ge [sflag:s20], $0x80  }
0x5f: {  	[sflag:s20] =	ssyncset.done $0x0  }
0x60: {  	[sflag:s20] =	ssyncadd.s32 $0xFFFFFF80  }
0x61: {  	_ =	swait.ge [sflag:s20], $0x80  }
0x62: {  	[sflag:s20] =	ssyncset.done $0x0  }
0x63: {  	[sflag:s20] =	ssyncadd.s32 $0xFFFFFF80  }
0x64: {  	_ =	swait.ge [sflag:s20], $0x80  }
0x65: {  	[sflag:s20] =	ssyncset.done $0x0  }
0x66: {  	[sflag:s20] =	ssyncadd.s32 $0xFFFFFF80  }
0x67: {  	_ =	swait.ge [sflag:s20], $0x80  }
0x68: {  	[sflag:s20] =	ssyncset.done $0x0  }
0x69: {  	[sflag:s20] =	ssyncadd.s32 $0xFFFFFF80  }
0x6a: {  	_ =	swait.ge [sflag:s20], $0x80  }
0x6b: {  	[sflag:s20] =	ssyncset.done $0x0  }
0x6c: {  	[sflag:s20] =	ssyncadd.s32 $0xFFFFFF80  }
0x6d: {  	_ =	swait.ge [sflag:s20], $0x80  }
0x6e: {  	[sflag:s20] =	ssyncset.done $0x0  }
0x6f: {  	[sflag:s20] =	ssyncadd.s32 $0xFFFFFF80  }
0x70: {  	_ =	swait.ge [sflag:s20], $0x80  }
0x71: {  	s22 =	simm.s32 $0x1400;
	s24 =	simm.s32 $0x2800;
	[sflag:s20] =	ssyncset.done $0x0  }
.LBB2_2:
0x72: {  	s25 =	sshra.s32 s22, $0x2  }
0x73: {  	[sflag:s20] =	ssyncadd.s32 $0xFFFFFF80;
	s22 =	smov.u32 s24;
	s23 =	sadd.s32 $0x1400, s24  }
0x74: {  	[spmem:s2] =	stream.indirect.scatter.add.f32 [tilespmem:s19], [sflag:$0x1], $0x1, s25, s18, $0xb8;
	[tilespmem:$0x2B80] =	vst v63  }
0x75: {  	p0 =	sne.s32 s24, $0x8C00;
	s24 =	sadd.s32 $0x80, s25  }
0x76: {  	[spmem:s2] =	stream.indirect.scatter.add.f32 [tilespmem:s19], [sflag:$0x1], $0x1, s24, s18, $0xb8;
	[tilespmem:$0x2B80] =	vst v63  }
0x77: {  	s24 =	sadd.s32 $0x100, s25  }
0x78: {  	[spmem:s2] =	stream.indirect.scatter.add.f32 [tilespmem:s19], [sflag:$0x1], $0x1, s24, s18, $0xb8;
	[tilespmem:$0x2B80] =	vst v63  }
0x79: {  	s24 =	sadd.s32 $0x180, s25  }
0x7a: {  	[spmem:s2] =	stream.indirect.scatter.add.f32 [tilespmem:s19], [sflag:$0x1], $0x1, s24, s18, $0xb8;
	[tilespmem:$0x2B80] =	vst v63  }
0x7b: {  	s24 =	sadd.s32 $0x200, s25  }
0x7c: {  	[spmem:s2] =	stream.indirect.scatter.add.f32 [tilespmem:s19], [sflag:$0x1], $0x1, s24, s18, $0xb8;
	[tilespmem:$0x2B80] =	vst v63  }
0x7d: {  	s24 =	sadd.s32 $0x280, s25  }
0x7e: {  	[spmem:s2] =	stream.indirect.scatter.add.f32 [tilespmem:s19], [sflag:$0x1], $0x1, s24, s18, $0xb8;
	[tilespmem:$0x2B80] =	vst v63  }
0x7f: {  	s24 =	sadd.s32 $0x300, s25  }
0x80: {  	[spmem:s2] =	stream.indirect.scatter.add.f32 [tilespmem:s19], [sflag:$0x1], $0x1, s24, s18, $0xb8;
	[tilespmem:$0x2B80] =	vst v63  }
0x81: {  	s24 =	sadd.s32 $0x380, s25  }
0x82: {  	[spmem:s2] =	stream.indirect.scatter.add.f32 [tilespmem:s19], [sflag:$0x1], $0x1, s24, s18, $0xb8;
	[tilespmem:$0x2B80] =	vst v63  }
0x83: {  	s24 =	sadd.s32 $0x400, s25  }
0x84: {  	[spmem:s2] =	stream.indirect.scatter.add.f32 [tilespmem:s19], [sflag:$0x1], $0x1, s24, s18, $0xb8;
	[tilespmem:$0x2B80] =	vst v63  }
0x85: {  	s24 =	sadd.s32 $0x480, s25  }
0x86: {  	[spmem:s2] =	stream.indirect.scatter.add.f32 [tilespmem:s19], [sflag:$0x1], $0x1, s24, s18, $0xb8;
	[tilespmem:$0x2B80] =	vst v63  }
0x87: {  	_ =	swait.ge [sflag:s20], $0x80  }
0x88: {  	[sflag:s20] =	ssyncset.done $0x0  }
0x89: {  	[sflag:s20] =	ssyncadd.s32 $0xFFFFFF80  }
0x8a: {  	_ =	swait.ge [sflag:s20], $0x80  }
0x8b: {  	[sflag:s20] =	ssyncset.done $0x0  }
0x8c: {  	[sflag:s20] =	ssyncadd.s32 $0xFFFFFF80  }
0x8d: {  	_ =	swait.ge [sflag:s20], $0x80  }
0x8e: {  	[sflag:s20] =	ssyncset.done $0x0  }
0x8f: {  	[sflag:s20] =	ssyncadd.s32 $0xFFFFFF80  }
0x90: {  	_ =	swait.ge [sflag:s20], $0x80  }
0x91: {  	[sflag:s20] =	ssyncset.done $0x0  }
0x92: {  	[sflag:s20] =	ssyncadd.s32 $0xFFFFFF80  }
0x93: {  	_ =	swait.ge [sflag:s20], $0x80  }
0x94: {  	[sflag:s20] =	ssyncset.done $0x0  }
0x95: {  	[sflag:s20] =	ssyncadd.s32 $0xFFFFFF80  }
0x96: {  	_ =	swait.ge [sflag:s20], $0x80  }
0x97: {  	[sflag:s20] =	ssyncset.done $0x0  }
0x98: {  	[sflag:s20] =	ssyncadd.s32 $0xFFFFFF80  }
0x99: {  	_ =	swait.ge [sflag:s20], $0x80  }
0x9a: {  	[sflag:s20] =	ssyncset.done $0x0  }
0x9b: {  	[sflag:s20] =	ssyncadd.s32 $0xFFFFFF80  }
0x9c: {  	_ =	swait.ge [sflag:s20], $0x80  }
0x9d: {  	[sflag:s20] =	ssyncset.done $0x0  }
0x9e: {  	[sflag:s20] =	ssyncadd.s32 $0xFFFFFF80  }
.Ltmp0:
0x9f: {  	_ =	swait.ge [sflag:s20], $0x80;
	(pc) =	sbr.rel @p0 .LBB2_2-.Ltmp0, $4  }
0xa0: {  	[sflag:s20] =	ssyncset.done $0x0  }
0xa1: {  	[sflag:s20] =	ssyncadd.s32 $0xFFFFFF80  }
0xa2: {  	_ =	swait.ge [sflag:s20], $0x80  }
0xa3: {  	s24 =	smov.u32 s23;
	[sflag:s20] =	ssyncset.done $0x0  }
0xa4: {  	s22 =	sshra.s32 s22, $0x2;
	[sflag:s20] =	ssyncadd.s32 $0xFFFFFF80  }
0xa5: {  	[spmem:s2] =	stream.indirect.scatter.add.f32 [tilespmem:s19], [sflag:$0x1], $0x1, s22, s18, $0xb8;
	[tilespmem:$0x2B80] =	vst v63  }
0xa6: {  	s23 =	sadd.s32 $0x80, s22  }
0xa7: {  	[spmem:s2] =	stream.indirect.scatter.add.f32 [tilespmem:s19], [sflag:$0x1], $0x1, s23, s18, $0xb8;
	[tilespmem:$0x2B80] =	vst v63  }
0xa8: {  	s24 =	sadd.s32 $0x100, s22  }
0xa9: {  	[spmem:s2] =	stream.indirect.scatter.add.f32 [tilespmem:s19], [sflag:$0x1], $0x1, s24, s18, $0xb8;
	[tilespmem:$0x2B80] =	vst v63  }
0xaa: {  	s25 =	sadd.s32 $0x180, s22  }
0xab: {  	[spmem:s2] =	stream.indirect.scatter.add.f32 [tilespmem:s19], [sflag:$0x1], $0x1, s25, s18, $0xb8;
	[tilespmem:$0x2B80] =	vst v63  }
0xac: {  	s26 =	sadd.s32 $0x200, s22  }
0xad: {  	[spmem:s2] =	stream.indirect.scatter.add.f32 [tilespmem:s19], [sflag:$0x1], $0x1, s26, s18, $0xb8;
	[tilespmem:$0x2B80] =	vst v63  }
0xae: {  	s28 =	sadd.s32 $0x280, s22  }
0xaf: {  	[spmem:s2] =	stream.indirect.scatter.add.f32 [tilespmem:s19], [sflag:$0x1], $0x1, s28, s18, $0xb8;
	[tilespmem:$0x2B80] =	vst v63  }
0xb0: {  	s29 =	sadd.s32 $0x300, s22  }
0xb1: {  	[spmem:s2] =	stream.indirect.scatter.add.f32 [tilespmem:s19], [sflag:$0x1], $0x1, s29, s18, $0xb8;
	[tilespmem:$0x2B80] =	vst v63  }
0xb2: {  	s30 =	sadd.s32 $0x380, s22  }
0xb3: {  	[spmem:s2] =	stream.indirect.scatter.add.f32 [tilespmem:s19], [sflag:$0x1], $0x1, s30, s18, $0xb8;
	[tilespmem:$0x2B80] =	vst v63  }
0xb4: {  	s31 =	sadd.s32 $0x400, s22  }
0xb5: {  	[spmem:s2] =	stream.indirect.scatter.add.f32 [tilespmem:s19], [sflag:$0x1], $0x1, s31, s18, $0xb8;
	[tilespmem:$0x2B80] =	vst v63  }
0xb6: {  	s22 =	sadd.s32 $0x480, s22  }
0xb7: {  	[spmem:s2] =	stream.indirect.scatter.add.f32 [tilespmem:s19], [sflag:$0x1], $0x1, s22, s18, $0xb8;
	[tilespmem:$0x2B80] =	vst v63  }
0xb8: {  	_ =	swait.ge [sflag:s20], $0x80  }
0xb9: {  	[sflag:s20] =	ssyncset.done $0x0  }
0xba: {  	[sflag:s20] =	ssyncadd.s32 $0xFFFFFF80  }
0xbb: {  	_ =	swait.ge [sflag:s20], $0x80  }
0xbc: {  	[sflag:s20] =	ssyncset.done $0x0  }
0xbd: {  	[sflag:s20] =	ssyncadd.s32 $0xFFFFFF80  }
0xbe: {  	_ =	swait.ge [sflag:s20], $0x80  }
0xbf: {  	[sflag:s20] =	ssyncset.done $0x0  }
0xc0: {  	[sflag:s20] =	ssyncadd.s32 $0xFFFFFF80  }
0xc1: {  	_ =	swait.ge [sflag:s20], $0x80  }
0xc2: {  	[sflag:s20] =	ssyncset.done $0x0  }
0xc3: {  	[sflag:s20] =	ssyncadd.s32 $0xFFFFFF80  }
0xc4: {  	_ =	swait.ge [sflag:s20], $0x80  }
0xc5: {  	[sflag:s20] =	ssyncset.done $0x0  }
0xc6: {  	[sflag:s20] =	ssyncadd.s32 $0xFFFFFF80  }
0xc7: {  	_ =	swait.ge [sflag:s20], $0x80  }
0xc8: {  	[sflag:s20] =	ssyncset.done $0x0  }
0xc9: {  	[sflag:s20] =	ssyncadd.s32 $0xFFFFFF80  }
0xca: {  	_ =	swait.ge [sflag:s20], $0x80  }
0xcb: {  	[sflag:s20] =	ssyncset.done $0x0  }
0xcc: {  	[sflag:s20] =	ssyncadd.s32 $0xFFFFFF80  }
0xcd: {  	_ =	swait.ge [sflag:s20], $0x80  }
0xce: {  	[sflag:s20] =	ssyncset.done $0x0  }
0xcf: {  	[sflag:s20] =	ssyncadd.s32 $0xFFFFFF80  }
0xd0: {  	_ =	swait.ge [sflag:s20], $0x80  }
0xd1: {  	[sflag:s20] =	ssyncset.done $0x0  }
0xd2: {  	[sflag:s20] =	ssyncadd.s32 $0xFFFFFF80  }
0xd3: {  	_ =	swait.ge [sflag:s20], $0x80  }
0xd4: {  	[sflag:s20] =	ssyncset.done $0x0  }
0xd5: {  	[sflag:s20] =	ssyncadd.s32 $0xFFFFFF80  }
0xd6: {  	[bflag:$0x0] =	sbarrier.arrive $0xFFFF  }
0xd7: {  	[tilespmem:s17], [sflag:$0x2] =	stream.linear.gather [spmem:s5], $0x80, $0x38;
	[tilespmem:$0x2B80] =	vst v63  }
0xd8: {  	_ =	swait.ge [sflag:s16], $0x80  }
0xd9: {  	[sflag:s16] =	ssyncset.done $0x0  }
0xda: {  	[sflag:s16] =	ssyncadd.s32 $0xFFFFFF80  }
0xdb: {  	[hbm4b:s10+s3] =	stream.linear.scatter [tilespmem:s17], [sflag:$0x2], $0x80, $0x38;
	[tilespmem:$0x2B80] =	vst v63  }
0xdc: {  	_ =	swait.ge [sflag:s16], $0x80  }
0xdd: {  	[sflag:s16] =	ssyncset.done $0x0  }
0xde: {  	[sflag:s16] =	ssyncadd.s32 $0xFFFFFF80  }
0xdf: {  	[tilespmem:s17], [sflag:$0x2] =	stream.linear.gather [spmem:s6], $0x80, $0x38;
	[tilespmem:$0x2B80] =	vst v63  }
0xe0: {  	_ =	swait.ge [sflag:s16], $0x80  }
0xe1: {  	[sflag:s16] =	ssyncset.done $0x0  }
0xe2: {  	[sflag:s16] =	ssyncadd.s32 $0xFFFFFF80  }
0xe3: {  	[hbm4b:s11+s3] =	stream.linear.scatter [tilespmem:s17], [sflag:$0x2], $0x80, $0x38;
	[tilespmem:$0x2B80] =	vst v63  }
0xe4: {  	_ =	swait.ge [sflag:s16], $0x80  }
0xe5: {  	[sflag:s16] =	ssyncset.done $0x0  }
0xe6: {  	[sflag:s16] =	ssyncadd.s32 $0xFFFFFF80  }
0xe7: {  	[tilespmem:s17], [sflag:$0x2] =	stream.linear.gather [spmem:s7], $0x80, $0x38;
	[tilespmem:$0x2B80] =	vst v63  }
0xe8: {  	_ =	swait.ge [sflag:s16], $0x80  }
0xe9: {  	[sflag:s16] =	ssyncset.done $0x0  }
0xea: {  	[sflag:s16] =	ssyncadd.s32 $0xFFFFFF80  }
0xeb: {  	[hbm4b:s12+s3] =	stream.linear.scatter [tilespmem:s17], [sflag:$0x2], $0x80, $0x38;
	[tilespmem:$0x2B80] =	vst v63  }
0xec: {  	_ =	swait.ge [sflag:s16], $0x80  }
0xed: {  	[sflag:s16] =	ssyncset.done $0x0  }
0xee: {  	[sflag:s16] =	ssyncadd.s32 $0xFFFFFF80  }
0xef: {  	[tilespmem:s17], [sflag:$0x2] =	stream.linear.gather [spmem:s8], $0x80, $0x38;
	[tilespmem:$0x2B80] =	vst v63  }
0xf0: {  	_ =	swait.ge [sflag:s16], $0x80  }
0xf1: {  	[sflag:s16] =	ssyncset.done $0x0  }
0xf2: {  	[sflag:s16] =	ssyncadd.s32 $0xFFFFFF80  }
0xf3: {  	[hbm4b:s13+s3] =	stream.linear.scatter [tilespmem:s17], [sflag:$0x2], $0x80, $0x38;
	[tilespmem:$0x2B80] =	vst v63  }
0xf4: {  	_ =	swait.ge [sflag:s16], $0x80  }
0xf5: {  	[sflag:s16] =	ssyncset.done $0x0  }
0xf6: {  	[sflag:s16] =	ssyncadd.s32 $0xFFFFFF80  }
0xf7: {  	[tilespmem:s17], [sflag:$0x2] =	stream.linear.gather [spmem:s9], $0x80, $0x38;
	[tilespmem:$0x2B80] =	vst v63  }
0xf8: {  	s21 =	sadd.s32 $0x1, s21;
	_ =	swait.ge [sflag:s16], $0x80  }
0xf9: {  	p0 =	sne.s32 s21, s15;
	[sflag:s16] =	ssyncset.done $0x0  }
.Ltmp1:
0xfa: {  	[sflag:s16] =	ssyncadd.s32 $0xFFFFFF80;
	(pc) =	sbr.rel @p0 .LBB2_1-.Ltmp1, $4  }
0xfb: {  	[hbm4b:s14+s3] =	stream.linear.scatter [tilespmem:s17], [sflag:$0x2], $0x80, $0x38;
	[tilespmem:$0x2B80] =	vst v63  }
0xfc: {  	_ =	swait.ge [sflag:s16], $0x80  }
0xfd: {  	[sflag:s16] =	ssyncset.done $0x0  }
0xfe: {  	[sflag:s16] =	ssyncadd.s32 $0xFFFFFF80  }
0xff: {  	_ =	sfence.sel $0x180000  }
0x100: {  	[bflag:$0x0] =	sbarrier.arrive $0xFFFF  }
0x101: {  	p0 =	sne.s32 s0, $0x0;
	_ =	strace $0x90000047  }
0x102: {  	s0 =	sadd.s32 @!p0 $0x100000, s1;
	[bflag:$0x2] =	sbarrier.arrive $0xFFFF  }
0x103: {  	[sflag:s0] =	ssyncadd.tile.s32 @!p0 $0x1;
	_ =	shalt  }
.Lfunc_end2:
_tile_overlayer_lowered:
.L_overlay_start_2:
0x104: {  	(tag) =	ssettag $0x2  }
0x105: {  	s0 =	rddreg [dreg:$0x0];
	s2 =	stileid.u32  }
0x106: {  	s1 =	rddreg [dreg:$0x1];
	p0 =	sne.s32 s2, $0x0  }
0x107: {  	s3 =	rddreg [dreg:$0x2];
	[bflag:$0x3] =	sbarrier.arrive $0xFFFF;
	s2 =	simm.s32 @!p0 $0x1C02  }
0x108: {  	[timem:s3], [sflag:s2] =	dma.local @!p0 [hbm:s0], s1  }
0x109: {  	s0 =	simm.s32 @!p0 $0x2  }
0x10a: {  	_ =	swait.ge @!p0 [sflag:s0], s1  }
0x10b: {  	s1 =	ssub.s32 @!p0 $0x0, s1;
	[sflag:s0] =	ssyncset.done @!p0 $0x0  }
0x10c: {  	[sflag:s0] =	ssyncadd.s32 @!p0 s1  }
0x10d: {  	[bflag:$0x3] =	sbarrier.arrive $0xFFFF  }
0x10e: {  	_ =	shalt  }

</sc_bundles>
